<compile_context>
chip_gen: v7x
topology: tpu7x:2x2x1
jax: 0.10.2.dev20260603
libtpu: 0.0.44.dev20260713+nightly
codegen_flags: <defaults>
</compile_context>

<pallas_src>
import functools

import jax
import jax.numpy as jnp
from jax import lax
from jax.experimental import pallas as pl
from jax.experimental.pallas import tpu as pltpu
from jax.experimental.pallas import tpu_sc as plsc

_N = 10000
_E = 320000
_D = 128
_NC = 2
_NS = 16
_NW = _NC * _NS
_L = 16
_DG = 2 * _D
_CH = 80
_EPW = _E // _NW
_NCH = _EPW // _CH
_CHS = 40
_NCHS = _EPW // _CHS
_RPT = 624
_BE = 2560
_SLICES = ((0, 50), (50, 50), (100, 25))
_F32 = jnp.float32


def _gn(x, g, b):
    m = jnp.mean(x, axis=1, keepdims=True)
    v = jnp.mean((x - m) ** 2, axis=1, keepdims=True)
    return (x - m) * lax.rsqrt(v + 1e-5) * g + b


def _nodes_tc(agts, ctrs, wd1, b1, wq, wc1q, wc1c, wagt, gq_g, gq_b):
    def body(x_ref, c_ref, wd1_ref, b1_ref, wq_ref, wc1q_ref, wc1c_ref,
             wagt_ref, g_ref, b_ref, a_ref, bt_ref, p_ref, pn_ref, o0_ref):
        x = x_ref[...]
        q = jnp.dot(x, wq_ref[...], preferred_element_type=_F32)
        q = jnp.maximum(_gn(q, g_ref[...], b_ref[...]), 0.0)
        a_ref[...] = jnp.dot(q, wc1q_ref[...], preferred_element_type=_F32)
        bt_ref[...] = jnp.dot(x, wc1c_ref[...], preferred_element_type=_F32)
        p = jnp.dot(c_ref[...], wd1_ref[...], preferred_element_type=_F32)
        p_ref[...] = p
        pn_ref[...] = b1_ref[...] - p
        o0_ref[...] = jnp.dot(x, wagt_ref[...], preferred_element_type=_F32)

    return pl.pallas_call(
        body,
        out_shape=[jax.ShapeDtypeStruct((_N, _D), _F32)] * 5,
    )(agts, ctrs, wd1, b1, wq, wc1q, wc1c, wagt, gq_g, gq_b)


def _gather_sc(hi2, wi2, ta, tb, tp, tn, c0, ncs):
    mesh = plsc.VectorSubcoreMesh(core_axis_name="c", subcore_axis_name="s")
    es = _NW * ncs * _CH

    @functools.partial(
        pl.kernel,
        out_type=(jax.ShapeDtypeStruct((es, _D), _F32),
                  jax.ShapeDtypeStruct((es, _D), _F32)),
        mesh=mesh,
        scratch_types=[
            pltpu.VMEM((_NCH, _CH), jnp.int32),
            pltpu.VMEM((_NCH, _CH), jnp.int32),
            pltpu.VMEM((_CH, _D), _F32),
            pltpu.VMEM((_CH, _D), _F32),
            pltpu.SemaphoreType.DMA,
            pltpu.SemaphoreType.DMA,
        ],
        compiler_params=pltpu.CompilerParams(use_tc_tiling_on_sc=False),
    )
    def k(hi_hbm, wi_hbm, ta_hbm, tb_hbm, tp_hbm, tn_hbm, g1_hbm, g0_hbm,
          hiv, wiv, rows1, rows0, sem1, sem0):
        c = lax.axis_index("c")
        s = lax.axis_index("s")
        w = c * _NS + s
        pltpu.sync_copy(hi_hbm.at[w], hiv)
        pltpu.sync_copy(wi_hbm.at[w], wiv)

        def chunk(j, carry):
            i = c0 + j
            off = w * (ncs * _CH) + j * _CH
            c1 = pltpu.async_copy(ta_hbm.at[hiv.at[i]], rows1, sem1)
            cc0 = pltpu.async_copy(tp_hbm.at[hiv.at[i]], rows0, sem0)
            c1.wait()
            c1 = pltpu.async_copy(tb_hbm.at[wiv.at[i]], rows1, sem1,
                                  add=True)
            cc0.wait()
            cc0 = pltpu.async_copy(tn_hbm.at[wiv.at[i]], rows0, sem0,
                                   add=True)
            c1.wait()
            pltpu.sync_copy(rows1, g1_hbm.at[pl.ds(off, _CH)])
            cc0.wait()
            pltpu.sync_copy(rows0, g0_hbm.at[pl.ds(off, _CH)])
            return carry

        lax.fori_loop(0, ncs, chunk, 0)

    return k(hi2, wi2, ta, tb, tp, tn)


def _edges_tc(g1, g0, wd2, gd_g, gd_b, wc1d, gc_g, gc_b):
    def body(g1_ref, g0_ref, wd2_ref, gdg_ref, gdb_ref,
             wc1d_ref, gcg_ref, gcb_ref, h_ref):
        m0 = jnp.maximum(g0_ref[...], 0.0)
        t = jnp.dot(m0.astype(jnp.bfloat16), wd2_ref[...].astype(jnp.bfloat16),
                    preferred_element_type=_F32)
        m1 = jnp.maximum(_gn(t, gdg_ref[...], gdb_ref[...]), 0.0)
        pre = jnp.dot(m1.astype(jnp.bfloat16),
                      wc1d_ref[...].astype(jnp.bfloat16),
                      preferred_element_type=_F32) \
            + g1_ref[...]
        h_ref[...] = jnp.maximum(_gn(pre, gcg_ref[...], gcb_ref[...]), 0.0)

    full = lambda shape: pl.BlockSpec(shape, lambda i: (0, 0))
    es = g1.shape[0]
    return pl.pallas_call(
        body,
        grid=(es // _BE,),
        in_specs=[
            pl.BlockSpec((_BE, _D), lambda i: (i, 0)),
            pl.BlockSpec((_BE, _D), lambda i: (i, 0)),
            full((_D, _D)),
            full((1, _D)), full((1, _D)), full((_D, _D)),
            full((1, _D)), full((1, _D)),
        ],
        out_specs=pl.BlockSpec((_BE, _D), lambda i: (i, 0)),
        out_shape=jax.ShapeDtypeStruct((es, _D), _F32),
    )(g1, g0, wd2, gd_g, gd_b, wc1d, gc_g, gc_b)


def _scatter_sc(hi3, h, zeros, c0s, ncs2):
    mesh = plsc.VectorSubcoreMesh(core_axis_name="c", subcore_axis_name="s")
    nc2 = ncs2 // 2

    @functools.partial(
        pl.kernel,
        out_type=jax.ShapeDtypeStruct((_NC, _N, _D), _F32),
        mesh=mesh,
        scratch_types=[
            pltpu.VMEM((_NCHS, _CHS), jnp.int32),
            pltpu.VMEM((_CHS, _D), _F32),
            pltpu.VMEM((_CHS, _D), _F32),
            pltpu.VMEM_SHARED((_N, _D), _F32),
            pltpu.SemaphoreType.DMA,
            pltpu.SemaphoreType.DMA,
        ],
        compiler_params=pltpu.CompilerParams(use_tc_tiling_on_sc=False),
    )
    def k(hi_hbm, h_hbm, z_hbm, out_hbm, hiv, rows0, rows1, acc,
          sem0, sem1):
        c = lax.axis_index("c")
        s = lax.axis_index("s")
        w = c * _NS + s
        base = w * (ncs2 * _CHS)
        pltpu.sync_copy(z_hbm.at[pl.ds(s * _RPT, _RPT)],
                        acc.at[pl.ds(s * _RPT, _RPT)])
        @pl.when(s == 0)
        def _():
            pltpu.sync_copy(z_hbm.at[pl.ds(_NS * _RPT, _N - _NS * _RPT)],
                            acc.at[pl.ds(_NS * _RPT, _N - _NS * _RPT)])
        pltpu.sync_copy(hi_hbm.at[w], hiv)
        plsc.subcore_barrier()

        def ld(i, rows, sem):
            return pltpu.async_copy(h_hbm.at[pl.ds(base + i * _CHS, _CHS)],
                                    rows, sem)

        def wait0():
            pltpu.make_async_copy(h_hbm.at[pl.ds(base, _CHS)], rows0,
                                  sem0).wait()

        def wait1():
            pltpu.make_async_copy(h_hbm.at[pl.ds(base, _CHS)], rows1,
                                  sem1).wait()

        ld(0, rows0, sem0)

        def pair(j, carry):
            i = 2 * j
            ld(i + 1, rows1, sem1)
            wait0()
            pltpu.sync_copy(rows0, acc.at[hiv.at[c0s + i]], add=True)
            ld(i + 2, rows0, sem0)
            wait1()
            pltpu.sync_copy(rows1, acc.at[hiv.at[c0s + i + 1]], add=True)
            return carry

        lax.fori_loop(0, nc2 - 1, pair, 0)
        i = 2 * (nc2 - 1)
        ld(i + 1, rows1, sem1)
        wait0()
        pltpu.sync_copy(rows0, acc.at[hiv.at[c0s + i]], add=True)
        wait1()
        pltpu.sync_copy(rows1, acc.at[hiv.at[c0s + i + 1]], add=True)

        plsc.subcore_barrier()
        pltpu.sync_copy(acc.at[pl.ds(s * _RPT, _RPT)],
                        out_hbm.at[c, pl.ds(s * _RPT, _RPT)])
        @pl.when(s == 0)
        def _():
            pltpu.sync_copy(acc.at[pl.ds(_NS * _RPT, _N - _NS * _RPT)],
                            out_hbm.at[c, pl.ds(_NS * _RPT, _N - _NS * _RPT)])

    return k(hi3, h, zeros)


def _epi_tc(out0, parts, agts, wc2, ga_g, ga_b, wlin, gl_g, gl_b):
    def body(o0_ref, p0_ref, p1_ref, p2_ref, p3_ref, p4_ref, p5_ref,
             a_ref, wc2_ref, gag_ref, gab_ref, wl_ref, glg_ref, glb_ref,
             out_ref):
        sacc = ((p0_ref[...] + p1_ref[...]) + (p2_ref[...] + p3_ref[...])
                + (p4_ref[...] + p5_ref[...]))
        u = o0_ref[...] + jnp.dot(sacc, wc2_ref[...],
                                  preferred_element_type=_F32)
        u = jnp.maximum(_gn(u, gag_ref[...], gab_ref[...]), 0.0)
        v = _gn(jnp.dot(u, wl_ref[...], preferred_element_type=_F32),
                glg_ref[...], glb_ref[...])
        out_ref[...] = jnp.maximum(v + a_ref[...], 0.0)

    rb = 2000
    row = pl.BlockSpec((rb, _D), lambda i: (i, 0))
    full = lambda shape: pl.BlockSpec(shape, lambda i: (0, 0))
    return pl.pallas_call(
        body,
        grid=(_N // rb,),
        in_specs=[row] * (1 + len(parts) + 1)
        + [full((_D, _D)), full((1, _D)), full((1, _D)),
           full((_D, _D)), full((1, _D)), full((1, _D))],
        out_specs=row,
        out_shape=jax.ShapeDtypeStruct((_N, _D), _F32),
    )(out0, *parts, agts, wc2, ga_g, ga_b, wlin, gl_g, gl_b)


def kernel(agts, agt_ctrs, edge_index, W_dist1, b_dist1, W_dist2, gn_dist_g,
           gn_dist_b, W_query, gn_query_g, gn_query_b, W_ctx1, gn_ctx1_g,
           gn_ctx1_b, W_ctx2, W_agt, gn_agg_g, gn_agg_b, W_lin, gn_lin_g,
           gn_lin_b):
    r2 = lambda p: p.reshape(1, _D).astype(_F32)
    hi = edge_index[0].astype(jnp.int32)
    wi = edge_index[1].astype(jnp.int32)
    hi2 = hi.reshape(_NW, _NCH, _CH)
    wi2 = wi.reshape(_NW, _NCH, _CH)
    hi3 = hi.reshape(_NW, _NCHS, _CHS)

    a_tab, b_tab, p_tab, pn_tab, out0 = _nodes_tc(
        agts, agt_ctrs, W_dist1.T, b_dist1.reshape(1, _D), W_query.T,
        W_ctx1[:, _D:2 * _D].T, W_ctx1[:, 2 * _D:].T, W_agt.T,
        r2(gn_query_g), r2(gn_query_b))

    zeros = jnp.zeros((_N, _D), _F32)
    gs = [_gather_sc(hi2, wi2, a_tab, b_tab, p_tab, pn_tab, c0, ncs)
          for (c0, ncs) in _SLICES]
    parts = []
    for (c0, ncs), (g1, g0) in zip(_SLICES, gs):
        h_s = _edges_tc(
            g1, g0, W_dist2.T,
            r2(gn_dist_g), r2(gn_dist_b), W_ctx1[:, :_D].T,
            r2(gn_ctx1_g), r2(gn_ctx1_b))
        parts.append(_scatter_sc(hi3, h_s, zeros, c0 * 2, ncs * 2))

    flat = [p[i] for p in parts for i in range(_NC)]
    return _epi_tc(out0, flat, agts, W_ctx2.T, r2(gn_agg_g), r2(gn_agg_b),
                   W_lin.T, r2(gn_lin_g), r2(gn_lin_b))

# --- scband reference (transcript-rebuilt; emitter-appended) ---
"""Pipeline reference for scband-kan-32882269618299 (READ-ONLY COPY).

The authoritative reference and input builder live on the scoring server;
editing this copy changes nothing except your own understanding.
"""

import jax, jax.numpy as jnp
import numpy as np

N = 10000
E = 320000
D = 128

def gn(x, g, b, eps=1e-5):
    # GroupNorm with 1 group over [N, C]: normalize each row over all channels
    m = jnp.mean(x, axis=1, keepdims=True)
    v = jnp.var(x, axis=1, keepdims=True)
    return (x - m) / jnp.sqrt(v + eps) * g + b

def setup_inputs(seed: int = 0) -> dict:
    key = jax.random.key(seed)
    ks = jax.random.split(key, 16)
    s = 0.02
    inp = {}
    inp['agts'] = jax.random.normal(ks[0], (N, D), dtype=jnp.float32)
    inp['agt_ctrs'] = jax.random.normal(ks[1], (N, 2), dtype=jnp.float32)
    inp['edge_index'] = jax.random.randint(ks[2], (2, E), 0, N, dtype=jnp.int32)
    # learned parameters (PyTorch defaults: GN gamma=1, beta=0)
    inp['W_dist1'] = jax.random.normal(ks[3], (D, 2), dtype=jnp.float32) * s
    inp['b_dist1'] = jnp.zeros((D,), dtype=jnp.float32)
    inp['W_dist2'] = jax.random.normal(ks[4], (D, D), dtype=jnp.float32) * s
    inp['gn_dist_g'] = jnp.ones((D,), dtype=jnp.float32)
    inp['gn_dist_b'] = jnp.zeros((D,), dtype=jnp.float32)
    inp['W_query'] = jax.random.normal(ks[5], (D, D), dtype=jnp.float32) * s
    inp['gn_query_g'] = jnp.ones((D,), dtype=jnp.float32)
    inp['gn_query_b'] = jnp.zeros((D,), dtype=jnp.float32)
    inp['W_ctx1'] = jax.random.normal(ks[6], (D, 3 * D), dtype=jnp.float32) * s
    inp['gn_ctx1_g'] = jnp.ones((D,), dtype=jnp.float32)
    inp['gn_ctx1_b'] = jnp.zeros((D,), dtype=jnp.float32)
    inp['W_ctx2'] = jax.random.normal(ks[7], (D, D), dtype=jnp.float32) * s
    inp['W_agt'] = jax.random.normal(ks[8], (D, D), dtype=jnp.float32) * s
    inp['gn_agg_g'] = jnp.ones((D,), dtype=jnp.float32)
    inp['gn_agg_b'] = jnp.zeros((D,), dtype=jnp.float32)
    inp['W_lin'] = jax.random.normal(ks[9], (D, D), dtype=jnp.float32) * s
    inp['gn_lin_g'] = jnp.ones((D,), dtype=jnp.float32)
    inp['gn_lin_b'] = jnp.zeros((D,), dtype=jnp.float32)
    return inp

def reference(agts, agt_ctrs, edge_index, W_dist1, b_dist1, W_dist2, gn_dist_g, gn_dist_b,
              W_query, gn_query_g, gn_query_b, W_ctx1, gn_ctx1_g, gn_ctx1_b, W_ctx2,
              W_agt, gn_agg_g, gn_agg_b, W_lin, gn_lin_g, gn_lin_b):
    # Faithful translation of Att.forward (self-attention / A2A style) with
    # precomputed distance-thresholded edges (hi, wi) = edge_index.
    hi = edge_index[0]
    wi = edge_index[1]
    res = agts
    # dist MLP: nn.Linear(2, n_ctx) + ReLU, then Linear(n_ctx, n_ctx) (no bias) + GN(1) + ReLU
    dist = agt_ctrs[hi] - agt_ctrs[wi]
    d = jnp.maximum(dist @ W_dist1.T + b_dist1, 0.0)
    d = jnp.maximum(gn(d @ W_dist2.T, gn_dist_g, gn_dist_b), 0.0)
    # query: Linear(n_agt, n_ctx) no bias + GN(1) + ReLU, applied to gathered agts
    q = jnp.maximum(gn(agts[hi] @ W_query.T, gn_query_g, gn_query_b), 0.0)
    # ctx gather + message MLP
    ctx = agts[wi]
    ctx = jnp.concatenate([d, q, ctx], axis=1)
    ctx = jnp.maximum(gn(ctx @ W_ctx1.T, gn_ctx1_g, gn_ctx1_b), 0.0)
    ctx = ctx @ W_ctx2.T
    # aggregate: linear on agts then scatter-add messages by hi
    out = agts @ W_agt.T
    out = out.at[hi].add(ctx)
    out = jnp.maximum(gn(out, gn_agg_g, gn_agg_b), 0.0)
    # final Linear (no act) + residual + relu
    out = gn(out @ W_lin.T, gn_lin_g, gn_lin_b)
    out = jnp.maximum(out + res, 0.0)
    return out

if __name__ == "__main__":
    import jax
    _d = setup_inputs()
    print(jax.jit(kernel)(*tuple(_d.values())))

</pallas_src>

<mosaic_0001>
#map = affine_map<(d0, d1) -> (0, 0, 0)>
#map1 = affine_map<(d0, d1) -> (0, 0)>
module attributes {stable_mosaic.version = 14 : i64} {
  func.func @k(%arg0: i32, %arg1: i32, %arg2: memref<32x125x80xi32, #tpu.memory_space<hbm>>, %arg3: memref<32x125x80xi32, #tpu.memory_space<hbm>>, %arg4: memref<10000x128xf32, #tpu.memory_space<hbm>>, %arg5: memref<10000x128xf32, #tpu.memory_space<hbm>>, %arg6: memref<10000x128xf32, #tpu.memory_space<hbm>>, %arg7: memref<10000x128xf32, #tpu.memory_space<hbm>>, %arg8: memref<128000x128xf32, #tpu.memory_space<hbm>>, %arg9: memref<128000x128xf32, #tpu.memory_space<hbm>>, %arg10: memref<125x80xi32, #tpu.memory_space<vmem>>, %arg11: memref<125x80xi32, #tpu.memory_space<vmem>>, %arg12: memref<80x128xf32, #tpu.memory_space<vmem>>, %arg13: memref<80x128xf32, #tpu.memory_space<vmem>>, %arg14: memref<!tpu.dma_semaphore, #tpu.memory_space<semaphore_mem>>, %arg15: memref<!tpu.dma_semaphore, #tpu.memory_space<semaphore_mem>>) attributes {dimension_semantics = [#tpu.dimension_semantics<core_parallel>, #tpu.dimension_semantics<subcore_parallel>], iteration_bounds = array<i64: 2, 16>, scalar_prefetch = 0 : i64, scratch_operands = 6 : i64, tpu.core_type = #tpu.core_type<sc_vector_subcore>, window_params = [{transform_indices = #map}, {transform_indices = #map}, {transform_indices = #map1}, {transform_indices = #map1}, {transform_indices = #map1}, {transform_indices = #map1}, {transform_indices = #map1}, {transform_indices = #map1}]} {
    %mul3A = arith.constant 16 : i32
    %mul3A_0 = arith.muli %arg0, %mul3A : i32
    %add3A = arith.addi %mul3A_0, %arg1 : i32
    "tpu.region"() ({
      %run_scoped3A = tpu.sem_alloc : memref<!tpu.dma_semaphore, #tpu.memory_space<semaphore_mem>>
      %dma_start3A = arith.constant 0 : i32
      %dma_start3A_6 = arith.constant 0 : i32
      %dma_start3A_7 = tpu.memref_slice %arg2[%add3A, %dma_start3A, %dma_start3A_6] : memref<32x125x80xi32, #tpu.memory_space<hbm>> -> memref<1x125x80xi32, #tpu.memory_space<hbm>>
      %dma_start3A_8 = tpu.memref_squeeze %dma_start3A_7 : memref<1x125x80xi32, #tpu.memory_space<hbm>> -> memref<125x80xi32, #tpu.memory_space<hbm>>
      %dma_start3A_9 = arith.constant 0 : i32
      %dma_start3A_10 = arith.constant 0 : i32
      %dma_start3A_11 = tpu.memref_slice %arg2[%add3A, %dma_start3A_9, %dma_start3A_10] : memref<32x125x80xi32, #tpu.memory_space<hbm>> -> memref<1x125x80xi32, #tpu.memory_space<hbm>>
      %dma_start3A_12 = tpu.memref_squeeze %dma_start3A_11 : memref<1x125x80xi32, #tpu.memory_space<hbm>> -> memref<125x80xi32, #tpu.memory_space<hbm>>
      tpu.enqueue_dma source(%dma_start3A_12 : memref<125x80xi32, #tpu.memory_space<hbm>>) target(%arg10 : memref<125x80xi32, #tpu.memory_space<vmem>>) target_semaphore(%run_scoped3A : memref<!tpu.dma_semaphore, #tpu.memory_space<semaphore_mem>>)
      %dma_wait3A = arith.constant 0 : i32
      %dma_wait3A_13 = arith.constant 0 : i32
      %dma_wait3A_14 = tpu.memref_slice %arg2[%add3A, %dma_wait3A, %dma_wait3A_13] : memref<32x125x80xi32, #tpu.memory_space<hbm>> -> memref<1x125x80xi32, #tpu.memory_space<hbm>>
      %dma_wait3A_15 = tpu.memref_squeeze %dma_wait3A_14 : memref<1x125x80xi32, #tpu.memory_space<hbm>> -> memref<125x80xi32, #tpu.memory_space<hbm>>
      %dma_wait3A_16 = arith.constant 0 : i32
      %dma_wait3A_17 = arith.constant 0 : i32
      %dma_wait3A_18 = tpu.memref_slice %arg2[%add3A, %dma_wait3A_16, %dma_wait3A_17] : memref<32x125x80xi32, #tpu.memory_space<hbm>> -> memref<1x125x80xi32, #tpu.memory_space<hbm>>
      %dma_wait3A_19 = tpu.memref_squeeze %dma_wait3A_18 : memref<1x125x80xi32, #tpu.memory_space<hbm>> -> memref<125x80xi32, #tpu.memory_space<hbm>>
      tpu.wait_dma2 semaphore(%run_scoped3A : memref<!tpu.dma_semaphore, #tpu.memory_space<semaphore_mem>>) src(%dma_wait3A_19 : memref<125x80xi32, #tpu.memory_space<hbm>>) dst(%arg10 : memref<125x80xi32, #tpu.memory_space<vmem>>)
      tpu.yield
    }) : () -> ()
    "tpu.region"() ({
      %run_scoped3A = tpu.sem_alloc : memref<!tpu.dma_semaphore, #tpu.memory_space<semaphore_mem>>
      %dma_start3A = arith.constant 0 : i32
      %dma_start3A_6 = arith.constant 0 : i32
      %dma_start3A_7 = tpu.memref_slice %arg3[%add3A, %dma_start3A, %dma_start3A_6] : memref<32x125x80xi32, #tpu.memory_space<hbm>> -> memref<1x125x80xi32, #tpu.memory_space<hbm>>
      %dma_start3A_8 = tpu.memref_squeeze %dma_start3A_7 : memref<1x125x80xi32, #tpu.memory_space<hbm>> -> memref<125x80xi32, #tpu.memory_space<hbm>>
      %dma_start3A_9 = arith.constant 0 : i32
      %dma_start3A_10 = arith.constant 0 : i32
      %dma_start3A_11 = tpu.memref_slice %arg3[%add3A, %dma_start3A_9, %dma_start3A_10] : memref<32x125x80xi32, #tpu.memory_space<hbm>> -> memref<1x125x80xi32, #tpu.memory_space<hbm>>
      %dma_start3A_12 = tpu.memref_squeeze %dma_start3A_11 : memref<1x125x80xi32, #tpu.memory_space<hbm>> -> memref<125x80xi32, #tpu.memory_space<hbm>>
      tpu.enqueue_dma source(%dma_start3A_12 : memref<125x80xi32, #tpu.memory_space<hbm>>) target(%arg11 : memref<125x80xi32, #tpu.memory_space<vmem>>) target_semaphore(%run_scoped3A : memref<!tpu.dma_semaphore, #tpu.memory_space<semaphore_mem>>)
      %dma_wait3A = arith.constant 0 : i32
      %dma_wait3A_13 = arith.constant 0 : i32
      %dma_wait3A_14 = tpu.memref_slice %arg3[%add3A, %dma_wait3A, %dma_wait3A_13] : memref<32x125x80xi32, #tpu.memory_space<hbm>> -> memref<1x125x80xi32, #tpu.memory_space<hbm>>
      %dma_wait3A_15 = tpu.memref_squeeze %dma_wait3A_14 : memref<1x125x80xi32, #tpu.memory_space<hbm>> -> memref<125x80xi32, #tpu.memory_space<hbm>>
      %dma_wait3A_16 = arith.constant 0 : i32
      %dma_wait3A_17 = arith.constant 0 : i32
      %dma_wait3A_18 = tpu.memref_slice %arg3[%add3A, %dma_wait3A_16, %dma_wait3A_17] : memref<32x125x80xi32, #tpu.memory_space<hbm>> -> memref<1x125x80xi32, #tpu.memory_space<hbm>>
      %dma_wait3A_19 = tpu.memref_squeeze %dma_wait3A_18 : memref<1x125x80xi32, #tpu.memory_space<hbm>> -> memref<125x80xi32, #tpu.memory_space<hbm>>
      tpu.wait_dma2 semaphore(%run_scoped3A : memref<!tpu.dma_semaphore, #tpu.memory_space<semaphore_mem>>) src(%dma_wait3A_19 : memref<125x80xi32, #tpu.memory_space<hbm>>) dst(%arg11 : memref<125x80xi32, #tpu.memory_space<vmem>>)
      tpu.yield
    }) : () -> ()
    %scan3A = arith.constant 0 : i32
    %scan3A_1 = arith.constant 0 : i32
    %scan3A_2 = arith.constant 50 : i32
    %scan3A_3 = arith.addi %scan3A_1, %scan3A_2 : i32
    %scan3A_4 = arith.constant 1 : i32
    scf.for %scan3A_6 = %scan3A_1 to %scan3A_3 step %scan3A_4  : i32 {
      %add3A_7 = arith.constant 0 : i32
      %add3A_8 = arith.addi %add3A_7, %scan3A_6 : i32
      %mul3A_9 = arith.constant 4000 : i32
      %mul3A_10 = arith.muli %add3A, %mul3A_9 : i32
      %mul3A_11 = arith.constant 80 : i32
      %mul3A_12 = arith.muli %scan3A_6, %mul3A_11 : i32
      %add3A_13 = arith.addi %mul3A_10, %mul3A_12 : i32
      %dma_start3A = arith.constant 0 : i32
      %dma_start3A_14 = tpu.memref_slice %arg10[%add3A_8, %dma_start3A] : memref<125x80xi32, #tpu.memory_space<vmem>> -> memref<1x80xi32, #tpu.memory_space<vmem>>
      %dma_start3A_15 = tpu.memref_squeeze %dma_start3A_14 : memref<1x80xi32, #tpu.memory_space<vmem>> -> memref<80xi32, #tpu.memory_space<vmem>>
      %dma_start3A_16 = arith.constant 0 : i32
      %dma_start3A_17 = arith.constant 0 : i32
      %dma_start3A_18 = tpu.memref_slice %arg4[%dma_start3A_16, %dma_start3A_17] : memref<10000x128xf32, #tpu.memory_space<hbm>> -> memref<10000x128xf32, #tpu.memory_space<hbm>>
      tpu.enqueue_indirect_dma source(%dma_start3A_18 : memref<10000x128xf32, #tpu.memory_space<hbm>>) target(%arg12 : memref<80x128xf32, #tpu.memory_space<vmem>>) offsets(%dma_start3A_15 : memref<80xi32, #tpu.memory_space<vmem>>) semaphore(%arg14 : memref<!tpu.dma_semaphore, #tpu.memory_space<semaphore_mem>>)
      %dma_start3A_19 = arith.constant 0 : i32
      %dma_start3A_20 = tpu.memref_slice %arg10[%add3A_8, %dma_start3A_19] : memref<125x80xi32, #tpu.memory_space<vmem>> -> memref<1x80xi32, #tpu.memory_space<vmem>>
      %dma_start3A_21 = tpu.memref_squeeze %dma_start3A_20 : memref<1x80xi32, #tpu.memory_space<vmem>> -> memref<80xi32, #tpu.memory_space<vmem>>
      %dma_start3A_22 = arith.constant 0 : i32
      %dma_start3A_23 = arith.constant 0 : i32
      %dma_start3A_24 = tpu.memref_slice %arg6[%dma_start3A_22, %dma_start3A_23] : memref<10000x128xf32, #tpu.memory_space<hbm>> -> memref<10000x128xf32, #tpu.memory_space<hbm>>
      tpu.enqueue_indirect_dma source(%dma_start3A_24 : memref<10000x128xf32, #tpu.memory_space<hbm>>) target(%arg13 : memref<80x128xf32, #tpu.memory_space<vmem>>) offsets(%dma_start3A_21 : memref<80xi32, #tpu.memory_space<vmem>>) semaphore(%arg15 : memref<!tpu.dma_semaphore, #tpu.memory_space<semaphore_mem>>)
      %dma_wait3A = arith.constant 0 : i32
      %dma_wait3A_25 = tpu.memref_slice %arg10[%add3A_8, %dma_wait3A] : memref<125x80xi32, #tpu.memory_space<vmem>> -> memref<1x80xi32, #tpu.memory_space<vmem>>
      %dma_wait3A_26 = tpu.memref_squeeze %dma_wait3A_25 : memref<1x80xi32, #tpu.memory_space<vmem>> -> memref<80xi32, #tpu.memory_space<vmem>>
      %dma_wait3A_27 = arith.constant 0 : i32
      %dma_wait3A_28 = arith.constant 0 : i32
      %dma_wait3A_29 = tpu.memref_slice %arg4[%dma_wait3A_27, %dma_wait3A_28] : memref<10000x128xf32, #tpu.memory_space<hbm>> -> memref<10000x128xf32, #tpu.memory_space<hbm>>
      tpu.wait_indirect_dma semaphore(%arg14 : memref<!tpu.dma_semaphore, #tpu.memory_space<semaphore_mem>>) src(%dma_wait3A_29 : memref<10000x128xf32, #tpu.memory_space<hbm>>) dst(%arg12 : memref<80x128xf32, #tpu.memory_space<vmem>>)
      %dma_start3A_30 = arith.constant 0 : i32
      %dma_start3A_31 = tpu.memref_slice %arg11[%add3A_8, %dma_start3A_30] : memref<125x80xi32, #tpu.memory_space<vmem>> -> memref<1x80xi32, #tpu.memory_space<vmem>>
      %dma_start3A_32 = tpu.memref_squeeze %dma_start3A_31 : memref<1x80xi32, #tpu.memory_space<vmem>> -> memref<80xi32, #tpu.memory_space<vmem>>
      %dma_start3A_33 = arith.constant 0 : i32
      %dma_start3A_34 = arith.constant 0 : i32
      %dma_start3A_35 = tpu.memref_slice %arg5[%dma_start3A_33, %dma_start3A_34] : memref<10000x128xf32, #tpu.memory_space<hbm>> -> memref<10000x128xf32, #tpu.memory_space<hbm>>
      tpu.enqueue_indirect_dma source(%dma_start3A_35 : memref<10000x128xf32, #tpu.memory_space<hbm>>) target(%arg12 : memref<80x128xf32, #tpu.memory_space<vmem>>) offsets(%dma_start3A_32 : memref<80xi32, #tpu.memory_space<vmem>>) semaphore(%arg14 : memref<!tpu.dma_semaphore, #tpu.memory_space<semaphore_mem>>) {add = true}
      %dma_wait3A_36 = arith.constant 0 : i32
      %dma_wait3A_37 = tpu.memref_slice %arg10[%add3A_8, %dma_wait3A_36] : memref<125x80xi32, #tpu.memory_space<vmem>> -> memref<1x80xi32, #tpu.memory_space<vmem>>
      %dma_wait3A_38 = tpu.memref_squeeze %dma_wait3A_37 : memref<1x80xi32, #tpu.memory_space<vmem>> -> memref<80xi32, #tpu.memory_space<vmem>>
      %dma_wait3A_39 = arith.constant 0 : i32
      %dma_wait3A_40 = arith.constant 0 : i32
      %dma_wait3A_41 = tpu.memref_slice %arg6[%dma_wait3A_39, %dma_wait3A_40] : memref<10000x128xf32, #tpu.memory_space<hbm>> -> memref<10000x128xf32, #tpu.memory_space<hbm>>
      tpu.wait_indirect_dma semaphore(%arg15 : memref<!tpu.dma_semaphore, #tpu.memory_space<semaphore_mem>>) src(%dma_wait3A_41 : memref<10000x128xf32, #tpu.memory_space<hbm>>) dst(%arg13 : memref<80x128xf32, #tpu.memory_space<vmem>>)
      %dma_start3A_42 = arith.constant 0 : i32
      %dma_start3A_43 = tpu.memref_slice %arg11[%add3A_8, %dma_start3A_42] : memref<125x80xi32, #tpu.memory_space<vmem>> -> memref<1x80xi32, #tpu.memory_space<vmem>>
      %dma_start3A_44 = tpu.memref_squeeze %dma_start3A_43 : memref<1x80xi32, #tpu.memory_space<vmem>> -> memref<80xi32, #tpu.memory_space<vmem>>
      %dma_start3A_45 = arith.constant 0 : i32
      %dma_start3A_46 = arith.constant 0 : i32
      %dma_start3A_47 = tpu.memref_slice %arg7[%dma_start3A_45, %dma_start3A_46] : memref<10000x128xf32, #tpu.memory_space<hbm>> -> memref<10000x128xf32, #tpu.memory_space<hbm>>
      tpu.enqueue_indirect_dma source(%dma_start3A_47 : memref<10000x128xf32, #tpu.memory_space<hbm>>) target(%arg13 : memref<80x128xf32, #tpu.memory_space<vmem>>) offsets(%dma_start3A_44 : memref<80xi32, #tpu.memory_space<vmem>>) semaphore(%arg15 : memref<!tpu.dma_semaphore, #tpu.memory_space<semaphore_mem>>) {add = true}
      %dma_wait3A_48 = arith.constant 0 : i32
      %dma_wait3A_49 = tpu.memref_slice %arg11[%add3A_8, %dma_wait3A_48] : memref<125x80xi32, #tpu.memory_space<vmem>> -> memref<1x80xi32, #tpu.memory_space<vmem>>
      %dma_wait3A_50 = tpu.memref_squeeze %dma_wait3A_49 : memref<1x80xi32, #tpu.memory_space<vmem>> -> memref<80xi32, #tpu.memory_space<vmem>>
      %dma_wait3A_51 = arith.constant 0 : i32
      %dma_wait3A_52 = arith.constant 0 : i32
      %dma_wait3A_53 = tpu.memref_slice %arg5[%dma_wait3A_51, %dma_wait3A_52] : memref<10000x128xf32, #tpu.memory_space<hbm>> -> memref<10000x128xf32, #tpu.memory_space<hbm>>
      tpu.wait_indirect_dma semaphore(%arg14 : memref<!tpu.dma_semaphore, #tpu.memory_space<semaphore_mem>>) src(%dma_wait3A_53 : memref<10000x128xf32, #tpu.memory_space<hbm>>) dst(%arg12 : memref<80x128xf32, #tpu.memory_space<vmem>>)
      "tpu.region"() ({
        %run_scoped3A = tpu.sem_alloc : memref<!tpu.dma_semaphore, #tpu.memory_space<semaphore_mem>>
        %dma_start3A_60 = arith.constant 0 : i32
        %dma_start3A_61 = tpu.memref_slice %arg8[%add3A_13, %dma_start3A_60] : memref<128000x128xf32, #tpu.memory_space<hbm>> -> memref<80x128xf32, #tpu.memory_space<hbm>>
        %dma_start3A_62 = arith.constant 0 : i32
        %dma_start3A_63 = tpu.memref_slice %arg8[%add3A_13, %dma_start3A_62] : memref<128000x128xf32, #tpu.memory_space<hbm>> -> memref<80x128xf32, #tpu.memory_space<hbm>>
        tpu.enqueue_dma source(%arg12 : memref<80x128xf32, #tpu.memory_space<vmem>>) target(%dma_start3A_63 : memref<80x128xf32, #tpu.memory_space<hbm>>) target_semaphore(%run_scoped3A : memref<!tpu.dma_semaphore, #tpu.memory_space<semaphore_mem>>)
        %dma_wait3A_64 = arith.constant 0 : i32
        %dma_wait3A_65 = tpu.memref_slice %arg8[%add3A_13, %dma_wait3A_64] : memref<128000x128xf32, #tpu.memory_space<hbm>> -> memref<80x128xf32, #tpu.memory_space<hbm>>
        %dma_wait3A_66 = arith.constant 0 : i32
        %dma_wait3A_67 = tpu.memref_slice %arg8[%add3A_13, %dma_wait3A_66] : memref<128000x128xf32, #tpu.memory_space<hbm>> -> memref<80x128xf32, #tpu.memory_space<hbm>>
        tpu.wait_dma2 semaphore(%run_scoped3A : memref<!tpu.dma_semaphore, #tpu.memory_space<semaphore_mem>>) src(%arg12 : memref<80x128xf32, #tpu.memory_space<vmem>>) dst(%dma_wait3A_67 : memref<80x128xf32, #tpu.memory_space<hbm>>)
        tpu.yield
      }) : () -> ()
      %dma_wait3A_54 = arith.constant 0 : i32
      %dma_wait3A_55 = tpu.memref_slice %arg11[%add3A_8, %dma_wait3A_54] : memref<125x80xi32, #tpu.memory_space<vmem>> -> memref<1x80xi32, #tpu.memory_space<vmem>>
      %dma_wait3A_56 = tpu.memref_squeeze %dma_wait3A_55 : memref<1x80xi32, #tpu.memory_space<vmem>> -> memref<80xi32, #tpu.memory_space<vmem>>
      %dma_wait3A_57 = arith.constant 0 : i32
      %dma_wait3A_58 = arith.constant 0 : i32
      %dma_wait3A_59 = tpu.memref_slice %arg7[%dma_wait3A_57, %dma_wait3A_58] : memref<10000x128xf32, #tpu.memory_space<hbm>> -> memref<10000x128xf32, #tpu.memory_space<hbm>>
      tpu.wait_indirect_dma semaphore(%arg15 : memref<!tpu.dma_semaphore, #tpu.memory_space<semaphore_mem>>) src(%dma_wait3A_59 : memref<10000x128xf32, #tpu.memory_space<hbm>>) dst(%arg13 : memref<80x128xf32, #tpu.memory_space<vmem>>)
      "tpu.region"() ({
        %run_scoped3A = tpu.sem_alloc : memref<!tpu.dma_semaphore, #tpu.memory_space<semaphore_mem>>
        %dma_start3A_60 = arith.constant 0 : i32
        %dma_start3A_61 = tpu.memref_slice %arg9[%add3A_13, %dma_start3A_60] : memref<128000x128xf32, #tpu.memory_space<hbm>> -> memref<80x128xf32, #tpu.memory_space<hbm>>
        %dma_start3A_62 = arith.constant 0 : i32
        %dma_start3A_63 = tpu.memref_slice %arg9[%add3A_13, %dma_start3A_62] : memref<128000x128xf32, #tpu.memory_space<hbm>> -> memref<80x128xf32, #tpu.memory_space<hbm>>
        tpu.enqueue_dma source(%arg13 : memref<80x128xf32, #tpu.memory_space<vmem>>) target(%dma_start3A_63 : memref<80x128xf32, #tpu.memory_space<hbm>>) target_semaphore(%run_scoped3A : memref<!tpu.dma_semaphore, #tpu.memory_space<semaphore_mem>>)
        %dma_wait3A_64 = arith.constant 0 : i32
        %dma_wait3A_65 = tpu.memref_slice %arg9[%add3A_13, %dma_wait3A_64] : memref<128000x128xf32, #tpu.memory_space<hbm>> -> memref<80x128xf32, #tpu.memory_space<hbm>>
        %dma_wait3A_66 = arith.constant 0 : i32
        %dma_wait3A_67 = tpu.memref_slice %arg9[%add3A_13, %dma_wait3A_66] : memref<128000x128xf32, #tpu.memory_space<hbm>> -> memref<80x128xf32, #tpu.memory_space<hbm>>
        tpu.wait_dma2 semaphore(%run_scoped3A : memref<!tpu.dma_semaphore, #tpu.memory_space<semaphore_mem>>) src(%arg13 : memref<80x128xf32, #tpu.memory_space<vmem>>) dst(%dma_wait3A_67 : memref<80x128xf32, #tpu.memory_space<hbm>>)
        tpu.yield
      }) : () -> ()
    }
    %scan3A_5 = arith.constant 50 : i32
    return
  }
}

#map = affine_map<(d0, d1) -> (0, 0, 0)>
#map1 = affine_map<(d0, d1) -> (0, 0)>
module attributes {stable_mosaic.version = 14 : i64} {
  func.func @k(%arg0: i32, %arg1: i32, %arg2: memref<32x125x80xi32, #tpu.memory_space<hbm>>, %arg3: memref<32x125x80xi32, #tpu.memory_space<hbm>>, %arg4: memref<10000x128xf32, #tpu.memory_space<hbm>>, %arg5: memref<10000x128xf32, #tpu.memory_space<hbm>>, %arg6: memref<10000x128xf32, #tpu.memory_space<hbm>>, %arg7: memref<10000x128xf32, #tpu.memory_space<hbm>>, %arg8: memref<128000x128xf32, #tpu.memory_space<hbm>>, %arg9: memref<128000x128xf32, #tpu.memory_space<hbm>>, %arg10: memref<125x80xi32, #tpu.memory_space<vmem>>, %arg11: memref<125x80xi32, #tpu.memory_space<vmem>>, %arg12: memref<80x128xf32, #tpu.memory_space<vmem>>, %arg13: memref<80x128xf32, #tpu.memory_space<vmem>>, %arg14: memref<!tpu.dma_semaphore, #tpu.memory_space<semaphore_mem>>, %arg15: memref<!tpu.dma_semaphore, #tpu.memory_space<semaphore_mem>>) attributes {dimension_semantics = [#tpu.dimension_semantics<core_parallel>, #tpu.dimension_semantics<subcore_parallel>], iteration_bounds = array<i64: 2, 16>, scalar_prefetch = 0 : i64, scratch_operands = 6 : i64, tpu.core_type = #tpu.core_type<sc_vector_subcore>, window_params = [{transform_indices = #map}, {transform_indices = #map}, {transform_indices = #map1}, {transform_indices = #map1}, {transform_indices = #map1}, {transform_indices = #map1}, {transform_indices = #map1}, {transform_indices = #map1}]} {
    %mul3A = arith.constant 16 : i32
    %mul3A_0 = arith.muli %arg0, %mul3A : i32
    %add3A = arith.addi %mul3A_0, %arg1 : i32
    "tpu.region"() ({
      %run_scoped3A = tpu.sem_alloc : memref<!tpu.dma_semaphore, #tpu.memory_space<semaphore_mem>>
      %dma_start3A = arith.constant 0 : i32
      %dma_start3A_6 = arith.constant 0 : i32
      %dma_start3A_7 = tpu.memref_slice %arg2[%add3A, %dma_start3A, %dma_start3A_6] : memref<32x125x80xi32, #tpu.memory_space<hbm>> -> memref<1x125x80xi32, #tpu.memory_space<hbm>>
      %dma_start3A_8 = tpu.memref_squeeze %dma_start3A_7 : memref<1x125x80xi32, #tpu.memory_space<hbm>> -> memref<125x80xi32, #tpu.memory_space<hbm>>
      %dma_start3A_9 = arith.constant 0 : i32
      %dma_start3A_10 = arith.constant 0 : i32
      %dma_start3A_11 = tpu.memref_slice %arg2[%add3A, %dma_start3A_9, %dma_start3A_10] : memref<32x125x80xi32, #tpu.memory_space<hbm>> -> memref<1x125x80xi32, #tpu.memory_space<hbm>>
      %dma_start3A_12 = tpu.memref_squeeze %dma_start3A_11 : memref<1x125x80xi32, #tpu.memory_space<hbm>> -> memref<125x80xi32, #tpu.memory_space<hbm>>
      tpu.enqueue_dma source(%dma_start3A_12 : memref<125x80xi32, #tpu.memory_space<hbm>>) target(%arg10 : memref<125x80xi32, #tpu.memory_space<vmem>>) target_semaphore(%run_scoped3A : memref<!tpu.dma_semaphore, #tpu.memory_space<semaphore_mem>>)
      %dma_wait3A = arith.constant 0 : i32
      %dma_wait3A_13 = arith.constant 0 : i32
      %dma_wait3A_14 = tpu.memref_slice %arg2[%add3A, %dma_wait3A, %dma_wait3A_13] : memref<32x125x80xi32, #tpu.memory_space<hbm>> -> memref<1x125x80xi32, #tpu.memory_space<hbm>>
      %dma_wait3A_15 = tpu.memref_squeeze %dma_wait3A_14 : memref<1x125x80xi32, #tpu.memory_space<hbm>> -> memref<125x80xi32, #tpu.memory_space<hbm>>
      %dma_wait3A_16 = arith.constant 0 : i32
      %dma_wait3A_17 = arith.constant 0 : i32
      %dma_wait3A_18 = tpu.memref_slice %arg2[%add3A, %dma_wait3A_16, %dma_wait3A_17] : memref<32x125x80xi32, #tpu.memory_space<hbm>> -> memref<1x125x80xi32, #tpu.memory_space<hbm>>
      %dma_wait3A_19 = tpu.memref_squeeze %dma_wait3A_18 : memref<1x125x80xi32, #tpu.memory_space<hbm>> -> memref<125x80xi32, #tpu.memory_space<hbm>>
      tpu.wait_dma2 semaphore(%run_scoped3A : memref<!tpu.dma_semaphore, #tpu.memory_space<semaphore_mem>>) src(%dma_wait3A_19 : memref<125x80xi32, #tpu.memory_space<hbm>>) dst(%arg10 : memref<125x80xi32, #tpu.memory_space<vmem>>)
      tpu.yield
    }) : () -> ()
    "tpu.region"() ({
      %run_scoped3A = tpu.sem_alloc : memref<!tpu.dma_semaphore, #tpu.memory_space<semaphore_mem>>
      %dma_start3A = arith.constant 0 : i32
      %dma_start3A_6 = arith.constant 0 : i32
      %dma_start3A_7 = tpu.memref_slice %arg3[%add3A, %dma_start3A, %dma_start3A_6] : memref<32x125x80xi32, #tpu.memory_space<hbm>> -> memref<1x125x80xi32, #tpu.memory_space<hbm>>
      %dma_start3A_8 = tpu.memref_squeeze %dma_start3A_7 : memref<1x125x80xi32, #tpu.memory_space<hbm>> -> memref<125x80xi32, #tpu.memory_space<hbm>>
      %dma_start3A_9 = arith.constant 0 : i32
      %dma_start3A_10 = arith.constant 0 : i32
      %dma_start3A_11 = tpu.memref_slice %arg3[%add3A, %dma_start3A_9, %dma_start3A_10] : memref<32x125x80xi32, #tpu.memory_space<hbm>> -> memref<1x125x80xi32, #tpu.memory_space<hbm>>
      %dma_start3A_12 = tpu.memref_squeeze %dma_start3A_11 : memref<1x125x80xi32, #tpu.memory_space<hbm>> -> memref<125x80xi32, #tpu.memory_space<hbm>>
      tpu.enqueue_dma source(%dma_start3A_12 : memref<125x80xi32, #tpu.memory_space<hbm>>) target(%arg11 : memref<125x80xi32, #tpu.memory_space<vmem>>) target_semaphore(%run_scoped3A : memref<!tpu.dma_semaphore, #tpu.memory_space<semaphore_mem>>)
      %dma_wait3A = arith.constant 0 : i32
      %dma_wait3A_13 = arith.constant 0 : i32
      %dma_wait3A_14 = tpu.memref_slice %arg3[%add3A, %dma_wait3A, %dma_wait3A_13] : memref<32x125x80xi32, #tpu.memory_space<hbm>> -> memref<1x125x80xi32, #tpu.memory_space<hbm>>
      %dma_wait3A_15 = tpu.memref_squeeze %dma_wait3A_14 : memref<1x125x80xi32, #tpu.memory_space<hbm>> -> memref<125x80xi32, #tpu.memory_space<hbm>>
      %dma_wait3A_16 = arith.constant 0 : i32
      %dma_wait3A_17 = arith.constant 0 : i32
      %dma_wait3A_18 = tpu.memref_slice %arg3[%add3A, %dma_wait3A_16, %dma_wait3A_17] : memref<32x125x80xi32, #tpu.memory_space<hbm>> -> memref<1x125x80xi32, #tpu.memory_space<hbm>>
      %dma_wait3A_19 = tpu.memref_squeeze %dma_wait3A_18 : memref<1x125x80xi32, #tpu.memory_space<hbm>> -> memref<125x80xi32, #tpu.memory_space<hbm>>
      tpu.wait_dma2 semaphore(%run_scoped3A : memref<!tpu.dma_semaphore, #tpu.memory_space<semaphore_mem>>) src(%dma_wait3A_19 : memref<125x80xi32, #tpu.memory_space<hbm>>) dst(%arg11 : memref<125x80xi32, #tpu.memory_space<vmem>>)
      tpu.yield
    }) : () -> ()
    %scan3A = arith.constant 0 : i32
    %scan3A_1 = arith.constant 0 : i32
    %scan3A_2 = arith.constant 50 : i32
    %scan3A_3 = arith.addi %scan3A_1, %scan3A_2 : i32
    %scan3A_4 = arith.constant 1 : i32
    scf.for %scan3A_6 = %scan3A_1 to %scan3A_3 step %scan3A_4  : i32 {
      %add3A_7 = arith.constant 50 : i32
      %add3A_8 = arith.addi %add3A_7, %scan3A_6 : i32
      %mul3A_9 = arith.constant 4000 : i32
      %mul3A_10 = arith.muli %add3A, %mul3A_9 : i32
      %mul3A_11 = arith.constant 80 : i32
      %mul3A_12 = arith.muli %scan3A_6, %mul3A_11 : i32
      %add3A_13 = arith.addi %mul3A_10, %mul3A_12 : i32
      %dma_start3A = arith.constant 0 : i32
      %dma_start3A_14 = tpu.memref_slice %arg10[%add3A_8, %dma_start3A] : memref<125x80xi32, #tpu.memory_space<vmem>> -> memref<1x80xi32, #tpu.memory_space<vmem>>
      %dma_start3A_15 = tpu.memref_squeeze %dma_start3A_14 : memref<1x80xi32, #tpu.memory_space<vmem>> -> memref<80xi32, #tpu.memory_space<vmem>>
      %dma_start3A_16 = arith.constant 0 : i32
      %dma_start3A_17 = arith.constant 0 : i32
      %dma_start3A_18 = tpu.memref_slice %arg4[%dma_start3A_16, %dma_start3A_17] : memref<10000x128xf32, #tpu.memory_space<hbm>> -> memref<10000x128xf32, #tpu.memory_space<hbm>>
      tpu.enqueue_indirect_dma source(%dma_start3A_18 : memref<10000x128xf32, #tpu.memory_space<hbm>>) target(%arg12 : memref<80x128xf32, #tpu.memory_space<vmem>>) offsets(%dma_start3A_15 : memref<80xi32, #tpu.memory_space<vmem>>) semaphore(%arg14 : memref<!tpu.dma_semaphore, #tpu.memory_space<semaphore_mem>>)
      %dma_start3A_19 = arith.constant 0 : i32
      %dma_start3A_20 = tpu.memref_slice %arg10[%add3A_8, %dma_start3A_19] : memref<125x80xi32, #tpu.memory_space<vmem>> -> memref<1x80xi32, #tpu.memory_space<vmem>>
      %dma_start3A_21 = tpu.memref_squeeze %dma_start3A_20 : memref<1x80xi32, #tpu.memory_space<vmem>> -> memref<80xi32, #tpu.memory_space<vmem>>
      %dma_start3A_22 = arith.constant 0 : i32
      %dma_start3A_23 = arith.constant 0 : i32
      %dma_start3A_24 = tpu.memref_slice %arg6[%dma_start3A_22, %dma_start3A_23] : memref<10000x128xf32, #tpu.memory_space<hbm>> -> memref<10000x128xf32, #tpu.memory_space<hbm>>
      tpu.enqueue_indirect_dma source(%dma_start3A_24 : memref<10000x128xf32, #tpu.memory_space<hbm>>) target(%arg13 : memref<80x128xf32, #tpu.memory_space<vmem>>) offsets(%dma_start3A_21 : memref<80xi32, #tpu.memory_space<vmem>>) semaphore(%arg15 : memref<!tpu.dma_semaphore, #tpu.memory_space<semaphore_mem>>)
      %dma_wait3A = arith.constant 0 : i32
      %dma_wait3A_25 = tpu.memref_slice %arg10[%add3A_8, %dma_wait3A] : memref<125x80xi32, #tpu.memory_space<vmem>> -> memref<1x80xi32, #tpu.memory_space<vmem>>
      %dma_wait3A_26 = tpu.memref_squeeze %dma_wait3A_25 : memref<1x80xi32, #tpu.memory_space<vmem>> -> memref<80xi32, #tpu.memory_space<vmem>>
      %dma_wait3A_27 = arith.constant 0 : i32
      %dma_wait3A_28 = arith.constant 0 : i32
      %dma_wait3A_29 = tpu.memref_slice %arg4[%dma_wait3A_27, %dma_wait3A_28] : memref<10000x128xf32, #tpu.memory_space<hbm>> -> memref<10000x128xf32, #tpu.memory_space<hbm>>
      tpu.wait_indirect_dma semaphore(%arg14 : memref<!tpu.dma_semaphore, #tpu.memory_space<semaphore_mem>>) src(%dma_wait3A_29 : memref<10000x128xf32, #tpu.memory_space<hbm>>) dst(%arg12 : memref<80x128xf32, #tpu.memory_space<vmem>>)
      %dma_start3A_30 = arith.constant 0 : i32
      %dma_start3A_31 = tpu.memref_slice %arg11[%add3A_8, %dma_start3A_30] : memref<125x80xi32, #tpu.memory_space<vmem>> -> memref<1x80xi32, #tpu.memory_space<vmem>>
      %dma_start3A_32 = tpu.memref_squeeze %dma_start3A_31 : memref<1x80xi32, #tpu.memory_space<vmem>> -> memref<80xi32, #tpu.memory_space<vmem>>
      %dma_start3A_33 = arith.constant 0 : i32
      %dma_start3A_34 = arith.constant 0 : i32
      %dma_start3A_35 = tpu.memref_slice %arg5[%dma_start3A_33, %dma_start3A_34] : memref<10000x128xf32, #tpu.memory_space<hbm>> -> memref<10000x128xf32, #tpu.memory_space<hbm>>
      tpu.enqueue_indirect_dma source(%dma_start3A_35 : memref<10000x128xf32, #tpu.memory_space<hbm>>) target(%arg12 : memref<80x128xf32, #tpu.memory_space<vmem>>) offsets(%dma_start3A_32 : memref<80xi32, #tpu.memory_space<vmem>>) semaphore(%arg14 : memref<!tpu.dma_semaphore, #tpu.memory_space<semaphore_mem>>) {add = true}
      %dma_wait3A_36 = arith.constant 0 : i32
      %dma_wait3A_37 = tpu.memref_slice %arg10[%add3A_8, %dma_wait3A_36] : memref<125x80xi32, #tpu.memory_space<vmem>> -> memref<1x80xi32, #tpu.memory_space<vmem>>
      %dma_wait3A_38 = tpu.memref_squeeze %dma_wait3A_37 : memref<1x80xi32, #tpu.memory_space<vmem>> -> memref<80xi32, #tpu.memory_space<vmem>>
      %dma_wait3A_39 = arith.constant 0 : i32
      %dma_wait3A_40 = arith.constant 0 : i32
      %dma_wait3A_41 = tpu.memref_slice %arg6[%dma_wait3A_39, %dma_wait3A_40] : memref<10000x128xf32, #tpu.memory_space<hbm>> -> memref<10000x128xf32, #tpu.memory_space<hbm>>
      tpu.wait_indirect_dma semaphore(%arg15 : memref<!tpu.dma_semaphore, #tpu.memory_space<semaphore_mem>>) src(%dma_wait3A_41 : memref<10000x128xf32, #tpu.memory_space<hbm>>) dst(%arg13 : memref<80x128xf32, #tpu.memory_space<vmem>>)
      %dma_start3A_42 = arith.constant 0 : i32
      %dma_start3A_43 = tpu.memref_slice %arg11[%add3A_8, %dma_start3A_42] : memref<125x80xi32, #tpu.memory_space<vmem>> -> memref<1x80xi32, #tpu.memory_space<vmem>>
      %dma_start3A_44 = tpu.memref_squeeze %dma_start3A_43 : memref<1x80xi32, #tpu.memory_space<vmem>> -> memref<80xi32, #tpu.memory_space<vmem>>
      %dma_start3A_45 = arith.constant 0 : i32
      %dma_start3A_46 = arith.constant 0 : i32
      %dma_start3A_47 = tpu.memref_slice %arg7[%dma_start3A_45, %dma_start3A_46] : memref<10000x128xf32, #tpu.memory_space<hbm>> -> memref<10000x128xf32, #tpu.memory_space<hbm>>
      tpu.enqueue_indirect_dma source(%dma_start3A_47 : memref<10000x128xf32, #tpu.memory_space<hbm>>) target(%arg13 : memref<80x128xf32, #tpu.memory_space<vmem>>) offsets(%dma_start3A_44 : memref<80xi32, #tpu.memory_space<vmem>>) semaphore(%arg15 : memref<!tpu.dma_semaphore, #tpu.memory_space<semaphore_mem>>) {add = true}
      %dma_wait3A_48 = arith.constant 0 : i32
      %dma_wait3A_49 = tpu.memref_slice %arg11[%add3A_8, %dma_wait3A_48] : memref<125x80xi32, #tpu.memory_space<vmem>> -> memref<1x80xi32, #tpu.memory_space<vmem>>
      %dma_wait3A_50 = tpu.memref_squeeze %dma_wait3A_49 : memref<1x80xi32, #tpu.memory_space<vmem>> -> memref<80xi32, #tpu.memory_space<vmem>>
      %dma_wait3A_51 = arith.constant 0 : i32
      %dma_wait3A_52 = arith.constant 0 : i32
      %dma_wait3A_53 = tpu.memref_slice %arg5[%dma_wait3A_51, %dma_wait3A_52] : memref<10000x128xf32, #tpu.memory_space<hbm>> -> memref<10000x128xf32, #tpu.memory_space<hbm>>
      tpu.wait_indirect_dma semaphore(%arg14 : memref<!tpu.dma_semaphore, #tpu.memory_space<semaphore_mem>>) src(%dma_wait3A_53 : memref<10000x128xf32, #tpu.memory_space<hbm>>) dst(%arg12 : memref<80x128xf32, #tpu.memory_space<vmem>>)
      "tpu.region"() ({
        %run_scoped3A = tpu.sem_alloc : memref<!tpu.dma_semaphore, #tpu.memory_space<semaphore_mem>>
        %dma_start3A_60 = arith.constant 0 : i32
        %dma_start3A_61 = tpu.memref_slice %arg8[%add3A_13, %dma_start3A_60] : memref<128000x128xf32, #tpu.memory_space<hbm>> -> memref<80x128xf32, #tpu.memory_space<hbm>>
        %dma_start3A_62 = arith.constant 0 : i32
        %dma_start3A_63 = tpu.memref_slice %arg8[%add3A_13, %dma_start3A_62] : memref<128000x128xf32, #tpu.memory_space<hbm>> -> memref<80x128xf32, #tpu.memory_space<hbm>>
        tpu.enqueue_dma source(%arg12 : memref<80x128xf32, #tpu.memory_space<vmem>>) target(%dma_start3A_63 : memref<80x128xf32, #tpu.memory_space<hbm>>) target_semaphore(%run_scoped3A : memref<!tpu.dma_semaphore, #tpu.memory_space<semaphore_mem>>)
        %dma_wait3A_64 = arith.constant 0 : i32
        %dma_wait3A_65 = tpu.memref_slice %arg8[%add3A_13, %dma_wait3A_64] : memref<128000x128xf32, #tpu.memory_space<hbm>> -> memref<80x128xf32, #tpu.memory_space<hbm>>
        %dma_wait3A_66 = arith.constant 0 : i32
        %dma_wait3A_67 = tpu.memref_slice %arg8[%add3A_13, %dma_wait3A_66] : memref<128000x128xf32, #tpu.memory_space<hbm>> -> memref<80x128xf32, #tpu.memory_space<hbm>>
        tpu.wait_dma2 semaphore(%run_scoped3A : memref<!tpu.dma_semaphore, #tpu.memory_space<semaphore_mem>>) src(%arg12 : memref<80x128xf32, #tpu.memory_space<vmem>>) dst(%dma_wait3A_67 : memref<80x128xf32, #tpu.memory_space<hbm>>)
        tpu.yield
      }) : () -> ()
      %dma_wait3A_54 = arith.constant 0 : i32
      %dma_wait3A_55 = tpu.memref_slice %arg11[%add3A_8, %dma_wait3A_54] : memref<125x80xi32, #tpu.memory_space<vmem>> -> memref<1x80xi32, #tpu.memory_space<vmem>>
      %dma_wait3A_56 = tpu.memref_squeeze %dma_wait3A_55 : memref<1x80xi32, #tpu.memory_space<vmem>> -> memref<80xi32, #tpu.memory_space<vmem>>
      %dma_wait3A_57 = arith.constant 0 : i32
      %dma_wait3A_58 = arith.constant 0 : i32
      %dma_wait3A_59 = tpu.memref_slice %arg7[%dma_wait3A_57, %dma_wait3A_58] : memref<10000x128xf32, #tpu.memory_space<hbm>> -> memref<10000x128xf32, #tpu.memory_space<hbm>>
      tpu.wait_indirect_dma semaphore(%arg15 : memref<!tpu.dma_semaphore, #tpu.memory_space<semaphore_mem>>) src(%dma_wait3A_59 : memref<10000x128xf32, #tpu.memory_space<hbm>>) dst(%arg13 : memref<80x128xf32, #tpu.memory_space<vmem>>)
      "tpu.region"() ({
        %run_scoped3A = tpu.sem_alloc : memref<!tpu.dma_semaphore, #tpu.memory_space<semaphore_mem>>
        %dma_start3A_60 = arith.constant 0 : i32
        %dma_start3A_61 = tpu.memref_slice %arg9[%add3A_13, %dma_start3A_60] : memref<128000x128xf32, #tpu.memory_space<hbm>> -> memref<80x128xf32, #tpu.memory_space<hbm>>
        %dma_start3A_62 = arith.constant 0 : i32
        %dma_start3A_63 = tpu.memref_slice %arg9[%add3A_13, %dma_start3A_62] : memref<128000x128xf32, #tpu.memory_space<hbm>> -> memref<80x128xf32, #tpu.memory_space<hbm>>
        tpu.enqueue_dma source(%arg13 : memref<80x128xf32, #tpu.memory_space<vmem>>) target(%dma_start3A_63 : memref<80x128xf32, #tpu.memory_space<hbm>>) target_semaphore(%run_scoped3A : memref<!tpu.dma_semaphore, #tpu.memory_space<semaphore_mem>>)
        %dma_wait3A_64 = arith.constant 0 : i32
        %dma_wait3A_65 = tpu.memref_slice %arg9[%add3A_13, %dma_wait3A_64] : memref<128000x128xf32, #tpu.memory_space<hbm>> -> memref<80x128xf32, #tpu.memory_space<hbm>>
        %dma_wait3A_66 = arith.constant 0 : i32
        %dma_wait3A_67 = tpu.memref_slice %arg9[%add3A_13, %dma_wait3A_66] : memref<128000x128xf32, #tpu.memory_space<hbm>> -> memref<80x128xf32, #tpu.memory_space<hbm>>
        tpu.wait_dma2 semaphore(%run_scoped3A : memref<!tpu.dma_semaphore, #tpu.memory_space<semaphore_mem>>) src(%arg13 : memref<80x128xf32, #tpu.memory_space<vmem>>) dst(%dma_wait3A_67 : memref<80x128xf32, #tpu.memory_space<hbm>>)
        tpu.yield
      }) : () -> ()
    }
    %scan3A_5 = arith.constant 50 : i32
    return
  }
}

#map = affine_map<(d0, d1) -> (0, 0, 0)>
#map1 = affine_map<(d0, d1) -> (0, 0)>
module attributes {stable_mosaic.version = 14 : i64} {
  func.func @k(%arg0: i32, %arg1: i32, %arg2: memref<32x125x80xi32, #tpu.memory_space<hbm>>, %arg3: memref<32x125x80xi32, #tpu.memory_space<hbm>>, %arg4: memref<10000x128xf32, #tpu.memory_space<hbm>>, %arg5: memref<10000x128xf32, #tpu.memory_space<hbm>>, %arg6: memref<10000x128xf32, #tpu.memory_space<hbm>>, %arg7: memref<10000x128xf32, #tpu.memory_space<hbm>>, %arg8: memref<64000x128xf32, #tpu.memory_space<hbm>>, %arg9: memref<64000x128xf32, #tpu.memory_space<hbm>>, %arg10: memref<125x80xi32, #tpu.memory_space<vmem>>, %arg11: memref<125x80xi32, #tpu.memory_space<vmem>>, %arg12: memref<80x128xf32, #tpu.memory_space<vmem>>, %arg13: memref<80x128xf32, #tpu.memory_space<vmem>>, %arg14: memref<!tpu.dma_semaphore, #tpu.memory_space<semaphore_mem>>, %arg15: memref<!tpu.dma_semaphore, #tpu.memory_space<semaphore_mem>>) attributes {dimension_semantics = [#tpu.dimension_semantics<core_parallel>, #tpu.dimension_semantics<subcore_parallel>], iteration_bounds = array<i64: 2, 16>, scalar_prefetch = 0 : i64, scratch_operands = 6 : i64, tpu.core_type = #tpu.core_type<sc_vector_subcore>, window_params = [{transform_indices = #map}, {transform_indices = #map}, {transform_indices = #map1}, {transform_indices = #map1}, {transform_indices = #map1}, {transform_indices = #map1}, {transform_indices = #map1}, {transform_indices = #map1}]} {
    %mul3A = arith.constant 16 : i32
    %mul3A_0 = arith.muli %arg0, %mul3A : i32
    %add3A = arith.addi %mul3A_0, %arg1 : i32
    "tpu.region"() ({
      %run_scoped3A = tpu.sem_alloc : memref<!tpu.dma_semaphore, #tpu.memory_space<semaphore_mem>>
      %dma_start3A = arith.constant 0 : i32
      %dma_start3A_6 = arith.constant 0 : i32
      %dma_start3A_7 = tpu.memref_slice %arg2[%add3A, %dma_start3A, %dma_start3A_6] : memref<32x125x80xi32, #tpu.memory_space<hbm>> -> memref<1x125x80xi32, #tpu.memory_space<hbm>>
      %dma_start3A_8 = tpu.memref_squeeze %dma_start3A_7 : memref<1x125x80xi32, #tpu.memory_space<hbm>> -> memref<125x80xi32, #tpu.memory_space<hbm>>
      %dma_start3A_9 = arith.constant 0 : i32
      %dma_start3A_10 = arith.constant 0 : i32
      %dma_start3A_11 = tpu.memref_slice %arg2[%add3A, %dma_start3A_9, %dma_start3A_10] : memref<32x125x80xi32, #tpu.memory_space<hbm>> -> memref<1x125x80xi32, #tpu.memory_space<hbm>>
      %dma_start3A_12 = tpu.memref_squeeze %dma_start3A_11 : memref<1x125x80xi32, #tpu.memory_space<hbm>> -> memref<125x80xi32, #tpu.memory_space<hbm>>
      tpu.enqueue_dma source(%dma_start3A_12 : memref<125x80xi32, #tpu.memory_space<hbm>>) target(%arg10 : memref<125x80xi32, #tpu.memory_space<vmem>>) target_semaphore(%run_scoped3A : memref<!tpu.dma_semaphore, #tpu.memory_space<semaphore_mem>>)
      %dma_wait3A = arith.constant 0 : i32
      %dma_wait3A_13 = arith.constant 0 : i32
      %dma_wait3A_14 = tpu.memref_slice %arg2[%add3A, %dma_wait3A, %dma_wait3A_13] : memref<32x125x80xi32, #tpu.memory_space<hbm>> -> memref<1x125x80xi32, #tpu.memory_space<hbm>>
      %dma_wait3A_15 = tpu.memref_squeeze %dma_wait3A_14 : memref<1x125x80xi32, #tpu.memory_space<hbm>> -> memref<125x80xi32, #tpu.memory_space<hbm>>
      %dma_wait3A_16 = arith.constant 0 : i32
      %dma_wait3A_17 = arith.constant 0 : i32
      %dma_wait3A_18 = tpu.memref_slice %arg2[%add3A, %dma_wait3A_16, %dma_wait3A_17] : memref<32x125x80xi32, #tpu.memory_space<hbm>> -> memref<1x125x80xi32, #tpu.memory_space<hbm>>
      %dma_wait3A_19 = tpu.memref_squeeze %dma_wait3A_18 : memref<1x125x80xi32, #tpu.memory_space<hbm>> -> memref<125x80xi32, #tpu.memory_space<hbm>>
      tpu.wait_dma2 semaphore(%run_scoped3A : memref<!tpu.dma_semaphore, #tpu.memory_space<semaphore_mem>>) src(%dma_wait3A_19 : memref<125x80xi32, #tpu.memory_space<hbm>>) dst(%arg10 : memref<125x80xi32, #tpu.memory_space<vmem>>)
      tpu.yield
    }) : () -> ()
    "tpu.region"() ({
      %run_scoped3A = tpu.sem_alloc : memref<!tpu.dma_semaphore, #tpu.memory_space<semaphore_mem>>
      %dma_start3A = arith.constant 0 : i32
      %dma_start3A_6 = arith.constant 0 : i32
      %dma_start3A_7 = tpu.memref_slice %arg3[%add3A, %dma_start3A, %dma_start3A_6] : memref<32x125x80xi32, #tpu.memory_space<hbm>> -> memref<1x125x80xi32, #tpu.memory_space<hbm>>
      %dma_start3A_8 = tpu.memref_squeeze %dma_start3A_7 : memref<1x125x80xi32, #tpu.memory_space<hbm>> -> memref<125x80xi32, #tpu.memory_space<hbm>>
      %dma_start3A_9 = arith.constant 0 : i32
      %dma_start3A_10 = arith.constant 0 : i32
      %dma_start3A_11 = tpu.memref_slice %arg3[%add3A, %dma_start3A_9, %dma_start3A_10] : memref<32x125x80xi32, #tpu.memory_space<hbm>> -> memref<1x125x80xi32, #tpu.memory_space<hbm>>
      %dma_start3A_12 = tpu.memref_squeeze %dma_start3A_11 : memref<1x125x80xi32, #tpu.memory_space<hbm>> -> memref<125x80xi32, #tpu.memory_space<hbm>>
      tpu.enqueue_dma source(%dma_start3A_12 : memref<125x80xi32, #tpu.memory_space<hbm>>) target(%arg11 : memref<125x80xi32, #tpu.memory_space<vmem>>) target_semaphore(%run_scoped3A : memref<!tpu.dma_semaphore, #tpu.memory_space<semaphore_mem>>)
      %dma_wait3A = arith.constant 0 : i32
      %dma_wait3A_13 = arith.constant 0 : i32
      %dma_wait3A_14 = tpu.memref_slice %arg3[%add3A, %dma_wait3A, %dma_wait3A_13] : memref<32x125x80xi32, #tpu.memory_space<hbm>> -> memref<1x125x80xi32, #tpu.memory_space<hbm>>
      %dma_wait3A_15 = tpu.memref_squeeze %dma_wait3A_14 : memref<1x125x80xi32, #tpu.memory_space<hbm>> -> memref<125x80xi32, #tpu.memory_space<hbm>>
      %dma_wait3A_16 = arith.constant 0 : i32
      %dma_wait3A_17 = arith.constant 0 : i32
      %dma_wait3A_18 = tpu.memref_slice %arg3[%add3A, %dma_wait3A_16, %dma_wait3A_17] : memref<32x125x80xi32, #tpu.memory_space<hbm>> -> memref<1x125x80xi32, #tpu.memory_space<hbm>>
      %dma_wait3A_19 = tpu.memref_squeeze %dma_wait3A_18 : memref<1x125x80xi32, #tpu.memory_space<hbm>> -> memref<125x80xi32, #tpu.memory_space<hbm>>
      tpu.wait_dma2 semaphore(%run_scoped3A : memref<!tpu.dma_semaphore, #tpu.memory_space<semaphore_mem>>) src(%dma_wait3A_19 : memref<125x80xi32, #tpu.memory_space<hbm>>) dst(%arg11 : memref<125x80xi32, #tpu.memory_space<vmem>>)
      tpu.yield
    }) : () -> ()
    %scan3A = arith.constant 0 : i32
    %scan3A_1 = arith.constant 0 : i32
    %scan3A_2 = arith.constant 25 : i32
    %scan3A_3 = arith.addi %scan3A_1, %scan3A_2 : i32
    %scan3A_4 = arith.constant 1 : i32
    scf.for %scan3A_6 = %scan3A_1 to %scan3A_3 step %scan3A_4  : i32 {
      %add3A_7 = arith.constant 100 : i32
      %add3A_8 = arith.addi %add3A_7, %scan3A_6 : i32
      %mul3A_9 = arith.constant 2000 : i32
      %mul3A_10 = arith.muli %add3A, %mul3A_9 : i32
      %mul3A_11 = arith.constant 80 : i32
      %mul3A_12 = arith.muli %scan3A_6, %mul3A_11 : i32
      %add3A_13 = arith.addi %mul3A_10, %mul3A_12 : i32
      %dma_start3A = arith.constant 0 : i32
      %dma_start3A_14 = tpu.memref_slice %arg10[%add3A_8, %dma_start3A] : memref<125x80xi32, #tpu.memory_space<vmem>> -> memref<1x80xi32, #tpu.memory_space<vmem>>
      %dma_start3A_15 = tpu.memref_squeeze %dma_start3A_14 : memref<1x80xi32, #tpu.memory_space<vmem>> -> memref<80xi32, #tpu.memory_space<vmem>>
      %dma_start3A_16 = arith.constant 0 : i32
      %dma_start3A_17 = arith.constant 0 : i32
      %dma_start3A_18 = tpu.memref_slice %arg4[%dma_start3A_16, %dma_start3A_17] : memref<10000x128xf32, #tpu.memory_space<hbm>> -> memref<10000x128xf32, #tpu.memory_space<hbm>>
      tpu.enqueue_indirect_dma source(%dma_start3A_18 : memref<10000x128xf32, #tpu.memory_space<hbm>>) target(%arg12 : memref<80x128xf32, #tpu.memory_space<vmem>>) offsets(%dma_start3A_15 : memref<80xi32, #tpu.memory_space<vmem>>) semaphore(%arg14 : memref<!tpu.dma_semaphore, #tpu.memory_space<semaphore_mem>>)
      %dma_start3A_19 = arith.constant 0 : i32
      %dma_start3A_20 = tpu.memref_slice %arg10[%add3A_8, %dma_start3A_19] : memref<125x80xi32, #tpu.memory_space<vmem>> -> memref<1x80xi32, #tpu.memory_space<vmem>>
      %dma_start3A_21 = tpu.memref_squeeze %dma_start3A_20 : memref<1x80xi32, #tpu.memory_space<vmem>> -> memref<80xi32, #tpu.memory_space<vmem>>
      %dma_start3A_22 = arith.constant 0 : i32
      %dma_start3A_23 = arith.constant 0 : i32
      %dma_start3A_24 = tpu.memref_slice %arg6[%dma_start3A_22, %dma_start3A_23] : memref<10000x128xf32, #tpu.memory_space<hbm>> -> memref<10000x128xf32, #tpu.memory_space<hbm>>
      tpu.enqueue_indirect_dma source(%dma_start3A_24 : memref<10000x128xf32, #tpu.memory_space<hbm>>) target(%arg13 : memref<80x128xf32, #tpu.memory_space<vmem>>) offsets(%dma_start3A_21 : memref<80xi32, #tpu.memory_space<vmem>>) semaphore(%arg15 : memref<!tpu.dma_semaphore, #tpu.memory_space<semaphore_mem>>)
      %dma_wait3A = arith.constant 0 : i32
      %dma_wait3A_25 = tpu.memref_slice %arg10[%add3A_8, %dma_wait3A] : memref<125x80xi32, #tpu.memory_space<vmem>> -> memref<1x80xi32, #tpu.memory_space<vmem>>
      %dma_wait3A_26 = tpu.memref_squeeze %dma_wait3A_25 : memref<1x80xi32, #tpu.memory_space<vmem>> -> memref<80xi32, #tpu.memory_space<vmem>>
      %dma_wait3A_27 = arith.constant 0 : i32
      %dma_wait3A_28 = arith.constant 0 : i32
      %dma_wait3A_29 = tpu.memref_slice %arg4[%dma_wait3A_27, %dma_wait3A_28] : memref<10000x128xf32, #tpu.memory_space<hbm>> -> memref<10000x128xf32, #tpu.memory_space<hbm>>
      tpu.wait_indirect_dma semaphore(%arg14 : memref<!tpu.dma_semaphore, #tpu.memory_space<semaphore_mem>>) src(%dma_wait3A_29 : memref<10000x128xf32, #tpu.memory_space<hbm>>) dst(%arg12 : memref<80x128xf32, #tpu.memory_space<vmem>>)
      %dma_start3A_30 = arith.constant 0 : i32
      %dma_start3A_31 = tpu.memref_slice %arg11[%add3A_8, %dma_start3A_30] : memref<125x80xi32, #tpu.memory_space<vmem>> -> memref<1x80xi32, #tpu.memory_space<vmem>>
      %dma_start3A_32 = tpu.memref_squeeze %dma_start3A_31 : memref<1x80xi32, #tpu.memory_space<vmem>> -> memref<80xi32, #tpu.memory_space<vmem>>
      %dma_start3A_33 = arith.constant 0 : i32
      %dma_start3A_34 = arith.constant 0 : i32
      %dma_start3A_35 = tpu.memref_slice %arg5[%dma_start3A_33, %dma_start3A_34] : memref<10000x128xf32, #tpu.memory_space<hbm>> -> memref<10000x128xf32, #tpu.memory_space<hbm>>
      tpu.enqueue_indirect_dma source(%dma_start3A_35 : memref<10000x128xf32, #tpu.memory_space<hbm>>) target(%arg12 : memref<80x128xf32, #tpu.memory_space<vmem>>) offsets(%dma_start3A_32 : memref<80xi32, #tpu.memory_space<vmem>>) semaphore(%arg14 : memref<!tpu.dma_semaphore, #tpu.memory_space<semaphore_mem>>) {add = true}
      %dma_wait3A_36 = arith.constant 0 : i32
      %dma_wait3A_37 = tpu.memref_slice %arg10[%add3A_8, %dma_wait3A_36] : memref<125x80xi32, #tpu.memory_space<vmem>> -> memref<1x80xi32, #tpu.memory_space<vmem>>
      %dma_wait3A_38 = tpu.memref_squeeze %dma_wait3A_37 : memref<1x80xi32, #tpu.memory_space<vmem>> -> memref<80xi32, #tpu.memory_space<vmem>>
      %dma_wait3A_39 = arith.constant 0 : i32
      %dma_wait3A_40 = arith.constant 0 : i32
      %dma_wait3A_41 = tpu.memref_slice %arg6[%dma_wait3A_39, %dma_wait3A_40] : memref<10000x128xf32, #tpu.memory_space<hbm>> -> memref<10000x128xf32, #tpu.memory_space<hbm>>
      tpu.wait_indirect_dma semaphore(%arg15 : memref<!tpu.dma_semaphore, #tpu.memory_space<semaphore_mem>>) src(%dma_wait3A_41 : memref<10000x128xf32, #tpu.memory_space<hbm>>) dst(%arg13 : memref<80x128xf32, #tpu.memory_space<vmem>>)
      %dma_start3A_42 = arith.constant 0 : i32
      %dma_start3A_43 = tpu.memref_slice %arg11[%add3A_8, %dma_start3A_42] : memref<125x80xi32, #tpu.memory_space<vmem>> -> memref<1x80xi32, #tpu.memory_space<vmem>>
      %dma_start3A_44 = tpu.memref_squeeze %dma_start3A_43 : memref<1x80xi32, #tpu.memory_space<vmem>> -> memref<80xi32, #tpu.memory_space<vmem>>
      %dma_start3A_45 = arith.constant 0 : i32
      %dma_start3A_46 = arith.constant 0 : i32
      %dma_start3A_47 = tpu.memref_slice %arg7[%dma_start3A_45, %dma_start3A_46] : memref<10000x128xf32, #tpu.memory_space<hbm>> -> memref<10000x128xf32, #tpu.memory_space<hbm>>
      tpu.enqueue_indirect_dma source(%dma_start3A_47 : memref<10000x128xf32, #tpu.memory_space<hbm>>) target(%arg13 : memref<80x128xf32, #tpu.memory_space<vmem>>) offsets(%dma_start3A_44 : memref<80xi32, #tpu.memory_space<vmem>>) semaphore(%arg15 : memref<!tpu.dma_semaphore, #tpu.memory_space<semaphore_mem>>) {add = true}
      %dma_wait3A_48 = arith.constant 0 : i32
      %dma_wait3A_49 = tpu.memref_slice %arg11[%add3A_8, %dma_wait3A_48] : memref<125x80xi32, #tpu.memory_space<vmem>> -> memref<1x80xi32, #tpu.memory_space<vmem>>
      %dma_wait3A_50 = tpu.memref_squeeze %dma_wait3A_49 : memref<1x80xi32, #tpu.memory_space<vmem>> -> memref<80xi32, #tpu.memory_space<vmem>>
      %dma_wait3A_51 = arith.constant 0 : i32
      %dma_wait3A_52 = arith.constant 0 : i32
      %dma_wait3A_53 = tpu.memref_slice %arg5[%dma_wait3A_51, %dma_wait3A_52] : memref<10000x128xf32, #tpu.memory_space<hbm>> -> memref<10000x128xf32, #tpu.memory_space<hbm>>
      tpu.wait_indirect_dma semaphore(%arg14 : memref<!tpu.dma_semaphore, #tpu.memory_space<semaphore_mem>>) src(%dma_wait3A_53 : memref<10000x128xf32, #tpu.memory_space<hbm>>) dst(%arg12 : memref<80x128xf32, #tpu.memory_space<vmem>>)
      "tpu.region"() ({
        %run_scoped3A = tpu.sem_alloc : memref<!tpu.dma_semaphore, #tpu.memory_space<semaphore_mem>>
        %dma_start3A_60 = arith.constant 0 : i32
        %dma_start3A_61 = tpu.memref_slice %arg8[%add3A_13, %dma_start3A_60] : memref<64000x128xf32, #tpu.memory_space<hbm>> -> memref<80x128xf32, #tpu.memory_space<hbm>>
        %dma_start3A_62 = arith.constant 0 : i32
        %dma_start3A_63 = tpu.memref_slice %arg8[%add3A_13, %dma_start3A_62] : memref<64000x128xf32, #tpu.memory_space<hbm>> -> memref<80x128xf32, #tpu.memory_space<hbm>>
        tpu.enqueue_dma source(%arg12 : memref<80x128xf32, #tpu.memory_space<vmem>>) target(%dma_start3A_63 : memref<80x128xf32, #tpu.memory_space<hbm>>) target_semaphore(%run_scoped3A : memref<!tpu.dma_semaphore, #tpu.memory_space<semaphore_mem>>)
        %dma_wait3A_64 = arith.constant 0 : i32
        %dma_wait3A_65 = tpu.memref_slice %arg8[%add3A_13, %dma_wait3A_64] : memref<64000x128xf32, #tpu.memory_space<hbm>> -> memref<80x128xf32, #tpu.memory_space<hbm>>
        %dma_wait3A_66 = arith.constant 0 : i32
        %dma_wait3A_67 = tpu.memref_slice %arg8[%add3A_13, %dma_wait3A_66] : memref<64000x128xf32, #tpu.memory_space<hbm>> -> memref<80x128xf32, #tpu.memory_space<hbm>>
        tpu.wait_dma2 semaphore(%run_scoped3A : memref<!tpu.dma_semaphore, #tpu.memory_space<semaphore_mem>>) src(%arg12 : memref<80x128xf32, #tpu.memory_space<vmem>>) dst(%dma_wait3A_67 : memref<80x128xf32, #tpu.memory_space<hbm>>)
        tpu.yield
      }) : () -> ()
      %dma_wait3A_54 = arith.constant 0 : i32
      %dma_wait3A_55 = tpu.memref_slice %arg11[%add3A_8, %dma_wait3A_54] : memref<125x80xi32, #tpu.memory_space<vmem>> -> memref<1x80xi32, #tpu.memory_space<vmem>>
      %dma_wait3A_56 = tpu.memref_squeeze %dma_wait3A_55 : memref<1x80xi32, #tpu.memory_space<vmem>> -> memref<80xi32, #tpu.memory_space<vmem>>
      %dma_wait3A_57 = arith.constant 0 : i32
      %dma_wait3A_58 = arith.constant 0 : i32
      %dma_wait3A_59 = tpu.memref_slice %arg7[%dma_wait3A_57, %dma_wait3A_58] : memref<10000x128xf32, #tpu.memory_space<hbm>> -> memref<10000x128xf32, #tpu.memory_space<hbm>>
      tpu.wait_indirect_dma semaphore(%arg15 : memref<!tpu.dma_semaphore, #tpu.memory_space<semaphore_mem>>) src(%dma_wait3A_59 : memref<10000x128xf32, #tpu.memory_space<hbm>>) dst(%arg13 : memref<80x128xf32, #tpu.memory_space<vmem>>)
      "tpu.region"() ({
        %run_scoped3A = tpu.sem_alloc : memref<!tpu.dma_semaphore, #tpu.memory_space<semaphore_mem>>
        %dma_start3A_60 = arith.constant 0 : i32
        %dma_start3A_61 = tpu.memref_slice %arg9[%add3A_13, %dma_start3A_60] : memref<64000x128xf32, #tpu.memory_space<hbm>> -> memref<80x128xf32, #tpu.memory_space<hbm>>
        %dma_start3A_62 = arith.constant 0 : i32
        %dma_start3A_63 = tpu.memref_slice %arg9[%add3A_13, %dma_start3A_62] : memref<64000x128xf32, #tpu.memory_space<hbm>> -> memref<80x128xf32, #tpu.memory_space<hbm>>
        tpu.enqueue_dma source(%arg13 : memref<80x128xf32, #tpu.memory_space<vmem>>) target(%dma_start3A_63 : memref<80x128xf32, #tpu.memory_space<hbm>>) target_semaphore(%run_scoped3A : memref<!tpu.dma_semaphore, #tpu.memory_space<semaphore_mem>>)
        %dma_wait3A_64 = arith.constant 0 : i32
        %dma_wait3A_65 = tpu.memref_slice %arg9[%add3A_13, %dma_wait3A_64] : memref<64000x128xf32, #tpu.memory_space<hbm>> -> memref<80x128xf32, #tpu.memory_space<hbm>>
        %dma_wait3A_66 = arith.constant 0 : i32
        %dma_wait3A_67 = tpu.memref_slice %arg9[%add3A_13, %dma_wait3A_66] : memref<64000x128xf32, #tpu.memory_space<hbm>> -> memref<80x128xf32, #tpu.memory_space<hbm>>
        tpu.wait_dma2 semaphore(%run_scoped3A : memref<!tpu.dma_semaphore, #tpu.memory_space<semaphore_mem>>) src(%arg13 : memref<80x128xf32, #tpu.memory_space<vmem>>) dst(%dma_wait3A_67 : memref<80x128xf32, #tpu.memory_space<hbm>>)
        tpu.yield
      }) : () -> ()
    }
    %scan3A_5 = arith.constant 25 : i32
    return
  }
}

#map = affine_map<(d0, d1) -> (0, 0, 0)>
#map1 = affine_map<(d0, d1) -> (0, 0)>
module attributes {stable_mosaic.version = 14 : i64} {
  func.func @k(%arg0: i32, %arg1: i32, %arg2: memref<32x250x40xi32, #tpu.memory_space<hbm>>, %arg3: memref<128000x128xf32, #tpu.memory_space<hbm>>, %arg4: memref<10000x128xf32, #tpu.memory_space<hbm>>, %arg5: memref<2x10000x128xf32, #tpu.memory_space<hbm>>, %arg6: memref<250x40xi32, #tpu.memory_space<vmem>>, %arg7: memref<40x128xf32, #tpu.memory_space<vmem>>, %arg8: memref<40x128xf32, #tpu.memory_space<vmem>>, %arg9: memref<10000x128xf32, #tpu.memory_space<vmem_shared>>, %arg10: memref<!tpu.dma_semaphore, #tpu.memory_space<semaphore_mem>>, %arg11: memref<!tpu.dma_semaphore, #tpu.memory_space<semaphore_mem>>) attributes {dimension_semantics = [#tpu.dimension_semantics<core_parallel>, #tpu.dimension_semantics<subcore_parallel>], iteration_bounds = array<i64: 2, 16>, scalar_prefetch = 0 : i64, scratch_operands = 6 : i64, tpu.core_type = #tpu.core_type<sc_vector_subcore>, window_params = [{transform_indices = #map}, {transform_indices = #map1}, {transform_indices = #map1}, {transform_indices = #map}]} {
    %mul3A = arith.constant 16 : i32
    %mul3A_0 = arith.muli %arg0, %mul3A : i32
    %add3A = arith.addi %mul3A_0, %arg1 : i32
    %mul3A_1 = arith.constant 4000 : i32
    %mul3A_2 = arith.muli %add3A, %mul3A_1 : i32
    %mul3A_3 = arith.constant 624 : i32
    %mul3A_4 = arith.muli %arg1, %mul3A_3 : i32
    %mul3A_5 = arith.constant 624 : i32
    %mul3A_6 = arith.muli %arg1, %mul3A_5 : i32
    "tpu.region"() ({
      %run_scoped3A_43 = tpu.sem_alloc : memref<!tpu.dma_semaphore, #tpu.memory_space<semaphore_mem>>
      %dma_start3A_44 = arith.constant 0 : i32
      %dma_start3A_45 = tpu.memref_slice %arg9[%mul3A_6, %dma_start3A_44] : memref<10000x128xf32, #tpu.memory_space<vmem_shared>> -> memref<624x128xf32, #tpu.memory_space<vmem_shared>>
      %dma_start3A_46 = arith.constant 0 : i32
      %dma_start3A_47 = tpu.memref_slice %arg4[%mul3A_4, %dma_start3A_46] : memref<10000x128xf32, #tpu.memory_space<hbm>> -> memref<624x128xf32, #tpu.memory_space<hbm>>
      tpu.enqueue_dma source(%dma_start3A_47 : memref<624x128xf32, #tpu.memory_space<hbm>>) target(%dma_start3A_45 : memref<624x128xf32, #tpu.memory_space<vmem_shared>>) target_semaphore(%run_scoped3A_43 : memref<!tpu.dma_semaphore, #tpu.memory_space<semaphore_mem>>)
      %dma_wait3A_48 = arith.constant 0 : i32
      %dma_wait3A_49 = tpu.memref_slice %arg9[%mul3A_6, %dma_wait3A_48] : memref<10000x128xf32, #tpu.memory_space<vmem_shared>> -> memref<624x128xf32, #tpu.memory_space<vmem_shared>>
      %dma_wait3A_50 = arith.constant 0 : i32
      %dma_wait3A_51 = tpu.memref_slice %arg4[%mul3A_4, %dma_wait3A_50] : memref<10000x128xf32, #tpu.memory_space<hbm>> -> memref<624x128xf32, #tpu.memory_space<hbm>>
      tpu.wait_dma2 semaphore(%run_scoped3A_43 : memref<!tpu.dma_semaphore, #tpu.memory_space<semaphore_mem>>) src(%dma_wait3A_51 : memref<624x128xf32, #tpu.memory_space<hbm>>) dst(%dma_wait3A_49 : memref<624x128xf32, #tpu.memory_space<vmem_shared>>)
      tpu.yield
    }) : () -> ()
    %eq3A = arith.constant 0 : i32
    %eq3A_7 = arith.cmpi eq, %arg1, %eq3A : i32
    %convert_element_type3A = arith.extui %eq3A_7 : i1 to i32
    %cond3A = arith.constant 0 : i32
    %cond3A_8 = arith.cmpi ne, %convert_element_type3A, %cond3A : i32
    scf.if %cond3A_8 {
      "tpu.region"() ({
        %run_scoped3A_43 = tpu.sem_alloc : memref<!tpu.dma_semaphore, #tpu.memory_space<semaphore_mem>>
        %dma_start3A_44 = arith.constant 9984 : i32
        %dma_start3A_45 = arith.constant 0 : i32
        %dma_start3A_46 = tpu.memref_slice %arg9[%dma_start3A_44, %dma_start3A_45] : memref<10000x128xf32, #tpu.memory_space<vmem_shared>> -> memref<16x128xf32, #tpu.memory_space<vmem_shared>>
        %dma_start3A_47 = arith.constant 9984 : i32
        %dma_start3A_48 = arith.constant 0 : i32
        %dma_start3A_49 = tpu.memref_slice %arg4[%dma_start3A_47, %dma_start3A_48] : memref<10000x128xf32, #tpu.memory_space<hbm>> -> memref<16x128xf32, #tpu.memory_space<hbm>>
        tpu.enqueue_dma source(%dma_start3A_49 : memref<16x128xf32, #tpu.memory_space<hbm>>) target(%dma_start3A_46 : memref<16x128xf32, #tpu.memory_space<vmem_shared>>) target_semaphore(%run_scoped3A_43 : memref<!tpu.dma_semaphore, #tpu.memory_space<semaphore_mem>>)
        %dma_wait3A_50 = arith.constant 9984 : i32
        %dma_wait3A_51 = arith.constant 0 : i32
        %dma_wait3A_52 = tpu.memref_slice %arg9[%dma_wait3A_50, %dma_wait3A_51] : memref<10000x128xf32, #tpu.memory_space<vmem_shared>> -> memref<16x128xf32, #tpu.memory_space<vmem_shared>>
        %dma_wait3A_53 = arith.constant 9984 : i32
        %dma_wait3A_54 = arith.constant 0 : i32
        %dma_wait3A_55 = tpu.memref_slice %arg4[%dma_wait3A_53, %dma_wait3A_54] : memref<10000x128xf32, #tpu.memory_space<hbm>> -> memref<16x128xf32, #tpu.memory_space<hbm>>
        tpu.wait_dma2 semaphore(%run_scoped3A_43 : memref<!tpu.dma_semaphore, #tpu.memory_space<semaphore_mem>>) src(%dma_wait3A_55 : memref<16x128xf32, #tpu.memory_space<hbm>>) dst(%dma_wait3A_52 : memref<16x128xf32, #tpu.memory_space<vmem_shared>>)
        tpu.yield
      }) : () -> ()
    } else {
    }
    "tpu.region"() ({
      %run_scoped3A_43 = tpu.sem_alloc : memref<!tpu.dma_semaphore, #tpu.memory_space<semaphore_mem>>
      %dma_start3A_44 = arith.constant 0 : i32
      %dma_start3A_45 = arith.constant 0 : i32
      %dma_start3A_46 = tpu.memref_slice %arg2[%add3A, %dma_start3A_44, %dma_start3A_45] : memref<32x250x40xi32, #tpu.memory_space<hbm>> -> memref<1x250x40xi32, #tpu.memory_space<hbm>>
      %dma_start3A_47 = tpu.memref_squeeze %dma_start3A_46 : memref<1x250x40xi32, #tpu.memory_space<hbm>> -> memref<250x40xi32, #tpu.memory_space<hbm>>
      %dma_start3A_48 = arith.constant 0 : i32
      %dma_start3A_49 = arith.constant 0 : i32
      %dma_start3A_50 = tpu.memref_slice %arg2[%add3A, %dma_start3A_48, %dma_start3A_49] : memref<32x250x40xi32, #tpu.memory_space<hbm>> -> memref<1x250x40xi32, #tpu.memory_space<hbm>>
      %dma_start3A_51 = tpu.memref_squeeze %dma_start3A_50 : memref<1x250x40xi32, #tpu.memory_space<hbm>> -> memref<250x40xi32, #tpu.memory_space<hbm>>
      tpu.enqueue_dma source(%dma_start3A_51 : memref<250x40xi32, #tpu.memory_space<hbm>>) target(%arg6 : memref<250x40xi32, #tpu.memory_space<vmem>>) target_semaphore(%run_scoped3A_43 : memref<!tpu.dma_semaphore, #tpu.memory_space<semaphore_mem>>)
      %dma_wait3A_52 = arith.constant 0 : i32
      %dma_wait3A_53 = arith.constant 0 : i32
      %dma_wait3A_54 = tpu.memref_slice %arg2[%add3A, %dma_wait3A_52, %dma_wait3A_53] : memref<32x250x40xi32, #tpu.memory_space<hbm>> -> memref<1x250x40xi32, #tpu.memory_space<hbm>>
      %dma_wait3A_55 = tpu.memref_squeeze %dma_wait3A_54 : memref<1x250x40xi32, #tpu.memory_space<hbm>> -> memref<250x40xi32, #tpu.memory_space<hbm>>
      %dma_wait3A_56 = arith.constant 0 : i32
      %dma_wait3A_57 = arith.constant 0 : i32
      %dma_wait3A_58 = tpu.memref_slice %arg2[%add3A, %dma_wait3A_56, %dma_wait3A_57] : memref<32x250x40xi32, #tpu.memory_space<hbm>> -> memref<1x250x40xi32, #tpu.memory_space<hbm>>
      %dma_wait3A_59 = tpu.memref_squeeze %dma_wait3A_58 : memref<1x250x40xi32, #tpu.memory_space<hbm>> -> memref<250x40xi32, #tpu.memory_space<hbm>>
      tpu.wait_dma2 semaphore(%run_scoped3A_43 : memref<!tpu.dma_semaphore, #tpu.memory_space<semaphore_mem>>) src(%dma_wait3A_59 : memref<250x40xi32, #tpu.memory_space<hbm>>) dst(%arg6 : memref<250x40xi32, #tpu.memory_space<vmem>>)
      tpu.yield
    }) : () -> ()
    %barrier3A = arith.constant 0 : index
    tpu.barrier barrier_id(%barrier3A)
    %add3A_9 = arith.constant 0 : i32
    %add3A_10 = arith.addi %mul3A_2, %add3A_9 : i32
    %dma_start3A = arith.constant 0 : i32
    %dma_start3A_11 = tpu.memref_slice %arg3[%add3A_10, %dma_start3A] : memref<128000x128xf32, #tpu.memory_space<hbm>> -> memref<40x128xf32, #tpu.memory_space<hbm>>
    %dma_start3A_12 = arith.constant 0 : i32
    %dma_start3A_13 = tpu.memref_slice %arg3[%add3A_10, %dma_start3A_12] : memref<128000x128xf32, #tpu.memory_space<hbm>> -> memref<40x128xf32, #tpu.memory_space<hbm>>
    tpu.enqueue_dma source(%dma_start3A_13 : memref<40x128xf32, #tpu.memory_space<hbm>>) target(%arg7 : memref<40x128xf32, #tpu.memory_space<vmem>>) target_semaphore(%arg10 : memref<!tpu.dma_semaphore, #tpu.memory_space<semaphore_mem>>)
    %scan3A = arith.constant 0 : i32
    %scan3A_14 = arith.constant 0 : i32
    %scan3A_15 = arith.constant 49 : i32
    %scan3A_16 = arith.addi %scan3A_14, %scan3A_15 : i32
    %scan3A_17 = arith.constant 1 : i32
    scf.for %scan3A_43 = %scan3A_14 to %scan3A_16 step %scan3A_17  : i32 {
      %mul3A_44 = arith.constant 2 : i32
      %mul3A_45 = arith.muli %mul3A_44, %scan3A_43 : i32
      %add3A_46 = arith.constant 1 : i32
      %add3A_47 = arith.addi %mul3A_45, %add3A_46 : i32
      %mul3A_48 = arith.constant 40 : i32
      %mul3A_49 = arith.muli %add3A_47, %mul3A_48 : i32
      %add3A_50 = arith.addi %mul3A_2, %mul3A_49 : i32
      %dma_start3A_51 = arith.constant 0 : i32
      %dma_start3A_52 = tpu.memref_slice %arg3[%add3A_50, %dma_start3A_51] : memref<128000x128xf32, #tpu.memory_space<hbm>> -> memref<40x128xf32, #tpu.memory_space<hbm>>
      %dma_start3A_53 = arith.constant 0 : i32
      %dma_start3A_54 = tpu.memref_slice %arg3[%add3A_50, %dma_start3A_53] : memref<128000x128xf32, #tpu.memory_space<hbm>> -> memref<40x128xf32, #tpu.memory_space<hbm>>
      tpu.enqueue_dma source(%dma_start3A_54 : memref<40x128xf32, #tpu.memory_space<hbm>>) target(%arg8 : memref<40x128xf32, #tpu.memory_space<vmem>>) target_semaphore(%arg11 : memref<!tpu.dma_semaphore, #tpu.memory_space<semaphore_mem>>)
      %dma_wait3A_55 = arith.constant 0 : i32
      %dma_wait3A_56 = tpu.memref_slice %arg3[%mul3A_2, %dma_wait3A_55] : memref<128000x128xf32, #tpu.memory_space<hbm>> -> memref<40x128xf32, #tpu.memory_space<hbm>>
      %dma_wait3A_57 = arith.constant 0 : i32
      %dma_wait3A_58 = tpu.memref_slice %arg3[%mul3A_2, %dma_wait3A_57] : memref<128000x128xf32, #tpu.memory_space<hbm>> -> memref<40x128xf32, #tpu.memory_space<hbm>>
      tpu.wait_dma2 semaphore(%arg10 : memref<!tpu.dma_semaphore, #tpu.memory_space<semaphore_mem>>) src(%dma_wait3A_58 : memref<40x128xf32, #tpu.memory_space<hbm>>) dst(%arg7 : memref<40x128xf32, #tpu.memory_space<vmem>>)
      %add3A_59 = arith.constant 0 : i32
      %add3A_60 = arith.addi %add3A_59, %mul3A_45 : i32
      "tpu.region"() ({
        %run_scoped3A_78 = tpu.sem_alloc : memref<!tpu.dma_semaphore, #tpu.memory_space<semaphore_mem>>
        %dma_start3A_79 = arith.constant 0 : i32
        %dma_start3A_80 = tpu.memref_slice %arg6[%add3A_60, %dma_start3A_79] : memref<250x40xi32, #tpu.memory_space<vmem>> -> memref<1x40xi32, #tpu.memory_space<vmem>>
        %dma_start3A_81 = tpu.memref_squeeze %dma_start3A_80 : memref<1x40xi32, #tpu.memory_space<vmem>> -> memref<40xi32, #tpu.memory_space<vmem>>
        %dma_start3A_82 = arith.constant 0 : i32
        %dma_start3A_83 = arith.constant 0 : i32
        %dma_start3A_84 = tpu.memref_slice %arg9[%dma_start3A_82, %dma_start3A_83] : memref<10000x128xf32, #tpu.memory_space<vmem_shared>> -> memref<10000x128xf32, #tpu.memory_space<vmem_shared>>
        tpu.enqueue_indirect_dma source(%arg7 : memref<40x128xf32, #tpu.memory_space<vmem>>) target(%dma_start3A_84 : memref<10000x128xf32, #tpu.memory_space<vmem_shared>>) offsets(%dma_start3A_81 : memref<40xi32, #tpu.memory_space<vmem>>) semaphore(%run_scoped3A_78 : memref<!tpu.dma_semaphore, #tpu.memory_space<semaphore_mem>>) {add = true}
        %dma_wait3A_85 = arith.constant 0 : i32
        %dma_wait3A_86 = tpu.memref_slice %arg6[%add3A_60, %dma_wait3A_85] : memref<250x40xi32, #tpu.memory_space<vmem>> -> memref<1x40xi32, #tpu.memory_space<vmem>>
        %dma_wait3A_87 = tpu.memref_squeeze %dma_wait3A_86 : memref<1x40xi32, #tpu.memory_space<vmem>> -> memref<40xi32, #tpu.memory_space<vmem>>
        %dma_wait3A_88 = arith.constant 0 : i32
        %dma_wait3A_89 = arith.constant 0 : i32
        %dma_wait3A_90 = tpu.memref_slice %arg9[%dma_wait3A_88, %dma_wait3A_89] : memref<10000x128xf32, #tpu.memory_space<vmem_shared>> -> memref<10000x128xf32, #tpu.memory_space<vmem_shared>>
        tpu.wait_indirect_dma semaphore(%run_scoped3A_78 : memref<!tpu.dma_semaphore, #tpu.memory_space<semaphore_mem>>) src(%arg7 : memref<40x128xf32, #tpu.memory_space<vmem>>) dst(%dma_wait3A_90 : memref<10000x128xf32, #tpu.memory_space<vmem_shared>>)
        tpu.yield
      }) : () -> ()
      %add3A_61 = arith.constant 2 : i32
      %add3A_62 = arith.addi %mul3A_45, %add3A_61 : i32
      %mul3A_63 = arith.constant 40 : i32
      %mul3A_64 = arith.muli %add3A_62, %mul3A_63 : i32
      %add3A_65 = arith.addi %mul3A_2, %mul3A_64 : i32
      %dma_start3A_66 = arith.constant 0 : i32
      %dma_start3A_67 = tpu.memref_slice %arg3[%add3A_65, %dma_start3A_66] : memref<128000x128xf32, #tpu.memory_space<hbm>> -> memref<40x128xf32, #tpu.memory_space<hbm>>
      %dma_start3A_68 = arith.constant 0 : i32
      %dma_start3A_69 = tpu.memref_slice %arg3[%add3A_65, %dma_start3A_68] : memref<128000x128xf32, #tpu.memory_space<hbm>> -> memref<40x128xf32, #tpu.memory_space<hbm>>
      tpu.enqueue_dma source(%dma_start3A_69 : memref<40x128xf32, #tpu.memory_space<hbm>>) target(%arg7 : memref<40x128xf32, #tpu.memory_space<vmem>>) target_semaphore(%arg10 : memref<!tpu.dma_semaphore, #tpu.memory_space<semaphore_mem>>)
      %dma_wait3A_70 = arith.constant 0 : i32
      %dma_wait3A_71 = tpu.memref_slice %arg3[%mul3A_2, %dma_wait3A_70] : memref<128000x128xf32, #tpu.memory_space<hbm>> -> memref<40x128xf32, #tpu.memory_space<hbm>>
      %dma_wait3A_72 = arith.constant 0 : i32
      %dma_wait3A_73 = tpu.memref_slice %arg3[%mul3A_2, %dma_wait3A_72] : memref<128000x128xf32, #tpu.memory_space<hbm>> -> memref<40x128xf32, #tpu.memory_space<hbm>>
      tpu.wait_dma2 semaphore(%arg11 : memref<!tpu.dma_semaphore, #tpu.memory_space<semaphore_mem>>) src(%dma_wait3A_73 : memref<40x128xf32, #tpu.memory_space<hbm>>) dst(%arg8 : memref<40x128xf32, #tpu.memory_space<vmem>>)
      %add3A_74 = arith.constant 0 : i32
      %add3A_75 = arith.addi %add3A_74, %mul3A_45 : i32
      %add3A_76 = arith.constant 1 : i32
      %add3A_77 = arith.addi %add3A_75, %add3A_76 : i32
      "tpu.region"() ({
        %run_scoped3A_78 = tpu.sem_alloc : memref<!tpu.dma_semaphore, #tpu.memory_space<semaphore_mem>>
        %dma_start3A_79 = arith.constant 0 : i32
        %dma_start3A_80 = tpu.memref_slice %arg6[%add3A_77, %dma_start3A_79] : memref<250x40xi32, #tpu.memory_space<vmem>> -> memref<1x40xi32, #tpu.memory_space<vmem>>
        %dma_start3A_81 = tpu.memref_squeeze %dma_start3A_80 : memref<1x40xi32, #tpu.memory_space<vmem>> -> memref<40xi32, #tpu.memory_space<vmem>>
        %dma_start3A_82 = arith.constant 0 : i32
        %dma_start3A_83 = arith.constant 0 : i32
        %dma_start3A_84 = tpu.memref_slice %arg9[%dma_start3A_82, %dma_start3A_83] : memref<10000x128xf32, #tpu.memory_space<vmem_shared>> -> memref<10000x128xf32, #tpu.memory_space<vmem_shared>>
        tpu.enqueue_indirect_dma source(%arg8 : memref<40x128xf32, #tpu.memory_space<vmem>>) target(%dma_start3A_84 : memref<10000x128xf32, #tpu.memory_space<vmem_shared>>) offsets(%dma_start3A_81 : memref<40xi32, #tpu.memory_space<vmem>>) semaphore(%run_scoped3A_78 : memref<!tpu.dma_semaphore, #tpu.memory_space<semaphore_mem>>) {add = true}
        %dma_wait3A_85 = arith.constant 0 : i32
        %dma_wait3A_86 = tpu.memref_slice %arg6[%add3A_77, %dma_wait3A_85] : memref<250x40xi32, #tpu.memory_space<vmem>> -> memref<1x40xi32, #tpu.memory_space<vmem>>
        %dma_wait3A_87 = tpu.memref_squeeze %dma_wait3A_86 : memref<1x40xi32, #tpu.memory_space<vmem>> -> memref<40xi32, #tpu.memory_space<vmem>>
        %dma_wait3A_88 = arith.constant 0 : i32
        %dma_wait3A_89 = arith.constant 0 : i32
        %dma_wait3A_90 = tpu.memref_slice %arg9[%dma_wait3A_88, %dma_wait3A_89] : memref<10000x128xf32, #tpu.memory_space<vmem_shared>> -> memref<10000x128xf32, #tpu.memory_space<vmem_shared>>
        tpu.wait_indirect_dma semaphore(%run_scoped3A_78 : memref<!tpu.dma_semaphore, #tpu.memory_space<semaphore_mem>>) src(%arg8 : memref<40x128xf32, #tpu.memory_space<vmem>>) dst(%dma_wait3A_90 : memref<10000x128xf32, #tpu.memory_space<vmem_shared>>)
        tpu.yield
      }) : () -> ()
    }
    %scan3A_18 = arith.constant 49 : i32
    %add3A_19 = arith.constant 3960 : i32
    %add3A_20 = arith.addi %mul3A_2, %add3A_19 : i32
    %dma_start3A_21 = arith.constant 0 : i32
    %dma_start3A_22 = tpu.memref_slice %arg3[%add3A_20, %dma_start3A_21] : memref<128000x128xf32, #tpu.memory_space<hbm>> -> memref<40x128xf32, #tpu.memory_space<hbm>>
    %dma_start3A_23 = arith.constant 0 : i32
    %dma_start3A_24 = tpu.memref_slice %arg3[%add3A_20, %dma_start3A_23] : memref<128000x128xf32, #tpu.memory_space<hbm>> -> memref<40x128xf32, #tpu.memory_space<hbm>>
    tpu.enqueue_dma source(%dma_start3A_24 : memref<40x128xf32, #tpu.memory_space<hbm>>) target(%arg8 : memref<40x128xf32, #tpu.memory_space<vmem>>) target_semaphore(%arg11 : memref<!tpu.dma_semaphore, #tpu.memory_space<semaphore_mem>>)
    %dma_wait3A = arith.constant 0 : i32
    %dma_wait3A_25 = tpu.memref_slice %arg3[%mul3A_2, %dma_wait3A] : memref<128000x128xf32, #tpu.memory_space<hbm>> -> memref<40x128xf32, #tpu.memory_space<hbm>>
    %dma_wait3A_26 = arith.constant 0 : i32
    %dma_wait3A_27 = tpu.memref_slice %arg3[%mul3A_2, %dma_wait3A_26] : memref<128000x128xf32, #tpu.memory_space<hbm>> -> memref<40x128xf32, #tpu.memory_space<hbm>>
    tpu.wait_dma2 semaphore(%arg10 : memref<!tpu.dma_semaphore, #tpu.memory_space<semaphore_mem>>) src(%dma_wait3A_27 : memref<40x128xf32, #tpu.memory_space<hbm>>) dst(%arg7 : memref<40x128xf32, #tpu.memory_space<vmem>>)
    %run_scoped3A = arith.constant 98 : i32
    "tpu.region"() ({
      %run_scoped3A_43 = tpu.sem_alloc : memref<!tpu.dma_semaphore, #tpu.memory_space<semaphore_mem>>
      %dma_start3A_44 = arith.constant 0 : i32
      %dma_start3A_45 = tpu.memref_slice %arg6[%run_scoped3A, %dma_start3A_44] : memref<250x40xi32, #tpu.memory_space<vmem>> -> memref<1x40xi32, #tpu.memory_space<vmem>>
      %dma_start3A_46 = tpu.memref_squeeze %dma_start3A_45 : memref<1x40xi32, #tpu.memory_space<vmem>> -> memref<40xi32, #tpu.memory_space<vmem>>
      %dma_start3A_47 = arith.constant 0 : i32
      %dma_start3A_48 = arith.constant 0 : i32
      %dma_start3A_49 = tpu.memref_slice %arg9[%dma_start3A_47, %dma_start3A_48] : memref<10000x128xf32, #tpu.memory_space<vmem_shared>> -> memref<10000x128xf32, #tpu.memory_space<vmem_shared>>
      tpu.enqueue_indirect_dma source(%arg7 : memref<40x128xf32, #tpu.memory_space<vmem>>) target(%dma_start3A_49 : memref<10000x128xf32, #tpu.memory_space<vmem_shared>>) offsets(%dma_start3A_46 : memref<40xi32, #tpu.memory_space<vmem>>) semaphore(%run_scoped3A_43 : memref<!tpu.dma_semaphore, #tpu.memory_space<semaphore_mem>>) {add = true}
      %dma_wait3A_50 = arith.constant 0 : i32
      %dma_wait3A_51 = tpu.memref_slice %arg6[%run_scoped3A, %dma_wait3A_50] : memref<250x40xi32, #tpu.memory_space<vmem>> -> memref<1x40xi32, #tpu.memory_space<vmem>>
      %dma_wait3A_52 = tpu.memref_squeeze %dma_wait3A_51 : memref<1x40xi32, #tpu.memory_space<vmem>> -> memref<40xi32, #tpu.memory_space<vmem>>
      %dma_wait3A_53 = arith.constant 0 : i32
      %dma_wait3A_54 = arith.constant 0 : i32
      %dma_wait3A_55 = tpu.memref_slice %arg9[%dma_wait3A_53, %dma_wait3A_54] : memref<10000x128xf32, #tpu.memory_space<vmem_shared>> -> memref<10000x128xf32, #tpu.memory_space<vmem_shared>>
      tpu.wait_indirect_dma semaphore(%run_scoped3A_43 : memref<!tpu.dma_semaphore, #tpu.memory_space<semaphore_mem>>) src(%arg7 : memref<40x128xf32, #tpu.memory_space<vmem>>) dst(%dma_wait3A_55 : memref<10000x128xf32, #tpu.memory_space<vmem_shared>>)
      tpu.yield
    }) : () -> ()
    %dma_wait3A_28 = arith.constant 0 : i32
    %dma_wait3A_29 = tpu.memref_slice %arg3[%mul3A_2, %dma_wait3A_28] : memref<128000x128xf32, #tpu.memory_space<hbm>> -> memref<40x128xf32, #tpu.memory_space<hbm>>
    %dma_wait3A_30 = arith.constant 0 : i32
    %dma_wait3A_31 = tpu.memref_slice %arg3[%mul3A_2, %dma_wait3A_30] : memref<128000x128xf32, #tpu.memory_space<hbm>> -> memref<40x128xf32, #tpu.memory_space<hbm>>
    tpu.wait_dma2 semaphore(%arg11 : memref<!tpu.dma_semaphore, #tpu.memory_space<semaphore_mem>>) src(%dma_wait3A_31 : memref<40x128xf32, #tpu.memory_space<hbm>>) dst(%arg8 : memref<40x128xf32, #tpu.memory_space<vmem>>)
    %run_scoped3A_32 = arith.constant 99 : i32
    "tpu.region"() ({
      %run_scoped3A_43 = tpu.sem_alloc : memref<!tpu.dma_semaphore, #tpu.memory_space<semaphore_mem>>
      %dma_start3A_44 = arith.constant 0 : i32
      %dma_start3A_45 = tpu.memref_slice %arg6[%run_scoped3A_32, %dma_start3A_44] : memref<250x40xi32, #tpu.memory_space<vmem>> -> memref<1x40xi32, #tpu.memory_space<vmem>>
      %dma_start3A_46 = tpu.memref_squeeze %dma_start3A_45 : memref<1x40xi32, #tpu.memory_space<vmem>> -> memref<40xi32, #tpu.memory_space<vmem>>
      %dma_start3A_47 = arith.constant 0 : i32
      %dma_start3A_48 = arith.constant 0 : i32
      %dma_start3A_49 = tpu.memref_slice %arg9[%dma_start3A_47, %dma_start3A_48] : memref<10000x128xf32, #tpu.memory_space<vmem_shared>> -> memref<10000x128xf32, #tpu.memory_space<vmem_shared>>
      tpu.enqueue_indirect_dma source(%arg8 : memref<40x128xf32, #tpu.memory_space<vmem>>) target(%dma_start3A_49 : memref<10000x128xf32, #tpu.memory_space<vmem_shared>>) offsets(%dma_start3A_46 : memref<40xi32, #tpu.memory_space<vmem>>) semaphore(%run_scoped3A_43 : memref<!tpu.dma_semaphore, #tpu.memory_space<semaphore_mem>>) {add = true}
      %dma_wait3A_50 = arith.constant 0 : i32
      %dma_wait3A_51 = tpu.memref_slice %arg6[%run_scoped3A_32, %dma_wait3A_50] : memref<250x40xi32, #tpu.memory_space<vmem>> -> memref<1x40xi32, #tpu.memory_space<vmem>>
      %dma_wait3A_52 = tpu.memref_squeeze %dma_wait3A_51 : memref<1x40xi32, #tpu.memory_space<vmem>> -> memref<40xi32, #tpu.memory_space<vmem>>
      %dma_wait3A_53 = arith.constant 0 : i32
      %dma_wait3A_54 = arith.constant 0 : i32
      %dma_wait3A_55 = tpu.memref_slice %arg9[%dma_wait3A_53, %dma_wait3A_54] : memref<10000x128xf32, #tpu.memory_space<vmem_shared>> -> memref<10000x128xf32, #tpu.memory_space<vmem_shared>>
      tpu.wait_indirect_dma semaphore(%run_scoped3A_43 : memref<!tpu.dma_semaphore, #tpu.memory_space<semaphore_mem>>) src(%arg8 : memref<40x128xf32, #tpu.memory_space<vmem>>) dst(%dma_wait3A_55 : memref<10000x128xf32, #tpu.memory_space<vmem_shared>>)
      tpu.yield
    }) : () -> ()
    %barrier3A_33 = arith.constant 0 : index
    tpu.barrier barrier_id(%barrier3A_33)
    %mul3A_34 = arith.constant 624 : i32
    %mul3A_35 = arith.muli %arg1, %mul3A_34 : i32
    %mul3A_36 = arith.constant 624 : i32
    %mul3A_37 = arith.muli %arg1, %mul3A_36 : i32
    "tpu.region"() ({
      %run_scoped3A_43 = tpu.sem_alloc : memref<!tpu.dma_semaphore, #tpu.memory_space<semaphore_mem>>
      %dma_start3A_44 = arith.constant 0 : i32
      %dma_start3A_45 = tpu.memref_slice %arg5[%arg0, %mul3A_37, %dma_start3A_44] : memref<2x10000x128xf32, #tpu.memory_space<hbm>> -> memref<1x624x128xf32, #tpu.memory_space<hbm>>
      %dma_start3A_46 = tpu.memref_squeeze %dma_start3A_45 : memref<1x624x128xf32, #tpu.memory_space<hbm>> -> memref<624x128xf32, #tpu.memory_space<hbm>>
      %dma_start3A_47 = arith.constant 0 : i32
      %dma_start3A_48 = tpu.memref_slice %arg9[%mul3A_35, %dma_start3A_47] : memref<10000x128xf32, #tpu.memory_space<vmem_shared>> -> memref<624x128xf32, #tpu.memory_space<vmem_shared>>
      tpu.enqueue_dma source(%dma_start3A_48 : memref<624x128xf32, #tpu.memory_space<vmem_shared>>) target(%dma_start3A_46 : memref<624x128xf32, #tpu.memory_space<hbm>>) target_semaphore(%run_scoped3A_43 : memref<!tpu.dma_semaphore, #tpu.memory_space<semaphore_mem>>)
      %dma_wait3A_49 = arith.constant 0 : i32
      %dma_wait3A_50 = tpu.memref_slice %arg5[%arg0, %mul3A_37, %dma_wait3A_49] : memref<2x10000x128xf32, #tpu.memory_space<hbm>> -> memref<1x624x128xf32, #tpu.memory_space<hbm>>
      %dma_wait3A_51 = tpu.memref_squeeze %dma_wait3A_50 : memref<1x624x128xf32, #tpu.memory_space<hbm>> -> memref<624x128xf32, #tpu.memory_space<hbm>>
      %dma_wait3A_52 = arith.constant 0 : i32
      %dma_wait3A_53 = tpu.memref_slice %arg9[%mul3A_35, %dma_wait3A_52] : memref<10000x128xf32, #tpu.memory_space<vmem_shared>> -> memref<624x128xf32, #tpu.memory_space<vmem_shared>>
      tpu.wait_dma2 semaphore(%run_scoped3A_43 : memref<!tpu.dma_semaphore, #tpu.memory_space<semaphore_mem>>) src(%dma_wait3A_53 : memref<624x128xf32, #tpu.memory_space<vmem_shared>>) dst(%dma_wait3A_51 : memref<624x128xf32, #tpu.memory_space<hbm>>)
      tpu.yield
    }) : () -> ()
    %eq3A_38 = arith.constant 0 : i32
    %eq3A_39 = arith.cmpi eq, %arg1, %eq3A_38 : i32
    %convert_element_type3A_40 = arith.extui %eq3A_39 : i1 to i32
    %cond3A_41 = arith.constant 0 : i32
    %cond3A_42 = arith.cmpi ne, %convert_element_type3A_40, %cond3A_41 : i32
    scf.if %cond3A_42 {
      "tpu.region"() ({
        %run_scoped3A_43 = tpu.sem_alloc : memref<!tpu.dma_semaphore, #tpu.memory_space<semaphore_mem>>
        %dma_start3A_44 = arith.constant 9984 : i32
        %dma_start3A_45 = arith.constant 0 : i32
        %dma_start3A_46 = tpu.memref_slice %arg5[%arg0, %dma_start3A_44, %dma_start3A_45] : memref<2x10000x128xf32, #tpu.memory_space<hbm>> -> memref<1x16x128xf32, #tpu.memory_space<hbm>>
        %dma_start3A_47 = tpu.memref_squeeze %dma_start3A_46 : memref<1x16x128xf32, #tpu.memory_space<hbm>> -> memref<16x128xf32, #tpu.memory_space<hbm>>
        %dma_start3A_48 = arith.constant 9984 : i32
        %dma_start3A_49 = arith.constant 0 : i32
        %dma_start3A_50 = tpu.memref_slice %arg9[%dma_start3A_48, %dma_start3A_49] : memref<10000x128xf32, #tpu.memory_space<vmem_shared>> -> memref<16x128xf32, #tpu.memory_space<vmem_shared>>
        tpu.enqueue_dma source(%dma_start3A_50 : memref<16x128xf32, #tpu.memory_space<vmem_shared>>) target(%dma_start3A_47 : memref<16x128xf32, #tpu.memory_space<hbm>>) target_semaphore(%run_scoped3A_43 : memref<!tpu.dma_semaphore, #tpu.memory_space<semaphore_mem>>)
        %dma_wait3A_51 = arith.constant 9984 : i32
        %dma_wait3A_52 = arith.constant 0 : i32
        %dma_wait3A_53 = tpu.memref_slice %arg5[%arg0, %dma_wait3A_51, %dma_wait3A_52] : memref<2x10000x128xf32, #tpu.memory_space<hbm>> -> memref<1x16x128xf32, #tpu.memory_space<hbm>>
        %dma_wait3A_54 = tpu.memref_squeeze %dma_wait3A_53 : memref<1x16x128xf32, #tpu.memory_space<hbm>> -> memref<16x128xf32, #tpu.memory_space<hbm>>
        %dma_wait3A_55 = arith.constant 9984 : i32
        %dma_wait3A_56 = arith.constant 0 : i32
        %dma_wait3A_57 = tpu.memref_slice %arg9[%dma_wait3A_55, %dma_wait3A_56] : memref<10000x128xf32, #tpu.memory_space<vmem_shared>> -> memref<16x128xf32, #tpu.memory_space<vmem_shared>>
        tpu.wait_dma2 semaphore(%run_scoped3A_43 : memref<!tpu.dma_semaphore, #tpu.memory_space<semaphore_mem>>) src(%dma_wait3A_57 : memref<16x128xf32, #tpu.memory_space<vmem_shared>>) dst(%dma_wait3A_54 : memref<16x128xf32, #tpu.memory_space<hbm>>)
        tpu.yield
      }) : () -> ()
    } else {
    }
    return
  }
}

#map = affine_map<(d0, d1) -> (0, 0, 0)>
#map1 = affine_map<(d0, d1) -> (0, 0)>
module attributes {stable_mosaic.version = 14 : i64} {
  func.func @k(%arg0: i32, %arg1: i32, %arg2: memref<32x250x40xi32, #tpu.memory_space<hbm>>, %arg3: memref<64000x128xf32, #tpu.memory_space<hbm>>, %arg4: memref<10000x128xf32, #tpu.memory_space<hbm>>, %arg5: memref<2x10000x128xf32, #tpu.memory_space<hbm>>, %arg6: memref<250x40xi32, #tpu.memory_space<vmem>>, %arg7: memref<40x128xf32, #tpu.memory_space<vmem>>, %arg8: memref<40x128xf32, #tpu.memory_space<vmem>>, %arg9: memref<10000x128xf32, #tpu.memory_space<vmem_shared>>, %arg10: memref<!tpu.dma_semaphore, #tpu.memory_space<semaphore_mem>>, %arg11: memref<!tpu.dma_semaphore, #tpu.memory_space<semaphore_mem>>) attributes {dimension_semantics = [#tpu.dimension_semantics<core_parallel>, #tpu.dimension_semantics<subcore_parallel>], iteration_bounds = array<i64: 2, 16>, scalar_prefetch = 0 : i64, scratch_operands = 6 : i64, tpu.core_type = #tpu.core_type<sc_vector_subcore>, window_params = [{transform_indices = #map}, {transform_indices = #map1}, {transform_indices = #map1}, {transform_indices = #map}]} {
    %mul3A = arith.constant 16 : i32
    %mul3A_0 = arith.muli %arg0, %mul3A : i32
    %add3A = arith.addi %mul3A_0, %arg1 : i32
    %mul3A_1 = arith.constant 2000 : i32
    %mul3A_2 = arith.muli %add3A, %mul3A_1 : i32
    %mul3A_3 = arith.constant 624 : i32
    %mul3A_4 = arith.muli %arg1, %mul3A_3 : i32
    %mul3A_5 = arith.constant 624 : i32
    %mul3A_6 = arith.muli %arg1, %mul3A_5 : i32
    "tpu.region"() ({
      %run_scoped3A_43 = tpu.sem_alloc : memref<!tpu.dma_semaphore, #tpu.memory_space<semaphore_mem>>
      %dma_start3A_44 = arith.constant 0 : i32
      %dma_start3A_45 = tpu.memref_slice %arg9[%mul3A_6, %dma_start3A_44] : memref<10000x128xf32, #tpu.memory_space<vmem_shared>> -> memref<624x128xf32, #tpu.memory_space<vmem_shared>>
      %dma_start3A_46 = arith.constant 0 : i32
      %dma_start3A_47 = tpu.memref_slice %arg4[%mul3A_4, %dma_start3A_46] : memref<10000x128xf32, #tpu.memory_space<hbm>> -> memref<624x128xf32, #tpu.memory_space<hbm>>
      tpu.enqueue_dma source(%dma_start3A_47 : memref<624x128xf32, #tpu.memory_space<hbm>>) target(%dma_start3A_45 : memref<624x128xf32, #tpu.memory_space<vmem_shared>>) target_semaphore(%run_scoped3A_43 : memref<!tpu.dma_semaphore, #tpu.memory_space<semaphore_mem>>)
      %dma_wait3A_48 = arith.constant 0 : i32
      %dma_wait3A_49 = tpu.memref_slice %arg9[%mul3A_6, %dma_wait3A_48] : memref<10000x128xf32, #tpu.memory_space<vmem_shared>> -> memref<624x128xf32, #tpu.memory_space<vmem_shared>>
      %dma_wait3A_50 = arith.constant 0 : i32
      %dma_wait3A_51 = tpu.memref_slice %arg4[%mul3A_4, %dma_wait3A_50] : memref<10000x128xf32, #tpu.memory_space<hbm>> -> memref<624x128xf32, #tpu.memory_space<hbm>>
      tpu.wait_dma2 semaphore(%run_scoped3A_43 : memref<!tpu.dma_semaphore, #tpu.memory_space<semaphore_mem>>) src(%dma_wait3A_51 : memref<624x128xf32, #tpu.memory_space<hbm>>) dst(%dma_wait3A_49 : memref<624x128xf32, #tpu.memory_space<vmem_shared>>)
      tpu.yield
    }) : () -> ()
    %eq3A = arith.constant 0 : i32
    %eq3A_7 = arith.cmpi eq, %arg1, %eq3A : i32
    %convert_element_type3A = arith.extui %eq3A_7 : i1 to i32
    %cond3A = arith.constant 0 : i32
    %cond3A_8 = arith.cmpi ne, %convert_element_type3A, %cond3A : i32
    scf.if %cond3A_8 {
      "tpu.region"() ({
        %run_scoped3A_43 = tpu.sem_alloc : memref<!tpu.dma_semaphore, #tpu.memory_space<semaphore_mem>>
        %dma_start3A_44 = arith.constant 9984 : i32
        %dma_start3A_45 = arith.constant 0 : i32
        %dma_start3A_46 = tpu.memref_slice %arg9[%dma_start3A_44, %dma_start3A_45] : memref<10000x128xf32, #tpu.memory_space<vmem_shared>> -> memref<16x128xf32, #tpu.memory_space<vmem_shared>>
        %dma_start3A_47 = arith.constant 9984 : i32
        %dma_start3A_48 = arith.constant 0 : i32
        %dma_start3A_49 = tpu.memref_slice %arg4[%dma_start3A_47, %dma_start3A_48] : memref<10000x128xf32, #tpu.memory_space<hbm>> -> memref<16x128xf32, #tpu.memory_space<hbm>>
        tpu.enqueue_dma source(%dma_start3A_49 : memref<16x128xf32, #tpu.memory_space<hbm>>) target(%dma_start3A_46 : memref<16x128xf32, #tpu.memory_space<vmem_shared>>) target_semaphore(%run_scoped3A_43 : memref<!tpu.dma_semaphore, #tpu.memory_space<semaphore_mem>>)
        %dma_wait3A_50 = arith.constant 9984 : i32
        %dma_wait3A_51 = arith.constant 0 : i32
        %dma_wait3A_52 = tpu.memref_slice %arg9[%dma_wait3A_50, %dma_wait3A_51] : memref<10000x128xf32, #tpu.memory_space<vmem_shared>> -> memref<16x128xf32, #tpu.memory_space<vmem_shared>>
        %dma_wait3A_53 = arith.constant 9984 : i32
        %dma_wait3A_54 = arith.constant 0 : i32
        %dma_wait3A_55 = tpu.memref_slice %arg4[%dma_wait3A_53, %dma_wait3A_54] : memref<10000x128xf32, #tpu.memory_space<hbm>> -> memref<16x128xf32, #tpu.memory_space<hbm>>
        tpu.wait_dma2 semaphore(%run_scoped3A_43 : memref<!tpu.dma_semaphore, #tpu.memory_space<semaphore_mem>>) src(%dma_wait3A_55 : memref<16x128xf32, #tpu.memory_space<hbm>>) dst(%dma_wait3A_52 : memref<16x128xf32, #tpu.memory_space<vmem_shared>>)
        tpu.yield
      }) : () -> ()
    } else {
    }
    "tpu.region"() ({
      %run_scoped3A_43 = tpu.sem_alloc : memref<!tpu.dma_semaphore, #tpu.memory_space<semaphore_mem>>
      %dma_start3A_44 = arith.constant 0 : i32
      %dma_start3A_45 = arith.constant 0 : i32
      %dma_start3A_46 = tpu.memref_slice %arg2[%add3A, %dma_start3A_44, %dma_start3A_45] : memref<32x250x40xi32, #tpu.memory_space<hbm>> -> memref<1x250x40xi32, #tpu.memory_space<hbm>>
      %dma_start3A_47 = tpu.memref_squeeze %dma_start3A_46 : memref<1x250x40xi32, #tpu.memory_space<hbm>> -> memref<250x40xi32, #tpu.memory_space<hbm>>
      %dma_start3A_48 = arith.constant 0 : i32
      %dma_start3A_49 = arith.constant 0 : i32
      %dma_start3A_50 = tpu.memref_slice %arg2[%add3A, %dma_start3A_48, %dma_start3A_49] : memref<32x250x40xi32, #tpu.memory_space<hbm>> -> memref<1x250x40xi32, #tpu.memory_space<hbm>>
      %dma_start3A_51 = tpu.memref_squeeze %dma_start3A_50 : memref<1x250x40xi32, #tpu.memory_space<hbm>> -> memref<250x40xi32, #tpu.memory_space<hbm>>
      tpu.enqueue_dma source(%dma_start3A_51 : memref<250x40xi32, #tpu.memory_space<hbm>>) target(%arg6 : memref<250x40xi32, #tpu.memory_space<vmem>>) target_semaphore(%run_scoped3A_43 : memref<!tpu.dma_semaphore, #tpu.memory_space<semaphore_mem>>)
      %dma_wait3A_52 = arith.constant 0 : i32
      %dma_wait3A_53 = arith.constant 0 : i32
      %dma_wait3A_54 = tpu.memref_slice %arg2[%add3A, %dma_wait3A_52, %dma_wait3A_53] : memref<32x250x40xi32, #tpu.memory_space<hbm>> -> memref<1x250x40xi32, #tpu.memory_space<hbm>>
      %dma_wait3A_55 = tpu.memref_squeeze %dma_wait3A_54 : memref<1x250x40xi32, #tpu.memory_space<hbm>> -> memref<250x40xi32, #tpu.memory_space<hbm>>
      %dma_wait3A_56 = arith.constant 0 : i32
      %dma_wait3A_57 = arith.constant 0 : i32
      %dma_wait3A_58 = tpu.memref_slice %arg2[%add3A, %dma_wait3A_56, %dma_wait3A_57] : memref<32x250x40xi32, #tpu.memory_space<hbm>> -> memref<1x250x40xi32, #tpu.memory_space<hbm>>
      %dma_wait3A_59 = tpu.memref_squeeze %dma_wait3A_58 : memref<1x250x40xi32, #tpu.memory_space<hbm>> -> memref<250x40xi32, #tpu.memory_space<hbm>>
      tpu.wait_dma2 semaphore(%run_scoped3A_43 : memref<!tpu.dma_semaphore, #tpu.memory_space<semaphore_mem>>) src(%dma_wait3A_59 : memref<250x40xi32, #tpu.memory_space<hbm>>) dst(%arg6 : memref<250x40xi32, #tpu.memory_space<vmem>>)
      tpu.yield
    }) : () -> ()
    %barrier3A = arith.constant 0 : index
    tpu.barrier barrier_id(%barrier3A)
    %add3A_9 = arith.constant 0 : i32
    %add3A_10 = arith.addi %mul3A_2, %add3A_9 : i32
    %dma_start3A = arith.constant 0 : i32
    %dma_start3A_11 = tpu.memref_slice %arg3[%add3A_10, %dma_start3A] : memref<64000x128xf32, #tpu.memory_space<hbm>> -> memref<40x128xf32, #tpu.memory_space<hbm>>
    %dma_start3A_12 = arith.constant 0 : i32
    %dma_start3A_13 = tpu.memref_slice %arg3[%add3A_10, %dma_start3A_12] : memref<64000x128xf32, #tpu.memory_space<hbm>> -> memref<40x128xf32, #tpu.memory_space<hbm>>
    tpu.enqueue_dma source(%dma_start3A_13 : memref<40x128xf32, #tpu.memory_space<hbm>>) target(%arg7 : memref<40x128xf32, #tpu.memory_space<vmem>>) target_semaphore(%arg10 : memref<!tpu.dma_semaphore, #tpu.memory_space<semaphore_mem>>)
    %scan3A = arith.constant 0 : i32
    %scan3A_14 = arith.constant 0 : i32
    %scan3A_15 = arith.constant 24 : i32
    %scan3A_16 = arith.addi %scan3A_14, %scan3A_15 : i32
    %scan3A_17 = arith.constant 1 : i32
    scf.for %scan3A_43 = %scan3A_14 to %scan3A_16 step %scan3A_17  : i32 {
      %mul3A_44 = arith.constant 2 : i32
      %mul3A_45 = arith.muli %mul3A_44, %scan3A_43 : i32
      %add3A_46 = arith.constant 1 : i32
      %add3A_47 = arith.addi %mul3A_45, %add3A_46 : i32
      %mul3A_48 = arith.constant 40 : i32
      %mul3A_49 = arith.muli %add3A_47, %mul3A_48 : i32
      %add3A_50 = arith.addi %mul3A_2, %mul3A_49 : i32
      %dma_start3A_51 = arith.constant 0 : i32
      %dma_start3A_52 = tpu.memref_slice %arg3[%add3A_50, %dma_start3A_51] : memref<64000x128xf32, #tpu.memory_space<hbm>> -> memref<40x128xf32, #tpu.memory_space<hbm>>
      %dma_start3A_53 = arith.constant 0 : i32
      %dma_start3A_54 = tpu.memref_slice %arg3[%add3A_50, %dma_start3A_53] : memref<64000x128xf32, #tpu.memory_space<hbm>> -> memref<40x128xf32, #tpu.memory_space<hbm>>
      tpu.enqueue_dma source(%dma_start3A_54 : memref<40x128xf32, #tpu.memory_space<hbm>>) target(%arg8 : memref<40x128xf32, #tpu.memory_space<vmem>>) target_semaphore(%arg11 : memref<!tpu.dma_semaphore, #tpu.memory_space<semaphore_mem>>)
      %dma_wait3A_55 = arith.constant 0 : i32
      %dma_wait3A_56 = tpu.memref_slice %arg3[%mul3A_2, %dma_wait3A_55] : memref<64000x128xf32, #tpu.memory_space<hbm>> -> memref<40x128xf32, #tpu.memory_space<hbm>>
      %dma_wait3A_57 = arith.constant 0 : i32
      %dma_wait3A_58 = tpu.memref_slice %arg3[%mul3A_2, %dma_wait3A_57] : memref<64000x128xf32, #tpu.memory_space<hbm>> -> memref<40x128xf32, #tpu.memory_space<hbm>>
      tpu.wait_dma2 semaphore(%arg10 : memref<!tpu.dma_semaphore, #tpu.memory_space<semaphore_mem>>) src(%dma_wait3A_58 : memref<40x128xf32, #tpu.memory_space<hbm>>) dst(%arg7 : memref<40x128xf32, #tpu.memory_space<vmem>>)
      %add3A_59 = arith.constant 200 : i32
      %add3A_60 = arith.addi %add3A_59, %mul3A_45 : i32
      "tpu.region"() ({
        %run_scoped3A_78 = tpu.sem_alloc : memref<!tpu.dma_semaphore, #tpu.memory_space<semaphore_mem>>
        %dma_start3A_79 = arith.constant 0 : i32
        %dma_start3A_80 = tpu.memref_slice %arg6[%add3A_60, %dma_start3A_79] : memref<250x40xi32, #tpu.memory_space<vmem>> -> memref<1x40xi32, #tpu.memory_space<vmem>>
        %dma_start3A_81 = tpu.memref_squeeze %dma_start3A_80 : memref<1x40xi32, #tpu.memory_space<vmem>> -> memref<40xi32, #tpu.memory_space<vmem>>
        %dma_start3A_82 = arith.constant 0 : i32
        %dma_start3A_83 = arith.constant 0 : i32
        %dma_start3A_84 = tpu.memref_slice %arg9[%dma_start3A_82, %dma_start3A_83] : memref<10000x128xf32, #tpu.memory_space<vmem_shared>> -> memref<10000x128xf32, #tpu.memory_space<vmem_shared>>
        tpu.enqueue_indirect_dma source(%arg7 : memref<40x128xf32, #tpu.memory_space<vmem>>) target(%dma_start3A_84 : memref<10000x128xf32, #tpu.memory_space<vmem_shared>>) offsets(%dma_start3A_81 : memref<40xi32, #tpu.memory_space<vmem>>) semaphore(%run_scoped3A_78 : memref<!tpu.dma_semaphore, #tpu.memory_space<semaphore_mem>>) {add = true}
        %dma_wait3A_85 = arith.constant 0 : i32
        %dma_wait3A_86 = tpu.memref_slice %arg6[%add3A_60, %dma_wait3A_85] : memref<250x40xi32, #tpu.memory_space<vmem>> -> memref<1x40xi32, #tpu.memory_space<vmem>>
        %dma_wait3A_87 = tpu.memref_squeeze %dma_wait3A_86 : memref<1x40xi32, #tpu.memory_space<vmem>> -> memref<40xi32, #tpu.memory_space<vmem>>
        %dma_wait3A_88 = arith.constant 0 : i32
        %dma_wait3A_89 = arith.constant 0 : i32
        %dma_wait3A_90 = tpu.memref_slice %arg9[%dma_wait3A_88, %dma_wait3A_89] : memref<10000x128xf32, #tpu.memory_space<vmem_shared>> -> memref<10000x128xf32, #tpu.memory_space<vmem_shared>>
        tpu.wait_indirect_dma semaphore(%run_scoped3A_78 : memref<!tpu.dma_semaphore, #tpu.memory_space<semaphore_mem>>) src(%arg7 : memref<40x128xf32, #tpu.memory_space<vmem>>) dst(%dma_wait3A_90 : memref<10000x128xf32, #tpu.memory_space<vmem_shared>>)
        tpu.yield
      }) : () -> ()
      %add3A_61 = arith.constant 2 : i32
      %add3A_62 = arith.addi %mul3A_45, %add3A_61 : i32
      %mul3A_63 = arith.constant 40 : i32
      %mul3A_64 = arith.muli %add3A_62, %mul3A_63 : i32
      %add3A_65 = arith.addi %mul3A_2, %mul3A_64 : i32
      %dma_start3A_66 = arith.constant 0 : i32
      %dma_start3A_67 = tpu.memref_slice %arg3[%add3A_65, %dma_start3A_66] : memref<64000x128xf32, #tpu.memory_space<hbm>> -> memref<40x128xf32, #tpu.memory_space<hbm>>
      %dma_start3A_68 = arith.constant 0 : i32
      %dma_start3A_69 = tpu.memref_slice %arg3[%add3A_65, %dma_start3A_68] : memref<64000x128xf32, #tpu.memory_space<hbm>> -> memref<40x128xf32, #tpu.memory_space<hbm>>
      tpu.enqueue_dma source(%dma_start3A_69 : memref<40x128xf32, #tpu.memory_space<hbm>>) target(%arg7 : memref<40x128xf32, #tpu.memory_space<vmem>>) target_semaphore(%arg10 : memref<!tpu.dma_semaphore, #tpu.memory_space<semaphore_mem>>)
      %dma_wait3A_70 = arith.constant 0 : i32
      %dma_wait3A_71 = tpu.memref_slice %arg3[%mul3A_2, %dma_wait3A_70] : memref<64000x128xf32, #tpu.memory_space<hbm>> -> memref<40x128xf32, #tpu.memory_space<hbm>>
      %dma_wait3A_72 = arith.constant 0 : i32
      %dma_wait3A_73 = tpu.memref_slice %arg3[%mul3A_2, %dma_wait3A_72] : memref<64000x128xf32, #tpu.memory_space<hbm>> -> memref<40x128xf32, #tpu.memory_space<hbm>>
      tpu.wait_dma2 semaphore(%arg11 : memref<!tpu.dma_semaphore, #tpu.memory_space<semaphore_mem>>) src(%dma_wait3A_73 : memref<40x128xf32, #tpu.memory_space<hbm>>) dst(%arg8 : memref<40x128xf32, #tpu.memory_space<vmem>>)
      %add3A_74 = arith.constant 200 : i32
      %add3A_75 = arith.addi %add3A_74, %mul3A_45 : i32
      %add3A_76 = arith.constant 1 : i32
      %add3A_77 = arith.addi %add3A_75, %add3A_76 : i32
      "tpu.region"() ({
        %run_scoped3A_78 = tpu.sem_alloc : memref<!tpu.dma_semaphore, #tpu.memory_space<semaphore_mem>>
        %dma_start3A_79 = arith.constant 0 : i32
        %dma_start3A_80 = tpu.memref_slice %arg6[%add3A_77, %dma_start3A_79] : memref<250x40xi32, #tpu.memory_space<vmem>> -> memref<1x40xi32, #tpu.memory_space<vmem>>
        %dma_start3A_81 = tpu.memref_squeeze %dma_start3A_80 : memref<1x40xi32, #tpu.memory_space<vmem>> -> memref<40xi32, #tpu.memory_space<vmem>>
        %dma_start3A_82 = arith.constant 0 : i32
        %dma_start3A_83 = arith.constant 0 : i32
        %dma_start3A_84 = tpu.memref_slice %arg9[%dma_start3A_82, %dma_start3A_83] : memref<10000x128xf32, #tpu.memory_space<vmem_shared>> -> memref<10000x128xf32, #tpu.memory_space<vmem_shared>>
        tpu.enqueue_indirect_dma source(%arg8 : memref<40x128xf32, #tpu.memory_space<vmem>>) target(%dma_start3A_84 : memref<10000x128xf32, #tpu.memory_space<vmem_shared>>) offsets(%dma_start3A_81 : memref<40xi32, #tpu.memory_space<vmem>>) semaphore(%run_scoped3A_78 : memref<!tpu.dma_semaphore, #tpu.memory_space<semaphore_mem>>) {add = true}
        %dma_wait3A_85 = arith.constant 0 : i32
        %dma_wait3A_86 = tpu.memref_slice %arg6[%add3A_77, %dma_wait3A_85] : memref<250x40xi32, #tpu.memory_space<vmem>> -> memref<1x40xi32, #tpu.memory_space<vmem>>
        %dma_wait3A_87 = tpu.memref_squeeze %dma_wait3A_86 : memref<1x40xi32, #tpu.memory_space<vmem>> -> memref<40xi32, #tpu.memory_space<vmem>>
        %dma_wait3A_88 = arith.constant 0 : i32
        %dma_wait3A_89 = arith.constant 0 : i32
        %dma_wait3A_90 = tpu.memref_slice %arg9[%dma_wait3A_88, %dma_wait3A_89] : memref<10000x128xf32, #tpu.memory_space<vmem_shared>> -> memref<10000x128xf32, #tpu.memory_space<vmem_shared>>
        tpu.wait_indirect_dma semaphore(%run_scoped3A_78 : memref<!tpu.dma_semaphore, #tpu.memory_space<semaphore_mem>>) src(%arg8 : memref<40x128xf32, #tpu.memory_space<vmem>>) dst(%dma_wait3A_90 : memref<10000x128xf32, #tpu.memory_space<vmem_shared>>)
        tpu.yield
      }) : () -> ()
    }
    %scan3A_18 = arith.constant 24 : i32
    %add3A_19 = arith.constant 1960 : i32
    %add3A_20 = arith.addi %mul3A_2, %add3A_19 : i32
    %dma_start3A_21 = arith.constant 0 : i32
    %dma_start3A_22 = tpu.memref_slice %arg3[%add3A_20, %dma_start3A_21] : memref<64000x128xf32, #tpu.memory_space<hbm>> -> memref<40x128xf32, #tpu.memory_space<hbm>>
    %dma_start3A_23 = arith.constant 0 : i32
    %dma_start3A_24 = tpu.memref_slice %arg3[%add3A_20, %dma_start3A_23] : memref<64000x128xf32, #tpu.memory_space<hbm>> -> memref<40x128xf32, #tpu.memory_space<hbm>>
    tpu.enqueue_dma source(%dma_start3A_24 : memref<40x128xf32, #tpu.memory_space<hbm>>) target(%arg8 : memref<40x128xf32, #tpu.memory_space<vmem>>) target_semaphore(%arg11 : memref<!tpu.dma_semaphore, #tpu.memory_space<semaphore_mem>>)
    %dma_wait3A = arith.constant 0 : i32
    %dma_wait3A_25 = tpu.memref_slice %arg3[%mul3A_2, %dma_wait3A] : memref<64000x128xf32, #tpu.memory_space<hbm>> -> memref<40x128xf32, #tpu.memory_space<hbm>>
    %dma_wait3A_26 = arith.constant 0 : i32
    %dma_wait3A_27 = tpu.memref_slice %arg3[%mul3A_2, %dma_wait3A_26] : memref<64000x128xf32, #tpu.memory_space<hbm>> -> memref<40x128xf32, #tpu.memory_space<hbm>>
    tpu.wait_dma2 semaphore(%arg10 : memref<!tpu.dma_semaphore, #tpu.memory_space<semaphore_mem>>) src(%dma_wait3A_27 : memref<40x128xf32, #tpu.memory_space<hbm>>) dst(%arg7 : memref<40x128xf32, #tpu.memory_space<vmem>>)
    %run_scoped3A = arith.constant 248 : i32
    "tpu.region"() ({
      %run_scoped3A_43 = tpu.sem_alloc : memref<!tpu.dma_semaphore, #tpu.memory_space<semaphore_mem>>
      %dma_start3A_44 = arith.constant 0 : i32
      %dma_start3A_45 = tpu.memref_slice %arg6[%run_scoped3A, %dma_start3A_44] : memref<250x40xi32, #tpu.memory_space<vmem>> -> memref<1x40xi32, #tpu.memory_space<vmem>>
      %dma_start3A_46 = tpu.memref_squeeze %dma_start3A_45 : memref<1x40xi32, #tpu.memory_space<vmem>> -> memref<40xi32, #tpu.memory_space<vmem>>
      %dma_start3A_47 = arith.constant 0 : i32
      %dma_start3A_48 = arith.constant 0 : i32
      %dma_start3A_49 = tpu.memref_slice %arg9[%dma_start3A_47, %dma_start3A_48] : memref<10000x128xf32, #tpu.memory_space<vmem_shared>> -> memref<10000x128xf32, #tpu.memory_space<vmem_shared>>
      tpu.enqueue_indirect_dma source(%arg7 : memref<40x128xf32, #tpu.memory_space<vmem>>) target(%dma_start3A_49 : memref<10000x128xf32, #tpu.memory_space<vmem_shared>>) offsets(%dma_start3A_46 : memref<40xi32, #tpu.memory_space<vmem>>) semaphore(%run_scoped3A_43 : memref<!tpu.dma_semaphore, #tpu.memory_space<semaphore_mem>>) {add = true}
      %dma_wait3A_50 = arith.constant 0 : i32
      %dma_wait3A_51 = tpu.memref_slice %arg6[%run_scoped3A, %dma_wait3A_50] : memref<250x40xi32, #tpu.memory_space<vmem>> -> memref<1x40xi32, #tpu.memory_space<vmem>>
      %dma_wait3A_52 = tpu.memref_squeeze %dma_wait3A_51 : memref<1x40xi32, #tpu.memory_space<vmem>> -> memref<40xi32, #tpu.memory_space<vmem>>
      %dma_wait3A_53 = arith.constant 0 : i32
      %dma_wait3A_54 = arith.constant 0 : i32
      %dma_wait3A_55 = tpu.memref_slice %arg9[%dma_wait3A_53, %dma_wait3A_54] : memref<10000x128xf32, #tpu.memory_space<vmem_shared>> -> memref<10000x128xf32, #tpu.memory_space<vmem_shared>>
      tpu.wait_indirect_dma semaphore(%run_scoped3A_43 : memref<!tpu.dma_semaphore, #tpu.memory_space<semaphore_mem>>) src(%arg7 : memref<40x128xf32, #tpu.memory_space<vmem>>) dst(%dma_wait3A_55 : memref<10000x128xf32, #tpu.memory_space<vmem_shared>>)
      tpu.yield
    }) : () -> ()
    %dma_wait3A_28 = arith.constant 0 : i32
    %dma_wait3A_29 = tpu.memref_slice %arg3[%mul3A_2, %dma_wait3A_28] : memref<64000x128xf32, #tpu.memory_space<hbm>> -> memref<40x128xf32, #tpu.memory_space<hbm>>
    %dma_wait3A_30 = arith.constant 0 : i32
    %dma_wait3A_31 = tpu.memref_slice %arg3[%mul3A_2, %dma_wait3A_30] : memref<64000x128xf32, #tpu.memory_space<hbm>> -> memref<40x128xf32, #tpu.memory_space<hbm>>
    tpu.wait_dma2 semaphore(%arg11 : memref<!tpu.dma_semaphore, #tpu.memory_space<semaphore_mem>>) src(%dma_wait3A_31 : memref<40x128xf32, #tpu.memory_space<hbm>>) dst(%arg8 : memref<40x128xf32, #tpu.memory_space<vmem>>)
    %run_scoped3A_32 = arith.constant 249 : i32
    "tpu.region"() ({
      %run_scoped3A_43 = tpu.sem_alloc : memref<!tpu.dma_semaphore, #tpu.memory_space<semaphore_mem>>
      %dma_start3A_44 = arith.constant 0 : i32
      %dma_start3A_45 = tpu.memref_slice %arg6[%run_scoped3A_32, %dma_start3A_44] : memref<250x40xi32, #tpu.memory_space<vmem>> -> memref<1x40xi32, #tpu.memory_space<vmem>>
      %dma_start3A_46 = tpu.memref_squeeze %dma_start3A_45 : memref<1x40xi32, #tpu.memory_space<vmem>> -> memref<40xi32, #tpu.memory_space<vmem>>
      %dma_start3A_47 = arith.constant 0 : i32
      %dma_start3A_48 = arith.constant 0 : i32
      %dma_start3A_49 = tpu.memref_slice %arg9[%dma_start3A_47, %dma_start3A_48] : memref<10000x128xf32, #tpu.memory_space<vmem_shared>> -> memref<10000x128xf32, #tpu.memory_space<vmem_shared>>
      tpu.enqueue_indirect_dma source(%arg8 : memref<40x128xf32, #tpu.memory_space<vmem>>) target(%dma_start3A_49 : memref<10000x128xf32, #tpu.memory_space<vmem_shared>>) offsets(%dma_start3A_46 : memref<40xi32, #tpu.memory_space<vmem>>) semaphore(%run_scoped3A_43 : memref<!tpu.dma_semaphore, #tpu.memory_space<semaphore_mem>>) {add = true}
      %dma_wait3A_50 = arith.constant 0 : i32
      %dma_wait3A_51 = tpu.memref_slice %arg6[%run_scoped3A_32, %dma_wait3A_50] : memref<250x40xi32, #tpu.memory_space<vmem>> -> memref<1x40xi32, #tpu.memory_space<vmem>>
      %dma_wait3A_52 = tpu.memref_squeeze %dma_wait3A_51 : memref<1x40xi32, #tpu.memory_space<vmem>> -> memref<40xi32, #tpu.memory_space<vmem>>
      %dma_wait3A_53 = arith.constant 0 : i32
      %dma_wait3A_54 = arith.constant 0 : i32
      %dma_wait3A_55 = tpu.memref_slice %arg9[%dma_wait3A_53, %dma_wait3A_54] : memref<10000x128xf32, #tpu.memory_space<vmem_shared>> -> memref<10000x128xf32, #tpu.memory_space<vmem_shared>>
      tpu.wait_indirect_dma semaphore(%run_scoped3A_43 : memref<!tpu.dma_semaphore, #tpu.memory_space<semaphore_mem>>) src(%arg8 : memref<40x128xf32, #tpu.memory_space<vmem>>) dst(%dma_wait3A_55 : memref<10000x128xf32, #tpu.memory_space<vmem_shared>>)
      tpu.yield
    }) : () -> ()
    %barrier3A_33 = arith.constant 0 : index
    tpu.barrier barrier_id(%barrier3A_33)
    %mul3A_34 = arith.constant 624 : i32
    %mul3A_35 = arith.muli %arg1, %mul3A_34 : i32
    %mul3A_36 = arith.constant 624 : i32
    %mul3A_37 = arith.muli %arg1, %mul3A_36 : i32
    "tpu.region"() ({
      %run_scoped3A_43 = tpu.sem_alloc : memref<!tpu.dma_semaphore, #tpu.memory_space<semaphore_mem>>
      %dma_start3A_44 = arith.constant 0 : i32
      %dma_start3A_45 = tpu.memref_slice %arg5[%arg0, %mul3A_37, %dma_start3A_44] : memref<2x10000x128xf32, #tpu.memory_space<hbm>> -> memref<1x624x128xf32, #tpu.memory_space<hbm>>
      %dma_start3A_46 = tpu.memref_squeeze %dma_start3A_45 : memref<1x624x128xf32, #tpu.memory_space<hbm>> -> memref<624x128xf32, #tpu.memory_space<hbm>>
      %dma_start3A_47 = arith.constant 0 : i32
      %dma_start3A_48 = tpu.memref_slice %arg9[%mul3A_35, %dma_start3A_47] : memref<10000x128xf32, #tpu.memory_space<vmem_shared>> -> memref<624x128xf32, #tpu.memory_space<vmem_shared>>
      tpu.enqueue_dma source(%dma_start3A_48 : memref<624x128xf32, #tpu.memory_space<vmem_shared>>) target(%dma_start3A_46 : memref<624x128xf32, #tpu.memory_space<hbm>>) target_semaphore(%run_scoped3A_43 : memref<!tpu.dma_semaphore, #tpu.memory_space<semaphore_mem>>)
      %dma_wait3A_49 = arith.constant 0 : i32
      %dma_wait3A_50 = tpu.memref_slice %arg5[%arg0, %mul3A_37, %dma_wait3A_49] : memref<2x10000x128xf32, #tpu.memory_space<hbm>> -> memref<1x624x128xf32, #tpu.memory_space<hbm>>
      %dma_wait3A_51 = tpu.memref_squeeze %dma_wait3A_50 : memref<1x624x128xf32, #tpu.memory_space<hbm>> -> memref<624x128xf32, #tpu.memory_space<hbm>>
      %dma_wait3A_52 = arith.constant 0 : i32
      %dma_wait3A_53 = tpu.memref_slice %arg9[%mul3A_35, %dma_wait3A_52] : memref<10000x128xf32, #tpu.memory_space<vmem_shared>> -> memref<624x128xf32, #tpu.memory_space<vmem_shared>>
      tpu.wait_dma2 semaphore(%run_scoped3A_43 : memref<!tpu.dma_semaphore, #tpu.memory_space<semaphore_mem>>) src(%dma_wait3A_53 : memref<624x128xf32, #tpu.memory_space<vmem_shared>>) dst(%dma_wait3A_51 : memref<624x128xf32, #tpu.memory_space<hbm>>)
      tpu.yield
    }) : () -> ()
    %eq3A_38 = arith.constant 0 : i32
    %eq3A_39 = arith.cmpi eq, %arg1, %eq3A_38 : i32
    %convert_element_type3A_40 = arith.extui %eq3A_39 : i1 to i32
    %cond3A_41 = arith.constant 0 : i32
    %cond3A_42 = arith.cmpi ne, %convert_element_type3A_40, %cond3A_41 : i32
    scf.if %cond3A_42 {
      "tpu.region"() ({
        %run_scoped3A_43 = tpu.sem_alloc : memref<!tpu.dma_semaphore, #tpu.memory_space<semaphore_mem>>
        %dma_start3A_44 = arith.constant 9984 : i32
        %dma_start3A_45 = arith.constant 0 : i32
        %dma_start3A_46 = tpu.memref_slice %arg5[%arg0, %dma_start3A_44, %dma_start3A_45] : memref<2x10000x128xf32, #tpu.memory_space<hbm>> -> memref<1x16x128xf32, #tpu.memory_space<hbm>>
        %dma_start3A_47 = tpu.memref_squeeze %dma_start3A_46 : memref<1x16x128xf32, #tpu.memory_space<hbm>> -> memref<16x128xf32, #tpu.memory_space<hbm>>
        %dma_start3A_48 = arith.constant 9984 : i32
        %dma_start3A_49 = arith.constant 0 : i32
        %dma_start3A_50 = tpu.memref_slice %arg9[%dma_start3A_48, %dma_start3A_49] : memref<10000x128xf32, #tpu.memory_space<vmem_shared>> -> memref<16x128xf32, #tpu.memory_space<vmem_shared>>
        tpu.enqueue_dma source(%dma_start3A_50 : memref<16x128xf32, #tpu.memory_space<vmem_shared>>) target(%dma_start3A_47 : memref<16x128xf32, #tpu.memory_space<hbm>>) target_semaphore(%run_scoped3A_43 : memref<!tpu.dma_semaphore, #tpu.memory_space<semaphore_mem>>)
        %dma_wait3A_51 = arith.constant 9984 : i32
        %dma_wait3A_52 = arith.constant 0 : i32
        %dma_wait3A_53 = tpu.memref_slice %arg5[%arg0, %dma_wait3A_51, %dma_wait3A_52] : memref<2x10000x128xf32, #tpu.memory_space<hbm>> -> memref<1x16x128xf32, #tpu.memory_space<hbm>>
        %dma_wait3A_54 = tpu.memref_squeeze %dma_wait3A_53 : memref<1x16x128xf32, #tpu.memory_space<hbm>> -> memref<16x128xf32, #tpu.memory_space<hbm>>
        %dma_wait3A_55 = arith.constant 9984 : i32
        %dma_wait3A_56 = arith.constant 0 : i32
        %dma_wait3A_57 = tpu.memref_slice %arg9[%dma_wait3A_55, %dma_wait3A_56] : memref<10000x128xf32, #tpu.memory_space<vmem_shared>> -> memref<16x128xf32, #tpu.memory_space<vmem_shared>>
        tpu.wait_dma2 semaphore(%run_scoped3A_43 : memref<!tpu.dma_semaphore, #tpu.memory_space<semaphore_mem>>) src(%dma_wait3A_57 : memref<16x128xf32, #tpu.memory_space<vmem_shared>>) dst(%dma_wait3A_54 : memref<16x128xf32, #tpu.memory_space<hbm>>)
        tpu.yield
      }) : () -> ()
    } else {
    }
    return
  }
}

#map = affine_map<(d0, d1) -> (0, 0, 0)>
#map1 = affine_map<(d0, d1) -> (0, 0)>
module attributes {stable_mosaic.version = 14 : i64} {
  func.func @k(%arg0: i32, %arg1: i32, %arg2: memref<32x250x40xi32, #tpu.memory_space<hbm>>, %arg3: memref<128000x128xf32, #tpu.memory_space<hbm>>, %arg4: memref<10000x128xf32, #tpu.memory_space<hbm>>, %arg5: memref<2x10000x128xf32, #tpu.memory_space<hbm>>, %arg6: memref<250x40xi32, #tpu.memory_space<vmem>>, %arg7: memref<40x128xf32, #tpu.memory_space<vmem>>, %arg8: memref<40x128xf32, #tpu.memory_space<vmem>>, %arg9: memref<10000x128xf32, #tpu.memory_space<vmem_shared>>, %arg10: memref<!tpu.dma_semaphore, #tpu.memory_space<semaphore_mem>>, %arg11: memref<!tpu.dma_semaphore, #tpu.memory_space<semaphore_mem>>) attributes {dimension_semantics = [#tpu.dimension_semantics<core_parallel>, #tpu.dimension_semantics<subcore_parallel>], iteration_bounds = array<i64: 2, 16>, scalar_prefetch = 0 : i64, scratch_operands = 6 : i64, tpu.core_type = #tpu.core_type<sc_vector_subcore>, window_params = [{transform_indices = #map}, {transform_indices = #map1}, {transform_indices = #map1}, {transform_indices = #map}]} {
    %mul3A = arith.constant 16 : i32
    %mul3A_0 = arith.muli %arg0, %mul3A : i32
    %add3A = arith.addi %mul3A_0, %arg1 : i32
    %mul3A_1 = arith.constant 4000 : i32
    %mul3A_2 = arith.muli %add3A, %mul3A_1 : i32
    %mul3A_3 = arith.constant 624 : i32
    %mul3A_4 = arith.muli %arg1, %mul3A_3 : i32
    %mul3A_5 = arith.constant 624 : i32
    %mul3A_6 = arith.muli %arg1, %mul3A_5 : i32
    "tpu.region"() ({
      %run_scoped3A_43 = tpu.sem_alloc : memref<!tpu.dma_semaphore, #tpu.memory_space<semaphore_mem>>
      %dma_start3A_44 = arith.constant 0 : i32
      %dma_start3A_45 = tpu.memref_slice %arg9[%mul3A_6, %dma_start3A_44] : memref<10000x128xf32, #tpu.memory_space<vmem_shared>> -> memref<624x128xf32, #tpu.memory_space<vmem_shared>>
      %dma_start3A_46 = arith.constant 0 : i32
      %dma_start3A_47 = tpu.memref_slice %arg4[%mul3A_4, %dma_start3A_46] : memref<10000x128xf32, #tpu.memory_space<hbm>> -> memref<624x128xf32, #tpu.memory_space<hbm>>
      tpu.enqueue_dma source(%dma_start3A_47 : memref<624x128xf32, #tpu.memory_space<hbm>>) target(%dma_start3A_45 : memref<624x128xf32, #tpu.memory_space<vmem_shared>>) target_semaphore(%run_scoped3A_43 : memref<!tpu.dma_semaphore, #tpu.memory_space<semaphore_mem>>)
      %dma_wait3A_48 = arith.constant 0 : i32
      %dma_wait3A_49 = tpu.memref_slice %arg9[%mul3A_6, %dma_wait3A_48] : memref<10000x128xf32, #tpu.memory_space<vmem_shared>> -> memref<624x128xf32, #tpu.memory_space<vmem_shared>>
      %dma_wait3A_50 = arith.constant 0 : i32
      %dma_wait3A_51 = tpu.memref_slice %arg4[%mul3A_4, %dma_wait3A_50] : memref<10000x128xf32, #tpu.memory_space<hbm>> -> memref<624x128xf32, #tpu.memory_space<hbm>>
      tpu.wait_dma2 semaphore(%run_scoped3A_43 : memref<!tpu.dma_semaphore, #tpu.memory_space<semaphore_mem>>) src(%dma_wait3A_51 : memref<624x128xf32, #tpu.memory_space<hbm>>) dst(%dma_wait3A_49 : memref<624x128xf32, #tpu.memory_space<vmem_shared>>)
      tpu.yield
    }) : () -> ()
    %eq3A = arith.constant 0 : i32
    %eq3A_7 = arith.cmpi eq, %arg1, %eq3A : i32
    %convert_element_type3A = arith.extui %eq3A_7 : i1 to i32
    %cond3A = arith.constant 0 : i32
    %cond3A_8 = arith.cmpi ne, %convert_element_type3A, %cond3A : i32
    scf.if %cond3A_8 {
      "tpu.region"() ({
        %run_scoped3A_43 = tpu.sem_alloc : memref<!tpu.dma_semaphore, #tpu.memory_space<semaphore_mem>>
        %dma_start3A_44 = arith.constant 9984 : i32
        %dma_start3A_45 = arith.constant 0 : i32
        %dma_start3A_46 = tpu.memref_slice %arg9[%dma_start3A_44, %dma_start3A_45] : memref<10000x128xf32, #tpu.memory_space<vmem_shared>> -> memref<16x128xf32, #tpu.memory_space<vmem_shared>>
        %dma_start3A_47 = arith.constant 9984 : i32
        %dma_start3A_48 = arith.constant 0 : i32
        %dma_start3A_49 = tpu.memref_slice %arg4[%dma_start3A_47, %dma_start3A_48] : memref<10000x128xf32, #tpu.memory_space<hbm>> -> memref<16x128xf32, #tpu.memory_space<hbm>>
        tpu.enqueue_dma source(%dma_start3A_49 : memref<16x128xf32, #tpu.memory_space<hbm>>) target(%dma_start3A_46 : memref<16x128xf32, #tpu.memory_space<vmem_shared>>) target_semaphore(%run_scoped3A_43 : memref<!tpu.dma_semaphore, #tpu.memory_space<semaphore_mem>>)
        %dma_wait3A_50 = arith.constant 9984 : i32
        %dma_wait3A_51 = arith.constant 0 : i32
        %dma_wait3A_52 = tpu.memref_slice %arg9[%dma_wait3A_50, %dma_wait3A_51] : memref<10000x128xf32, #tpu.memory_space<vmem_shared>> -> memref<16x128xf32, #tpu.memory_space<vmem_shared>>
        %dma_wait3A_53 = arith.constant 9984 : i32
        %dma_wait3A_54 = arith.constant 0 : i32
        %dma_wait3A_55 = tpu.memref_slice %arg4[%dma_wait3A_53, %dma_wait3A_54] : memref<10000x128xf32, #tpu.memory_space<hbm>> -> memref<16x128xf32, #tpu.memory_space<hbm>>
        tpu.wait_dma2 semaphore(%run_scoped3A_43 : memref<!tpu.dma_semaphore, #tpu.memory_space<semaphore_mem>>) src(%dma_wait3A_55 : memref<16x128xf32, #tpu.memory_space<hbm>>) dst(%dma_wait3A_52 : memref<16x128xf32, #tpu.memory_space<vmem_shared>>)
        tpu.yield
      }) : () -> ()
    } else {
    }
    "tpu.region"() ({
      %run_scoped3A_43 = tpu.sem_alloc : memref<!tpu.dma_semaphore, #tpu.memory_space<semaphore_mem>>
      %dma_start3A_44 = arith.constant 0 : i32
      %dma_start3A_45 = arith.constant 0 : i32
      %dma_start3A_46 = tpu.memref_slice %arg2[%add3A, %dma_start3A_44, %dma_start3A_45] : memref<32x250x40xi32, #tpu.memory_space<hbm>> -> memref<1x250x40xi32, #tpu.memory_space<hbm>>
      %dma_start3A_47 = tpu.memref_squeeze %dma_start3A_46 : memref<1x250x40xi32, #tpu.memory_space<hbm>> -> memref<250x40xi32, #tpu.memory_space<hbm>>
      %dma_start3A_48 = arith.constant 0 : i32
      %dma_start3A_49 = arith.constant 0 : i32
      %dma_start3A_50 = tpu.memref_slice %arg2[%add3A, %dma_start3A_48, %dma_start3A_49] : memref<32x250x40xi32, #tpu.memory_space<hbm>> -> memref<1x250x40xi32, #tpu.memory_space<hbm>>
      %dma_start3A_51 = tpu.memref_squeeze %dma_start3A_50 : memref<1x250x40xi32, #tpu.memory_space<hbm>> -> memref<250x40xi32, #tpu.memory_space<hbm>>
      tpu.enqueue_dma source(%dma_start3A_51 : memref<250x40xi32, #tpu.memory_space<hbm>>) target(%arg6 : memref<250x40xi32, #tpu.memory_space<vmem>>) target_semaphore(%run_scoped3A_43 : memref<!tpu.dma_semaphore, #tpu.memory_space<semaphore_mem>>)
      %dma_wait3A_52 = arith.constant 0 : i32
      %dma_wait3A_53 = arith.constant 0 : i32
      %dma_wait3A_54 = tpu.memref_slice %arg2[%add3A, %dma_wait3A_52, %dma_wait3A_53] : memref<32x250x40xi32, #tpu.memory_space<hbm>> -> memref<1x250x40xi32, #tpu.memory_space<hbm>>
      %dma_wait3A_55 = tpu.memref_squeeze %dma_wait3A_54 : memref<1x250x40xi32, #tpu.memory_space<hbm>> -> memref<250x40xi32, #tpu.memory_space<hbm>>
      %dma_wait3A_56 = arith.constant 0 : i32
      %dma_wait3A_57 = arith.constant 0 : i32
      %dma_wait3A_58 = tpu.memref_slice %arg2[%add3A, %dma_wait3A_56, %dma_wait3A_57] : memref<32x250x40xi32, #tpu.memory_space<hbm>> -> memref<1x250x40xi32, #tpu.memory_space<hbm>>
      %dma_wait3A_59 = tpu.memref_squeeze %dma_wait3A_58 : memref<1x250x40xi32, #tpu.memory_space<hbm>> -> memref<250x40xi32, #tpu.memory_space<hbm>>
      tpu.wait_dma2 semaphore(%run_scoped3A_43 : memref<!tpu.dma_semaphore, #tpu.memory_space<semaphore_mem>>) src(%dma_wait3A_59 : memref<250x40xi32, #tpu.memory_space<hbm>>) dst(%arg6 : memref<250x40xi32, #tpu.memory_space<vmem>>)
      tpu.yield
    }) : () -> ()
    %barrier3A = arith.constant 0 : index
    tpu.barrier barrier_id(%barrier3A)
    %add3A_9 = arith.constant 0 : i32
    %add3A_10 = arith.addi %mul3A_2, %add3A_9 : i32
    %dma_start3A = arith.constant 0 : i32
    %dma_start3A_11 = tpu.memref_slice %arg3[%add3A_10, %dma_start3A] : memref<128000x128xf32, #tpu.memory_space<hbm>> -> memref<40x128xf32, #tpu.memory_space<hbm>>
    %dma_start3A_12 = arith.constant 0 : i32
    %dma_start3A_13 = tpu.memref_slice %arg3[%add3A_10, %dma_start3A_12] : memref<128000x128xf32, #tpu.memory_space<hbm>> -> memref<40x128xf32, #tpu.memory_space<hbm>>
    tpu.enqueue_dma source(%dma_start3A_13 : memref<40x128xf32, #tpu.memory_space<hbm>>) target(%arg7 : memref<40x128xf32, #tpu.memory_space<vmem>>) target_semaphore(%arg10 : memref<!tpu.dma_semaphore, #tpu.memory_space<semaphore_mem>>)
    %scan3A = arith.constant 0 : i32
    %scan3A_14 = arith.constant 0 : i32
    %scan3A_15 = arith.constant 49 : i32
    %scan3A_16 = arith.addi %scan3A_14, %scan3A_15 : i32
    %scan3A_17 = arith.constant 1 : i32
    scf.for %scan3A_43 = %scan3A_14 to %scan3A_16 step %scan3A_17  : i32 {
      %mul3A_44 = arith.constant 2 : i32
      %mul3A_45 = arith.muli %mul3A_44, %scan3A_43 : i32
      %add3A_46 = arith.constant 1 : i32
      %add3A_47 = arith.addi %mul3A_45, %add3A_46 : i32
      %mul3A_48 = arith.constant 40 : i32
      %mul3A_49 = arith.muli %add3A_47, %mul3A_48 : i32
      %add3A_50 = arith.addi %mul3A_2, %mul3A_49 : i32
      %dma_start3A_51 = arith.constant 0 : i32
      %dma_start3A_52 = tpu.memref_slice %arg3[%add3A_50, %dma_start3A_51] : memref<128000x128xf32, #tpu.memory_space<hbm>> -> memref<40x128xf32, #tpu.memory_space<hbm>>
      %dma_start3A_53 = arith.constant 0 : i32
      %dma_start3A_54 = tpu.memref_slice %arg3[%add3A_50, %dma_start3A_53] : memref<128000x128xf32, #tpu.memory_space<hbm>> -> memref<40x128xf32, #tpu.memory_space<hbm>>
      tpu.enqueue_dma source(%dma_start3A_54 : memref<40x128xf32, #tpu.memory_space<hbm>>) target(%arg8 : memref<40x128xf32, #tpu.memory_space<vmem>>) target_semaphore(%arg11 : memref<!tpu.dma_semaphore, #tpu.memory_space<semaphore_mem>>)
      %dma_wait3A_55 = arith.constant 0 : i32
      %dma_wait3A_56 = tpu.memref_slice %arg3[%mul3A_2, %dma_wait3A_55] : memref<128000x128xf32, #tpu.memory_space<hbm>> -> memref<40x128xf32, #tpu.memory_space<hbm>>
      %dma_wait3A_57 = arith.constant 0 : i32
      %dma_wait3A_58 = tpu.memref_slice %arg3[%mul3A_2, %dma_wait3A_57] : memref<128000x128xf32, #tpu.memory_space<hbm>> -> memref<40x128xf32, #tpu.memory_space<hbm>>
      tpu.wait_dma2 semaphore(%arg10 : memref<!tpu.dma_semaphore, #tpu.memory_space<semaphore_mem>>) src(%dma_wait3A_58 : memref<40x128xf32, #tpu.memory_space<hbm>>) dst(%arg7 : memref<40x128xf32, #tpu.memory_space<vmem>>)
      %add3A_59 = arith.constant 100 : i32
      %add3A_60 = arith.addi %add3A_59, %mul3A_45 : i32
      "tpu.region"() ({
        %run_scoped3A_78 = tpu.sem_alloc : memref<!tpu.dma_semaphore, #tpu.memory_space<semaphore_mem>>
        %dma_start3A_79 = arith.constant 0 : i32
        %dma_start3A_80 = tpu.memref_slice %arg6[%add3A_60, %dma_start3A_79] : memref<250x40xi32, #tpu.memory_space<vmem>> -> memref<1x40xi32, #tpu.memory_space<vmem>>
        %dma_start3A_81 = tpu.memref_squeeze %dma_start3A_80 : memref<1x40xi32, #tpu.memory_space<vmem>> -> memref<40xi32, #tpu.memory_space<vmem>>
        %dma_start3A_82 = arith.constant 0 : i32
        %dma_start3A_83 = arith.constant 0 : i32
        %dma_start3A_84 = tpu.memref_slice %arg9[%dma_start3A_82, %dma_start3A_83] : memref<10000x128xf32, #tpu.memory_space<vmem_shared>> -> memref<10000x128xf32, #tpu.memory_space<vmem_shared>>
        tpu.enqueue_indirect_dma source(%arg7 : memref<40x128xf32, #tpu.memory_space<vmem>>) target(%dma_start3A_84 : memref<10000x128xf32, #tpu.memory_space<vmem_shared>>) offsets(%dma_start3A_81 : memref<40xi32, #tpu.memory_space<vmem>>) semaphore(%run_scoped3A_78 : memref<!tpu.dma_semaphore, #tpu.memory_space<semaphore_mem>>) {add = true}
        %dma_wait3A_85 = arith.constant 0 : i32
        %dma_wait3A_86 = tpu.memref_slice %arg6[%add3A_60, %dma_wait3A_85] : memref<250x40xi32, #tpu.memory_space<vmem>> -> memref<1x40xi32, #tpu.memory_space<vmem>>
        %dma_wait3A_87 = tpu.memref_squeeze %dma_wait3A_86 : memref<1x40xi32, #tpu.memory_space<vmem>> -> memref<40xi32, #tpu.memory_space<vmem>>
        %dma_wait3A_88 = arith.constant 0 : i32
        %dma_wait3A_89 = arith.constant 0 : i32
        %dma_wait3A_90 = tpu.memref_slice %arg9[%dma_wait3A_88, %dma_wait3A_89] : memref<10000x128xf32, #tpu.memory_space<vmem_shared>> -> memref<10000x128xf32, #tpu.memory_space<vmem_shared>>
        tpu.wait_indirect_dma semaphore(%run_scoped3A_78 : memref<!tpu.dma_semaphore, #tpu.memory_space<semaphore_mem>>) src(%arg7 : memref<40x128xf32, #tpu.memory_space<vmem>>) dst(%dma_wait3A_90 : memref<10000x128xf32, #tpu.memory_space<vmem_shared>>)
        tpu.yield
      }) : () -> ()
      %add3A_61 = arith.constant 2 : i32
      %add3A_62 = arith.addi %mul3A_45, %add3A_61 : i32
      %mul3A_63 = arith.constant 40 : i32
      %mul3A_64 = arith.muli %add3A_62, %mul3A_63 : i32
      %add3A_65 = arith.addi %mul3A_2, %mul3A_64 : i32
      %dma_start3A_66 = arith.constant 0 : i32
      %dma_start3A_67 = tpu.memref_slice %arg3[%add3A_65, %dma_start3A_66] : memref<128000x128xf32, #tpu.memory_space<hbm>> -> memref<40x128xf32, #tpu.memory_space<hbm>>
      %dma_start3A_68 = arith.constant 0 : i32
      %dma_start3A_69 = tpu.memref_slice %arg3[%add3A_65, %dma_start3A_68] : memref<128000x128xf32, #tpu.memory_space<hbm>> -> memref<40x128xf32, #tpu.memory_space<hbm>>
      tpu.enqueue_dma source(%dma_start3A_69 : memref<40x128xf32, #tpu.memory_space<hbm>>) target(%arg7 : memref<40x128xf32, #tpu.memory_space<vmem>>) target_semaphore(%arg10 : memref<!tpu.dma_semaphore, #tpu.memory_space<semaphore_mem>>)
      %dma_wait3A_70 = arith.constant 0 : i32
      %dma_wait3A_71 = tpu.memref_slice %arg3[%mul3A_2, %dma_wait3A_70] : memref<128000x128xf32, #tpu.memory_space<hbm>> -> memref<40x128xf32, #tpu.memory_space<hbm>>
      %dma_wait3A_72 = arith.constant 0 : i32
      %dma_wait3A_73 = tpu.memref_slice %arg3[%mul3A_2, %dma_wait3A_72] : memref<128000x128xf32, #tpu.memory_space<hbm>> -> memref<40x128xf32, #tpu.memory_space<hbm>>
      tpu.wait_dma2 semaphore(%arg11 : memref<!tpu.dma_semaphore, #tpu.memory_space<semaphore_mem>>) src(%dma_wait3A_73 : memref<40x128xf32, #tpu.memory_space<hbm>>) dst(%arg8 : memref<40x128xf32, #tpu.memory_space<vmem>>)
      %add3A_74 = arith.constant 100 : i32
      %add3A_75 = arith.addi %add3A_74, %mul3A_45 : i32
      %add3A_76 = arith.constant 1 : i32
      %add3A_77 = arith.addi %add3A_75, %add3A_76 : i32
      "tpu.region"() ({
        %run_scoped3A_78 = tpu.sem_alloc : memref<!tpu.dma_semaphore, #tpu.memory_space<semaphore_mem>>
        %dma_start3A_79 = arith.constant 0 : i32
        %dma_start3A_80 = tpu.memref_slice %arg6[%add3A_77, %dma_start3A_79] : memref<250x40xi32, #tpu.memory_space<vmem>> -> memref<1x40xi32, #tpu.memory_space<vmem>>
        %dma_start3A_81 = tpu.memref_squeeze %dma_start3A_80 : memref<1x40xi32, #tpu.memory_space<vmem>> -> memref<40xi32, #tpu.memory_space<vmem>>
        %dma_start3A_82 = arith.constant 0 : i32
        %dma_start3A_83 = arith.constant 0 : i32
        %dma_start3A_84 = tpu.memref_slice %arg9[%dma_start3A_82, %dma_start3A_83] : memref<10000x128xf32, #tpu.memory_space<vmem_shared>> -> memref<10000x128xf32, #tpu.memory_space<vmem_shared>>
        tpu.enqueue_indirect_dma source(%arg8 : memref<40x128xf32, #tpu.memory_space<vmem>>) target(%dma_start3A_84 : memref<10000x128xf32, #tpu.memory_space<vmem_shared>>) offsets(%dma_start3A_81 : memref<40xi32, #tpu.memory_space<vmem>>) semaphore(%run_scoped3A_78 : memref<!tpu.dma_semaphore, #tpu.memory_space<semaphore_mem>>) {add = true}
        %dma_wait3A_85 = arith.constant 0 : i32
        %dma_wait3A_86 = tpu.memref_slice %arg6[%add3A_77, %dma_wait3A_85] : memref<250x40xi32, #tpu.memory_space<vmem>> -> memref<1x40xi32, #tpu.memory_space<vmem>>
        %dma_wait3A_87 = tpu.memref_squeeze %dma_wait3A_86 : memref<1x40xi32, #tpu.memory_space<vmem>> -> memref<40xi32, #tpu.memory_space<vmem>>
        %dma_wait3A_88 = arith.constant 0 : i32
        %dma_wait3A_89 = arith.constant 0 : i32
        %dma_wait3A_90 = tpu.memref_slice %arg9[%dma_wait3A_88, %dma_wait3A_89] : memref<10000x128xf32, #tpu.memory_space<vmem_shared>> -> memref<10000x128xf32, #tpu.memory_space<vmem_shared>>
        tpu.wait_indirect_dma semaphore(%run_scoped3A_78 : memref<!tpu.dma_semaphore, #tpu.memory_space<semaphore_mem>>) src(%arg8 : memref<40x128xf32, #tpu.memory_space<vmem>>) dst(%dma_wait3A_90 : memref<10000x128xf32, #tpu.memory_space<vmem_shared>>)
        tpu.yield
      }) : () -> ()
    }
    %scan3A_18 = arith.constant 49 : i32
    %add3A_19 = arith.constant 3960 : i32
    %add3A_20 = arith.addi %mul3A_2, %add3A_19 : i32
    %dma_start3A_21 = arith.constant 0 : i32
    %dma_start3A_22 = tpu.memref_slice %arg3[%add3A_20, %dma_start3A_21] : memref<128000x128xf32, #tpu.memory_space<hbm>> -> memref<40x128xf32, #tpu.memory_space<hbm>>
    %dma_start3A_23 = arith.constant 0 : i32
    %dma_start3A_24 = tpu.memref_slice %arg3[%add3A_20, %dma_start3A_23] : memref<128000x128xf32, #tpu.memory_space<hbm>> -> memref<40x128xf32, #tpu.memory_space<hbm>>
    tpu.enqueue_dma source(%dma_start3A_24 : memref<40x128xf32, #tpu.memory_space<hbm>>) target(%arg8 : memref<40x128xf32, #tpu.memory_space<vmem>>) target_semaphore(%arg11 : memref<!tpu.dma_semaphore, #tpu.memory_space<semaphore_mem>>)
    %dma_wait3A = arith.constant 0 : i32
    %dma_wait3A_25 = tpu.memref_slice %arg3[%mul3A_2, %dma_wait3A] : memref<128000x128xf32, #tpu.memory_space<hbm>> -> memref<40x128xf32, #tpu.memory_space<hbm>>
    %dma_wait3A_26 = arith.constant 0 : i32
    %dma_wait3A_27 = tpu.memref_slice %arg3[%mul3A_2, %dma_wait3A_26] : memref<128000x128xf32, #tpu.memory_space<hbm>> -> memref<40x128xf32, #tpu.memory_space<hbm>>
    tpu.wait_dma2 semaphore(%arg10 : memref<!tpu.dma_semaphore, #tpu.memory_space<semaphore_mem>>) src(%dma_wait3A_27 : memref<40x128xf32, #tpu.memory_space<hbm>>) dst(%arg7 : memref<40x128xf32, #tpu.memory_space<vmem>>)
    %run_scoped3A = arith.constant 198 : i32
    "tpu.region"() ({
      %run_scoped3A_43 = tpu.sem_alloc : memref<!tpu.dma_semaphore, #tpu.memory_space<semaphore_mem>>
      %dma_start3A_44 = arith.constant 0 : i32
      %dma_start3A_45 = tpu.memref_slice %arg6[%run_scoped3A, %dma_start3A_44] : memref<250x40xi32, #tpu.memory_space<vmem>> -> memref<1x40xi32, #tpu.memory_space<vmem>>
      %dma_start3A_46 = tpu.memref_squeeze %dma_start3A_45 : memref<1x40xi32, #tpu.memory_space<vmem>> -> memref<40xi32, #tpu.memory_space<vmem>>
      %dma_start3A_47 = arith.constant 0 : i32
      %dma_start3A_48 = arith.constant 0 : i32
      %dma_start3A_49 = tpu.memref_slice %arg9[%dma_start3A_47, %dma_start3A_48] : memref<10000x128xf32, #tpu.memory_space<vmem_shared>> -> memref<10000x128xf32, #tpu.memory_space<vmem_shared>>
      tpu.enqueue_indirect_dma source(%arg7 : memref<40x128xf32, #tpu.memory_space<vmem>>) target(%dma_start3A_49 : memref<10000x128xf32, #tpu.memory_space<vmem_shared>>) offsets(%dma_start3A_46 : memref<40xi32, #tpu.memory_space<vmem>>) semaphore(%run_scoped3A_43 : memref<!tpu.dma_semaphore, #tpu.memory_space<semaphore_mem>>) {add = true}
      %dma_wait3A_50 = arith.constant 0 : i32
      %dma_wait3A_51 = tpu.memref_slice %arg6[%run_scoped3A, %dma_wait3A_50] : memref<250x40xi32, #tpu.memory_space<vmem>> -> memref<1x40xi32, #tpu.memory_space<vmem>>
      %dma_wait3A_52 = tpu.memref_squeeze %dma_wait3A_51 : memref<1x40xi32, #tpu.memory_space<vmem>> -> memref<40xi32, #tpu.memory_space<vmem>>
      %dma_wait3A_53 = arith.constant 0 : i32
      %dma_wait3A_54 = arith.constant 0 : i32
      %dma_wait3A_55 = tpu.memref_slice %arg9[%dma_wait3A_53, %dma_wait3A_54] : memref<10000x128xf32, #tpu.memory_space<vmem_shared>> -> memref<10000x128xf32, #tpu.memory_space<vmem_shared>>
      tpu.wait_indirect_dma semaphore(%run_scoped3A_43 : memref<!tpu.dma_semaphore, #tpu.memory_space<semaphore_mem>>) src(%arg7 : memref<40x128xf32, #tpu.memory_space<vmem>>) dst(%dma_wait3A_55 : memref<10000x128xf32, #tpu.memory_space<vmem_shared>>)
      tpu.yield
    }) : () -> ()
    %dma_wait3A_28 = arith.constant 0 : i32
    %dma_wait3A_29 = tpu.memref_slice %arg3[%mul3A_2, %dma_wait3A_28] : memref<128000x128xf32, #tpu.memory_space<hbm>> -> memref<40x128xf32, #tpu.memory_space<hbm>>
    %dma_wait3A_30 = arith.constant 0 : i32
    %dma_wait3A_31 = tpu.memref_slice %arg3[%mul3A_2, %dma_wait3A_30] : memref<128000x128xf32, #tpu.memory_space<hbm>> -> memref<40x128xf32, #tpu.memory_space<hbm>>
    tpu.wait_dma2 semaphore(%arg11 : memref<!tpu.dma_semaphore, #tpu.memory_space<semaphore_mem>>) src(%dma_wait3A_31 : memref<40x128xf32, #tpu.memory_space<hbm>>) dst(%arg8 : memref<40x128xf32, #tpu.memory_space<vmem>>)
    %run_scoped3A_32 = arith.constant 199 : i32
    "tpu.region"() ({
      %run_scoped3A_43 = tpu.sem_alloc : memref<!tpu.dma_semaphore, #tpu.memory_space<semaphore_mem>>
      %dma_start3A_44 = arith.constant 0 : i32
      %dma_start3A_45 = tpu.memref_slice %arg6[%run_scoped3A_32, %dma_start3A_44] : memref<250x40xi32, #tpu.memory_space<vmem>> -> memref<1x40xi32, #tpu.memory_space<vmem>>
      %dma_start3A_46 = tpu.memref_squeeze %dma_start3A_45 : memref<1x40xi32, #tpu.memory_space<vmem>> -> memref<40xi32, #tpu.memory_space<vmem>>
      %dma_start3A_47 = arith.constant 0 : i32
      %dma_start3A_48 = arith.constant 0 : i32
      %dma_start3A_49 = tpu.memref_slice %arg9[%dma_start3A_47, %dma_start3A_48] : memref<10000x128xf32, #tpu.memory_space<vmem_shared>> -> memref<10000x128xf32, #tpu.memory_space<vmem_shared>>
      tpu.enqueue_indirect_dma source(%arg8 : memref<40x128xf32, #tpu.memory_space<vmem>>) target(%dma_start3A_49 : memref<10000x128xf32, #tpu.memory_space<vmem_shared>>) offsets(%dma_start3A_46 : memref<40xi32, #tpu.memory_space<vmem>>) semaphore(%run_scoped3A_43 : memref<!tpu.dma_semaphore, #tpu.memory_space<semaphore_mem>>) {add = true}
      %dma_wait3A_50 = arith.constant 0 : i32
      %dma_wait3A_51 = tpu.memref_slice %arg6[%run_scoped3A_32, %dma_wait3A_50] : memref<250x40xi32, #tpu.memory_space<vmem>> -> memref<1x40xi32, #tpu.memory_space<vmem>>
      %dma_wait3A_52 = tpu.memref_squeeze %dma_wait3A_51 : memref<1x40xi32, #tpu.memory_space<vmem>> -> memref<40xi32, #tpu.memory_space<vmem>>
      %dma_wait3A_53 = arith.constant 0 : i32
      %dma_wait3A_54 = arith.constant 0 : i32
      %dma_wait3A_55 = tpu.memref_slice %arg9[%dma_wait3A_53, %dma_wait3A_54] : memref<10000x128xf32, #tpu.memory_space<vmem_shared>> -> memref<10000x128xf32, #tpu.memory_space<vmem_shared>>
      tpu.wait_indirect_dma semaphore(%run_scoped3A_43 : memref<!tpu.dma_semaphore, #tpu.memory_space<semaphore_mem>>) src(%arg8 : memref<40x128xf32, #tpu.memory_space<vmem>>) dst(%dma_wait3A_55 : memref<10000x128xf32, #tpu.memory_space<vmem_shared>>)
      tpu.yield
    }) : () -> ()
    %barrier3A_33 = arith.constant 0 : index
    tpu.barrier barrier_id(%barrier3A_33)
    %mul3A_34 = arith.constant 624 : i32
    %mul3A_35 = arith.muli %arg1, %mul3A_34 : i32
    %mul3A_36 = arith.constant 624 : i32
    %mul3A_37 = arith.muli %arg1, %mul3A_36 : i32
    "tpu.region"() ({
      %run_scoped3A_43 = tpu.sem_alloc : memref<!tpu.dma_semaphore, #tpu.memory_space<semaphore_mem>>
      %dma_start3A_44 = arith.constant 0 : i32
      %dma_start3A_45 = tpu.memref_slice %arg5[%arg0, %mul3A_37, %dma_start3A_44] : memref<2x10000x128xf32, #tpu.memory_space<hbm>> -> memref<1x624x128xf32, #tpu.memory_space<hbm>>
      %dma_start3A_46 = tpu.memref_squeeze %dma_start3A_45 : memref<1x624x128xf32, #tpu.memory_space<hbm>> -> memref<624x128xf32, #tpu.memory_space<hbm>>
      %dma_start3A_47 = arith.constant 0 : i32
      %dma_start3A_48 = tpu.memref_slice %arg9[%mul3A_35, %dma_start3A_47] : memref<10000x128xf32, #tpu.memory_space<vmem_shared>> -> memref<624x128xf32, #tpu.memory_space<vmem_shared>>
      tpu.enqueue_dma source(%dma_start3A_48 : memref<624x128xf32, #tpu.memory_space<vmem_shared>>) target(%dma_start3A_46 : memref<624x128xf32, #tpu.memory_space<hbm>>) target_semaphore(%run_scoped3A_43 : memref<!tpu.dma_semaphore, #tpu.memory_space<semaphore_mem>>)
      %dma_wait3A_49 = arith.constant 0 : i32
      %dma_wait3A_50 = tpu.memref_slice %arg5[%arg0, %mul3A_37, %dma_wait3A_49] : memref<2x10000x128xf32, #tpu.memory_space<hbm>> -> memref<1x624x128xf32, #tpu.memory_space<hbm>>
      %dma_wait3A_51 = tpu.memref_squeeze %dma_wait3A_50 : memref<1x624x128xf32, #tpu.memory_space<hbm>> -> memref<624x128xf32, #tpu.memory_space<hbm>>
      %dma_wait3A_52 = arith.constant 0 : i32
      %dma_wait3A_53 = tpu.memref_slice %arg9[%mul3A_35, %dma_wait3A_52] : memref<10000x128xf32, #tpu.memory_space<vmem_shared>> -> memref<624x128xf32, #tpu.memory_space<vmem_shared>>
      tpu.wait_dma2 semaphore(%run_scoped3A_43 : memref<!tpu.dma_semaphore, #tpu.memory_space<semaphore_mem>>) src(%dma_wait3A_53 : memref<624x128xf32, #tpu.memory_space<vmem_shared>>) dst(%dma_wait3A_51 : memref<624x128xf32, #tpu.memory_space<hbm>>)
      tpu.yield
    }) : () -> ()
    %eq3A_38 = arith.constant 0 : i32
    %eq3A_39 = arith.cmpi eq, %arg1, %eq3A_38 : i32
    %convert_element_type3A_40 = arith.extui %eq3A_39 : i1 to i32
    %cond3A_41 = arith.constant 0 : i32
    %cond3A_42 = arith.cmpi ne, %convert_element_type3A_40, %cond3A_41 : i32
    scf.if %cond3A_42 {
      "tpu.region"() ({
        %run_scoped3A_43 = tpu.sem_alloc : memref<!tpu.dma_semaphore, #tpu.memory_space<semaphore_mem>>
        %dma_start3A_44 = arith.constant 9984 : i32
        %dma_start3A_45 = arith.constant 0 : i32
        %dma_start3A_46 = tpu.memref_slice %arg5[%arg0, %dma_start3A_44, %dma_start3A_45] : memref<2x10000x128xf32, #tpu.memory_space<hbm>> -> memref<1x16x128xf32, #tpu.memory_space<hbm>>
        %dma_start3A_47 = tpu.memref_squeeze %dma_start3A_46 : memref<1x16x128xf32, #tpu.memory_space<hbm>> -> memref<16x128xf32, #tpu.memory_space<hbm>>
        %dma_start3A_48 = arith.constant 9984 : i32
        %dma_start3A_49 = arith.constant 0 : i32
        %dma_start3A_50 = tpu.memref_slice %arg9[%dma_start3A_48, %dma_start3A_49] : memref<10000x128xf32, #tpu.memory_space<vmem_shared>> -> memref<16x128xf32, #tpu.memory_space<vmem_shared>>
        tpu.enqueue_dma source(%dma_start3A_50 : memref<16x128xf32, #tpu.memory_space<vmem_shared>>) target(%dma_start3A_47 : memref<16x128xf32, #tpu.memory_space<hbm>>) target_semaphore(%run_scoped3A_43 : memref<!tpu.dma_semaphore, #tpu.memory_space<semaphore_mem>>)
        %dma_wait3A_51 = arith.constant 9984 : i32
        %dma_wait3A_52 = arith.constant 0 : i32
        %dma_wait3A_53 = tpu.memref_slice %arg5[%arg0, %dma_wait3A_51, %dma_wait3A_52] : memref<2x10000x128xf32, #tpu.memory_space<hbm>> -> memref<1x16x128xf32, #tpu.memory_space<hbm>>
        %dma_wait3A_54 = tpu.memref_squeeze %dma_wait3A_53 : memref<1x16x128xf32, #tpu.memory_space<hbm>> -> memref<16x128xf32, #tpu.memory_space<hbm>>
        %dma_wait3A_55 = arith.constant 9984 : i32
        %dma_wait3A_56 = arith.constant 0 : i32
        %dma_wait3A_57 = tpu.memref_slice %arg9[%dma_wait3A_55, %dma_wait3A_56] : memref<10000x128xf32, #tpu.memory_space<vmem_shared>> -> memref<16x128xf32, #tpu.memory_space<vmem_shared>>
        tpu.wait_dma2 semaphore(%run_scoped3A_43 : memref<!tpu.dma_semaphore, #tpu.memory_space<semaphore_mem>>) src(%dma_wait3A_57 : memref<16x128xf32, #tpu.memory_space<vmem_shared>>) dst(%dma_wait3A_54 : memref<16x128xf32, #tpu.memory_space<hbm>>)
        tpu.yield
      }) : () -> ()
    } else {
    }
    return
  }
}

module attributes {stable_mosaic.version = 14 : i64} {
  func.func @body(%arg0: memref<10000x128xf32, #tpu.memory_space<vmem>>, %arg1: memref<10000x2xf32, #tpu.memory_space<vmem>>, %arg2: memref<2x128xf32, #tpu.memory_space<vmem>>, %arg3: memref<1x128xf32, #tpu.memory_space<vmem>>, %arg4: memref<128x128xf32, #tpu.memory_space<vmem>>, %arg5: memref<128x128xf32, #tpu.memory_space<vmem>>, %arg6: memref<128x128xf32, #tpu.memory_space<vmem>>, %arg7: memref<128x128xf32, #tpu.memory_space<vmem>>, %arg8: memref<1x128xf32, #tpu.memory_space<vmem>>, %arg9: memref<1x128xf32, #tpu.memory_space<vmem>>, %arg10: memref<10000x128xf32, #tpu.memory_space<vmem>>, %arg11: memref<10000x128xf32, #tpu.memory_space<vmem>>, %arg12: memref<10000x128xf32, #tpu.memory_space<vmem>>, %arg13: memref<10000x128xf32, #tpu.memory_space<vmem>>, %arg14: memref<10000x128xf32, #tpu.memory_space<vmem>>) attributes {dimension_semantics = [], scalar_prefetch = 0 : i64, scratch_operands = 0 : i64, tpu.core_type = #tpu.core_type<tc>} {
    %get3A = arith.constant 0 : index
    %get3A_0 = arith.constant 0 : index
    %get3A_1 = vector.load %arg0[%get3A, %get3A_0] : memref<10000x128xf32, #tpu.memory_space<vmem>>, vector<10000x128xf32>
    %get3A_2 = arith.constant 0 : index
    %get3A_3 = arith.constant 0 : index
    %get3A_4 = vector.load %arg4[%get3A_2, %get3A_3] : memref<128x128xf32, #tpu.memory_space<vmem>>, vector<128x128xf32>
    %dot_general3A = arith.constant dense<0.000000e+00> : vector<10000x128xf32>
    %dot_general3A_5 = tpu.matmul %get3A_1, %get3A_4, %dot_general3A {dimension_numbers = #tpu.dot_dimension_numbers<[1], [0], [0], [1], [0, 0, 1, 1], [], []>, transpose_lhs_hint = false} : vector<10000x128xf32>, vector<128x128xf32>, vector<10000x128xf32> -> vector<10000x128xf32>
    %get3A_6 = arith.constant 0 : index
    %get3A_7 = arith.constant 0 : index
    %get3A_8 = vector.load %arg8[%get3A_6, %get3A_7] : memref<1x128xf32, #tpu.memory_space<vmem>>, vector<1x128xf32>
    %get3A_9 = arith.constant 0 : index
    %get3A_10 = arith.constant 0 : index
    %get3A_11 = vector.load %arg9[%get3A_9, %get3A_10] : memref<1x128xf32, #tpu.memory_space<vmem>>, vector<1x128xf32>
    %reduce_sum3A = arith.constant dense<0.000000e+00> : vector<10000xf32>
    %reduce_sum3A_12 = vector.multi_reduction <add>, %dot_general3A_5, %reduce_sum3A [1] : vector<10000x128xf32> to vector<10000xf32>
    %broadcast_in_dim3A = vector.shape_cast %reduce_sum3A_12 : vector<10000xf32> to vector<10000x1xf32>
    %div3A = arith.constant 1.280000e+02 : f32
    %div3A_13 = vector.broadcast %div3A : f32 to vector<10000x1xf32>
    %div3A_14 = arith.divf %broadcast_in_dim3A, %div3A_13 : vector<10000x1xf32>
    %sub3A = vector.broadcast %div3A_14 : vector<10000x1xf32> to vector<10000x128xf32>
    %sub3A_15 = arith.subf %dot_general3A_5, %sub3A : vector<10000x128xf32>
    %integer_pow3A = arith.mulf %sub3A_15, %sub3A_15 : vector<10000x128xf32>
    %reduce_sum3A_16 = arith.constant dense<0.000000e+00> : vector<10000xf32>
    %reduce_sum3A_17 = vector.multi_reduction <add>, %integer_pow3A, %reduce_sum3A_16 [1] : vector<10000x128xf32> to vector<10000xf32>
    %broadcast_in_dim3A_18 = vector.shape_cast %reduce_sum3A_17 : vector<10000xf32> to vector<10000x1xf32>
    %div3A_19 = arith.constant 1.280000e+02 : f32
    %div3A_20 = vector.broadcast %div3A_19 : f32 to vector<10000x1xf32>
    %div3A_21 = arith.divf %broadcast_in_dim3A_18, %div3A_20 : vector<10000x1xf32>
    %sub3A_22 = vector.broadcast %div3A_14 : vector<10000x1xf32> to vector<10000x128xf32>
    %sub3A_23 = arith.subf %dot_general3A_5, %sub3A_22 : vector<10000x128xf32>
    %add3A = arith.constant 9.99999974E-6 : f32
    %add3A_24 = vector.broadcast %add3A : f32 to vector<10000x1xf32>
    %add3A_25 = arith.addf %div3A_21, %add3A_24 : vector<10000x1xf32>
    %rsqrt3A = math.rsqrt %add3A_25 : vector<10000x1xf32>
    %mul3A = vector.broadcast %rsqrt3A : vector<10000x1xf32> to vector<10000x128xf32>
    %mul3A_26 = arith.mulf %sub3A_23, %mul3A : vector<10000x128xf32>
    %mul3A_27 = vector.broadcast %get3A_8 : vector<1x128xf32> to vector<10000x128xf32>
    %mul3A_28 = arith.mulf %mul3A_26, %mul3A_27 : vector<10000x128xf32>
    %add3A_29 = vector.broadcast %get3A_11 : vector<1x128xf32> to vector<10000x128xf32>
    %add3A_30 = arith.addf %mul3A_28, %add3A_29 : vector<10000x128xf32>
    %max3A = arith.constant 0.000000e+00 : f32
    %max3A_31 = vector.broadcast %max3A : f32 to vector<10000x128xf32>
    %max3A_32 = arith.maximumf %add3A_30, %max3A_31 : vector<10000x128xf32>
    %get3A_33 = arith.constant 0 : index
    %get3A_34 = arith.constant 0 : index
    %get3A_35 = vector.load %arg5[%get3A_33, %get3A_34] : memref<128x128xf32, #tpu.memory_space<vmem>>, vector<128x128xf32>
    %dot_general3A_36 = arith.constant dense<0.000000e+00> : vector<10000x128xf32>
    %dot_general3A_37 = tpu.matmul %max3A_32, %get3A_35, %dot_general3A_36 {dimension_numbers = #tpu.dot_dimension_numbers<[1], [0], [0], [1], [0, 0, 1, 1], [], []>, transpose_lhs_hint = false} : vector<10000x128xf32>, vector<128x128xf32>, vector<10000x128xf32> -> vector<10000x128xf32>
    %swap3A = arith.constant 0 : index
    %swap3A_38 = arith.constant 0 : index
    %swap3A_39 = vector.load %arg10[%swap3A, %swap3A_38] : memref<10000x128xf32, #tpu.memory_space<vmem>>, vector<10000x128xf32>
    tpu.vector_store %arg10[%swap3A, %swap3A_38], %dot_general3A_37 {strides = array<i32>} : memref<10000x128xf32, #tpu.memory_space<vmem>>, vector<10000x128xf32>,
    %get3A_40 = arith.constant 0 : index
    %get3A_41 = arith.constant 0 : index
    %get3A_42 = vector.load %arg6[%get3A_40, %get3A_41] : memref<128x128xf32, #tpu.memory_space<vmem>>, vector<128x128xf32>
    %dot_general3A_43 = arith.constant dense<0.000000e+00> : vector<10000x128xf32>
    %dot_general3A_44 = tpu.matmul %get3A_1, %get3A_42, %dot_general3A_43 {dimension_numbers = #tpu.dot_dimension_numbers<[1], [0], [0], [1], [0, 0, 1, 1], [], []>, transpose_lhs_hint = false} : vector<10000x128xf32>, vector<128x128xf32>, vector<10000x128xf32> -> vector<10000x128xf32>
    %swap3A_45 = arith.constant 0 : index
    %swap3A_46 = arith.constant 0 : index
    %swap3A_47 = vector.load %arg11[%swap3A_45, %swap3A_46] : memref<10000x128xf32, #tpu.memory_space<vmem>>, vector<10000x128xf32>
    tpu.vector_store %arg11[%swap3A_45, %swap3A_46], %dot_general3A_44 {strides = array<i32>} : memref<10000x128xf32, #tpu.memory_space<vmem>>, vector<10000x128xf32>,
    %get3A_48 = arith.constant 0 : index
    %get3A_49 = arith.constant 0 : index
    %get3A_50 = vector.load %arg1[%get3A_48, %get3A_49] : memref<10000x2xf32, #tpu.memory_space<vmem>>, vector<10000x2xf32>
    %get3A_51 = arith.constant 0 : index
    %get3A_52 = arith.constant 0 : index
    %get3A_53 = vector.load %arg2[%get3A_51, %get3A_52] : memref<2x128xf32, #tpu.memory_space<vmem>>, vector<2x128xf32>
    %dot_general3A_54 = arith.constant dense<0.000000e+00> : vector<10000x128xf32>
    %dot_general3A_55 = tpu.matmul %get3A_50, %get3A_53, %dot_general3A_54 {dimension_numbers = #tpu.dot_dimension_numbers<[1], [0], [0], [1], [0, 0, 1, 1], [], []>, transpose_lhs_hint = false} : vector<10000x2xf32>, vector<2x128xf32>, vector<10000x128xf32> -> vector<10000x128xf32>
    %swap3A_56 = arith.constant 0 : index
    %swap3A_57 = arith.constant 0 : index
    %swap3A_58 = vector.load %arg12[%swap3A_56, %swap3A_57] : memref<10000x128xf32, #tpu.memory_space<vmem>>, vector<10000x128xf32>
    tpu.vector_store %arg12[%swap3A_56, %swap3A_57], %dot_general3A_55 {strides = array<i32>} : memref<10000x128xf32, #tpu.memory_space<vmem>>, vector<10000x128xf32>,
    %get3A_59 = arith.constant 0 : index
    %get3A_60 = arith.constant 0 : index
    %get3A_61 = vector.load %arg3[%get3A_59, %get3A_60] : memref<1x128xf32, #tpu.memory_space<vmem>>, vector<1x128xf32>
    %sub3A_62 = vector.broadcast %get3A_61 : vector<1x128xf32> to vector<10000x128xf32>
    %sub3A_63 = arith.subf %sub3A_62, %dot_general3A_55 : vector<10000x128xf32>
    %swap3A_64 = arith.constant 0 : index
    %swap3A_65 = arith.constant 0 : index
    %swap3A_66 = vector.load %arg13[%swap3A_64, %swap3A_65] : memref<10000x128xf32, #tpu.memory_space<vmem>>, vector<10000x128xf32>
    tpu.vector_store %arg13[%swap3A_64, %swap3A_65], %sub3A_63 {strides = array<i32>} : memref<10000x128xf32, #tpu.memory_space<vmem>>, vector<10000x128xf32>,
    %get3A_67 = arith.constant 0 : index
    %get3A_68 = arith.constant 0 : index
    %get3A_69 = vector.load %arg7[%get3A_67, %get3A_68] : memref<128x128xf32, #tpu.memory_space<vmem>>, vector<128x128xf32>
    %dot_general3A_70 = arith.constant dense<0.000000e+00> : vector<10000x128xf32>
    %dot_general3A_71 = tpu.matmul %get3A_1, %get3A_69, %dot_general3A_70 {dimension_numbers = #tpu.dot_dimension_numbers<[1], [0], [0], [1], [0, 0, 1, 1], [], []>, transpose_lhs_hint = false} : vector<10000x128xf32>, vector<128x128xf32>, vector<10000x128xf32> -> vector<10000x128xf32>
    %swap3A_72 = arith.constant 0 : index
    %swap3A_73 = arith.constant 0 : index
    %swap3A_74 = vector.load %arg14[%swap3A_72, %swap3A_73] : memref<10000x128xf32, #tpu.memory_space<vmem>>, vector<10000x128xf32>
    tpu.vector_store %arg14[%swap3A_72, %swap3A_73], %dot_general3A_71 {strides = array<i32>} : memref<10000x128xf32, #tpu.memory_space<vmem>>, vector<10000x128xf32>,
    return
  }
}

module attributes {stable_mosaic.version = 14 : i64} {
  func.func @body(%arg0: i32, %arg1: memref<2560x128xf32, #tpu.memory_space<vmem>>, %arg2: memref<2560x128xf32, #tpu.memory_space<vmem>>, %arg3: memref<128x128xf32, #tpu.memory_space<vmem>>, %arg4: memref<1x128xf32, #tpu.memory_space<vmem>>, %arg5: memref<1x128xf32, #tpu.memory_space<vmem>>, %arg6: memref<128x128xf32, #tpu.memory_space<vmem>>, %arg7: memref<1x128xf32, #tpu.memory_space<vmem>>, %arg8: memref<1x128xf32, #tpu.memory_space<vmem>>, %arg9: memref<2560x128xf32, #tpu.memory_space<vmem>>) attributes {dimension_semantics = [#tpu.dimension_semantics<arbitrary>], iteration_bounds = array<i64: 50>, scalar_prefetch = 0 : i64, scratch_operands = 0 : i64, tpu.core_type = #tpu.core_type<tc>, window_params = [{transform_indices = @transform_0, window_bounds = array<i64: 2560, 128>}, {transform_indices = @transform_1, window_bounds = array<i64: 2560, 128>}, {pipeline_mode = #tpu.pipeline_mode<synchronous>, transform_indices = @transform_2, window_bounds = array<i64: 128, 128>}, {pipeline_mode = #tpu.pipeline_mode<synchronous>, transform_indices = @transform_3, window_bounds = array<i64: 1, 128>}, {pipeline_mode = #tpu.pipeline_mode<synchronous>, transform_indices = @transform_4, window_bounds = array<i64: 1, 128>}, {pipeline_mode = #tpu.pipeline_mode<synchronous>, transform_indices = @transform_5, window_bounds = array<i64: 128, 128>}, {pipeline_mode = #tpu.pipeline_mode<synchronous>, transform_indices = @transform_6, window_bounds = array<i64: 1, 128>}, {pipeline_mode = #tpu.pipeline_mode<synchronous>, transform_indices = @transform_7, window_bounds = array<i64: 1, 128>}, {transform_indices = @transform_8, window_bounds = array<i64: 2560, 128>}]} {
    %get3A = arith.constant 0 : index
    %get3A_0 = arith.constant 0 : index
    %get3A_1 = vector.load %arg2[%get3A, %get3A_0] : memref<2560x128xf32, #tpu.memory_space<vmem>>, vector<2560x128xf32>
    %max3A = arith.constant 0.000000e+00 : f32
    %max3A_2 = vector.broadcast %max3A : f32 to vector<2560x128xf32>
    %max3A_3 = arith.maximumf %get3A_1, %max3A_2 : vector<2560x128xf32>
    %convert_element_type3A = arith.truncf %max3A_3 : vector<2560x128xf32> to vector<2560x128xbf16>
    %get3A_4 = arith.constant 0 : index
    %get3A_5 = arith.constant 0 : index
    %get3A_6 = vector.load %arg3[%get3A_4, %get3A_5] : memref<128x128xf32, #tpu.memory_space<vmem>>, vector<128x128xf32>
    %convert_element_type3A_7 = arith.truncf %get3A_6 : vector<128x128xf32> to vector<128x128xbf16>
    %dot_general3A = arith.constant dense<0.000000e+00> : vector<2560x128xf32>
    %dot_general3A_8 = tpu.matmul %convert_element_type3A, %convert_element_type3A_7, %dot_general3A {dimension_numbers = #tpu.dot_dimension_numbers<[1], [0], [0], [1], [0, 0, 1, 1], [], []>, transpose_lhs_hint = false} : vector<2560x128xbf16>, vector<128x128xbf16>, vector<2560x128xf32> -> vector<2560x128xf32>
    %get3A_9 = arith.constant 0 : index
    %get3A_10 = arith.constant 0 : index
    %get3A_11 = vector.load %arg4[%get3A_9, %get3A_10] : memref<1x128xf32, #tpu.memory_space<vmem>>, vector<1x128xf32>
    %get3A_12 = arith.constant 0 : index
    %get3A_13 = arith.constant 0 : index
    %get3A_14 = vector.load %arg5[%get3A_12, %get3A_13] : memref<1x128xf32, #tpu.memory_space<vmem>>, vector<1x128xf32>
    %reduce_sum3A = arith.constant dense<0.000000e+00> : vector<2560xf32>
    %reduce_sum3A_15 = vector.multi_reduction <add>, %dot_general3A_8, %reduce_sum3A [1] : vector<2560x128xf32> to vector<2560xf32>
    %broadcast_in_dim3A = vector.shape_cast %reduce_sum3A_15 : vector<2560xf32> to vector<2560x1xf32>
    %div3A = arith.constant 1.280000e+02 : f32
    %div3A_16 = vector.broadcast %div3A : f32 to vector<2560x1xf32>
    %div3A_17 = arith.divf %broadcast_in_dim3A, %div3A_16 : vector<2560x1xf32>
    %sub3A = vector.broadcast %div3A_17 : vector<2560x1xf32> to vector<2560x128xf32>
    %sub3A_18 = arith.subf %dot_general3A_8, %sub3A : vector<2560x128xf32>
    %integer_pow3A = arith.mulf %sub3A_18, %sub3A_18 : vector<2560x128xf32>
    %reduce_sum3A_19 = arith.constant dense<0.000000e+00> : vector<2560xf32>
    %reduce_sum3A_20 = vector.multi_reduction <add>, %integer_pow3A, %reduce_sum3A_19 [1] : vector<2560x128xf32> to vector<2560xf32>
    %broadcast_in_dim3A_21 = vector.shape_cast %reduce_sum3A_20 : vector<2560xf32> to vector<2560x1xf32>
    %div3A_22 = arith.constant 1.280000e+02 : f32
    %div3A_23 = vector.broadcast %div3A_22 : f32 to vector<2560x1xf32>
    %div3A_24 = arith.divf %broadcast_in_dim3A_21, %div3A_23 : vector<2560x1xf32>
    %sub3A_25 = vector.broadcast %div3A_17 : vector<2560x1xf32> to vector<2560x128xf32>
    %sub3A_26 = arith.subf %dot_general3A_8, %sub3A_25 : vector<2560x128xf32>
    %add3A = arith.constant 9.99999974E-6 : f32
    %add3A_27 = vector.broadcast %add3A : f32 to vector<2560x1xf32>
    %add3A_28 = arith.addf %div3A_24, %add3A_27 : vector<2560x1xf32>
    %rsqrt3A = math.rsqrt %add3A_28 : vector<2560x1xf32>
    %mul3A = vector.broadcast %rsqrt3A : vector<2560x1xf32> to vector<2560x128xf32>
    %mul3A_29 = arith.mulf %sub3A_26, %mul3A : vector<2560x128xf32>
    %mul3A_30 = vector.broadcast %get3A_11 : vector<1x128xf32> to vector<2560x128xf32>
    %mul3A_31 = arith.mulf %mul3A_29, %mul3A_30 : vector<2560x128xf32>
    %add3A_32 = vector.broadcast %get3A_14 : vector<1x128xf32> to vector<2560x128xf32>
    %add3A_33 = arith.addf %mul3A_31, %add3A_32 : vector<2560x128xf32>
    %max3A_34 = arith.constant 0.000000e+00 : f32
    %max3A_35 = vector.broadcast %max3A_34 : f32 to vector<2560x128xf32>
    %max3A_36 = arith.maximumf %add3A_33, %max3A_35 : vector<2560x128xf32>
    %convert_element_type3A_37 = arith.truncf %max3A_36 : vector<2560x128xf32> to vector<2560x128xbf16>
    %get3A_38 = arith.constant 0 : index
    %get3A_39 = arith.constant 0 : index
    %get3A_40 = vector.load %arg6[%get3A_38, %get3A_39] : memref<128x128xf32, #tpu.memory_space<vmem>>, vector<128x128xf32>
    %convert_element_type3A_41 = arith.truncf %get3A_40 : vector<128x128xf32> to vector<128x128xbf16>
    %dot_general3A_42 = arith.constant dense<0.000000e+00> : vector<2560x128xf32>
    %dot_general3A_43 = tpu.matmul %convert_element_type3A_37, %convert_element_type3A_41, %dot_general3A_42 {dimension_numbers = #tpu.dot_dimension_numbers<[1], [0], [0], [1], [0, 0, 1, 1], [], []>, transpose_lhs_hint = false} : vector<2560x128xbf16>, vector<128x128xbf16>, vector<2560x128xf32> -> vector<2560x128xf32>
    %get3A_44 = arith.constant 0 : index
    %get3A_45 = arith.constant 0 : index
    %get3A_46 = vector.load %arg1[%get3A_44, %get3A_45] : memref<2560x128xf32, #tpu.memory_space<vmem>>, vector<2560x128xf32>
    %add3A_47 = arith.addf %dot_general3A_43, %get3A_46 : vector<2560x128xf32>
    %get3A_48 = arith.constant 0 : index
    %get3A_49 = arith.constant 0 : index
    %get3A_50 = vector.load %arg7[%get3A_48, %get3A_49] : memref<1x128xf32, #tpu.memory_space<vmem>>, vector<1x128xf32>
    %get3A_51 = arith.constant 0 : index
    %get3A_52 = arith.constant 0 : index
    %get3A_53 = vector.load %arg8[%get3A_51, %get3A_52] : memref<1x128xf32, #tpu.memory_space<vmem>>, vector<1x128xf32>
    %reduce_sum3A_54 = arith.constant dense<0.000000e+00> : vector<2560xf32>
    %reduce_sum3A_55 = vector.multi_reduction <add>, %add3A_47, %reduce_sum3A_54 [1] : vector<2560x128xf32> to vector<2560xf32>
    %broadcast_in_dim3A_56 = vector.shape_cast %reduce_sum3A_55 : vector<2560xf32> to vector<2560x1xf32>
    %div3A_57 = arith.constant 1.280000e+02 : f32
    %div3A_58 = vector.broadcast %div3A_57 : f32 to vector<2560x1xf32>
    %div3A_59 = arith.divf %broadcast_in_dim3A_56, %div3A_58 : vector<2560x1xf32>
    %sub3A_60 = vector.broadcast %div3A_59 : vector<2560x1xf32> to vector<2560x128xf32>
    %sub3A_61 = arith.subf %add3A_47, %sub3A_60 : vector<2560x128xf32>
    %integer_pow3A_62 = arith.mulf %sub3A_61, %sub3A_61 : vector<2560x128xf32>
    %reduce_sum3A_63 = arith.constant dense<0.000000e+00> : vector<2560xf32>
    %reduce_sum3A_64 = vector.multi_reduction <add>, %integer_pow3A_62, %reduce_sum3A_63 [1] : vector<2560x128xf32> to vector<2560xf32>
    %broadcast_in_dim3A_65 = vector.shape_cast %reduce_sum3A_64 : vector<2560xf32> to vector<2560x1xf32>
    %div3A_66 = arith.constant 1.280000e+02 : f32
    %div3A_67 = vector.broadcast %div3A_66 : f32 to vector<2560x1xf32>
    %div3A_68 = arith.divf %broadcast_in_dim3A_65, %div3A_67 : vector<2560x1xf32>
    %sub3A_69 = vector.broadcast %div3A_59 : vector<2560x1xf32> to vector<2560x128xf32>
    %sub3A_70 = arith.subf %add3A_47, %sub3A_69 : vector<2560x128xf32>
    %add3A_71 = arith.constant 9.99999974E-6 : f32
    %add3A_72 = vector.broadcast %add3A_71 : f32 to vector<2560x1xf32>
    %add3A_73 = arith.addf %div3A_68, %add3A_72 : vector<2560x1xf32>
    %rsqrt3A_74 = math.rsqrt %add3A_73 : vector<2560x1xf32>
    %mul3A_75 = vector.broadcast %rsqrt3A_74 : vector<2560x1xf32> to vector<2560x128xf32>
    %mul3A_76 = arith.mulf %sub3A_70, %mul3A_75 : vector<2560x128xf32>
    %mul3A_77 = vector.broadcast %get3A_50 : vector<1x128xf32> to vector<2560x128xf32>
    %mul3A_78 = arith.mulf %mul3A_76, %mul3A_77 : vector<2560x128xf32>
    %add3A_79 = vector.broadcast %get3A_53 : vector<1x128xf32> to vector<2560x128xf32>
    %add3A_80 = arith.addf %mul3A_78, %add3A_79 : vector<2560x128xf32>
    %max3A_81 = arith.constant 0.000000e+00 : f32
    %max3A_82 = vector.broadcast %max3A_81 : f32 to vector<2560x128xf32>
    %max3A_83 = arith.maximumf %add3A_80, %max3A_82 : vector<2560x128xf32>
    %swap3A = arith.constant 0 : index
    %swap3A_84 = arith.constant 0 : index
    %swap3A_85 = vector.load %arg9[%swap3A, %swap3A_84] : memref<2560x128xf32, #tpu.memory_space<vmem>>, vector<2560x128xf32>
    tpu.vector_store %arg9[%swap3A, %swap3A_84], %max3A_83 {strides = array<i32>} : memref<2560x128xf32, #tpu.memory_space<vmem>>, vector<2560x128xf32>,
    return
  }
  func.func @transform_0(%arg0: i32) -> (i32, i32) {
    %c0_i32 = arith.constant 0 : i32
    %c0_i32_0 = arith.constant 0 : i32
    return %arg0, %c0_i32 : i32, i32
  }
  func.func @transform_1(%arg0: i32) -> (i32, i32) {
    %c0_i32 = arith.constant 0 : i32
    %c0_i32_0 = arith.constant 0 : i32
    return %arg0, %c0_i32 : i32, i32
  }
  func.func @transform_2(%arg0: i32) -> (i32, i32) {
    %c0_i32 = arith.constant 0 : i32
    %c0_i32_0 = arith.constant 0 : i32
    %c0_i32_1 = arith.constant 0 : i32
    return %c0_i32, %c0_i32_0 : i32, i32
  }
  func.func @transform_3(%arg0: i32) -> (i32, i32) {
    %c0_i32 = arith.constant 0 : i32
    %c0_i32_0 = arith.constant 0 : i32
    %c0_i32_1 = arith.constant 0 : i32
    return %c0_i32, %c0_i32_0 : i32, i32
  }
  func.func @transform_4(%arg0: i32) -> (i32, i32) {
    %c0_i32 = arith.constant 0 : i32
    %c0_i32_0 = arith.constant 0 : i32
    %c0_i32_1 = arith.constant 0 : i32
    return %c0_i32, %c0_i32_0 : i32, i32
  }
  func.func @transform_5(%arg0: i32) -> (i32, i32) {
    %c0_i32 = arith.constant 0 : i32
    %c0_i32_0 = arith.constant 0 : i32
    %c0_i32_1 = arith.constant 0 : i32
    return %c0_i32, %c0_i32_0 : i32, i32
  }
  func.func @transform_6(%arg0: i32) -> (i32, i32) {
    %c0_i32 = arith.constant 0 : i32
    %c0_i32_0 = arith.constant 0 : i32
    %c0_i32_1 = arith.constant 0 : i32
    return %c0_i32, %c0_i32_0 : i32, i32
  }
  func.func @transform_7(%arg0: i32) -> (i32, i32) {
    %c0_i32 = arith.constant 0 : i32
    %c0_i32_0 = arith.constant 0 : i32
    %c0_i32_1 = arith.constant 0 : i32
    return %c0_i32, %c0_i32_0 : i32, i32
  }
  func.func @transform_8(%arg0: i32) -> (i32, i32) {
    %c0_i32 = arith.constant 0 : i32
    %c0_i32_0 = arith.constant 0 : i32
    return %arg0, %c0_i32 : i32, i32
  }
}

module attributes {stable_mosaic.version = 14 : i64} {
  func.func @body(%arg0: i32, %arg1: memref<2560x128xf32, #tpu.memory_space<vmem>>, %arg2: memref<2560x128xf32, #tpu.memory_space<vmem>>, %arg3: memref<128x128xf32, #tpu.memory_space<vmem>>, %arg4: memref<1x128xf32, #tpu.memory_space<vmem>>, %arg5: memref<1x128xf32, #tpu.memory_space<vmem>>, %arg6: memref<128x128xf32, #tpu.memory_space<vmem>>, %arg7: memref<1x128xf32, #tpu.memory_space<vmem>>, %arg8: memref<1x128xf32, #tpu.memory_space<vmem>>, %arg9: memref<2560x128xf32, #tpu.memory_space<vmem>>) attributes {dimension_semantics = [#tpu.dimension_semantics<arbitrary>], iteration_bounds = array<i64: 25>, scalar_prefetch = 0 : i64, scratch_operands = 0 : i64, tpu.core_type = #tpu.core_type<tc>, window_params = [{transform_indices = @transform_0, window_bounds = array<i64: 2560, 128>}, {transform_indices = @transform_1, window_bounds = array<i64: 2560, 128>}, {pipeline_mode = #tpu.pipeline_mode<synchronous>, transform_indices = @transform_2, window_bounds = array<i64: 128, 128>}, {pipeline_mode = #tpu.pipeline_mode<synchronous>, transform_indices = @transform_3, window_bounds = array<i64: 1, 128>}, {pipeline_mode = #tpu.pipeline_mode<synchronous>, transform_indices = @transform_4, window_bounds = array<i64: 1, 128>}, {pipeline_mode = #tpu.pipeline_mode<synchronous>, transform_indices = @transform_5, window_bounds = array<i64: 128, 128>}, {pipeline_mode = #tpu.pipeline_mode<synchronous>, transform_indices = @transform_6, window_bounds = array<i64: 1, 128>}, {pipeline_mode = #tpu.pipeline_mode<synchronous>, transform_indices = @transform_7, window_bounds = array<i64: 1, 128>}, {transform_indices = @transform_8, window_bounds = array<i64: 2560, 128>}]} {
    %get3A = arith.constant 0 : index
    %get3A_0 = arith.constant 0 : index
    %get3A_1 = vector.load %arg2[%get3A, %get3A_0] : memref<2560x128xf32, #tpu.memory_space<vmem>>, vector<2560x128xf32>
    %max3A = arith.constant 0.000000e+00 : f32
    %max3A_2 = vector.broadcast %max3A : f32 to vector<2560x128xf32>
    %max3A_3 = arith.maximumf %get3A_1, %max3A_2 : vector<2560x128xf32>
    %convert_element_type3A = arith.truncf %max3A_3 : vector<2560x128xf32> to vector<2560x128xbf16>
    %get3A_4 = arith.constant 0 : index
    %get3A_5 = arith.constant 0 : index
    %get3A_6 = vector.load %arg3[%get3A_4, %get3A_5] : memref<128x128xf32, #tpu.memory_space<vmem>>, vector<128x128xf32>
    %convert_element_type3A_7 = arith.truncf %get3A_6 : vector<128x128xf32> to vector<128x128xbf16>
    %dot_general3A = arith.constant dense<0.000000e+00> : vector<2560x128xf32>
    %dot_general3A_8 = tpu.matmul %convert_element_type3A, %convert_element_type3A_7, %dot_general3A {dimension_numbers = #tpu.dot_dimension_numbers<[1], [0], [0], [1], [0, 0, 1, 1], [], []>, transpose_lhs_hint = false} : vector<2560x128xbf16>, vector<128x128xbf16>, vector<2560x128xf32> -> vector<2560x128xf32>
    %get3A_9 = arith.constant 0 : index
    %get3A_10 = arith.constant 0 : index
    %get3A_11 = vector.load %arg4[%get3A_9, %get3A_10] : memref<1x128xf32, #tpu.memory_space<vmem>>, vector<1x128xf32>
    %get3A_12 = arith.constant 0 : index
    %get3A_13 = arith.constant 0 : index
    %get3A_14 = vector.load %arg5[%get3A_12, %get3A_13] : memref<1x128xf32, #tpu.memory_space<vmem>>, vector<1x128xf32>
    %reduce_sum3A = arith.constant dense<0.000000e+00> : vector<2560xf32>
    %reduce_sum3A_15 = vector.multi_reduction <add>, %dot_general3A_8, %reduce_sum3A [1] : vector<2560x128xf32> to vector<2560xf32>
    %broadcast_in_dim3A = vector.shape_cast %reduce_sum3A_15 : vector<2560xf32> to vector<2560x1xf32>
    %div3A = arith.constant 1.280000e+02 : f32
    %div3A_16 = vector.broadcast %div3A : f32 to vector<2560x1xf32>
    %div3A_17 = arith.divf %broadcast_in_dim3A, %div3A_16 : vector<2560x1xf32>
    %sub3A = vector.broadcast %div3A_17 : vector<2560x1xf32> to vector<2560x128xf32>
    %sub3A_18 = arith.subf %dot_general3A_8, %sub3A : vector<2560x128xf32>
    %integer_pow3A = arith.mulf %sub3A_18, %sub3A_18 : vector<2560x128xf32>
    %reduce_sum3A_19 = arith.constant dense<0.000000e+00> : vector<2560xf32>
    %reduce_sum3A_20 = vector.multi_reduction <add>, %integer_pow3A, %reduce_sum3A_19 [1] : vector<2560x128xf32> to vector<2560xf32>
    %broadcast_in_dim3A_21 = vector.shape_cast %reduce_sum3A_20 : vector<2560xf32> to vector<2560x1xf32>
    %div3A_22 = arith.constant 1.280000e+02 : f32
    %div3A_23 = vector.broadcast %div3A_22 : f32 to vector<2560x1xf32>
    %div3A_24 = arith.divf %broadcast_in_dim3A_21, %div3A_23 : vector<2560x1xf32>
    %sub3A_25 = vector.broadcast %div3A_17 : vector<2560x1xf32> to vector<2560x128xf32>
    %sub3A_26 = arith.subf %dot_general3A_8, %sub3A_25 : vector<2560x128xf32>
    %add3A = arith.constant 9.99999974E-6 : f32
    %add3A_27 = vector.broadcast %add3A : f32 to vector<2560x1xf32>
    %add3A_28 = arith.addf %div3A_24, %add3A_27 : vector<2560x1xf32>
    %rsqrt3A = math.rsqrt %add3A_28 : vector<2560x1xf32>
    %mul3A = vector.broadcast %rsqrt3A : vector<2560x1xf32> to vector<2560x128xf32>
    %mul3A_29 = arith.mulf %sub3A_26, %mul3A : vector<2560x128xf32>
    %mul3A_30 = vector.broadcast %get3A_11 : vector<1x128xf32> to vector<2560x128xf32>
    %mul3A_31 = arith.mulf %mul3A_29, %mul3A_30 : vector<2560x128xf32>
    %add3A_32 = vector.broadcast %get3A_14 : vector<1x128xf32> to vector<2560x128xf32>
    %add3A_33 = arith.addf %mul3A_31, %add3A_32 : vector<2560x128xf32>
    %max3A_34 = arith.constant 0.000000e+00 : f32
    %max3A_35 = vector.broadcast %max3A_34 : f32 to vector<2560x128xf32>
    %max3A_36 = arith.maximumf %add3A_33, %max3A_35 : vector<2560x128xf32>
    %convert_element_type3A_37 = arith.truncf %max3A_36 : vector<2560x128xf32> to vector<2560x128xbf16>
    %get3A_38 = arith.constant 0 : index
    %get3A_39 = arith.constant 0 : index
    %get3A_40 = vector.load %arg6[%get3A_38, %get3A_39] : memref<128x128xf32, #tpu.memory_space<vmem>>, vector<128x128xf32>
    %convert_element_type3A_41 = arith.truncf %get3A_40 : vector<128x128xf32> to vector<128x128xbf16>
    %dot_general3A_42 = arith.constant dense<0.000000e+00> : vector<2560x128xf32>
    %dot_general3A_43 = tpu.matmul %convert_element_type3A_37, %convert_element_type3A_41, %dot_general3A_42 {dimension_numbers = #tpu.dot_dimension_numbers<[1], [0], [0], [1], [0, 0, 1, 1], [], []>, transpose_lhs_hint = false} : vector<2560x128xbf16>, vector<128x128xbf16>, vector<2560x128xf32> -> vector<2560x128xf32>
    %get3A_44 = arith.constant 0 : index
    %get3A_45 = arith.constant 0 : index
    %get3A_46 = vector.load %arg1[%get3A_44, %get3A_45] : memref<2560x128xf32, #tpu.memory_space<vmem>>, vector<2560x128xf32>
    %add3A_47 = arith.addf %dot_general3A_43, %get3A_46 : vector<2560x128xf32>
    %get3A_48 = arith.constant 0 : index
    %get3A_49 = arith.constant 0 : index
    %get3A_50 = vector.load %arg7[%get3A_48, %get3A_49] : memref<1x128xf32, #tpu.memory_space<vmem>>, vector<1x128xf32>
    %get3A_51 = arith.constant 0 : index
    %get3A_52 = arith.constant 0 : index
    %get3A_53 = vector.load %arg8[%get3A_51, %get3A_52] : memref<1x128xf32, #tpu.memory_space<vmem>>, vector<1x128xf32>
    %reduce_sum3A_54 = arith.constant dense<0.000000e+00> : vector<2560xf32>
    %reduce_sum3A_55 = vector.multi_reduction <add>, %add3A_47, %reduce_sum3A_54 [1] : vector<2560x128xf32> to vector<2560xf32>
    %broadcast_in_dim3A_56 = vector.shape_cast %reduce_sum3A_55 : vector<2560xf32> to vector<2560x1xf32>
    %div3A_57 = arith.constant 1.280000e+02 : f32
    %div3A_58 = vector.broadcast %div3A_57 : f32 to vector<2560x1xf32>
    %div3A_59 = arith.divf %broadcast_in_dim3A_56, %div3A_58 : vector<2560x1xf32>
    %sub3A_60 = vector.broadcast %div3A_59 : vector<2560x1xf32> to vector<2560x128xf32>
    %sub3A_61 = arith.subf %add3A_47, %sub3A_60 : vector<2560x128xf32>
    %integer_pow3A_62 = arith.mulf %sub3A_61, %sub3A_61 : vector<2560x128xf32>
    %reduce_sum3A_63 = arith.constant dense<0.000000e+00> : vector<2560xf32>
    %reduce_sum3A_64 = vector.multi_reduction <add>, %integer_pow3A_62, %reduce_sum3A_63 [1] : vector<2560x128xf32> to vector<2560xf32>
    %broadcast_in_dim3A_65 = vector.shape_cast %reduce_sum3A_64 : vector<2560xf32> to vector<2560x1xf32>
    %div3A_66 = arith.constant 1.280000e+02 : f32
    %div3A_67 = vector.broadcast %div3A_66 : f32 to vector<2560x1xf32>
    %div3A_68 = arith.divf %broadcast_in_dim3A_65, %div3A_67 : vector<2560x1xf32>
    %sub3A_69 = vector.broadcast %div3A_59 : vector<2560x1xf32> to vector<2560x128xf32>
    %sub3A_70 = arith.subf %add3A_47, %sub3A_69 : vector<2560x128xf32>
    %add3A_71 = arith.constant 9.99999974E-6 : f32
    %add3A_72 = vector.broadcast %add3A_71 : f32 to vector<2560x1xf32>
    %add3A_73 = arith.addf %div3A_68, %add3A_72 : vector<2560x1xf32>
    %rsqrt3A_74 = math.rsqrt %add3A_73 : vector<2560x1xf32>
    %mul3A_75 = vector.broadcast %rsqrt3A_74 : vector<2560x1xf32> to vector<2560x128xf32>
    %mul3A_76 = arith.mulf %sub3A_70, %mul3A_75 : vector<2560x128xf32>
    %mul3A_77 = vector.broadcast %get3A_50 : vector<1x128xf32> to vector<2560x128xf32>
    %mul3A_78 = arith.mulf %mul3A_76, %mul3A_77 : vector<2560x128xf32>
    %add3A_79 = vector.broadcast %get3A_53 : vector<1x128xf32> to vector<2560x128xf32>
    %add3A_80 = arith.addf %mul3A_78, %add3A_79 : vector<2560x128xf32>
    %max3A_81 = arith.constant 0.000000e+00 : f32
    %max3A_82 = vector.broadcast %max3A_81 : f32 to vector<2560x128xf32>
    %max3A_83 = arith.maximumf %add3A_80, %max3A_82 : vector<2560x128xf32>
    %swap3A = arith.constant 0 : index
    %swap3A_84 = arith.constant 0 : index
    %swap3A_85 = vector.load %arg9[%swap3A, %swap3A_84] : memref<2560x128xf32, #tpu.memory_space<vmem>>, vector<2560x128xf32>
    tpu.vector_store %arg9[%swap3A, %swap3A_84], %max3A_83 {strides = array<i32>} : memref<2560x128xf32, #tpu.memory_space<vmem>>, vector<2560x128xf32>,
    return
  }
  func.func @transform_0(%arg0: i32) -> (i32, i32) {
    %c0_i32 = arith.constant 0 : i32
    %c0_i32_0 = arith.constant 0 : i32
    return %arg0, %c0_i32 : i32, i32
  }
  func.func @transform_1(%arg0: i32) -> (i32, i32) {
    %c0_i32 = arith.constant 0 : i32
    %c0_i32_0 = arith.constant 0 : i32
    return %arg0, %c0_i32 : i32, i32
  }
  func.func @transform_2(%arg0: i32) -> (i32, i32) {
    %c0_i32 = arith.constant 0 : i32
    %c0_i32_0 = arith.constant 0 : i32
    %c0_i32_1 = arith.constant 0 : i32
    return %c0_i32, %c0_i32_0 : i32, i32
  }
  func.func @transform_3(%arg0: i32) -> (i32, i32) {
    %c0_i32 = arith.constant 0 : i32
    %c0_i32_0 = arith.constant 0 : i32
    %c0_i32_1 = arith.constant 0 : i32
    return %c0_i32, %c0_i32_0 : i32, i32
  }
  func.func @transform_4(%arg0: i32) -> (i32, i32) {
    %c0_i32 = arith.constant 0 : i32
    %c0_i32_0 = arith.constant 0 : i32
    %c0_i32_1 = arith.constant 0 : i32
    return %c0_i32, %c0_i32_0 : i32, i32
  }
  func.func @transform_5(%arg0: i32) -> (i32, i32) {
    %c0_i32 = arith.constant 0 : i32
    %c0_i32_0 = arith.constant 0 : i32
    %c0_i32_1 = arith.constant 0 : i32
    return %c0_i32, %c0_i32_0 : i32, i32
  }
  func.func @transform_6(%arg0: i32) -> (i32, i32) {
    %c0_i32 = arith.constant 0 : i32
    %c0_i32_0 = arith.constant 0 : i32
    %c0_i32_1 = arith.constant 0 : i32
    return %c0_i32, %c0_i32_0 : i32, i32
  }
  func.func @transform_7(%arg0: i32) -> (i32, i32) {
    %c0_i32 = arith.constant 0 : i32
    %c0_i32_0 = arith.constant 0 : i32
    %c0_i32_1 = arith.constant 0 : i32
    return %c0_i32, %c0_i32_0 : i32, i32
  }
  func.func @transform_8(%arg0: i32) -> (i32, i32) {
    %c0_i32 = arith.constant 0 : i32
    %c0_i32_0 = arith.constant 0 : i32
    return %arg0, %c0_i32 : i32, i32
  }
}

module attributes {stable_mosaic.version = 14 : i64} {
  func.func @body(%arg0: i32, %arg1: memref<2000x128xf32, #tpu.memory_space<vmem>>, %arg2: memref<2000x128xf32, #tpu.memory_space<vmem>>, %arg3: memref<2000x128xf32, #tpu.memory_space<vmem>>, %arg4: memref<2000x128xf32, #tpu.memory_space<vmem>>, %arg5: memref<2000x128xf32, #tpu.memory_space<vmem>>, %arg6: memref<2000x128xf32, #tpu.memory_space<vmem>>, %arg7: memref<2000x128xf32, #tpu.memory_space<vmem>>, %arg8: memref<2000x128xf32, #tpu.memory_space<vmem>>, %arg9: memref<128x128xf32, #tpu.memory_space<vmem>>, %arg10: memref<1x128xf32, #tpu.memory_space<vmem>>, %arg11: memref<1x128xf32, #tpu.memory_space<vmem>>, %arg12: memref<128x128xf32, #tpu.memory_space<vmem>>, %arg13: memref<1x128xf32, #tpu.memory_space<vmem>>, %arg14: memref<1x128xf32, #tpu.memory_space<vmem>>, %arg15: memref<2000x128xf32, #tpu.memory_space<vmem>>) attributes {dimension_semantics = [#tpu.dimension_semantics<arbitrary>], iteration_bounds = array<i64: 5>, scalar_prefetch = 0 : i64, scratch_operands = 0 : i64, tpu.core_type = #tpu.core_type<tc>, window_params = [{transform_indices = @transform_0, window_bounds = array<i64: 2000, 128>}, {transform_indices = @transform_1, window_bounds = array<i64: 2000, 128>}, {transform_indices = @transform_2, window_bounds = array<i64: 2000, 128>}, {transform_indices = @transform_3, window_bounds = array<i64: 2000, 128>}, {transform_indices = @transform_4, window_bounds = array<i64: 2000, 128>}, {transform_indices = @transform_5, window_bounds = array<i64: 2000, 128>}, {transform_indices = @transform_6, window_bounds = array<i64: 2000, 128>}, {transform_indices = @transform_7, window_bounds = array<i64: 2000, 128>}, {pipeline_mode = #tpu.pipeline_mode<synchronous>, transform_indices = @transform_8, window_bounds = array<i64: 128, 128>}, {pipeline_mode = #tpu.pipeline_mode<synchronous>, transform_indices = @transform_9, window_bounds = array<i64: 1, 128>}, {pipeline_mode = #tpu.pipeline_mode<synchronous>, transform_indices = @transform_10, window_bounds = array<i64: 1, 128>}, {pipeline_mode = #tpu.pipeline_mode<synchronous>, transform_indices = @transform_11, window_bounds = array<i64: 128, 128>}, {pipeline_mode = #tpu.pipeline_mode<synchronous>, transform_indices = @transform_12, window_bounds = array<i64: 1, 128>}, {pipeline_mode = #tpu.pipeline_mode<synchronous>, transform_indices = @transform_13, window_bounds = array<i64: 1, 128>}, {transform_indices = @transform_14, window_bounds = array<i64: 2000, 128>}]} {
    %get3A = arith.constant 0 : index
    %get3A_0 = arith.constant 0 : index
    %get3A_1 = vector.load %arg2[%get3A, %get3A_0] : memref<2000x128xf32, #tpu.memory_space<vmem>>, vector<2000x128xf32>
    %get3A_2 = arith.constant 0 : index
    %get3A_3 = arith.constant 0 : index
    %get3A_4 = vector.load %arg3[%get3A_2, %get3A_3] : memref<2000x128xf32, #tpu.memory_space<vmem>>, vector<2000x128xf32>
    %add3A = arith.addf %get3A_1, %get3A_4 : vector<2000x128xf32>
    %get3A_5 = arith.constant 0 : index
    %get3A_6 = arith.constant 0 : index
    %get3A_7 = vector.load %arg4[%get3A_5, %get3A_6] : memref<2000x128xf32, #tpu.memory_space<vmem>>, vector<2000x128xf32>
    %get3A_8 = arith.constant 0 : index
    %get3A_9 = arith.constant 0 : index
    %get3A_10 = vector.load %arg5[%get3A_8, %get3A_9] : memref<2000x128xf32, #tpu.memory_space<vmem>>, vector<2000x128xf32>
    %add3A_11 = arith.addf %get3A_7, %get3A_10 : vector<2000x128xf32>
    %add3A_12 = arith.addf %add3A, %add3A_11 : vector<2000x128xf32>
    %get3A_13 = arith.constant 0 : index
    %get3A_14 = arith.constant 0 : index
    %get3A_15 = vector.load %arg6[%get3A_13, %get3A_14] : memref<2000x128xf32, #tpu.memory_space<vmem>>, vector<2000x128xf32>
    %get3A_16 = arith.constant 0 : index
    %get3A_17 = arith.constant 0 : index
    %get3A_18 = vector.load %arg7[%get3A_16, %get3A_17] : memref<2000x128xf32, #tpu.memory_space<vmem>>, vector<2000x128xf32>
    %add3A_19 = arith.addf %get3A_15, %get3A_18 : vector<2000x128xf32>
    %add3A_20 = arith.addf %add3A_12, %add3A_19 : vector<2000x128xf32>
    %get3A_21 = arith.constant 0 : index
    %get3A_22 = arith.constant 0 : index
    %get3A_23 = vector.load %arg1[%get3A_21, %get3A_22] : memref<2000x128xf32, #tpu.memory_space<vmem>>, vector<2000x128xf32>
    %get3A_24 = arith.constant 0 : index
    %get3A_25 = arith.constant 0 : index
    %get3A_26 = vector.load %arg9[%get3A_24, %get3A_25] : memref<128x128xf32, #tpu.memory_space<vmem>>, vector<128x128xf32>
    %dot_general3A = arith.constant dense<0.000000e+00> : vector<2000x128xf32>
    %dot_general3A_27 = tpu.matmul %add3A_20, %get3A_26, %dot_general3A {dimension_numbers = #tpu.dot_dimension_numbers<[1], [0], [0], [1], [0, 0, 1, 1], [], []>, transpose_lhs_hint = false} : vector<2000x128xf32>, vector<128x128xf32>, vector<2000x128xf32> -> vector<2000x128xf32>
    %add3A_28 = arith.addf %get3A_23, %dot_general3A_27 : vector<2000x128xf32>
    %get3A_29 = arith.constant 0 : index
    %get3A_30 = arith.constant 0 : index
    %get3A_31 = vector.load %arg10[%get3A_29, %get3A_30] : memref<1x128xf32, #tpu.memory_space<vmem>>, vector<1x128xf32>
    %get3A_32 = arith.constant 0 : index
    %get3A_33 = arith.constant 0 : index
    %get3A_34 = vector.load %arg11[%get3A_32, %get3A_33] : memref<1x128xf32, #tpu.memory_space<vmem>>, vector<1x128xf32>
    %reduce_sum3A = arith.constant dense<0.000000e+00> : vector<2000xf32>
    %reduce_sum3A_35 = vector.multi_reduction <add>, %add3A_28, %reduce_sum3A [1] : vector<2000x128xf32> to vector<2000xf32>
    %broadcast_in_dim3A = vector.shape_cast %reduce_sum3A_35 : vector<2000xf32> to vector<2000x1xf32>
    %div3A = arith.constant 1.280000e+02 : f32
    %div3A_36 = vector.broadcast %div3A : f32 to vector<2000x1xf32>
    %div3A_37 = arith.divf %broadcast_in_dim3A, %div3A_36 : vector<2000x1xf32>
    %sub3A = vector.broadcast %div3A_37 : vector<2000x1xf32> to vector<2000x128xf32>
    %sub3A_38 = arith.subf %add3A_28, %sub3A : vector<2000x128xf32>
    %integer_pow3A = arith.mulf %sub3A_38, %sub3A_38 : vector<2000x128xf32>
    %reduce_sum3A_39 = arith.constant dense<0.000000e+00> : vector<2000xf32>
    %reduce_sum3A_40 = vector.multi_reduction <add>, %integer_pow3A, %reduce_sum3A_39 [1] : vector<2000x128xf32> to vector<2000xf32>
    %broadcast_in_dim3A_41 = vector.shape_cast %reduce_sum3A_40 : vector<2000xf32> to vector<2000x1xf32>
    %div3A_42 = arith.constant 1.280000e+02 : f32
    %div3A_43 = vector.broadcast %div3A_42 : f32 to vector<2000x1xf32>
    %div3A_44 = arith.divf %broadcast_in_dim3A_41, %div3A_43 : vector<2000x1xf32>
    %sub3A_45 = vector.broadcast %div3A_37 : vector<2000x1xf32> to vector<2000x128xf32>
    %sub3A_46 = arith.subf %add3A_28, %sub3A_45 : vector<2000x128xf32>
    %add3A_47 = arith.constant 9.99999974E-6 : f32
    %add3A_48 = vector.broadcast %add3A_47 : f32 to vector<2000x1xf32>
    %add3A_49 = arith.addf %div3A_44, %add3A_48 : vector<2000x1xf32>
    %rsqrt3A = math.rsqrt %add3A_49 : vector<2000x1xf32>
    %mul3A = vector.broadcast %rsqrt3A : vector<2000x1xf32> to vector<2000x128xf32>
    %mul3A_50 = arith.mulf %sub3A_46, %mul3A : vector<2000x128xf32>
    %mul3A_51 = vector.broadcast %get3A_31 : vector<1x128xf32> to vector<2000x128xf32>
    %mul3A_52 = arith.mulf %mul3A_50, %mul3A_51 : vector<2000x128xf32>
    %add3A_53 = vector.broadcast %get3A_34 : vector<1x128xf32> to vector<2000x128xf32>
    %add3A_54 = arith.addf %mul3A_52, %add3A_53 : vector<2000x128xf32>
    %max3A = arith.constant 0.000000e+00 : f32
    %max3A_55 = vector.broadcast %max3A : f32 to vector<2000x128xf32>
    %max3A_56 = arith.maximumf %add3A_54, %max3A_55 : vector<2000x128xf32>
    %get3A_57 = arith.constant 0 : index
    %get3A_58 = arith.constant 0 : index
    %get3A_59 = vector.load %arg12[%get3A_57, %get3A_58] : memref<128x128xf32, #tpu.memory_space<vmem>>, vector<128x128xf32>
    %dot_general3A_60 = arith.constant dense<0.000000e+00> : vector<2000x128xf32>
    %dot_general3A_61 = tpu.matmul %max3A_56, %get3A_59, %dot_general3A_60 {dimension_numbers = #tpu.dot_dimension_numbers<[1], [0], [0], [1], [0, 0, 1, 1], [], []>, transpose_lhs_hint = false} : vector<2000x128xf32>, vector<128x128xf32>, vector<2000x128xf32> -> vector<2000x128xf32>
    %get3A_62 = arith.constant 0 : index
    %get3A_63 = arith.constant 0 : index
    %get3A_64 = vector.load %arg13[%get3A_62, %get3A_63] : memref<1x128xf32, #tpu.memory_space<vmem>>, vector<1x128xf32>
    %get3A_65 = arith.constant 0 : index
    %get3A_66 = arith.constant 0 : index
    %get3A_67 = vector.load %arg14[%get3A_65, %get3A_66] : memref<1x128xf32, #tpu.memory_space<vmem>>, vector<1x128xf32>
    %reduce_sum3A_68 = arith.constant dense<0.000000e+00> : vector<2000xf32>
    %reduce_sum3A_69 = vector.multi_reduction <add>, %dot_general3A_61, %reduce_sum3A_68 [1] : vector<2000x128xf32> to vector<2000xf32>
    %broadcast_in_dim3A_70 = vector.shape_cast %reduce_sum3A_69 : vector<2000xf32> to vector<2000x1xf32>
    %div3A_71 = arith.constant 1.280000e+02 : f32
    %div3A_72 = vector.broadcast %div3A_71 : f32 to vector<2000x1xf32>
    %div3A_73 = arith.divf %broadcast_in_dim3A_70, %div3A_72 : vector<2000x1xf32>
    %sub3A_74 = vector.broadcast %div3A_73 : vector<2000x1xf32> to vector<2000x128xf32>
    %sub3A_75 = arith.subf %dot_general3A_61, %sub3A_74 : vector<2000x128xf32>
    %integer_pow3A_76 = arith.mulf %sub3A_75, %sub3A_75 : vector<2000x128xf32>
    %reduce_sum3A_77 = arith.constant dense<0.000000e+00> : vector<2000xf32>
    %reduce_sum3A_78 = vector.multi_reduction <add>, %integer_pow3A_76, %reduce_sum3A_77 [1] : vector<2000x128xf32> to vector<2000xf32>
    %broadcast_in_dim3A_79 = vector.shape_cast %reduce_sum3A_78 : vector<2000xf32> to vector<2000x1xf32>
    %div3A_80 = arith.constant 1.280000e+02 : f32
    %div3A_81 = vector.broadcast %div3A_80 : f32 to vector<2000x1xf32>
    %div3A_82 = arith.divf %broadcast_in_dim3A_79, %div3A_81 : vector<2000x1xf32>
    %sub3A_83 = vector.broadcast %div3A_73 : vector<2000x1xf32> to vector<2000x128xf32>
    %sub3A_84 = arith.subf %dot_general3A_61, %sub3A_83 : vector<2000x128xf32>
    %add3A_85 = arith.constant 9.99999974E-6 : f32
    %add3A_86 = vector.broadcast %add3A_85 : f32 to vector<2000x1xf32>
    %add3A_87 = arith.addf %div3A_82, %add3A_86 : vector<2000x1xf32>
    %rsqrt3A_88 = math.rsqrt %add3A_87 : vector<2000x1xf32>
    %mul3A_89 = vector.broadcast %rsqrt3A_88 : vector<2000x1xf32> to vector<2000x128xf32>
    %mul3A_90 = arith.mulf %sub3A_84, %mul3A_89 : vector<2000x128xf32>
    %mul3A_91 = vector.broadcast %get3A_64 : vector<1x128xf32> to vector<2000x128xf32>
    %mul3A_92 = arith.mulf %mul3A_90, %mul3A_91 : vector<2000x128xf32>
    %add3A_93 = vector.broadcast %get3A_67 : vector<1x128xf32> to vector<2000x128xf32>
    %add3A_94 = arith.addf %mul3A_92, %add3A_93 : vector<2000x128xf32>
    %get3A_95 = arith.constant 0 : index
    %get3A_96 = arith.constant 0 : index
    %get3A_97 = vector.load %arg8[%get3A_95, %get3A_96] : memref<2000x128xf32, #tpu.memory_space<vmem>>, vector<2000x128xf32>
    %add3A_98 = arith.addf %add3A_94, %get3A_97 : vector<2000x128xf32>
    %max3A_99 = arith.constant 0.000000e+00 : f32
    %max3A_100 = vector.broadcast %max3A_99 : f32 to vector<2000x128xf32>
    %max3A_101 = arith.maximumf %add3A_98, %max3A_100 : vector<2000x128xf32>
    %swap3A = arith.constant 0 : index
    %swap3A_102 = arith.constant 0 : index
    %swap3A_103 = vector.load %arg15[%swap3A, %swap3A_102] : memref<2000x128xf32, #tpu.memory_space<vmem>>, vector<2000x128xf32>
    tpu.vector_store %arg15[%swap3A, %swap3A_102], %max3A_101 {strides = array<i32>} : memref<2000x128xf32, #tpu.memory_space<vmem>>, vector<2000x128xf32>,
    return
  }
  func.func @transform_0(%arg0: i32) -> (i32, i32) {
    %c0_i32 = arith.constant 0 : i32
    %c0_i32_0 = arith.constant 0 : i32
    return %arg0, %c0_i32 : i32, i32
  }
  func.func @transform_1(%arg0: i32) -> (i32, i32) {
    %c0_i32 = arith.constant 0 : i32
    %c0_i32_0 = arith.constant 0 : i32
    return %arg0, %c0_i32 : i32, i32
  }
  func.func @transform_2(%arg0: i32) -> (i32, i32) {
    %c0_i32 = arith.constant 0 : i32
    %c0_i32_0 = arith.constant 0 : i32
    return %arg0, %c0_i32 : i32, i32
  }
  func.func @transform_3(%arg0: i32) -> (i32, i32) {
    %c0_i32 = arith.constant 0 : i32
    %c0_i32_0 = arith.constant 0 : i32
    return %arg0, %c0_i32 : i32, i32
  }
  func.func @transform_4(%arg0: i32) -> (i32, i32) {
    %c0_i32 = arith.constant 0 : i32
    %c0_i32_0 = arith.constant 0 : i32
    return %arg0, %c0_i32 : i32, i32
  }
  func.func @transform_5(%arg0: i32) -> (i32, i32) {
    %c0_i32 = arith.constant 0 : i32
    %c0_i32_0 = arith.constant 0 : i32
    return %arg0, %c0_i32 : i32, i32
  }
  func.func @transform_6(%arg0: i32) -> (i32, i32) {
    %c0_i32 = arith.constant 0 : i32
    %c0_i32_0 = arith.constant 0 : i32
    return %arg0, %c0_i32 : i32, i32
  }
  func.func @transform_7(%arg0: i32) -> (i32, i32) {
    %c0_i32 = arith.constant 0 : i32
    %c0_i32_0 = arith.constant 0 : i32
    return %arg0, %c0_i32 : i32, i32
  }
  func.func @transform_8(%arg0: i32) -> (i32, i32) {
    %c0_i32 = arith.constant 0 : i32
    %c0_i32_0 = arith.constant 0 : i32
    %c0_i32_1 = arith.constant 0 : i32
    return %c0_i32, %c0_i32_0 : i32, i32
  }
  func.func @transform_9(%arg0: i32) -> (i32, i32) {
    %c0_i32 = arith.constant 0 : i32
    %c0_i32_0 = arith.constant 0 : i32
    %c0_i32_1 = arith.constant 0 : i32
    return %c0_i32, %c0_i32_0 : i32, i32
  }
  func.func @transform_10(%arg0: i32) -> (i32, i32) {
    %c0_i32 = arith.constant 0 : i32
    %c0_i32_0 = arith.constant 0 : i32
    %c0_i32_1 = arith.constant 0 : i32
    return %c0_i32, %c0_i32_0 : i32, i32
  }
  func.func @transform_11(%arg0: i32) -> (i32, i32) {
    %c0_i32 = arith.constant 0 : i32
    %c0_i32_0 = arith.constant 0 : i32
    %c0_i32_1 = arith.constant 0 : i32
    return %c0_i32, %c0_i32_0 : i32, i32
  }
  func.func @transform_12(%arg0: i32) -> (i32, i32) {
    %c0_i32 = arith.constant 0 : i32
    %c0_i32_0 = arith.constant 0 : i32
    %c0_i32_1 = arith.constant 0 : i32
    return %c0_i32, %c0_i32_0 : i32, i32
  }
  func.func @transform_13(%arg0: i32) -> (i32, i32) {
    %c0_i32 = arith.constant 0 : i32
    %c0_i32_0 = arith.constant 0 : i32
    %c0_i32_1 = arith.constant 0 : i32
    return %c0_i32, %c0_i32_0 : i32, i32
  }
  func.func @transform_14(%arg0: i32) -> (i32, i32) {
    %c0_i32 = arith.constant 0 : i32
    %c0_i32_0 = arith.constant 0 : i32
    return %arg0, %c0_i32 : i32, i32
  }
}

</mosaic_0001>

<sc_bundles>
// kernel: kernel.13.cloned.1.call-start
scs
__scs_entry_jumppad:
0x0: {  	(pc) =	sbr.rel $0x88, $3  }
0x1: {  	(tag) =	ssettag $0x0;
	lr =	simm.s32 $0x1  }
0x2: {  	[smem:$0x3F8C] =	sst lr;
	_ =	strace $0xD0000000  }
0x3: {  	_ = 	snop  }
0x4: {  	_ = 	snop  }
0x5: {  	_ = 	snop  }
0x6: {  	_ = 	snop  }
0x7: {  	_ = 	snop  }
__scs_overlays_trampoline_lowered:
0x8: {  	[smem:$0x3F9B] =	sst s0  }
0x9: {  	[smem:$0x3F9C] =	sst s1  }
0xa: {  	[smem:$0x3F9D] =	sst s2  }
0xb: {  	[smem:$0x3F9E] =	sst s3  }
0xc: {  	[smem:$0x3F9F] =	sst s4  }
0xd: {  	[smem:$0x3FA0] =	sst s5  }
0xe: {  	[smem:$0x3FA1] =	sst s6  }
0xf: {  	[smem:$0x3FA2] =	sst s7  }
0x10: {  	[smem:$0x3FA3] =	sst s8  }
0x11: {  	[smem:$0x3FA4] =	sst s9;
	s0 =	simm.s32 @!p0 $0x0  }
0x12: {  	s1 =	sld [smem:$0x3F8A];
	s0 =	simm.s32 @p0 $0x1  }
0x13: {  	[smem:$0x3FA5] =	sst s0;
	s0 =	simm.s32 @!p1 $0x0  }
0x14: {  	s2 =	sld [smem:$0x3F89];
	s0 =	simm.s32 @p1 $0x1  }
0x15: {  	[smem:$0x3FA6] =	sst s0;
	s0 =	simm.s32 @!p2 $0x0  }
0x16: {  	s3 =	sld [smem:$0x3FDB];
	s0 =	simm.s32 @p2 $0x1  }
0x17: {  	s4 =	simm.s32 $0x1BF5;
	[smem:$0x3FA8] =	sst s0  }
0x18: {  	s0 =	sld [smem:$0x3F8B];
	_ =	swait.ge [sflag:s4], $0x0  }
0x19: {  	s7 =	sld [smem:$0x3F8C]  }
0x1a: {  	s8 =	sadd.s32 $0xFFFFE003, lr  }
0x1b: {  	s9 =	sadd.s32 $0xFFFFFEF7, lr;
	s5 =	simm.s32 $0xFFFFFFFF;
	p2 =	slt.u32 s8, $0xFFFFF086  }
0x1c: {  	p1 =	slt.u32 s9, $0xF7A;
	s5 =	simm.s32 @!p2 $0x0  }
0x1d: {  	s5 =	simm.s32 @p1 $0x1;
	p0 =	seq.s32 s7, s2  }
0x1e: {  	s7 =	smul.u32 @!p0 $0xF7A, s2;
	p2 =	seq.s32 @!p0 s5, $0x0  }
0x1f: {  	s9 =	smul.u32 $0xF7A, s1;
	s8 =	simm.s32 @!p0 $0x1BF5;
	p2 =	por !p2, p0  }
0x20: {  	[sflag:s8] =	ssyncset.s32 @!p0 $0xFFFFF086;
	s6 =	sadd.s32 @!p0 s3, s7;
	s7 =	simm.s32 @!p0 $0x108  }
0x21: {  	s3 =	sadd.s32 s3, s9;
	s6 =	sadd.s32 @!p0 $0x88, s6;
	s7 =	simm.s32 @p2 $0x1082  }
0x22: {  	[simem:s7], [sflag:s8] =	dma.local @!p0 [hbm:s6], $0xF7A  }
0x23: {  	s9 =	sor.u32 $0xD0000000, s2;
	s6 =	simm.s32 $0x108;
	_ =	swait.ge @!p0 [sflag:s8], $0x0  }
0x24: {  	s3 =	sadd.s32 $0x88, s3;
	s6 =	simm.s32 @!p1 $0x1082;
	[sflag:s4] =	ssyncset.s32 $0xFFFFF086  }
0x25: {  	[simem:s6], [sflag:s4] =	dma.local [hbm:s3], $0xF7A  }
0x26: {  	[smem:$0x3F8C] =	sst s1;
	(tag) =	ssettag s2;
	_ =	strace s9  }
0x27: {  	s1 =	sld [smem:$0x3F9C]  }
0x28: {  	s2 =	sld [smem:$0x3F9D]  }
0x29: {  	s4 =	sld [smem:$0x3F9F]  }
0x2a: {  	p0 =	seq.s32 s5, $0x0;
	s5 =	sld [smem:$0x3FA0]  }
0x2b: {  	s6 =	sld [smem:$0x3FA1]  }
0x2c: {  	s7 =	sld [smem:$0x3FA2]  }
0x2d: {  	s3 =	simm.s32 $0x108;
	s8 =	sld [smem:$0x3FA3]  }
0x2e: {  	s3 =	simm.s32 @!p0 $0x1082;
	s9 =	sld [smem:$0x3FA4]  }
0x2f: {  	lr =	sadd.s32 s0, s3;
	s0 =	sld [smem:$0x3F9B]  }
0x30: {  	s3 =	sld [smem:$0x3F9E]  }
0x31: {  	[smem:$0x3FA7] =	sst s10  }
0x32: {  	s10 =	sld [smem:$0x3FA5];
	_ =	sdelay $0x3  }
0x33: {  	p0 =	seq.s32 s10, $0x1;
	s10 =	sld [smem:$0x3FA7];
	_ =	sdelay $0x3  }
0x34: {  	[smem:$0x3FA7] =	sst s10  }
0x35: {  	s10 =	sld [smem:$0x3FA6];
	_ =	sdelay $0x3  }
0x36: {  	p1 =	seq.s32 s10, $0x1;
	s10 =	sld [smem:$0x3FA7];
	_ =	sdelay $0x3  }
0x37: {  	[smem:$0x3FA7] =	sst s10  }
0x38: {  	s10 =	sld [smem:$0x3FA8]  }
0x39: {  	_ = 	snop;
	(pc) =	sbr.ind lr, $3  }
0x3a: {  	_ = 	snop  }
0x3b: {  	_ = 	snop  }
0x3c: {  	p2 =	seq.s32 s10, $0x1;
	s10 =	sld [smem:$0x3FA7]  }
0x3d: {  	_ =	shalt  }
0x3e: {  	_ =	shalt  }
0x3f: {  	_ =	shalt  }
0x40: {  	_ =	shalt  }
0x41: {  	_ =	shalt  }
0x42: {  	_ =	shalt  }
0x43: {  	_ =	shalt  }
0x44: {  	_ =	shalt  }
0x45: {  	_ =	shalt  }
0x46: {  	_ =	shalt  }
0x47: {  	_ =	shalt  }
0x48: {  	_ =	shalt  }
0x49: {  	_ =	shalt  }
0x4a: {  	_ =	shalt  }
0x4b: {  	_ =	shalt  }
0x4c: {  	_ =	shalt  }
0x4d: {  	_ =	shalt  }
0x4e: {  	_ =	shalt  }
0x4f: {  	_ =	shalt  }
0x50: {  	_ =	shalt  }
0x51: {  	_ =	shalt  }
0x52: {  	_ =	shalt  }
0x53: {  	_ =	shalt  }
0x54: {  	_ =	shalt  }
0x55: {  	_ =	shalt  }
0x56: {  	_ =	shalt  }
0x57: {  	_ =	shalt  }
0x58: {  	_ =	shalt  }
0x59: {  	_ =	shalt  }
0x5a: {  	_ =	shalt  }
0x5b: {  	_ =	shalt  }
0x5c: {  	_ =	shalt  }
0x5d: {  	_ =	shalt  }
0x5e: {  	_ =	shalt  }
0x5f: {  	_ =	shalt  }
0x60: {  	_ =	shalt  }
0x61: {  	_ =	shalt  }
0x62: {  	_ =	shalt  }
0x63: {  	_ =	shalt  }
0x64: {  	_ =	shalt  }
0x65: {  	_ =	shalt  }
0x66: {  	_ =	shalt  }
0x67: {  	_ =	shalt  }
0x68: {  	_ =	shalt  }
0x69: {  	_ =	shalt  }
0x6a: {  	_ =	shalt  }
0x6b: {  	_ =	shalt  }
0x6c: {  	_ =	shalt  }
0x6d: {  	_ =	shalt  }
0x6e: {  	_ =	shalt  }
0x6f: {  	_ =	shalt  }
0x70: {  	_ =	shalt  }
0x71: {  	_ =	shalt  }
0x72: {  	_ =	shalt  }
0x73: {  	_ =	shalt  }
0x74: {  	_ =	shalt  }
0x75: {  	_ =	shalt  }
0x76: {  	_ =	shalt  }
0x77: {  	_ =	shalt  }
0x78: {  	_ =	shalt  }
0x79: {  	_ =	shalt  }
0x7a: {  	_ =	shalt  }
0x7b: {  	_ =	shalt  }
0x7c: {  	_ =	shalt  }
0x7d: {  	_ =	shalt  }
0x7e: {  	_ =	shalt  }
0x7f: {  	_ =	shalt  }
0x80: {  	_ =	shalt  }
0x81: {  	_ =	shalt  }
0x82: {  	_ =	shalt  }
0x83: {  	_ =	shalt  }
0x84: {  	_ =	shalt  }
0x85: {  	_ =	shalt  }
0x86: {  	_ =	shalt  }
0x87: {  	_ =	shalt  }
.Lfunc_end0:
.L_simem_size_0:
called_computation_lowered:
.L_overlay_start_0:
0x88: {  	s2 =	sld [smem:$0x3FD9]  }
0x89: {  	s3 =	sld [smem:$0x3FFE];
	_ =	sdelay $0x1  }
0x8a: {  	s1 =	srdreg.scid  }
0x8b: {  	s0 =	sand.u32 $0x1, s1  }
0x8c: {  	s17 =	sshll.u32 s0, $0xA;
	s2 =	sadd.s32 s3, s2  }
0x8d: {  	s2 =	sadd.s32 s2, s17  }
0x8e: {  	[smem:$0x3FB3] =	sst s2  }
0x8f: {  	_ = 	snop  }
0x90: {  	s2 =	sld [smem:$0x3FD0];
	(tm) =	ssettm $0x1  }
0x91: {  	s18 =	sld [smem:$0x3FFB];
	_ =	sdelay $0x3  }
0x92: {  	_ =	strace s18  }
0x93: {  	s3 =	sld [smem:$0x3FFC];
	_ =	sdelay $0x3  }
0x94: {  	_ =	strace s3  }
0x95: {  	s3 =	sld [smem:$0x3FFD];
	_ =	sdelay $0x3  }
0x96: {  	_ =	strace s3  }
0x97: {  	_ =	strace $0x8FFFFFFF  }
0x98: {  	s19 =	sld [smem:$0x3FDB];
	_ =	sdelay $0x1  }
0x99: {  	s4 =	simm.s32 $_scs_section_size  }
0x9a: {  	s5 =	simm.s32 $_size__tile_overlayer_lowered;
	s6 =	simm.s32 $_tile_overlayer_lowered  }
0x9b: {  	s22 =	simm.s32 $0x1BFF;
	s21 =	sshll.u32 s6, $0x1;
	s3 =	sadd.s32 s4, s19  }
0x9c: {  	s7 =	simm.s32 $0x0;
	s20 =	sshll.u32 s5, $0x1;
	s5 =	sadd.s32 s21, s3  }
0x9d: {  	[timem:s7], [sflag:s22] =	dma.local [hbm:s5], s20  }
0x9e: {  	_ =	swait.ge [sflag:s22], s20  }
0x9f: {  	s4 =	ssub.s32 $0x0, s20;
	[sflag:s22] =	ssyncset.done $0x0  }
0xa0: {  	[sflag:s22] =	ssyncadd.s32 s4;
	_ =	sdelay $0x1  }
0xa1: {  	s23 =	simm.s32 $0x1B8B  }
0xa2: {  	_ =	swait.ge [sflag:s23], $0x1  }
0xa3: {  	[sflag:s23] =	ssyncset.done $0x0  }
0xa4: {  	s25 =	simm.s32 $0x1B8E;
	s24 =	sld [smem:$0x3FFE];
	[sflag:s23] =	ssyncadd.s32 $0xFFFFFFFF  }
0xa5: {  	s26 =	simm.s32 $execute0_lowered;
	[smem:$0x3FD2] =	sst s25  }
0xa6: {  	s5 =	sshll.u32 s26, $0x1;
	_ =	strace $0x80000046;
	[dreg:$0x1] =	wrdreg $0xFFFFFFFF  }
0xa7: {  	s28 =	simm.s32 $_size_execute0_lowered;
	s3 =	sadd.s32 s3, s5;
	[dreg:$0x0] =	wrdreg $0x0  }
0xa8: {  	s5 =	sshll.u32 s28, $0x1;
	[dreg:$0x2] =	wrdreg s3  }
0xa9: {  	[dreg:$0x3] =	wrdreg s5  }
0xaa: {  	[dreg:$0x4] =	wrdreg $0xC0  }
0xab: {  	_ =	task [dreg:s7], $0x5FFFF  }
0xac: {  	[dreg:$0x1] =	wrdreg $0xFFFFFFFF  }
0xad: {  	[dreg:$0x0] =	wrdreg $0x60  }
0xae: {  	[dreg:$0x2] =	wrdreg s24  }
0xaf: {  	[dreg:$0x3] =	wrdreg s2  }
0xb0: {  	[dreg:$0x4] =	wrdreg $0xA  }
0xb1: {  	_ =	task.clear_ibuf [dreg:s7], $0x5FFFF;
	_ =	strace $0x90000046  }
0xb2: {  	s29 =	simm.s32 $0xA;
	_ =	strace $0x80000048  }
0xb3: {  	_ =	swait.ge [sflag:s29], $0x1  }
0xb4: {  	[sflag:s29] =	ssyncadd.s32 $0xFFFFFFFF  }
0xb5: {  	_ =	strace $0x90000048  }
0xb6: {  	_ =	sfence  }
0xb7: {  	s30 =	sld [smem:$0x0];
	_ =	sdelay $0x2  }
0xb8: {  	s31 =	sshll.u32 s1, $0xD;
	s1 =	sshrl.u32 s1, $0x2  }
0xb9: {  	s3 =	sand.u32 $0x4000, s31;
	s1 =	sadd.s32 s1, s30  }
0xba: {  	s0 =	sor.u32 s3, s0;
	s1 =	sshll.u32 s1, $0x11  }
0xbb: {  	s0 =	sor.u32 s1, s0  }
0xbc: {  	s0 =	sadd.s32 $0x8F2B, s0  }
0xbd: {  	[sflag:s0] =	ssyncadd.remote.s32 $0x1  }
0xbe: {  	_ =	sfence.sel $0xFFFF  }
0xbf: {  	[dreg:$0x0] =	wrdreg $0xFFFFFFFF;
	(pc) =	sbr.abs _section_cstart, $3  }
0xc0: {  	[dreg:$0x1] =	wrdreg $0xFFFFFFFF  }
0xc1: {  	_ =	task.clear_ibuf [dreg:s7], $0x2FFFF;
	_ =	strace $0x9FFFFFFF  }
0xc2: {  	(tm) =	ssettm $0x7FFFFFFF  }
0xc3: {  	_ =	shalt  }
tec
execute0_lowered:
.L_overlay_start_1:
0x0: {  	(tag) =	ssettag $0x1  }
0x1: {  	s7 =	rddreg [dreg:$0x0]  }
0x2: {  	s0 =	srdreg.scid;
	s2 =	rddreg [dreg:$0x1]  }
0x3: {  	s1 =	stileid.u32;
	s3 =	simm.s32 $0x0;
	s12 =	simm.s32 $0x3  }
0x4: {  	s13 =	simm.s32 $0x2710;
	s14 =	simm.s32 $0x50;
	s15 =	simm.s32 $0x4E20  }
0x5: {  	s16 =	simm.s32 $0x7620;
	s17 =	simm.s32 $0x1;
	s18 =	simm.s32 $0x2  }
0x6: {  	s19 =	simm.s32 $0x0;
	s6 =	sand.u32 $0x1, s0;
	s0 =	rddreg [dreg:$0x2]  }
0x7: {  	[smem:$0x7FF] =	sst s3;
	s5 =	sadd.s32 $0x67A00, s7;
	s11 =	smul.u32 $0xFA00, s1  }
0x8: {  	s4 =	sshll.u32 s6, $0x4;
	s9 =	smul.u32 $0xFA000, s6;
	s10 =	ssub.s32 $0x2, s6  }
0x9: {  	_ =	strace $0x80000047;
	s4 =	sor.u32 s1, s4;
	s31 =	sshrl.u32 s10, $0x1  }
0xa: {  	s4 =	smul.u32 $0x4E2, s4;
	s9 =	sadd.s32 s9, s7;
	s10 =	ssub.s32 s10, s31  }
0xb: {  	s6 =	sadd.s32 $0x8EC00, s7;
	s11 =	sadd.s32 s11, s9;
	s9 =	smax.u32 s10, $0x1  }
0xc: {  	s8 =	sadd.s32 s4, s7;
	s4 =	sadd.s32 $0x40800, s7;
	s10 =	sadd.s32 $0x2A9E00, s11  }
0xd: {  	s11 =	sadd.s32 $0xB5E00, s11;
	s7 =	sadd.s32 $0xF800, s8;
	s8 =	sadd.s32 $0x5A00, s8  }
.LBB2_1:
0xe: {  	[tilespmem:s3], [sflag:$0x3] =	stream.linear.gather [hbm4b:s7+s3], $0x2710, $0x38;
	[tilespmem:$0x9E20] =	vst v63  }
0xf: {  	_ =	swait.ge [sflag:s12], $0x2710  }
0x10: {  	[sflag:s12] =	ssyncset.done $0x0  }
0x11: {  	[sflag:s12] =	ssyncadd.s32 $0xFFFFD8F0  }
0x12: {  	[tilespmem:s13], [sflag:$0x3] =	stream.linear.gather [hbm4b:s8+s3], $0x2710, $0x38;
	[tilespmem:$0x9E20] =	vst v63  }
0x13: {  	_ =	swait.ge [sflag:s12], $0x2710  }
0x14: {  	[sflag:s12] =	ssyncset.done $0x0  }
0x15: {  	s20 =	simm.s32 $0x0;
	[sflag:s12] =	ssyncadd.s32 $0xFFFFD8F0  }
0x16: {  	[tilespmem:s15], [sflag:$0x1] =	stream.indirect.gather [hbm4b:s2+s14], $0x80, s20, s14, $0xb8;
	[tilespmem:$0x9E20] =	vst v63  }
0x17: {  	_ = 	snop  }
0x18: {  	[tilespmem:s16], [sflag:$0x2] =	stream.indirect.gather [hbm4b:s5+s14], $0x80, s20, s14, $0xb8;
	[tilespmem:$0x9E20] =	vst v63  }
0x19: {  	_ =	swait.ge [sflag:s17], $0x2800  }
0x1a: {  	[sflag:s17] =	ssyncset.done $0x0  }
0x1b: {  	s31 =	simm.s32 $0x2710;
	[sflag:s17] =	ssyncadd.s32 $0xFFFFD800  }
0x1c: {  	[tilespmem:s15], [sflag:$0x1] =	stream.indirect.gather.add.f32 [hbm:s4], $0x80, s31, s14, $0xb8;
	[tilespmem:$0x9E20] =	vst v63  }
0x1d: {  	_ =	swait.ge [sflag:s18], $0x2800  }
0x1e: {  	[sflag:s18] =	ssyncset.done $0x0  }
0x1f: {  	[sflag:s18] =	ssyncadd.s32 $0xFFFFD800  }
0x20: {  	[tilespmem:s16], [sflag:$0x2] =	stream.indirect.gather.add.f32 [hbm:s6], $0x80, s31, s14, $0xb8;
	[tilespmem:$0x9E20] =	vst v63  }
0x21: {  	_ =	swait.ge [sflag:s17], $0x2800  }
0x22: {  	[sflag:s17] =	ssyncset.done $0x0  }
0x23: {  	[sflag:s17] =	ssyncadd.s32 $0xFFFFD800  }
0x24: {  	[hbm4b:s11+s3] =	stream.linear.scatter [tilespmem:s15], [sflag:$0x3], $0x2800, $0x38;
	[tilespmem:$0x9E20] =	vst v63  }
0x25: {  	_ =	swait.ge [sflag:s12], $0x2800  }
0x26: {  	[sflag:s12] =	ssyncset.done $0x0  }
0x27: {  	[sflag:s12] =	ssyncadd.s32 $0xFFFFD800  }
0x28: {  	_ =	swait.ge [sflag:s18], $0x2800  }
0x29: {  	[sflag:s18] =	ssyncset.done $0x0  }
0x2a: {  	[sflag:s18] =	ssyncadd.s32 $0xFFFFD800  }
0x2b: {  	[hbm4b:s10+s3] =	stream.linear.scatter [tilespmem:s16], [sflag:$0x3], $0x2800, $0x38;
	[tilespmem:$0x9E20] =	vst v63  }
0x2c: {  	s22 =	simm.s32 $0x140;
	s23 =	simm.s32 $0x280;
	_ =	swait.ge [sflag:s12], $0x2800  }
0x2d: {  	s21 =	sadd.s32 $0x500, s11;
	s20 =	sadd.s32 $0x500, s10;
	[sflag:s12] =	ssyncset.done $0x0  }
.LBB2_2:
0x2e: {  	s24 =	sshra.s32 s22, $0x2  }
0x2f: {  	[sflag:s12] =	ssyncadd.s32 $0xFFFFD800;
	s22 =	smov.u32 s23;
	s25 =	sadd.s32 $0x140, s23  }
0x30: {  	[tilespmem:s15], [sflag:$0x1] =	stream.indirect.gather [hbm4b:s2+s14], $0x80, s24, s14, $0xb8;
	[tilespmem:$0x9E20] =	vst v63  }
0x31: {  	p0 =	sne.s32 s23, $0x3D40  }
0x32: {  	[tilespmem:s16], [sflag:$0x2] =	stream.indirect.gather [hbm4b:s5+s14], $0x80, s24, s14, $0xb8;
	[tilespmem:$0x9E20] =	vst v63  }
0x33: {  	_ =	swait.ge [sflag:s17], $0x2800  }
0x34: {  	[sflag:s17] =	ssyncset.done $0x0  }
0x35: {  	s23 =	sadd.s32 $0x2710, s24;
	[sflag:s17] =	ssyncadd.s32 $0xFFFFD800  }
0x36: {  	[tilespmem:s15], [sflag:$0x1] =	stream.indirect.gather.add.f32 [hbm:s4], $0x80, s23, s14, $0xb8;
	[tilespmem:$0x9E20] =	vst v63  }
0x37: {  	_ =	swait.ge [sflag:s18], $0x2800  }
0x38: {  	[sflag:s18] =	ssyncset.done $0x0  }
0x39: {  	[sflag:s18] =	ssyncadd.s32 $0xFFFFD800  }
0x3a: {  	[tilespmem:s16], [sflag:$0x2] =	stream.indirect.gather.add.f32 [hbm:s6], $0x80, s23, s14, $0xb8;
	[tilespmem:$0x9E20] =	vst v63  }
0x3b: {  	_ =	swait.ge [sflag:s17], $0x2800  }
0x3c: {  	[sflag:s17] =	ssyncset.done $0x0  }
0x3d: {  	[sflag:s17] =	ssyncadd.s32 $0xFFFFD800  }
0x3e: {  	[hbm4b:s21+s3] =	stream.linear.scatter [tilespmem:s15], [sflag:$0x3], $0x2800, $0x38;
	[tilespmem:$0x9E20] =	vst v63  }
0x3f: {  	_ =	swait.ge [sflag:s12], $0x2800  }
0x40: {  	[sflag:s12] =	ssyncset.done $0x0  }
0x41: {  	[sflag:s12] =	ssyncadd.s32 $0xFFFFD800  }
0x42: {  	_ =	swait.ge [sflag:s18], $0x2800  }
.Ltmp0:
0x43: {  	[sflag:s18] =	ssyncset.done $0x0;
	(pc) =	sbr.rel @p0 .LBB2_2-.Ltmp0, $4  }
0x44: {  	[sflag:s18] =	ssyncadd.s32 $0xFFFFD800  }
0x45: {  	[hbm4b:s20+s3] =	stream.linear.scatter [tilespmem:s16], [sflag:$0x3], $0x2800, $0x38;
	[tilespmem:$0x9E20] =	vst v63  }
0x46: {  	s23 =	smov.u32 s25;
	_ =	swait.ge [sflag:s12], $0x2800  }
0x47: {  	s21 =	sadd.s32 $0x500, s21;
	s20 =	sadd.s32 $0x500, s20;
	[sflag:s12] =	ssyncset.done $0x0  }
0x48: {  	s22 =	sshra.s32 s22, $0x2;
	[sflag:s12] =	ssyncadd.s32 $0xFFFFD800  }
0x49: {  	[tilespmem:s15], [sflag:$0x1] =	stream.indirect.gather [hbm4b:s2+s14], $0x80, s22, s14, $0xb8;
	[tilespmem:$0x9E20] =	vst v63  }
0x4a: {  	_ = 	snop  }
0x4b: {  	[tilespmem:s16], [sflag:$0x2] =	stream.indirect.gather [hbm4b:s5+s14], $0x80, s22, s14, $0xb8;
	[tilespmem:$0x9E20] =	vst v63  }
0x4c: {  	_ =	swait.ge [sflag:s17], $0x2800  }
0x4d: {  	[sflag:s17] =	ssyncset.done $0x0  }
0x4e: {  	s22 =	sadd.s32 $0x2710, s22;
	[sflag:s17] =	ssyncadd.s32 $0xFFFFD800  }
0x4f: {  	[tilespmem:s15], [sflag:$0x1] =	stream.indirect.gather.add.f32 [hbm:s4], $0x80, s22, s14, $0xb8;
	[tilespmem:$0x9E20] =	vst v63  }
0x50: {  	_ =	swait.ge [sflag:s18], $0x2800  }
0x51: {  	[sflag:s18] =	ssyncset.done $0x0  }
0x52: {  	[sflag:s18] =	ssyncadd.s32 $0xFFFFD800  }
0x53: {  	[tilespmem:s16], [sflag:$0x2] =	stream.indirect.gather.add.f32 [hbm:s6], $0x80, s22, s14, $0xb8;
	[tilespmem:$0x9E20] =	vst v63  }
0x54: {  	_ =	swait.ge [sflag:s17], $0x2800  }
0x55: {  	[sflag:s17] =	ssyncset.done $0x0  }
0x56: {  	[sflag:s17] =	ssyncadd.s32 $0xFFFFD800  }
0x57: {  	[hbm4b:s21+s3] =	stream.linear.scatter [tilespmem:s15], [sflag:$0x3], $0x2800, $0x38;
	[tilespmem:$0x9E20] =	vst v63  }
0x58: {  	_ =	swait.ge [sflag:s12], $0x2800  }
0x59: {  	[sflag:s12] =	ssyncset.done $0x0  }
0x5a: {  	[sflag:s12] =	ssyncadd.s32 $0xFFFFD800  }
0x5b: {  	s19 =	sadd.s32 $0x1, s19;
	_ =	swait.ge [sflag:s18], $0x2800  }
0x5c: {  	p0 =	sne.s32 s19, s9;
	[sflag:s18] =	ssyncset.done $0x0  }
.Ltmp1:
0x5d: {  	[sflag:s18] =	ssyncadd.s32 $0xFFFFD800;
	(pc) =	sbr.rel @p0 .LBB2_1-.Ltmp1, $4  }
0x5e: {  	[hbm4b:s20+s3] =	stream.linear.scatter [tilespmem:s16], [sflag:$0x3], $0x2800, $0x38;
	[tilespmem:$0x9E20] =	vst v63  }
0x5f: {  	_ =	swait.ge [sflag:s12], $0x2800  }
0x60: {  	[sflag:s12] =	ssyncset.done $0x0  }
0x61: {  	[sflag:s12] =	ssyncadd.s32 $0xFFFFD800  }
0x62: {  	_ =	sfence.sel $0x180000  }
0x63: {  	[bflag:$0x0] =	sbarrier.arrive $0xFFFF  }
0x64: {  	p0 =	sne.s32 s1, $0x0;
	_ =	strace $0x90000047  }
0x65: {  	s0 =	sadd.s32 @!p0 $0x100000, s0;
	[bflag:$0x2] =	sbarrier.arrive $0xFFFF  }
0x66: {  	[sflag:s0] =	ssyncadd.tile.s32 @!p0 $0x1;
	_ =	shalt  }
.Lfunc_end2:
_tile_overlayer_lowered:
.L_overlay_start_2:
0x67: {  	(tag) =	ssettag $0x2  }
0x68: {  	s0 =	rddreg [dreg:$0x0];
	s2 =	stileid.u32  }
0x69: {  	s1 =	rddreg [dreg:$0x1];
	p0 =	sne.s32 s2, $0x0  }
0x6a: {  	s3 =	rddreg [dreg:$0x2];
	[bflag:$0x3] =	sbarrier.arrive $0xFFFF;
	s2 =	simm.s32 @!p0 $0x1C03  }
0x6b: {  	[timem:s3], [sflag:s2] =	dma.local @!p0 [hbm:s0], s1  }
0x6c: {  	s0 =	simm.s32 @!p0 $0x3  }
0x6d: {  	_ =	swait.ge @!p0 [sflag:s0], s1  }
0x6e: {  	s1 =	ssub.s32 @!p0 $0x0, s1;
	[sflag:s0] =	ssyncset.done @!p0 $0x0  }
0x6f: {  	[sflag:s0] =	ssyncadd.s32 @!p0 s1  }
0x70: {  	[bflag:$0x3] =	sbarrier.arrive $0xFFFF  }
0x71: {  	_ =	shalt  }

// kernel: kernel.16.cloned.1.call-start
scs
__scs_entry_jumppad:
0x0: {  	(pc) =	sbr.rel $0x88, $3  }
0x1: {  	(tag) =	ssettag $0x0;
	lr =	simm.s32 $0x1  }
0x2: {  	[smem:$0x3F8C] =	sst lr;
	_ =	strace $0xD0000000  }
0x3: {  	_ = 	snop  }
0x4: {  	_ = 	snop  }
0x5: {  	_ = 	snop  }
0x6: {  	_ = 	snop  }
0x7: {  	_ = 	snop  }
__scs_overlays_trampoline_lowered:
0x8: {  	[smem:$0x3F9B] =	sst s0  }
0x9: {  	[smem:$0x3F9C] =	sst s1  }
0xa: {  	[smem:$0x3F9D] =	sst s2  }
0xb: {  	[smem:$0x3F9E] =	sst s3  }
0xc: {  	[smem:$0x3F9F] =	sst s4  }
0xd: {  	[smem:$0x3FA0] =	sst s5  }
0xe: {  	[smem:$0x3FA1] =	sst s6  }
0xf: {  	[smem:$0x3FA2] =	sst s7  }
0x10: {  	[smem:$0x3FA3] =	sst s8  }
0x11: {  	[smem:$0x3FA4] =	sst s9;
	s0 =	simm.s32 @!p0 $0x0  }
0x12: {  	s1 =	sld [smem:$0x3F8A];
	s0 =	simm.s32 @p0 $0x1  }
0x13: {  	[smem:$0x3FA5] =	sst s0;
	s0 =	simm.s32 @!p1 $0x0  }
0x14: {  	s2 =	sld [smem:$0x3F89];
	s0 =	simm.s32 @p1 $0x1  }
0x15: {  	[smem:$0x3FA6] =	sst s0;
	s0 =	simm.s32 @!p2 $0x0  }
0x16: {  	s3 =	sld [smem:$0x3FDB];
	s0 =	simm.s32 @p2 $0x1  }
0x17: {  	s4 =	simm.s32 $0x1BF5;
	[smem:$0x3FA8] =	sst s0  }
0x18: {  	s0 =	sld [smem:$0x3F8B];
	_ =	swait.ge [sflag:s4], $0x0  }
0x19: {  	s7 =	sld [smem:$0x3F8C]  }
0x1a: {  	s8 =	sadd.s32 $0xFFFFE003, lr  }
0x1b: {  	s9 =	sadd.s32 $0xFFFFFEF7, lr;
	s5 =	simm.s32 $0xFFFFFFFF;
	p2 =	slt.u32 s8, $0xFFFFF086  }
0x1c: {  	p1 =	slt.u32 s9, $0xF7A;
	s5 =	simm.s32 @!p2 $0x0  }
0x1d: {  	s5 =	simm.s32 @p1 $0x1;
	p0 =	seq.s32 s7, s2  }
0x1e: {  	s7 =	smul.u32 @!p0 $0xF7A, s2;
	p2 =	seq.s32 @!p0 s5, $0x0  }
0x1f: {  	s9 =	smul.u32 $0xF7A, s1;
	s8 =	simm.s32 @!p0 $0x1BF5;
	p2 =	por !p2, p0  }
0x20: {  	[sflag:s8] =	ssyncset.s32 @!p0 $0xFFFFF086;
	s6 =	sadd.s32 @!p0 s3, s7;
	s7 =	simm.s32 @!p0 $0x108  }
0x21: {  	s3 =	sadd.s32 s3, s9;
	s6 =	sadd.s32 @!p0 $0x88, s6;
	s7 =	simm.s32 @p2 $0x1082  }
0x22: {  	[simem:s7], [sflag:s8] =	dma.local @!p0 [hbm:s6], $0xF7A  }
0x23: {  	s9 =	sor.u32 $0xD0000000, s2;
	s6 =	simm.s32 $0x108;
	_ =	swait.ge @!p0 [sflag:s8], $0x0  }
0x24: {  	s3 =	sadd.s32 $0x88, s3;
	s6 =	simm.s32 @!p1 $0x1082;
	[sflag:s4] =	ssyncset.s32 $0xFFFFF086  }
0x25: {  	[simem:s6], [sflag:s4] =	dma.local [hbm:s3], $0xF7A  }
0x26: {  	[smem:$0x3F8C] =	sst s1;
	(tag) =	ssettag s2;
	_ =	strace s9  }
0x27: {  	s1 =	sld [smem:$0x3F9C]  }
0x28: {  	s2 =	sld [smem:$0x3F9D]  }
0x29: {  	s4 =	sld [smem:$0x3F9F]  }
0x2a: {  	p0 =	seq.s32 s5, $0x0;
	s5 =	sld [smem:$0x3FA0]  }
0x2b: {  	s6 =	sld [smem:$0x3FA1]  }
0x2c: {  	s7 =	sld [smem:$0x3FA2]  }
0x2d: {  	s3 =	simm.s32 $0x108;
	s8 =	sld [smem:$0x3FA3]  }
0x2e: {  	s3 =	simm.s32 @!p0 $0x1082;
	s9 =	sld [smem:$0x3FA4]  }
0x2f: {  	lr =	sadd.s32 s0, s3;
	s0 =	sld [smem:$0x3F9B]  }
0x30: {  	s3 =	sld [smem:$0x3F9E]  }
0x31: {  	[smem:$0x3FA7] =	sst s10  }
0x32: {  	s10 =	sld [smem:$0x3FA5];
	_ =	sdelay $0x3  }
0x33: {  	p0 =	seq.s32 s10, $0x1;
	s10 =	sld [smem:$0x3FA7];
	_ =	sdelay $0x3  }
0x34: {  	[smem:$0x3FA7] =	sst s10  }
0x35: {  	s10 =	sld [smem:$0x3FA6];
	_ =	sdelay $0x3  }
0x36: {  	p1 =	seq.s32 s10, $0x1;
	s10 =	sld [smem:$0x3FA7];
	_ =	sdelay $0x3  }
0x37: {  	[smem:$0x3FA7] =	sst s10  }
0x38: {  	s10 =	sld [smem:$0x3FA8]  }
0x39: {  	_ = 	snop;
	(pc) =	sbr.ind lr, $3  }
0x3a: {  	_ = 	snop  }
0x3b: {  	_ = 	snop  }
0x3c: {  	p2 =	seq.s32 s10, $0x1;
	s10 =	sld [smem:$0x3FA7]  }
0x3d: {  	_ =	shalt  }
0x3e: {  	_ =	shalt  }
0x3f: {  	_ =	shalt  }
0x40: {  	_ =	shalt  }
0x41: {  	_ =	shalt  }
0x42: {  	_ =	shalt  }
0x43: {  	_ =	shalt  }
0x44: {  	_ =	shalt  }
0x45: {  	_ =	shalt  }
0x46: {  	_ =	shalt  }
0x47: {  	_ =	shalt  }
0x48: {  	_ =	shalt  }
0x49: {  	_ =	shalt  }
0x4a: {  	_ =	shalt  }
0x4b: {  	_ =	shalt  }
0x4c: {  	_ =	shalt  }
0x4d: {  	_ =	shalt  }
0x4e: {  	_ =	shalt  }
0x4f: {  	_ =	shalt  }
0x50: {  	_ =	shalt  }
0x51: {  	_ =	shalt  }
0x52: {  	_ =	shalt  }
0x53: {  	_ =	shalt  }
0x54: {  	_ =	shalt  }
0x55: {  	_ =	shalt  }
0x56: {  	_ =	shalt  }
0x57: {  	_ =	shalt  }
0x58: {  	_ =	shalt  }
0x59: {  	_ =	shalt  }
0x5a: {  	_ =	shalt  }
0x5b: {  	_ =	shalt  }
0x5c: {  	_ =	shalt  }
0x5d: {  	_ =	shalt  }
0x5e: {  	_ =	shalt  }
0x5f: {  	_ =	shalt  }
0x60: {  	_ =	shalt  }
0x61: {  	_ =	shalt  }
0x62: {  	_ =	shalt  }
0x63: {  	_ =	shalt  }
0x64: {  	_ =	shalt  }
0x65: {  	_ =	shalt  }
0x66: {  	_ =	shalt  }
0x67: {  	_ =	shalt  }
0x68: {  	_ =	shalt  }
0x69: {  	_ =	shalt  }
0x6a: {  	_ =	shalt  }
0x6b: {  	_ =	shalt  }
0x6c: {  	_ =	shalt  }
0x6d: {  	_ =	shalt  }
0x6e: {  	_ =	shalt  }
0x6f: {  	_ =	shalt  }
0x70: {  	_ =	shalt  }
0x71: {  	_ =	shalt  }
0x72: {  	_ =	shalt  }
0x73: {  	_ =	shalt  }
0x74: {  	_ =	shalt  }
0x75: {  	_ =	shalt  }
0x76: {  	_ =	shalt  }
0x77: {  	_ =	shalt  }
0x78: {  	_ =	shalt  }
0x79: {  	_ =	shalt  }
0x7a: {  	_ =	shalt  }
0x7b: {  	_ =	shalt  }
0x7c: {  	_ =	shalt  }
0x7d: {  	_ =	shalt  }
0x7e: {  	_ =	shalt  }
0x7f: {  	_ =	shalt  }
0x80: {  	_ =	shalt  }
0x81: {  	_ =	shalt  }
0x82: {  	_ =	shalt  }
0x83: {  	_ =	shalt  }
0x84: {  	_ =	shalt  }
0x85: {  	_ =	shalt  }
0x86: {  	_ =	shalt  }
0x87: {  	_ =	shalt  }
.Lfunc_end0:
.L_simem_size_0:
called_computation.1_lowered:
.L_overlay_start_0:
0x88: {  	s2 =	sld [smem:$0x3FD9]  }
0x89: {  	s3 =	sld [smem:$0x3FFE];
	_ =	sdelay $0x1  }
0x8a: {  	s1 =	srdreg.scid  }
0x8b: {  	s0 =	sand.u32 $0x1, s1  }
0x8c: {  	s17 =	sshll.u32 s0, $0xA;
	s2 =	sadd.s32 s3, s2  }
0x8d: {  	s2 =	sadd.s32 s2, s17  }
0x8e: {  	[smem:$0x3FB3] =	sst s2  }
0x8f: {  	_ = 	snop  }
0x90: {  	s18 =	sld [smem:$0x3FD0];
	(tm) =	ssettm $0x1  }
0x91: {  	s19 =	sld [smem:$0x3FFB];
	_ =	sdelay $0x3  }
0x92: {  	_ =	strace s19  }
0x93: {  	s2 =	sld [smem:$0x3FFC];
	_ =	sdelay $0x3  }
0x94: {  	_ =	strace s2  }
0x95: {  	s2 =	sld [smem:$0x3FFD];
	_ =	sdelay $0x3  }
0x96: {  	_ =	strace s2  }
0x97: {  	_ =	strace $0x8FFFFFFF  }
0x98: {  	s20 =	sld [smem:$0x3FDB];
	_ =	sdelay $0x1  }
0x99: {  	s4 =	simm.s32 $_scs_section_size  }
0x9a: {  	s5 =	simm.s32 $_size__tile_overlayer_lowered;
	s6 =	simm.s32 $_tile_overlayer_lowered  }
0x9b: {  	s7 =	simm.s32 $0x1BFF;
	s21 =	sshll.u32 s6, $0x1;
	s4 =	sadd.s32 s4, s20  }
0x9c: {  	s22 =	simm.s32 $0x0;
	s5 =	sshll.u32 s5, $0x1;
	s6 =	sadd.s32 s21, s4  }
0x9d: {  	[timem:s22], [sflag:s7] =	dma.local [hbm:s6], s5  }
0x9e: {  	_ =	swait.ge [sflag:s7], s5  }
0x9f: {  	s5 =	ssub.s32 $0x0, s5;
	[sflag:s7] =	ssyncset.done $0x0  }
0xa0: {  	[sflag:s7] =	ssyncadd.s32 s5;
	_ =	sdelay $0x1  }
0xa1: {  	s23 =	simm.s32 $0x1B8B  }
0xa2: {  	_ =	swait.ge [sflag:s23], $0x1  }
0xa3: {  	[sflag:s23] =	ssyncset.done $0x0  }
0xa4: {  	[sflag:s23] =	ssyncadd.s32 $0xFFFFFFFF  }
0xa5: {  	s5 =	sld [smem:$0x0]  }
0xa6: {  	s6 =	sand.u32 $0xFFFFFFFE, s1  }
0xa7: {  	p0 =	sne.s32 s1, s6  }
0xa8: {  	s6 =	sshll.u32 @p0 s6, $0xE  }
0xa9: {  	s6 =	sadd.s32 @p0 $0x11B8D, s6;
	s7 =	sshll.u32 @p0 s5, $0x11  }
0xaa: {  	s6 =	sor.u32 @p0 s7, s6  }
0xab: {  	[sflag:s6] =	ssyncadd.remote.s32 @p0 $0x1;
	_ =	sdelay $0x1  }
0xac: {  	s6 =	simm.s32 @p0 $0x1B8D  }
0xad: {  	_ =	swait.eq @p0 [sflag:s6], $0x1  }
0xae: {  	[sflag:s6] =	ssyncadd.s32 @p0 $0xFFFFFFFF  }
0xaf: {  	s7 =	sshll.u32 @!p0 s1, $0xE  }
0xb0: {  	s7 =	sor.u32 @!p0 $0x4000, s7;
	s6 =	simm.s32 @!p0 $0x1B8D  }
0xb1: {  	s5 =	sshll.u32 @!p0 s5, $0x11;
	s7 =	sadd.s32 @!p0 $0x11B8D, s7;
	_ =	swait.eq @!p0 [sflag:s6], $0x1  }
0xb2: {  	s5 =	sor.u32 @!p0 s5, s7;
	[sflag:s6] =	ssyncadd.s32 @!p0 $0xFFFFFFFF  }
0xb3: {  	s25 =	simm.s32 $0x1B8E;
	s24 =	sld [smem:$0x3FFE];
	[sflag:s5] =	ssyncadd.remote.s32 @!p0 $0x1  }
0xb4: {  	s26 =	simm.s32 $execute0_lowered;
	[smem:$0x3FD2] =	sst s25  }
0xb5: {  	s6 =	sshll.u32 s26, $0x1;
	_ =	strace $0x8000004C;
	[dreg:$0x1] =	wrdreg $0xFFFFFFFF  }
0xb6: {  	s28 =	simm.s32 $_size_execute0_lowered;
	s4 =	sadd.s32 s4, s6;
	[dreg:$0x0] =	wrdreg $0x0  }
0xb7: {  	s6 =	sshll.u32 s28, $0x1;
	[dreg:$0x2] =	wrdreg s4  }
0xb8: {  	[dreg:$0x3] =	wrdreg s6  }
0xb9: {  	[dreg:$0x4] =	wrdreg $0xC0  }
0xba: {  	_ =	task [dreg:s22], $0x5FFFF  }
0xbb: {  	[dreg:$0x1] =	wrdreg $0xFFFFFFFF  }
0xbc: {  	[dreg:$0x0] =	wrdreg $0x60  }
0xbd: {  	[dreg:$0x2] =	wrdreg s24  }
0xbe: {  	[dreg:$0x3] =	wrdreg s18  }
0xbf: {  	[dreg:$0x4] =	wrdreg $0x9  }
0xc0: {  	_ =	task.clear_ibuf [dreg:s22], $0x5FFFF;
	_ =	strace $0x9000004C  }
0xc1: {  	s29 =	simm.s32 $0x9;
	_ =	strace $0x8000004E  }
0xc2: {  	_ =	swait.ge [sflag:s29], $0x1  }
0xc3: {  	[sflag:s29] =	ssyncadd.s32 $0xFFFFFFFF  }
0xc4: {  	_ =	strace $0x9000004E  }
0xc5: {  	_ =	sfence  }
0xc6: {  	s30 =	sld [smem:$0x0];
	_ =	sdelay $0x2  }
0xc7: {  	s31 =	sshll.u32 s1, $0xD;
	s1 =	sshrl.u32 s1, $0x2  }
0xc8: {  	s4 =	sand.u32 $0x4000, s31;
	s1 =	sadd.s32 s1, s30  }
0xc9: {  	s0 =	sor.u32 s4, s0;
	s1 =	sshll.u32 s1, $0x11  }
0xca: {  	s0 =	sor.u32 s1, s0  }
0xcb: {  	s0 =	sadd.s32 $0x8F2B, s0  }
0xcc: {  	[sflag:s0] =	ssyncadd.remote.s32 $0x1  }
0xcd: {  	_ =	sfence.sel $0xFFFF  }
0xce: {  	[dreg:$0x0] =	wrdreg $0xFFFFFFFF;
	(pc) =	sbr.abs _section_cstart, $3  }
0xcf: {  	[dreg:$0x1] =	wrdreg $0xFFFFFFFF  }
0xd0: {  	_ =	task.clear_ibuf [dreg:s22], $0x2FFFF;
	_ =	strace $0x9FFFFFFF  }
0xd1: {  	(tm) =	ssettm $0x7FFFFFFF  }
tec
execute0_lowered:
.L_overlay_start_1:
0x0: {  	(tag) =	ssettag $0x1  }
0x1: {  	s7 =	rddreg [dreg:$0x0]  }
0x2: {  	s0 =	srdreg.scid;
	s2 =	rddreg [dreg:$0x1]  }
0x3: {  	s1 =	stileid.u32;
	s3 =	simm.s32 $0x0;
	s12 =	simm.s32 $0x3  }
0x4: {  	s13 =	simm.s32 $0x2710;
	s14 =	simm.s32 $0x50;
	s15 =	simm.s32 $0x4E20  }
0x5: {  	s16 =	simm.s32 $0x7620;
	s17 =	simm.s32 $0x1;
	s18 =	simm.s32 $0x2  }
0x6: {  	s19 =	simm.s32 $0x0;
	s6 =	sand.u32 $0x1, s0;
	s0 =	rddreg [dreg:$0x2]  }
0x7: {  	[smem:$0x7FF] =	sst s3;
	s5 =	sadd.s32 $0x67A00, s7;
	s11 =	smul.u32 $0xFA00, s1  }
0x8: {  	s4 =	sshll.u32 s6, $0x4;
	s9 =	smul.u32 $0xFA000, s6;
	s10 =	ssub.s32 $0x2, s6  }
0x9: {  	_ =	strace $0x8000004D;
	s4 =	sor.u32 s1, s4;
	s31 =	sshrl.u32 s10, $0x1  }
0xa: {  	s4 =	smul.u32 $0x4E2, s4;
	s9 =	sadd.s32 s9, s7;
	s10 =	ssub.s32 s10, s31  }
0xb: {  	s6 =	sadd.s32 $0x8EC00, s7;
	s11 =	sadd.s32 s11, s9;
	s9 =	smax.u32 s10, $0x1  }
0xc: {  	s8 =	sadd.s32 s4, s7;
	s4 =	sadd.s32 $0x40800, s7;
	s10 =	sadd.s32 $0x885E00, s11  }
0xd: {  	s11 =	sadd.s32 $0x691E00, s11;
	s7 =	sadd.s32 $0xF800, s8;
	s8 =	sadd.s32 $0x5A00, s8  }
.LBB2_1:
0xe: {  	[tilespmem:s3], [sflag:$0x3] =	stream.linear.gather [hbm4b:s7+s3], $0x2710, $0x38;
	[tilespmem:$0x9E20] =	vst v63  }
0xf: {  	_ =	swait.ge [sflag:s12], $0x2710  }
0x10: {  	[sflag:s12] =	ssyncset.done $0x0  }
0x11: {  	[sflag:s12] =	ssyncadd.s32 $0xFFFFD8F0  }
0x12: {  	[tilespmem:s13], [sflag:$0x3] =	stream.linear.gather [hbm4b:s8+s3], $0x2710, $0x38;
	[tilespmem:$0x9E20] =	vst v63  }
0x13: {  	_ =	swait.ge [sflag:s12], $0x2710  }
0x14: {  	[sflag:s12] =	ssyncset.done $0x0  }
0x15: {  	s20 =	simm.s32 $0xFA0;
	[sflag:s12] =	ssyncadd.s32 $0xFFFFD8F0  }
0x16: {  	[tilespmem:s15], [sflag:$0x1] =	stream.indirect.gather [hbm4b:s2+s14], $0x80, s20, s14, $0xb8;
	[tilespmem:$0x9E20] =	vst v63  }
0x17: {  	_ = 	snop  }
0x18: {  	[tilespmem:s16], [sflag:$0x2] =	stream.indirect.gather [hbm4b:s5+s14], $0x80, s20, s14, $0xb8;
	[tilespmem:$0x9E20] =	vst v63  }
0x19: {  	_ =	swait.ge [sflag:s17], $0x2800  }
0x1a: {  	[sflag:s17] =	ssyncset.done $0x0  }
0x1b: {  	s31 =	simm.s32 $0x36B0;
	[sflag:s17] =	ssyncadd.s32 $0xFFFFD800  }
0x1c: {  	[tilespmem:s15], [sflag:$0x1] =	stream.indirect.gather.add.f32 [hbm:s4], $0x80, s31, s14, $0xb8;
	[tilespmem:$0x9E20] =	vst v63  }
0x1d: {  	_ =	swait.ge [sflag:s18], $0x2800  }
0x1e: {  	[sflag:s18] =	ssyncset.done $0x0  }
0x1f: {  	[sflag:s18] =	ssyncadd.s32 $0xFFFFD800  }
0x20: {  	[tilespmem:s16], [sflag:$0x2] =	stream.indirect.gather.add.f32 [hbm:s6], $0x80, s31, s14, $0xb8;
	[tilespmem:$0x9E20] =	vst v63  }
0x21: {  	_ =	swait.ge [sflag:s17], $0x2800  }
0x22: {  	[sflag:s17] =	ssyncset.done $0x0  }
0x23: {  	[sflag:s17] =	ssyncadd.s32 $0xFFFFD800  }
0x24: {  	[hbm4b:s11+s3] =	stream.linear.scatter [tilespmem:s15], [sflag:$0x3], $0x2800, $0x38;
	[tilespmem:$0x9E20] =	vst v63  }
0x25: {  	_ =	swait.ge [sflag:s12], $0x2800  }
0x26: {  	[sflag:s12] =	ssyncset.done $0x0  }
0x27: {  	[sflag:s12] =	ssyncadd.s32 $0xFFFFD800  }
0x28: {  	_ =	swait.ge [sflag:s18], $0x2800  }
0x29: {  	[sflag:s18] =	ssyncset.done $0x0  }
0x2a: {  	[sflag:s18] =	ssyncadd.s32 $0xFFFFD800  }
0x2b: {  	[hbm4b:s10+s3] =	stream.linear.scatter [tilespmem:s16], [sflag:$0x3], $0x2800, $0x38;
	[tilespmem:$0x9E20] =	vst v63  }
0x2c: {  	s23 =	simm.s32 $0x280;
	s21 =	sadd.s32 $0x500, s11;
	_ =	swait.ge [sflag:s12], $0x2800  }
0x2d: {  	s22 =	simm.s32 $0x50;
	s20 =	sadd.s32 $0x500, s10;
	[sflag:s12] =	ssyncset.done $0x0  }
.LBB2_2:
0x2e: {  	s24 =	sadd.s32 $0xFA0, s22  }
0x2f: {  	[sflag:s12] =	ssyncadd.s32 $0xFFFFD800;
	s25 =	smov.u32 s23;
	s26 =	sadd.s32 $0x140, s23  }
0x30: {  	[tilespmem:s15], [sflag:$0x1] =	stream.indirect.gather [hbm4b:s2+s14], $0x80, s24, s14, $0xb8;
	[tilespmem:$0x9E20] =	vst v63  }
0x31: {  	p0 =	sne.s32 s23, $0x3D40  }
0x32: {  	[tilespmem:s16], [sflag:$0x2] =	stream.indirect.gather [hbm4b:s5+s14], $0x80, s24, s14, $0xb8;
	[tilespmem:$0x9E20] =	vst v63  }
0x33: {  	_ =	swait.ge [sflag:s17], $0x2800  }
0x34: {  	[sflag:s17] =	ssyncset.done $0x0  }
0x35: {  	s22 =	sadd.s32 $0x36B0, s22;
	[sflag:s17] =	ssyncadd.s32 $0xFFFFD800  }
0x36: {  	[tilespmem:s15], [sflag:$0x1] =	stream.indirect.gather.add.f32 [hbm:s4], $0x80, s22, s14, $0xb8;
	[tilespmem:$0x9E20] =	vst v63  }
0x37: {  	_ =	swait.ge [sflag:s18], $0x2800  }
0x38: {  	[sflag:s18] =	ssyncset.done $0x0  }
0x39: {  	[sflag:s18] =	ssyncadd.s32 $0xFFFFD800  }
0x3a: {  	[tilespmem:s16], [sflag:$0x2] =	stream.indirect.gather.add.f32 [hbm:s6], $0x80, s22, s14, $0xb8;
	[tilespmem:$0x9E20] =	vst v63  }
0x3b: {  	_ =	swait.ge [sflag:s17], $0x2800  }
0x3c: {  	[sflag:s17] =	ssyncset.done $0x0  }
0x3d: {  	[sflag:s17] =	ssyncadd.s32 $0xFFFFD800  }
0x3e: {  	[hbm4b:s21+s3] =	stream.linear.scatter [tilespmem:s15], [sflag:$0x3], $0x2800, $0x38;
	[tilespmem:$0x9E20] =	vst v63  }
0x3f: {  	_ =	swait.ge [sflag:s12], $0x2800  }
0x40: {  	[sflag:s12] =	ssyncset.done $0x0  }
0x41: {  	[sflag:s12] =	ssyncadd.s32 $0xFFFFD800  }
0x42: {  	_ =	swait.ge [sflag:s18], $0x2800  }
.Ltmp0:
0x43: {  	[sflag:s18] =	ssyncset.done $0x0;
	(pc) =	sbr.rel @p0 .LBB2_2-.Ltmp0, $4  }
0x44: {  	[sflag:s18] =	ssyncadd.s32 $0xFFFFD800  }
0x45: {  	[hbm4b:s20+s3] =	stream.linear.scatter [tilespmem:s16], [sflag:$0x3], $0x2800, $0x38;
	[tilespmem:$0x9E20] =	vst v63  }
0x46: {  	s23 =	smov.u32 s26;
	s21 =	sadd.s32 $0x500, s21;
	_ =	swait.ge [sflag:s12], $0x2800  }
0x47: {  	s22 =	sshra.s32 s25, $0x2;
	s20 =	sadd.s32 $0x500, s20;
	[sflag:s12] =	ssyncset.done $0x0  }
0x48: {  	s23 =	sadd.s32 $0xFA0, s22;
	[sflag:s12] =	ssyncadd.s32 $0xFFFFD800  }
0x49: {  	[tilespmem:s15], [sflag:$0x1] =	stream.indirect.gather [hbm4b:s2+s14], $0x80, s23, s14, $0xb8;
	[tilespmem:$0x9E20] =	vst v63  }
0x4a: {  	_ = 	snop  }
0x4b: {  	[tilespmem:s16], [sflag:$0x2] =	stream.indirect.gather [hbm4b:s5+s14], $0x80, s23, s14, $0xb8;
	[tilespmem:$0x9E20] =	vst v63  }
0x4c: {  	_ =	swait.ge [sflag:s17], $0x2800  }
0x4d: {  	[sflag:s17] =	ssyncset.done $0x0  }
0x4e: {  	s31 =	sadd.s32 $0x36B0, s22;
	[sflag:s17] =	ssyncadd.s32 $0xFFFFD800  }
0x4f: {  	[tilespmem:s15], [sflag:$0x1] =	stream.indirect.gather.add.f32 [hbm:s4], $0x80, s31, s14, $0xb8;
	[tilespmem:$0x9E20] =	vst v63  }
0x50: {  	_ =	swait.ge [sflag:s18], $0x2800  }
0x51: {  	[sflag:s18] =	ssyncset.done $0x0  }
0x52: {  	[sflag:s18] =	ssyncadd.s32 $0xFFFFD800  }
0x53: {  	[tilespmem:s16], [sflag:$0x2] =	stream.indirect.gather.add.f32 [hbm:s6], $0x80, s31, s14, $0xb8;
	[tilespmem:$0x9E20] =	vst v63  }
0x54: {  	_ =	swait.ge [sflag:s17], $0x2800  }
0x55: {  	[sflag:s17] =	ssyncset.done $0x0  }
0x56: {  	[sflag:s17] =	ssyncadd.s32 $0xFFFFD800  }
0x57: {  	[hbm4b:s21+s3] =	stream.linear.scatter [tilespmem:s15], [sflag:$0x3], $0x2800, $0x38;
	[tilespmem:$0x9E20] =	vst v63  }
0x58: {  	_ =	swait.ge [sflag:s12], $0x2800  }
0x59: {  	[sflag:s12] =	ssyncset.done $0x0  }
0x5a: {  	[sflag:s12] =	ssyncadd.s32 $0xFFFFD800  }
0x5b: {  	s19 =	sadd.s32 $0x1, s19;
	_ =	swait.ge [sflag:s18], $0x2800  }
0x5c: {  	p0 =	sne.s32 s19, s9;
	[sflag:s18] =	ssyncset.done $0x0  }
.Ltmp1:
0x5d: {  	[sflag:s18] =	ssyncadd.s32 $0xFFFFD800;
	(pc) =	sbr.rel @p0 .LBB2_1-.Ltmp1, $4  }
0x5e: {  	[hbm4b:s20+s3] =	stream.linear.scatter [tilespmem:s16], [sflag:$0x3], $0x2800, $0x38;
	[tilespmem:$0x9E20] =	vst v63  }
0x5f: {  	_ =	swait.ge [sflag:s12], $0x2800  }
0x60: {  	[sflag:s12] =	ssyncset.done $0x0  }
0x61: {  	[sflag:s12] =	ssyncadd.s32 $0xFFFFD800  }
0x62: {  	_ =	sfence.sel $0x180000  }
0x63: {  	[bflag:$0x0] =	sbarrier.arrive $0xFFFF  }
0x64: {  	p0 =	sne.s32 s1, $0x0;
	_ =	strace $0x9000004D  }
0x65: {  	s0 =	sadd.s32 @!p0 $0x100000, s0;
	[bflag:$0x2] =	sbarrier.arrive $0xFFFF  }
0x66: {  	[sflag:s0] =	ssyncadd.tile.s32 @!p0 $0x1;
	_ =	shalt  }
.Lfunc_end2:
_tile_overlayer_lowered:
.L_overlay_start_2:
0x67: {  	(tag) =	ssettag $0x2  }
0x68: {  	s0 =	rddreg [dreg:$0x0];
	s2 =	stileid.u32  }
0x69: {  	s1 =	rddreg [dreg:$0x1];
	p0 =	sne.s32 s2, $0x0  }
0x6a: {  	s3 =	rddreg [dreg:$0x2];
	[bflag:$0x3] =	sbarrier.arrive $0xFFFF;
	s2 =	simm.s32 @!p0 $0x1C03  }
0x6b: {  	[timem:s3], [sflag:s2] =	dma.local @!p0 [hbm:s0], s1  }
0x6c: {  	s0 =	simm.s32 @!p0 $0x3  }
0x6d: {  	_ =	swait.ge @!p0 [sflag:s0], s1  }
0x6e: {  	s1 =	ssub.s32 @!p0 $0x0, s1;
	[sflag:s0] =	ssyncset.done @!p0 $0x0  }
0x6f: {  	[sflag:s0] =	ssyncadd.s32 @!p0 s1  }
0x70: {  	[bflag:$0x3] =	sbarrier.arrive $0xFFFF  }
0x71: {  	_ =	shalt  }

// kernel: kernel.19.cloned.1.call-start
scs
__scs_entry_jumppad:
0x0: {  	(pc) =	sbr.rel $0x88, $3  }
0x1: {  	(tag) =	ssettag $0x0;
	lr =	simm.s32 $0x1  }
0x2: {  	[smem:$0x3F8C] =	sst lr;
	_ =	strace $0xD0000000  }
0x3: {  	_ = 	snop  }
0x4: {  	_ = 	snop  }
0x5: {  	_ = 	snop  }
0x6: {  	_ = 	snop  }
0x7: {  	_ = 	snop  }
__scs_overlays_trampoline_lowered:
0x8: {  	[smem:$0x3F9B] =	sst s0  }
0x9: {  	[smem:$0x3F9C] =	sst s1  }
0xa: {  	[smem:$0x3F9D] =	sst s2  }
0xb: {  	[smem:$0x3F9E] =	sst s3  }
0xc: {  	[smem:$0x3F9F] =	sst s4  }
0xd: {  	[smem:$0x3FA0] =	sst s5  }
0xe: {  	[smem:$0x3FA1] =	sst s6  }
0xf: {  	[smem:$0x3FA2] =	sst s7  }
0x10: {  	[smem:$0x3FA3] =	sst s8  }
0x11: {  	[smem:$0x3FA4] =	sst s9;
	s0 =	simm.s32 @!p0 $0x0  }
0x12: {  	s1 =	sld [smem:$0x3F8A];
	s0 =	simm.s32 @p0 $0x1  }
0x13: {  	[smem:$0x3FA5] =	sst s0;
	s0 =	simm.s32 @!p1 $0x0  }
0x14: {  	s2 =	sld [smem:$0x3F89];
	s0 =	simm.s32 @p1 $0x1  }
0x15: {  	[smem:$0x3FA6] =	sst s0;
	s0 =	simm.s32 @!p2 $0x0  }
0x16: {  	s3 =	sld [smem:$0x3FDB];
	s0 =	simm.s32 @p2 $0x1  }
0x17: {  	s4 =	simm.s32 $0x1BF5;
	[smem:$0x3FA8] =	sst s0  }
0x18: {  	s0 =	sld [smem:$0x3F8B];
	_ =	swait.ge [sflag:s4], $0x0  }
0x19: {  	s7 =	sld [smem:$0x3F8C]  }
0x1a: {  	s8 =	sadd.s32 $0xFFFFE003, lr  }
0x1b: {  	s9 =	sadd.s32 $0xFFFFFEF7, lr;
	s5 =	simm.s32 $0xFFFFFFFF;
	p2 =	slt.u32 s8, $0xFFFFF086  }
0x1c: {  	p1 =	slt.u32 s9, $0xF7A;
	s5 =	simm.s32 @!p2 $0x0  }
0x1d: {  	s5 =	simm.s32 @p1 $0x1;
	p0 =	seq.s32 s7, s2  }
0x1e: {  	s7 =	smul.u32 @!p0 $0xF7A, s2;
	p2 =	seq.s32 @!p0 s5, $0x0  }
0x1f: {  	s9 =	smul.u32 $0xF7A, s1;
	s8 =	simm.s32 @!p0 $0x1BF5;
	p2 =	por !p2, p0  }
0x20: {  	[sflag:s8] =	ssyncset.s32 @!p0 $0xFFFFF086;
	s6 =	sadd.s32 @!p0 s3, s7;
	s7 =	simm.s32 @!p0 $0x108  }
0x21: {  	s3 =	sadd.s32 s3, s9;
	s6 =	sadd.s32 @!p0 $0x88, s6;
	s7 =	simm.s32 @p2 $0x1082  }
0x22: {  	[simem:s7], [sflag:s8] =	dma.local @!p0 [hbm:s6], $0xF7A  }
0x23: {  	s9 =	sor.u32 $0xD0000000, s2;
	s6 =	simm.s32 $0x108;
	_ =	swait.ge @!p0 [sflag:s8], $0x0  }
0x24: {  	s3 =	sadd.s32 $0x88, s3;
	s6 =	simm.s32 @!p1 $0x1082;
	[sflag:s4] =	ssyncset.s32 $0xFFFFF086  }
0x25: {  	[simem:s6], [sflag:s4] =	dma.local [hbm:s3], $0xF7A  }
0x26: {  	[smem:$0x3F8C] =	sst s1;
	(tag) =	ssettag s2;
	_ =	strace s9  }
0x27: {  	s1 =	sld [smem:$0x3F9C]  }
0x28: {  	s2 =	sld [smem:$0x3F9D]  }
0x29: {  	s4 =	sld [smem:$0x3F9F]  }
0x2a: {  	p0 =	seq.s32 s5, $0x0;
	s5 =	sld [smem:$0x3FA0]  }
0x2b: {  	s6 =	sld [smem:$0x3FA1]  }
0x2c: {  	s7 =	sld [smem:$0x3FA2]  }
0x2d: {  	s3 =	simm.s32 $0x108;
	s8 =	sld [smem:$0x3FA3]  }
0x2e: {  	s3 =	simm.s32 @!p0 $0x1082;
	s9 =	sld [smem:$0x3FA4]  }
0x2f: {  	lr =	sadd.s32 s0, s3;
	s0 =	sld [smem:$0x3F9B]  }
0x30: {  	s3 =	sld [smem:$0x3F9E]  }
0x31: {  	[smem:$0x3FA7] =	sst s10  }
0x32: {  	s10 =	sld [smem:$0x3FA5];
	_ =	sdelay $0x3  }
0x33: {  	p0 =	seq.s32 s10, $0x1;
	s10 =	sld [smem:$0x3FA7];
	_ =	sdelay $0x3  }
0x34: {  	[smem:$0x3FA7] =	sst s10  }
0x35: {  	s10 =	sld [smem:$0x3FA6];
	_ =	sdelay $0x3  }
0x36: {  	p1 =	seq.s32 s10, $0x1;
	s10 =	sld [smem:$0x3FA7];
	_ =	sdelay $0x3  }
0x37: {  	[smem:$0x3FA7] =	sst s10  }
0x38: {  	s10 =	sld [smem:$0x3FA8]  }
0x39: {  	_ = 	snop;
	(pc) =	sbr.ind lr, $3  }
0x3a: {  	_ = 	snop  }
0x3b: {  	_ = 	snop  }
0x3c: {  	p2 =	seq.s32 s10, $0x1;
	s10 =	sld [smem:$0x3FA7]  }
0x3d: {  	_ =	shalt  }
0x3e: {  	_ =	shalt  }
0x3f: {  	_ =	shalt  }
0x40: {  	_ =	shalt  }
0x41: {  	_ =	shalt  }
0x42: {  	_ =	shalt  }
0x43: {  	_ =	shalt  }
0x44: {  	_ =	shalt  }
0x45: {  	_ =	shalt  }
0x46: {  	_ =	shalt  }
0x47: {  	_ =	shalt  }
0x48: {  	_ =	shalt  }
0x49: {  	_ =	shalt  }
0x4a: {  	_ =	shalt  }
0x4b: {  	_ =	shalt  }
0x4c: {  	_ =	shalt  }
0x4d: {  	_ =	shalt  }
0x4e: {  	_ =	shalt  }
0x4f: {  	_ =	shalt  }
0x50: {  	_ =	shalt  }
0x51: {  	_ =	shalt  }
0x52: {  	_ =	shalt  }
0x53: {  	_ =	shalt  }
0x54: {  	_ =	shalt  }
0x55: {  	_ =	shalt  }
0x56: {  	_ =	shalt  }
0x57: {  	_ =	shalt  }
0x58: {  	_ =	shalt  }
0x59: {  	_ =	shalt  }
0x5a: {  	_ =	shalt  }
0x5b: {  	_ =	shalt  }
0x5c: {  	_ =	shalt  }
0x5d: {  	_ =	shalt  }
0x5e: {  	_ =	shalt  }
0x5f: {  	_ =	shalt  }
0x60: {  	_ =	shalt  }
0x61: {  	_ =	shalt  }
0x62: {  	_ =	shalt  }
0x63: {  	_ =	shalt  }
0x64: {  	_ =	shalt  }
0x65: {  	_ =	shalt  }
0x66: {  	_ =	shalt  }
0x67: {  	_ =	shalt  }
0x68: {  	_ =	shalt  }
0x69: {  	_ =	shalt  }
0x6a: {  	_ =	shalt  }
0x6b: {  	_ =	shalt  }
0x6c: {  	_ =	shalt  }
0x6d: {  	_ =	shalt  }
0x6e: {  	_ =	shalt  }
0x6f: {  	_ =	shalt  }
0x70: {  	_ =	shalt  }
0x71: {  	_ =	shalt  }
0x72: {  	_ =	shalt  }
0x73: {  	_ =	shalt  }
0x74: {  	_ =	shalt  }
0x75: {  	_ =	shalt  }
0x76: {  	_ =	shalt  }
0x77: {  	_ =	shalt  }
0x78: {  	_ =	shalt  }
0x79: {  	_ =	shalt  }
0x7a: {  	_ =	shalt  }
0x7b: {  	_ =	shalt  }
0x7c: {  	_ =	shalt  }
0x7d: {  	_ =	shalt  }
0x7e: {  	_ =	shalt  }
0x7f: {  	_ =	shalt  }
0x80: {  	_ =	shalt  }
0x81: {  	_ =	shalt  }
0x82: {  	_ =	shalt  }
0x83: {  	_ =	shalt  }
0x84: {  	_ =	shalt  }
0x85: {  	_ =	shalt  }
0x86: {  	_ =	shalt  }
0x87: {  	_ =	shalt  }
.Lfunc_end0:
.L_simem_size_0:
called_computation.2_lowered:
.L_overlay_start_0:
0x88: {  	s2 =	sld [smem:$0x3FD9]  }
0x89: {  	s3 =	sld [smem:$0x3FFE];
	_ =	sdelay $0x1  }
0x8a: {  	s1 =	srdreg.scid  }
0x8b: {  	s0 =	sand.u32 $0x1, s1  }
0x8c: {  	s17 =	sshll.u32 s0, $0xA;
	s2 =	sadd.s32 s3, s2  }
0x8d: {  	s2 =	sadd.s32 s2, s17  }
0x8e: {  	[smem:$0x3FB3] =	sst s2  }
0x8f: {  	_ = 	snop  }
0x90: {  	s18 =	sld [smem:$0x3FD0];
	(tm) =	ssettm $0x1  }
0x91: {  	s19 =	sld [smem:$0x3FFB];
	_ =	sdelay $0x3  }
0x92: {  	_ =	strace s19  }
0x93: {  	s2 =	sld [smem:$0x3FFC];
	_ =	sdelay $0x3  }
0x94: {  	_ =	strace s2  }
0x95: {  	s2 =	sld [smem:$0x3FFD];
	_ =	sdelay $0x3  }
0x96: {  	_ =	strace s2  }
0x97: {  	_ =	strace $0x8FFFFFFF  }
0x98: {  	s20 =	sld [smem:$0x3FDB];
	_ =	sdelay $0x1  }
0x99: {  	s4 =	simm.s32 $_scs_section_size  }
0x9a: {  	s5 =	simm.s32 $_size__tile_overlayer_lowered;
	s6 =	simm.s32 $_tile_overlayer_lowered  }
0x9b: {  	s7 =	simm.s32 $0x1BFF;
	s21 =	sshll.u32 s6, $0x1;
	s4 =	sadd.s32 s4, s20  }
0x9c: {  	s22 =	simm.s32 $0x0;
	s5 =	sshll.u32 s5, $0x1;
	s6 =	sadd.s32 s21, s4  }
0x9d: {  	[timem:s22], [sflag:s7] =	dma.local [hbm:s6], s5  }
0x9e: {  	_ =	swait.ge [sflag:s7], s5  }
0x9f: {  	s5 =	ssub.s32 $0x0, s5;
	[sflag:s7] =	ssyncset.done $0x0  }
0xa0: {  	[sflag:s7] =	ssyncadd.s32 s5;
	_ =	sdelay $0x1  }
0xa1: {  	s23 =	simm.s32 $0x1B8B  }
0xa2: {  	_ =	swait.ge [sflag:s23], $0x1  }
0xa3: {  	[sflag:s23] =	ssyncset.done $0x0  }
0xa4: {  	[sflag:s23] =	ssyncadd.s32 $0xFFFFFFFF  }
0xa5: {  	s5 =	sld [smem:$0x0]  }
0xa6: {  	s6 =	sand.u32 $0xFFFFFFFE, s1  }
0xa7: {  	p0 =	sne.s32 s1, s6  }
0xa8: {  	s6 =	sshll.u32 @p0 s6, $0xE  }
0xa9: {  	s6 =	sadd.s32 @p0 $0x11B8D, s6;
	s7 =	sshll.u32 @p0 s5, $0x11  }
0xaa: {  	s6 =	sor.u32 @p0 s7, s6  }
0xab: {  	[sflag:s6] =	ssyncadd.remote.s32 @p0 $0x1;
	_ =	sdelay $0x1  }
0xac: {  	s6 =	simm.s32 @p0 $0x1B8D  }
0xad: {  	_ =	swait.eq @p0 [sflag:s6], $0x1  }
0xae: {  	[sflag:s6] =	ssyncadd.s32 @p0 $0xFFFFFFFF  }
0xaf: {  	s7 =	sshll.u32 @!p0 s1, $0xE  }
0xb0: {  	s7 =	sor.u32 @!p0 $0x4000, s7;
	s6 =	simm.s32 @!p0 $0x1B8D  }
0xb1: {  	s5 =	sshll.u32 @!p0 s5, $0x11;
	s7 =	sadd.s32 @!p0 $0x11B8D, s7;
	_ =	swait.eq @!p0 [sflag:s6], $0x1  }
0xb2: {  	s5 =	sor.u32 @!p0 s5, s7;
	[sflag:s6] =	ssyncadd.s32 @!p0 $0xFFFFFFFF  }
0xb3: {  	s25 =	simm.s32 $0x1B8E;
	s24 =	sld [smem:$0x3FFE];
	[sflag:s5] =	ssyncadd.remote.s32 @!p0 $0x1  }
0xb4: {  	s26 =	simm.s32 $execute0_lowered;
	[smem:$0x3FD2] =	sst s25  }
0xb5: {  	s6 =	sshll.u32 s26, $0x1;
	_ =	strace $0x80000049;
	[dreg:$0x1] =	wrdreg $0xFFFFFFFF  }
0xb6: {  	s28 =	simm.s32 $_size_execute0_lowered;
	s4 =	sadd.s32 s4, s6;
	[dreg:$0x0] =	wrdreg $0x0  }
0xb7: {  	s6 =	sshll.u32 s28, $0x1;
	[dreg:$0x2] =	wrdreg s4  }
0xb8: {  	[dreg:$0x3] =	wrdreg s6  }
0xb9: {  	[dreg:$0x4] =	wrdreg $0xC0  }
0xba: {  	_ =	task [dreg:s22], $0x5FFFF  }
0xbb: {  	[dreg:$0x1] =	wrdreg $0xFFFFFFFF  }
0xbc: {  	[dreg:$0x0] =	wrdreg $0x60  }
0xbd: {  	[dreg:$0x2] =	wrdreg s24  }
0xbe: {  	[dreg:$0x3] =	wrdreg s18  }
0xbf: {  	[dreg:$0x4] =	wrdreg $0xB  }
0xc0: {  	_ =	task.clear_ibuf [dreg:s22], $0x5FFFF;
	_ =	strace $0x90000049  }
0xc1: {  	s29 =	simm.s32 $0xB;
	_ =	strace $0x8000004B  }
0xc2: {  	_ =	swait.ge [sflag:s29], $0x1  }
0xc3: {  	[sflag:s29] =	ssyncadd.s32 $0xFFFFFFFF  }
0xc4: {  	_ =	strace $0x9000004B  }
0xc5: {  	_ =	sfence  }
0xc6: {  	s30 =	sld [smem:$0x0];
	_ =	sdelay $0x2  }
0xc7: {  	s31 =	sshll.u32 s1, $0xD;
	s1 =	sshrl.u32 s1, $0x2  }
0xc8: {  	s4 =	sand.u32 $0x4000, s31;
	s1 =	sadd.s32 s1, s30  }
0xc9: {  	s0 =	sor.u32 s4, s0;
	s1 =	sshll.u32 s1, $0x11  }
0xca: {  	s0 =	sor.u32 s1, s0  }
0xcb: {  	s0 =	sadd.s32 $0x8F2B, s0  }
0xcc: {  	[sflag:s0] =	ssyncadd.remote.s32 $0x1  }
0xcd: {  	_ =	sfence.sel $0xFFFF  }
0xce: {  	[dreg:$0x0] =	wrdreg $0xFFFFFFFF;
	(pc) =	sbr.abs _section_cstart, $3  }
0xcf: {  	[dreg:$0x1] =	wrdreg $0xFFFFFFFF  }
0xd0: {  	_ =	task.clear_ibuf [dreg:s22], $0x2FFFF;
	_ =	strace $0x9FFFFFFF  }
0xd1: {  	(tm) =	ssettm $0x7FFFFFFF  }
tec
execute0_lowered:
.L_overlay_start_1:
0x0: {  	(tag) =	ssettag $0x1  }
0x1: {  	s7 =	rddreg [dreg:$0x0]  }
0x2: {  	s0 =	srdreg.scid;
	s2 =	rddreg [dreg:$0x1]  }
0x3: {  	s1 =	stileid.u32;
	s3 =	simm.s32 $0x0;
	s12 =	simm.s32 $0x3  }
0x4: {  	s13 =	simm.s32 $0x2710;
	s14 =	simm.s32 $0x50;
	s15 =	simm.s32 $0x4E20  }
0x5: {  	s16 =	simm.s32 $0x7620;
	s17 =	simm.s32 $0x1;
	s18 =	simm.s32 $0x2  }
0x6: {  	s19 =	simm.s32 $0x0;
	s6 =	sand.u32 $0x1, s0;
	s0 =	rddreg [dreg:$0x2]  }
0x7: {  	[smem:$0x7FF] =	sst s3;
	s5 =	sadd.s32 $0x67A00, s7;
	s11 =	smul.u32 $0x7D00, s1  }
0x8: {  	s4 =	sshll.u32 s6, $0x4;
	s9 =	smul.u32 $0x7D000, s6;
	s10 =	ssub.s32 $0x2, s6  }
0x9: {  	_ =	strace $0x8000004A;
	s4 =	sor.u32 s1, s4;
	s31 =	sshrl.u32 s10, $0x1  }
0xa: {  	s4 =	smul.u32 $0x4E2, s4;
	s9 =	sadd.s32 s9, s7;
	s10 =	ssub.s32 s10, s31  }
0xb: {  	s6 =	sadd.s32 $0x8EC00, s7;
	s11 =	sadd.s32 s11, s9;
	s9 =	smax.u32 s10, $0x1  }
0xc: {  	s8 =	sadd.s32 s4, s7;
	s4 =	sadd.s32 $0x40800, s7;
	s10 =	sadd.s32 $0x597E00, s11  }
0xd: {  	s11 =	sadd.s32 $0x49DE00, s11;
	s7 =	sadd.s32 $0xF800, s8;
	s8 =	sadd.s32 $0x5A00, s8  }
.LBB2_1:
0xe: {  	[tilespmem:s3], [sflag:$0x3] =	stream.linear.gather [hbm4b:s7+s3], $0x2710, $0x38;
	[tilespmem:$0x9E20] =	vst v63  }
0xf: {  	_ =	swait.ge [sflag:s12], $0x2710  }
0x10: {  	[sflag:s12] =	ssyncset.done $0x0  }
0x11: {  	[sflag:s12] =	ssyncadd.s32 $0xFFFFD8F0  }
0x12: {  	[tilespmem:s13], [sflag:$0x3] =	stream.linear.gather [hbm4b:s8+s3], $0x2710, $0x38;
	[tilespmem:$0x9E20] =	vst v63  }
0x13: {  	_ =	swait.ge [sflag:s12], $0x2710  }
0x14: {  	[sflag:s12] =	ssyncset.done $0x0  }
0x15: {  	s20 =	simm.s32 $0x1F40;
	[sflag:s12] =	ssyncadd.s32 $0xFFFFD8F0  }
0x16: {  	[tilespmem:s15], [sflag:$0x1] =	stream.indirect.gather [hbm4b:s2+s14], $0x80, s20, s14, $0xb8;
	[tilespmem:$0x9E20] =	vst v63  }
0x17: {  	_ = 	snop  }
0x18: {  	[tilespmem:s16], [sflag:$0x2] =	stream.indirect.gather [hbm4b:s5+s14], $0x80, s20, s14, $0xb8;
	[tilespmem:$0x9E20] =	vst v63  }
0x19: {  	_ =	swait.ge [sflag:s17], $0x2800  }
0x1a: {  	[sflag:s17] =	ssyncset.done $0x0  }
0x1b: {  	s31 =	simm.s32 $0x4650;
	[sflag:s17] =	ssyncadd.s32 $0xFFFFD800  }
0x1c: {  	[tilespmem:s15], [sflag:$0x1] =	stream.indirect.gather.add.f32 [hbm:s4], $0x80, s31, s14, $0xb8;
	[tilespmem:$0x9E20] =	vst v63  }
0x1d: {  	_ =	swait.ge [sflag:s18], $0x2800  }
0x1e: {  	[sflag:s18] =	ssyncset.done $0x0  }
0x1f: {  	[sflag:s18] =	ssyncadd.s32 $0xFFFFD800  }
0x20: {  	[tilespmem:s16], [sflag:$0x2] =	stream.indirect.gather.add.f32 [hbm:s6], $0x80, s31, s14, $0xb8;
	[tilespmem:$0x9E20] =	vst v63  }
0x21: {  	_ =	swait.ge [sflag:s17], $0x2800  }
0x22: {  	[sflag:s17] =	ssyncset.done $0x0  }
0x23: {  	[sflag:s17] =	ssyncadd.s32 $0xFFFFD800  }
0x24: {  	[hbm4b:s11+s3] =	stream.linear.scatter [tilespmem:s15], [sflag:$0x3], $0x2800, $0x38;
	[tilespmem:$0x9E20] =	vst v63  }
0x25: {  	_ =	swait.ge [sflag:s12], $0x2800  }
0x26: {  	[sflag:s12] =	ssyncset.done $0x0  }
0x27: {  	[sflag:s12] =	ssyncadd.s32 $0xFFFFD800  }
0x28: {  	_ =	swait.ge [sflag:s18], $0x2800  }
0x29: {  	[sflag:s18] =	ssyncset.done $0x0  }
0x2a: {  	[sflag:s18] =	ssyncadd.s32 $0xFFFFD800  }
0x2b: {  	[hbm4b:s10+s3] =	stream.linear.scatter [tilespmem:s16], [sflag:$0x3], $0x2800, $0x38;
	[tilespmem:$0x9E20] =	vst v63  }
0x2c: {  	s23 =	simm.s32 $0x280;
	s21 =	sadd.s32 $0x500, s11;
	_ =	swait.ge [sflag:s12], $0x2800  }
0x2d: {  	s22 =	simm.s32 $0x50;
	s20 =	sadd.s32 $0x500, s10;
	[sflag:s12] =	ssyncset.done $0x0  }
.LBB2_2:
0x2e: {  	s24 =	sadd.s32 $0x1F40, s22  }
0x2f: {  	[sflag:s12] =	ssyncadd.s32 $0xFFFFD800;
	s25 =	smov.u32 s23;
	s26 =	sadd.s32 $0x140, s23  }
0x30: {  	[tilespmem:s15], [sflag:$0x1] =	stream.indirect.gather [hbm4b:s2+s14], $0x80, s24, s14, $0xb8;
	[tilespmem:$0x9E20] =	vst v63  }
0x31: {  	p0 =	sne.s32 s23, $0x1E00  }
0x32: {  	[tilespmem:s16], [sflag:$0x2] =	stream.indirect.gather [hbm4b:s5+s14], $0x80, s24, s14, $0xb8;
	[tilespmem:$0x9E20] =	vst v63  }
0x33: {  	_ =	swait.ge [sflag:s17], $0x2800  }
0x34: {  	[sflag:s17] =	ssyncset.done $0x0  }
0x35: {  	s22 =	sadd.s32 $0x4650, s22;
	[sflag:s17] =	ssyncadd.s32 $0xFFFFD800  }
0x36: {  	[tilespmem:s15], [sflag:$0x1] =	stream.indirect.gather.add.f32 [hbm:s4], $0x80, s22, s14, $0xb8;
	[tilespmem:$0x9E20] =	vst v63  }
0x37: {  	_ =	swait.ge [sflag:s18], $0x2800  }
0x38: {  	[sflag:s18] =	ssyncset.done $0x0  }
0x39: {  	[sflag:s18] =	ssyncadd.s32 $0xFFFFD800  }
0x3a: {  	[tilespmem:s16], [sflag:$0x2] =	stream.indirect.gather.add.f32 [hbm:s6], $0x80, s22, s14, $0xb8;
	[tilespmem:$0x9E20] =	vst v63  }
0x3b: {  	_ =	swait.ge [sflag:s17], $0x2800  }
0x3c: {  	[sflag:s17] =	ssyncset.done $0x0  }
0x3d: {  	[sflag:s17] =	ssyncadd.s32 $0xFFFFD800  }
0x3e: {  	[hbm4b:s21+s3] =	stream.linear.scatter [tilespmem:s15], [sflag:$0x3], $0x2800, $0x38;
	[tilespmem:$0x9E20] =	vst v63  }
0x3f: {  	_ =	swait.ge [sflag:s12], $0x2800  }
0x40: {  	[sflag:s12] =	ssyncset.done $0x0  }
0x41: {  	[sflag:s12] =	ssyncadd.s32 $0xFFFFD800  }
0x42: {  	_ =	swait.ge [sflag:s18], $0x2800  }
.Ltmp0:
0x43: {  	[sflag:s18] =	ssyncset.done $0x0;
	(pc) =	sbr.rel @p0 .LBB2_2-.Ltmp0, $4  }
0x44: {  	[sflag:s18] =	ssyncadd.s32 $0xFFFFD800  }
0x45: {  	[hbm4b:s20+s3] =	stream.linear.scatter [tilespmem:s16], [sflag:$0x3], $0x2800, $0x38;
	[tilespmem:$0x9E20] =	vst v63  }
0x46: {  	s23 =	smov.u32 s26;
	s21 =	sadd.s32 $0x500, s21;
	_ =	swait.ge [sflag:s12], $0x2800  }
0x47: {  	s22 =	sshra.s32 s25, $0x2;
	s20 =	sadd.s32 $0x500, s20;
	[sflag:s12] =	ssyncset.done $0x0  }
0x48: {  	s23 =	sadd.s32 $0x1F40, s22;
	[sflag:s12] =	ssyncadd.s32 $0xFFFFD800  }
0x49: {  	[tilespmem:s15], [sflag:$0x1] =	stream.indirect.gather [hbm4b:s2+s14], $0x80, s23, s14, $0xb8;
	[tilespmem:$0x9E20] =	vst v63  }
0x4a: {  	_ = 	snop  }
0x4b: {  	[tilespmem:s16], [sflag:$0x2] =	stream.indirect.gather [hbm4b:s5+s14], $0x80, s23, s14, $0xb8;
	[tilespmem:$0x9E20] =	vst v63  }
0x4c: {  	_ =	swait.ge [sflag:s17], $0x2800  }
0x4d: {  	[sflag:s17] =	ssyncset.done $0x0  }
0x4e: {  	s31 =	sadd.s32 $0x4650, s22;
	[sflag:s17] =	ssyncadd.s32 $0xFFFFD800  }
0x4f: {  	[tilespmem:s15], [sflag:$0x1] =	stream.indirect.gather.add.f32 [hbm:s4], $0x80, s31, s14, $0xb8;
	[tilespmem:$0x9E20] =	vst v63  }
0x50: {  	_ =	swait.ge [sflag:s18], $0x2800  }
0x51: {  	[sflag:s18] =	ssyncset.done $0x0  }
0x52: {  	[sflag:s18] =	ssyncadd.s32 $0xFFFFD800  }
0x53: {  	[tilespmem:s16], [sflag:$0x2] =	stream.indirect.gather.add.f32 [hbm:s6], $0x80, s31, s14, $0xb8;
	[tilespmem:$0x9E20] =	vst v63  }
0x54: {  	_ =	swait.ge [sflag:s17], $0x2800  }
0x55: {  	[sflag:s17] =	ssyncset.done $0x0  }
0x56: {  	[sflag:s17] =	ssyncadd.s32 $0xFFFFD800  }
0x57: {  	[hbm4b:s21+s3] =	stream.linear.scatter [tilespmem:s15], [sflag:$0x3], $0x2800, $0x38;
	[tilespmem:$0x9E20] =	vst v63  }
0x58: {  	_ =	swait.ge [sflag:s12], $0x2800  }
0x59: {  	[sflag:s12] =	ssyncset.done $0x0  }
0x5a: {  	[sflag:s12] =	ssyncadd.s32 $0xFFFFD800  }
0x5b: {  	s19 =	sadd.s32 $0x1, s19;
	_ =	swait.ge [sflag:s18], $0x2800  }
0x5c: {  	p0 =	sne.s32 s19, s9;
	[sflag:s18] =	ssyncset.done $0x0  }
.Ltmp1:
0x5d: {  	[sflag:s18] =	ssyncadd.s32 $0xFFFFD800;
	(pc) =	sbr.rel @p0 .LBB2_1-.Ltmp1, $4  }
0x5e: {  	[hbm4b:s20+s3] =	stream.linear.scatter [tilespmem:s16], [sflag:$0x3], $0x2800, $0x38;
	[tilespmem:$0x9E20] =	vst v63  }
0x5f: {  	_ =	swait.ge [sflag:s12], $0x2800  }
0x60: {  	[sflag:s12] =	ssyncset.done $0x0  }
0x61: {  	[sflag:s12] =	ssyncadd.s32 $0xFFFFD800  }
0x62: {  	_ =	sfence.sel $0x180000  }
0x63: {  	[bflag:$0x0] =	sbarrier.arrive $0xFFFF  }
0x64: {  	p0 =	sne.s32 s1, $0x0;
	_ =	strace $0x9000004A  }
0x65: {  	s0 =	sadd.s32 @!p0 $0x100000, s0;
	[bflag:$0x2] =	sbarrier.arrive $0xFFFF  }
0x66: {  	[sflag:s0] =	ssyncadd.tile.s32 @!p0 $0x1;
	_ =	shalt  }
.Lfunc_end2:
_tile_overlayer_lowered:
.L_overlay_start_2:
0x67: {  	(tag) =	ssettag $0x2  }
0x68: {  	s0 =	rddreg [dreg:$0x0];
	s2 =	stileid.u32  }
0x69: {  	s1 =	rddreg [dreg:$0x1];
	p0 =	sne.s32 s2, $0x0  }
0x6a: {  	s3 =	rddreg [dreg:$0x2];
	[bflag:$0x3] =	sbarrier.arrive $0xFFFF;
	s2 =	simm.s32 @!p0 $0x1C03  }
0x6b: {  	[timem:s3], [sflag:s2] =	dma.local @!p0 [hbm:s0], s1  }
0x6c: {  	s0 =	simm.s32 @!p0 $0x3  }
0x6d: {  	_ =	swait.ge @!p0 [sflag:s0], s1  }
0x6e: {  	s1 =	ssub.s32 @!p0 $0x0, s1;
	[sflag:s0] =	ssyncset.done @!p0 $0x0  }
0x6f: {  	[sflag:s0] =	ssyncadd.s32 @!p0 s1  }
0x70: {  	[bflag:$0x3] =	sbarrier.arrive $0xFFFF  }
0x71: {  	_ =	shalt  }

// kernel: kernel.22.cloned.1.call-start
scs
__scs_entry_jumppad:
0x0: {  	(pc) =	sbr.rel $0x88, $3  }
0x1: {  	(tag) =	ssettag $0x0;
	lr =	simm.s32 $0x1  }
0x2: {  	[smem:$0x3F8C] =	sst lr;
	_ =	strace $0xD0000000  }
0x3: {  	_ = 	snop  }
0x4: {  	_ = 	snop  }
0x5: {  	_ = 	snop  }
0x6: {  	_ = 	snop  }
0x7: {  	_ = 	snop  }
__scs_overlays_trampoline_lowered:
0x8: {  	[smem:$0x3F9B] =	sst s0  }
0x9: {  	[smem:$0x3F9C] =	sst s1  }
0xa: {  	[smem:$0x3F9D] =	sst s2  }
0xb: {  	[smem:$0x3F9E] =	sst s3  }
0xc: {  	[smem:$0x3F9F] =	sst s4  }
0xd: {  	[smem:$0x3FA0] =	sst s5  }
0xe: {  	[smem:$0x3FA1] =	sst s6  }
0xf: {  	[smem:$0x3FA2] =	sst s7  }
0x10: {  	[smem:$0x3FA3] =	sst s8  }
0x11: {  	[smem:$0x3FA4] =	sst s9;
	s0 =	simm.s32 @!p0 $0x0  }
0x12: {  	s1 =	sld [smem:$0x3F8A];
	s0 =	simm.s32 @p0 $0x1  }
0x13: {  	[smem:$0x3FA5] =	sst s0;
	s0 =	simm.s32 @!p1 $0x0  }
0x14: {  	s2 =	sld [smem:$0x3F89];
	s0 =	simm.s32 @p1 $0x1  }
0x15: {  	[smem:$0x3FA6] =	sst s0;
	s0 =	simm.s32 @!p2 $0x0  }
0x16: {  	s3 =	sld [smem:$0x3FDB];
	s0 =	simm.s32 @p2 $0x1  }
0x17: {  	s4 =	simm.s32 $0x1BF5;
	[smem:$0x3FA8] =	sst s0  }
0x18: {  	s0 =	sld [smem:$0x3F8B];
	_ =	swait.ge [sflag:s4], $0x0  }
0x19: {  	s7 =	sld [smem:$0x3F8C]  }
0x1a: {  	s8 =	sadd.s32 $0xFFFFE003, lr  }
0x1b: {  	s9 =	sadd.s32 $0xFFFFFEF7, lr;
	s5 =	simm.s32 $0xFFFFFFFF;
	p2 =	slt.u32 s8, $0xFFFFF086  }
0x1c: {  	p1 =	slt.u32 s9, $0xF7A;
	s5 =	simm.s32 @!p2 $0x0  }
0x1d: {  	s5 =	simm.s32 @p1 $0x1;
	p0 =	seq.s32 s7, s2  }
0x1e: {  	s7 =	smul.u32 @!p0 $0xF7A, s2;
	p2 =	seq.s32 @!p0 s5, $0x0  }
0x1f: {  	s9 =	smul.u32 $0xF7A, s1;
	s8 =	simm.s32 @!p0 $0x1BF5;
	p2 =	por !p2, p0  }
0x20: {  	[sflag:s8] =	ssyncset.s32 @!p0 $0xFFFFF086;
	s6 =	sadd.s32 @!p0 s3, s7;
	s7 =	simm.s32 @!p0 $0x108  }
0x21: {  	s3 =	sadd.s32 s3, s9;
	s6 =	sadd.s32 @!p0 $0x88, s6;
	s7 =	simm.s32 @p2 $0x1082  }
0x22: {  	[simem:s7], [sflag:s8] =	dma.local @!p0 [hbm:s6], $0xF7A  }
0x23: {  	s9 =	sor.u32 $0xD0000000, s2;
	s6 =	simm.s32 $0x108;
	_ =	swait.ge @!p0 [sflag:s8], $0x0  }
0x24: {  	s3 =	sadd.s32 $0x88, s3;
	s6 =	simm.s32 @!p1 $0x1082;
	[sflag:s4] =	ssyncset.s32 $0xFFFFF086  }
0x25: {  	[simem:s6], [sflag:s4] =	dma.local [hbm:s3], $0xF7A  }
0x26: {  	[smem:$0x3F8C] =	sst s1;
	(tag) =	ssettag s2;
	_ =	strace s9  }
0x27: {  	s1 =	sld [smem:$0x3F9C]  }
0x28: {  	s2 =	sld [smem:$0x3F9D]  }
0x29: {  	s4 =	sld [smem:$0x3F9F]  }
0x2a: {  	p0 =	seq.s32 s5, $0x0;
	s5 =	sld [smem:$0x3FA0]  }
0x2b: {  	s6 =	sld [smem:$0x3FA1]  }
0x2c: {  	s7 =	sld [smem:$0x3FA2]  }
0x2d: {  	s3 =	simm.s32 $0x108;
	s8 =	sld [smem:$0x3FA3]  }
0x2e: {  	s3 =	simm.s32 @!p0 $0x1082;
	s9 =	sld [smem:$0x3FA4]  }
0x2f: {  	lr =	sadd.s32 s0, s3;
	s0 =	sld [smem:$0x3F9B]  }
0x30: {  	s3 =	sld [smem:$0x3F9E]  }
0x31: {  	[smem:$0x3FA7] =	sst s10  }
0x32: {  	s10 =	sld [smem:$0x3FA5];
	_ =	sdelay $0x3  }
0x33: {  	p0 =	seq.s32 s10, $0x1;
	s10 =	sld [smem:$0x3FA7];
	_ =	sdelay $0x3  }
0x34: {  	[smem:$0x3FA7] =	sst s10  }
0x35: {  	s10 =	sld [smem:$0x3FA6];
	_ =	sdelay $0x3  }
0x36: {  	p1 =	seq.s32 s10, $0x1;
	s10 =	sld [smem:$0x3FA7];
	_ =	sdelay $0x3  }
0x37: {  	[smem:$0x3FA7] =	sst s10  }
0x38: {  	s10 =	sld [smem:$0x3FA8]  }
0x39: {  	_ = 	snop;
	(pc) =	sbr.ind lr, $3  }
0x3a: {  	_ = 	snop  }
0x3b: {  	_ = 	snop  }
0x3c: {  	p2 =	seq.s32 s10, $0x1;
	s10 =	sld [smem:$0x3FA7]  }
0x3d: {  	_ =	shalt  }
0x3e: {  	_ =	shalt  }
0x3f: {  	_ =	shalt  }
0x40: {  	_ =	shalt  }
0x41: {  	_ =	shalt  }
0x42: {  	_ =	shalt  }
0x43: {  	_ =	shalt  }
0x44: {  	_ =	shalt  }
0x45: {  	_ =	shalt  }
0x46: {  	_ =	shalt  }
0x47: {  	_ =	shalt  }
0x48: {  	_ =	shalt  }
0x49: {  	_ =	shalt  }
0x4a: {  	_ =	shalt  }
0x4b: {  	_ =	shalt  }
0x4c: {  	_ =	shalt  }
0x4d: {  	_ =	shalt  }
0x4e: {  	_ =	shalt  }
0x4f: {  	_ =	shalt  }
0x50: {  	_ =	shalt  }
0x51: {  	_ =	shalt  }
0x52: {  	_ =	shalt  }
0x53: {  	_ =	shalt  }
0x54: {  	_ =	shalt  }
0x55: {  	_ =	shalt  }
0x56: {  	_ =	shalt  }
0x57: {  	_ =	shalt  }
0x58: {  	_ =	shalt  }
0x59: {  	_ =	shalt  }
0x5a: {  	_ =	shalt  }
0x5b: {  	_ =	shalt  }
0x5c: {  	_ =	shalt  }
0x5d: {  	_ =	shalt  }
0x5e: {  	_ =	shalt  }
0x5f: {  	_ =	shalt  }
0x60: {  	_ =	shalt  }
0x61: {  	_ =	shalt  }
0x62: {  	_ =	shalt  }
0x63: {  	_ =	shalt  }
0x64: {  	_ =	shalt  }
0x65: {  	_ =	shalt  }
0x66: {  	_ =	shalt  }
0x67: {  	_ =	shalt  }
0x68: {  	_ =	shalt  }
0x69: {  	_ =	shalt  }
0x6a: {  	_ =	shalt  }
0x6b: {  	_ =	shalt  }
0x6c: {  	_ =	shalt  }
0x6d: {  	_ =	shalt  }
0x6e: {  	_ =	shalt  }
0x6f: {  	_ =	shalt  }
0x70: {  	_ =	shalt  }
0x71: {  	_ =	shalt  }
0x72: {  	_ =	shalt  }
0x73: {  	_ =	shalt  }
0x74: {  	_ =	shalt  }
0x75: {  	_ =	shalt  }
0x76: {  	_ =	shalt  }
0x77: {  	_ =	shalt  }
0x78: {  	_ =	shalt  }
0x79: {  	_ =	shalt  }
0x7a: {  	_ =	shalt  }
0x7b: {  	_ =	shalt  }
0x7c: {  	_ =	shalt  }
0x7d: {  	_ =	shalt  }
0x7e: {  	_ =	shalt  }
0x7f: {  	_ =	shalt  }
0x80: {  	_ =	shalt  }
0x81: {  	_ =	shalt  }
0x82: {  	_ =	shalt  }
0x83: {  	_ =	shalt  }
0x84: {  	_ =	shalt  }
0x85: {  	_ =	shalt  }
0x86: {  	_ =	shalt  }
0x87: {  	_ =	shalt  }
.Lfunc_end0:
.L_simem_size_0:
called_computation.3_lowered:
.L_overlay_start_0:
0x88: {  	s2 =	sld [smem:$0x3FD9]  }
0x89: {  	s3 =	sld [smem:$0x3FFE];
	_ =	sdelay $0x1  }
0x8a: {  	s1 =	srdreg.scid  }
0x8b: {  	s0 =	sand.u32 $0x1, s1  }
0x8c: {  	s17 =	sshll.u32 s0, $0xA;
	s2 =	sadd.s32 s3, s2  }
0x8d: {  	s2 =	sadd.s32 s2, s17  }
0x8e: {  	[smem:$0x3FB3] =	sst s2  }
0x8f: {  	_ = 	snop  }
0x90: {  	(tm) =	ssettm $0x1  }
0x91: {  	s18 =	sld [smem:$0x3FFB];
	_ =	sdelay $0x3  }
0x92: {  	_ =	strace s18  }
0x93: {  	s2 =	sld [smem:$0x3FFC];
	_ =	sdelay $0x3  }
0x94: {  	_ =	strace s2  }
0x95: {  	s2 =	sld [smem:$0x3FFD];
	_ =	sdelay $0x3  }
0x96: {  	_ =	strace s2  }
0x97: {  	_ =	strace $0x8FFFFFFF  }
0x98: {  	s19 =	sld [smem:$0x3FDB];
	_ =	sdelay $0x1  }
0x99: {  	s20 =	simm.s32 $_scs_section_size  }
0x9a: {  	s4 =	simm.s32 $_size__tile_overlayer_lowered;
	s5 =	simm.s32 $_tile_overlayer_lowered  }
0x9b: {  	s6 =	simm.s32 $0x1BFF;
	s21 =	sshll.u32 s5, $0x1;
	s3 =	sadd.s32 s20, s19  }
0x9c: {  	s22 =	simm.s32 $0x0;
	s4 =	sshll.u32 s4, $0x1;
	s5 =	sadd.s32 s21, s3  }
0x9d: {  	[timem:s22], [sflag:s6] =	dma.local [hbm:s5], s4  }
0x9e: {  	_ =	swait.ge [sflag:s6], s4  }
0x9f: {  	s4 =	ssub.s32 $0x0, s4;
	[sflag:s6] =	ssyncset.done $0x0  }
0xa0: {  	[sflag:s6] =	ssyncadd.s32 s4;
	_ =	sdelay $0x1  }
0xa1: {  	s23 =	simm.s32 $0x1B8B  }
0xa2: {  	_ =	swait.ge [sflag:s23], $0x1  }
0xa3: {  	[sflag:s23] =	ssyncset.done $0x0  }
0xa4: {  	[sflag:s23] =	ssyncadd.s32 $0xFFFFFFFF  }
0xa5: {  	s4 =	sld [smem:$0x0]  }
0xa6: {  	s5 =	sand.u32 $0xFFFFFFFE, s1  }
0xa7: {  	p0 =	sne.s32 s1, s5  }
0xa8: {  	s5 =	sshll.u32 @p0 s5, $0xE  }
0xa9: {  	s5 =	sadd.s32 @p0 $0x11B8D, s5;
	s6 =	sshll.u32 @p0 s4, $0x11  }
0xaa: {  	s5 =	sor.u32 @p0 s6, s5  }
0xab: {  	[sflag:s5] =	ssyncadd.remote.s32 @p0 $0x1;
	_ =	sdelay $0x1  }
0xac: {  	s5 =	simm.s32 @p0 $0x1B8D  }
0xad: {  	_ =	swait.eq @p0 [sflag:s5], $0x1  }
0xae: {  	[sflag:s5] =	ssyncadd.s32 @p0 $0xFFFFFFFF  }
0xaf: {  	s6 =	sshll.u32 @!p0 s1, $0xE  }
0xb0: {  	s6 =	sor.u32 @!p0 $0x4000, s6;
	s5 =	simm.s32 @!p0 $0x1B8D  }
0xb1: {  	s4 =	sshll.u32 @!p0 s4, $0x11;
	s6 =	sadd.s32 @!p0 $0x11B8D, s6;
	_ =	swait.eq @!p0 [sflag:s5], $0x1  }
0xb2: {  	s4 =	sor.u32 @!p0 s4, s6;
	[sflag:s5] =	ssyncadd.s32 @!p0 $0xFFFFFFFF  }
0xb3: {  	s25 =	simm.s32 $0x1B8E;
	s24 =	sld [smem:$0x3FFE];
	[sflag:s4] =	ssyncadd.remote.s32 @!p0 $0x1  }
0xb4: {  	s26 =	simm.s32 $execute0_lowered;
	[smem:$0x3FD2] =	sst s25  }
0xb5: {  	s5 =	sshll.u32 s26, $0x1;
	_ =	strace $0x8000004F;
	[dreg:$0x1] =	wrdreg $0xFFFFFFFF  }
0xb6: {  	s28 =	simm.s32 $_size_execute0_lowered;
	s3 =	sadd.s32 s3, s5;
	[dreg:$0x0] =	wrdreg $0x0  }
0xb7: {  	s5 =	sshll.u32 s28, $0x1;
	[dreg:$0x2] =	wrdreg s3  }
0xb8: {  	[dreg:$0x3] =	wrdreg s5  }
0xb9: {  	[dreg:$0x4] =	wrdreg $0xC0  }
0xba: {  	_ =	task [dreg:s22], $0x5FFFF  }
0xbb: {  	[dreg:$0x1] =	wrdreg $0xFFFFFFFF  }
0xbc: {  	[dreg:$0x0] =	wrdreg $0x60  }
0xbd: {  	[dreg:$0x2] =	wrdreg s24  }
0xbe: {  	[dreg:$0x3] =	wrdreg $0x4F100  }
0xbf: {  	[dreg:$0x4] =	wrdreg $0xA  }
0xc0: {  	_ =	task.clear_ibuf [dreg:s22], $0x5FFFF;
	_ =	strace $0x9000004F  }
0xc1: {  	s29 =	simm.s32 $0xA;
	_ =	strace $0x80000051  }
0xc2: {  	_ =	swait.ge [sflag:s29], $0x1  }
0xc3: {  	[sflag:s29] =	ssyncadd.s32 $0xFFFFFFFF  }
0xc4: {  	_ =	strace $0x90000051  }
0xc5: {  	_ =	sfence  }
0xc6: {  	s30 =	sld [smem:$0x0];
	_ =	sdelay $0x2  }
0xc7: {  	s31 =	sshll.u32 s1, $0xD;
	s1 =	sshrl.u32 s1, $0x2  }
0xc8: {  	s4 =	sand.u32 $0x4000, s31;
	s1 =	sadd.s32 s1, s30  }
0xc9: {  	s0 =	sor.u32 s4, s0;
	s1 =	sshll.u32 s1, $0x11  }
0xca: {  	s0 =	sor.u32 s1, s0  }
0xcb: {  	s0 =	sadd.s32 $0x8F2B, s0  }
0xcc: {  	[sflag:s0] =	ssyncadd.remote.s32 $0x1  }
0xcd: {  	_ =	sfence.sel $0xFFFF  }
0xce: {  	[dreg:$0x0] =	wrdreg $0xFFFFFFFF;
	(pc) =	sbr.abs _section_cstart, $3  }
0xcf: {  	[dreg:$0x1] =	wrdreg $0xFFFFFFFF  }
0xd0: {  	_ =	task.clear_ibuf [dreg:s22], $0x2FFFF;
	_ =	strace $0x9FFFFFFF  }
0xd1: {  	(tm) =	ssettm $0x7FFFFFFF  }
tec
execute0_lowered:
.L_overlay_start_1:
0x0: {  	(tag) =	ssettag $0x1  }
0x1: {  	s0 =	srdreg.scid;
	s6 =	rddreg [dreg:$0x0]  }
0x2: {  	s14 =	stileid.u32;
	s1 =	rddreg [dreg:$0x1]  }
0x3: {  	s2 =	simm.s32 $0x0;
	s20 =	simm.s32 $0x28;
	s21 =	simm.s32 $0x2  }
0x4: {  	s22 =	simm.s32 $0xF50;
	s23 =	simm.s32 $0xF78;
	s24 =	simm.s32 $0x0  }
0x5: {  	s5 =	sand.u32 $0x1, s0;
	[smem:$0x7FF] =	sst s2;
	s9 =	smul.u32 $0x13800, s14  }
0x6: {  	s11 =	sadd.s32 $0xA79E00, s6;
	s12 =	sadd.s32 $0xDD000, s6;
	s29 =	sshll.u32 s14, $0x6  }
0x7: {  	s17 =	sadd.s32 $0x138000, s1;
	s19 =	smul.u32 $0xFA0, s14;
	p0 =	sne.s32 s14, $0x0  }
0x8: {  	s0 =	sshll.u32 s5, $0x4;
	s8 =	ssub.s32 $0x2, s5;
	s30 =	smul.u32 $0x138800, s5  }
0x9: {  	s18 =	smul.u32 $0xFA00, s5;
	s5 =	sadd.s32 $0xDCE00, s6;
	s3 =	sor.u32 s14, s0  }
0xa: {  	s0 =	rddreg [dreg:$0x2];
	_ =	strace $0x80000050;
	s4 =	smul.u32 $0x4E2, s3  }
0xb: {  	s26 =	sshrl.u32 s9, $0x3;
	s10 =	sshrl.u32 s8, $0x1;
	s28 =	smul.u32 $0xFA00, s3  }
0xc: {  	s15 =	sadd.s32 s9, s1;
	s13 =	ssub.s32 s8, s10;
	s16 =	smul.u32 $0x7D000, s3  }
0xd: {  	s9 =	sadd.s32 s9, s30;
	s10 =	sshrl.u32 s30, $0x3;
	s31 =	sadd.s32 s19, s18  }
0xe: {  	s14 =	sshrl.u32 s15, $0x3;
	s15 =	simm.s32 $0x3;
	s18 =	simm.s32 $0x3B10  }
0xf: {  	s19 =	simm.s32 $0x1;
	s9 =	sshrl.u32 s9, $0x3;
	s10 =	sadd.s32 s12, s10  }
0x10: {  	s7 =	sadd.s32 s4, s6;
	s4 =	sadd.s32 s26, s6;
	s16 =	sshrl.u32 s16, $0x3  }
0x11: {  	s9 =	sadd.s32 s12, s9;
	s10 =	sadd.s32 $0x27000, s10;
	s16 =	sadd.s32 s11, s16  }
0x12: {  	s3 =	sadd.s32 $0xB5E00, s4;
	s8 =	sadd.s32 $0xF780, s16;
	s16 =	sshll.u32 s31, $0x4  }
0x13: {  	s4 =	sor.u32 $0x1C03, s29;
	s6 =	sadd.s32 $0xF800, s7;
	s16 =	sadd.s32 s11, s16  }
0x14: {  	s7 =	sadd.s32 s11, s28;
	s11 =	smax.u32 s13, $0x1;
	s12 =	sadd.s32 $0x500, s16  }
0x15: {  	s13 =	sadd.s32 $0x280, s16;
	s16 =	sshrl.u32 @!p0 s17, $0x3;
	s17 =	simm.s32 $0x2710  }
.LBB2_1:
0x16: {  	[spmem:s14], [sflag:s4] =	dma.local [hbm:s3], $0x2700  }
0x17: {  	_ =	swait.ge [sflag:s15], $0x2700  }
0x18: {  	[sflag:s15] =	ssyncset.done $0x0  }
0x19: {  	s25 =	simm.s32 @!p0 $0x3;
	[sflag:s15] =	ssyncadd.s32 $0xFFFFD900  }
0x1a: {  	[spmem:s16], [sflag:s4] =	dma.local @!p0 [hbm:s5], $0x100  }
0x1b: {  	_ =	swait.ge @!p0 [sflag:s25], $0x100  }
0x1c: {  	[sflag:s25] =	ssyncset.done @!p0 $0x0  }
0x1d: {  	[sflag:s25] =	ssyncadd.s32 @!p0 $0xFFFFFF00  }
0x1e: {  	[tilespmem:s2], [sflag:$0x3] =	stream.linear.gather [hbm4b:s6+s2], $0x2710, $0x38;
	[tilespmem:$0x18790] =	vst v63  }
0x1f: {  	_ =	swait.ge [sflag:s15], $0x2710  }
0x20: {  	[sflag:s15] =	ssyncset.done $0x0  }
0x21: {  	[sflag:s15] =	ssyncadd.s32 $0xFFFFD8F0  }
0x22: {  	[bflag:$0x0] =	sbarrier.arrive $0xFFFF  }
0x23: {  	[tilespmem:s17], [sflag:$0x1] =	stream.linear.gather [hbm4b:s7+s2], $0x1400, $0x38;
	[tilespmem:$0x18790] =	vst v63  }
0x24: {  	s29 =	sadd.s32 $0x0, s13  }
0x25: {  	[tilespmem:s18], [sflag:$0x2] =	stream.linear.gather [hbm4b:s29+s2], $0x1400, $0x38;
	[tilespmem:$0x18790] =	vst v63  }
0x26: {  	_ =	swait.ge [sflag:s19], $0x1400  }
0x27: {  	[sflag:s19] =	ssyncset.done $0x0  }
0x28: {  	[sflag:s19] =	ssyncadd.s32 $0xFFFFEC00  }
0x29: {  	[spmem:s1] =	stream.indirect.scatter.add.f32 [tilespmem:s17], [sflag:$0x3], $0x80, s2, s20, $0xb8;
	[tilespmem:$0x18790] =	vst v63  }
0x2a: {  	_ =	swait.ge [sflag:s15], $0x1400  }
0x2b: {  	[sflag:s15] =	ssyncset.done $0x0  }
0x2c: {  	s30 =	sadd.s32 $0x0, s12;
	[sflag:s15] =	ssyncadd.s32 $0xFFFFEC00  }
0x2d: {  	[tilespmem:s17], [sflag:$0x1] =	stream.linear.gather [hbm4b:s30+s2], $0x1400, $0x38;
	[tilespmem:$0x18790] =	vst v63  }
0x2e: {  	_ =	swait.ge [sflag:s21], $0x1400  }
0x2f: {  	[sflag:s21] =	ssyncset.done $0x0  }
0x30: {  	s31 =	simm.s32 $0x28;
	[sflag:s21] =	ssyncadd.s32 $0xFFFFEC00  }
0x31: {  	[spmem:s1] =	stream.indirect.scatter.add.f32 [tilespmem:s18], [sflag:$0x3], $0x80, s31, s20, $0xb8;
	[tilespmem:$0x18790] =	vst v63  }
0x32: {  	s26 =	simm.s32 $0x500;
	_ =	swait.ge [sflag:s15], $0x1400  }
0x33: {  	s28 =	simm.s32 $0xA00;
	s25 =	simm.s32 $0x50;
	[sflag:s15] =	ssyncset.done $0x0  }
.LBB2_2:
0x34: {  	s29 =	sadd.s32 s26, s13  }
0x35: {  	[sflag:s15] =	ssyncadd.s32 $0xFFFFEC00;
	s30 =	smov.u32 s28;
	s31 =	sadd.s32 $0x500, s28  }
0x36: {  	[tilespmem:s18], [sflag:$0x2] =	stream.linear.gather [hbm4b:s29+s2], $0x1400, $0x38;
	[tilespmem:$0x18790] =	vst v63  }
0x37: {  	p1 =	sne.s32 s28, $0xF000;
	_ =	swait.ge [sflag:s19], $0x1400  }
0x38: {  	[sflag:s19] =	ssyncset.done $0x0  }
0x39: {  	[sflag:s19] =	ssyncadd.s32 $0xFFFFEC00  }
0x3a: {  	[spmem:s1] =	stream.indirect.scatter.add.f32 [tilespmem:s17], [sflag:$0x3], $0x80, s25, s20, $0xb8;
	[tilespmem:$0x18790] =	vst v63  }
0x3b: {  	_ =	swait.ge [sflag:s15], $0x1400  }
0x3c: {  	[sflag:s15] =	ssyncset.done $0x0  }
0x3d: {  	s28 =	sadd.s32 s26, s12;
	s26 =	smov.u32 s30;
	[sflag:s15] =	ssyncadd.s32 $0xFFFFEC00  }
0x3e: {  	[tilespmem:s17], [sflag:$0x1] =	stream.linear.gather [hbm4b:s28+s2], $0x1400, $0x38;
	[tilespmem:$0x18790] =	vst v63  }
0x3f: {  	_ =	swait.ge [sflag:s21], $0x1400  }
.Ltmp0:
0x40: {  	[sflag:s21] =	ssyncset.done $0x0;
	(pc) =	sbr.rel @p1 .LBB2_2-.Ltmp0, $4  }
0x41: {  	s28 =	sadd.s32 $0x28, s25;
	[sflag:s21] =	ssyncadd.s32 $0xFFFFEC00  }
0x42: {  	[spmem:s1] =	stream.indirect.scatter.add.f32 [tilespmem:s18], [sflag:$0x3], $0x80, s28, s20, $0xb8;
	[tilespmem:$0x18790] =	vst v63  }
0x43: {  	_ =	swait.ge [sflag:s15], $0x1400  }
0x44: {  	s25 =	sadd.s32 $0x50, s25;
	s28 =	smov.u32 s31;
	[sflag:s15] =	ssyncset.done $0x0  }
0x45: {  	s28 =	sadd.s32 s26, s13;
	[sflag:s15] =	ssyncadd.s32 $0xFFFFEC00  }
0x46: {  	[tilespmem:s18], [sflag:$0x2] =	stream.linear.gather [hbm4b:s28+s2], $0x1400, $0x38;
	[tilespmem:$0x18790] =	vst v63  }
0x47: {  	_ =	swait.ge [sflag:s19], $0x1400  }
0x48: {  	[sflag:s19] =	ssyncset.done $0x0  }
0x49: {  	[sflag:s19] =	ssyncadd.s32 $0xFFFFEC00  }
0x4a: {  	[spmem:s1] =	stream.indirect.scatter.add.f32 [tilespmem:s17], [sflag:$0x3], $0x80, s25, s20, $0xb8;
	[tilespmem:$0x18790] =	vst v63  }
0x4b: {  	_ =	swait.ge [sflag:s15], $0x1400  }
0x4c: {  	[sflag:s15] =	ssyncset.done $0x0  }
0x4d: {  	s30 =	sadd.s32 s26, s12;
	[sflag:s15] =	ssyncadd.s32 $0xFFFFEC00  }
0x4e: {  	[tilespmem:s17], [sflag:$0x1] =	stream.linear.gather [hbm4b:s30+s2], $0x1400, $0x38;
	[tilespmem:$0x18790] =	vst v63  }
0x4f: {  	_ =	swait.ge [sflag:s21], $0x1400  }
0x50: {  	[sflag:s21] =	ssyncset.done $0x0  }
0x51: {  	s31 =	sadd.s32 $0x28, s25;
	[sflag:s21] =	ssyncadd.s32 $0xFFFFEC00  }
0x52: {  	[spmem:s1] =	stream.indirect.scatter.add.f32 [tilespmem:s18], [sflag:$0x3], $0x80, s31, s20, $0xb8;
	[tilespmem:$0x18790] =	vst v63  }
0x53: {  	_ =	swait.ge [sflag:s15], $0x1400  }
0x54: {  	[sflag:s15] =	ssyncset.done $0x0  }
0x55: {  	[sflag:s15] =	ssyncadd.s32 $0xFFFFEC00  }
0x56: {  	[tilespmem:s18], [sflag:$0x2] =	stream.linear.gather [hbm4b:s8+s2], $0x1400, $0x38;
	[tilespmem:$0x18790] =	vst v63  }
0x57: {  	_ =	swait.ge [sflag:s19], $0x1400  }
0x58: {  	[sflag:s19] =	ssyncset.done $0x0  }
0x59: {  	[sflag:s19] =	ssyncadd.s32 $0xFFFFEC00  }
0x5a: {  	[spmem:s1] =	stream.indirect.scatter.add.f32 [tilespmem:s17], [sflag:$0x3], $0x80, s22, s20, $0xb8;
	[tilespmem:$0x18790] =	vst v63  }
0x5b: {  	_ =	swait.ge [sflag:s15], $0x1400  }
0x5c: {  	[sflag:s15] =	ssyncset.done $0x0  }
0x5d: {  	[sflag:s15] =	ssyncadd.s32 $0xFFFFEC00  }
0x5e: {  	_ =	swait.ge [sflag:s21], $0x1400  }
0x5f: {  	[sflag:s21] =	ssyncset.done $0x0  }
0x60: {  	[sflag:s21] =	ssyncadd.s32 $0xFFFFEC00  }
0x61: {  	[spmem:s1] =	stream.indirect.scatter.add.f32 [tilespmem:s18], [sflag:$0x3], $0x80, s23, s20, $0xb8;
	[tilespmem:$0x18790] =	vst v63  }
0x62: {  	_ =	swait.ge [sflag:s15], $0x1400  }
0x63: {  	[sflag:s15] =	ssyncset.done $0x0  }
0x64: {  	[sflag:s15] =	ssyncadd.s32 $0xFFFFEC00  }
0x65: {  	[bflag:$0x0] =	sbarrier.arrive $0xFFFF  }
0x66: {  	[hbm:s9], [sflag:s4] =	dma.local [spmem:s14], $0x2700  }
0x67: {  	s24 =	sadd.s32 $0x1, s24;
	_ =	swait.ge [sflag:s15], $0x2700  }
0x68: {  	p1 =	sne.s32 s24, s11;
	[sflag:s15] =	ssyncset.done $0x0  }
.Ltmp1:
0x69: {  	s25 =	simm.s32 @!p0 $0x3;
	[sflag:s15] =	ssyncadd.s32 $0xFFFFD900;
	(pc) =	sbr.rel @p1 .LBB2_1-.Ltmp1, $4  }
0x6a: {  	[hbm:s10], [sflag:s4] =	dma.local @!p0 [spmem:s16], $0x100  }
0x6b: {  	_ =	swait.ge @!p0 [sflag:s25], $0x100  }
0x6c: {  	[sflag:s25] =	ssyncset.done @!p0 $0x0  }
0x6d: {  	[sflag:s25] =	ssyncadd.s32 @!p0 $0xFFFFFF00  }
0x6e: {  	_ =	sfence.sel $0x180000  }
0x6f: {  	[bflag:$0x0] =	sbarrier.arrive $0xFFFF  }
0x70: {  	_ =	strace $0x90000050  }
0x71: {  	s0 =	sadd.s32 @!p0 $0x100000, s0;
	[bflag:$0x2] =	sbarrier.arrive $0xFFFF  }
0x72: {  	[sflag:s0] =	ssyncadd.tile.s32 @!p0 $0x1;
	_ =	shalt  }
.Lfunc_end2:
_tile_overlayer_lowered:
.L_overlay_start_2:
0x73: {  	(tag) =	ssettag $0x2  }
0x74: {  	s0 =	rddreg [dreg:$0x0];
	s2 =	stileid.u32  }
0x75: {  	s1 =	rddreg [dreg:$0x1];
	p0 =	sne.s32 s2, $0x0  }
0x76: {  	s3 =	rddreg [dreg:$0x2];
	[bflag:$0x3] =	sbarrier.arrive $0xFFFF;
	s2 =	simm.s32 @!p0 $0x1C03  }
0x77: {  	[timem:s3], [sflag:s2] =	dma.local @!p0 [hbm:s0], s1  }
0x78: {  	s0 =	simm.s32 @!p0 $0x3  }
0x79: {  	_ =	swait.ge @!p0 [sflag:s0], s1  }
0x7a: {  	s1 =	ssub.s32 @!p0 $0x0, s1;
	[sflag:s0] =	ssyncset.done @!p0 $0x0  }
0x7b: {  	[sflag:s0] =	ssyncadd.s32 @!p0 s1  }
0x7c: {  	[bflag:$0x3] =	sbarrier.arrive $0xFFFF  }
0x7d: {  	_ =	shalt  }

// kernel: kernel.25.cloned.1.call-start
scs
__scs_entry_jumppad:
0x0: {  	(pc) =	sbr.rel $0x88, $3  }
0x1: {  	(tag) =	ssettag $0x0;
	lr =	simm.s32 $0x1  }
0x2: {  	[smem:$0x3F8C] =	sst lr;
	_ =	strace $0xD0000000  }
0x3: {  	_ = 	snop  }
0x4: {  	_ = 	snop  }
0x5: {  	_ = 	snop  }
0x6: {  	_ = 	snop  }
0x7: {  	_ = 	snop  }
__scs_overlays_trampoline_lowered:
0x8: {  	[smem:$0x3F9B] =	sst s0  }
0x9: {  	[smem:$0x3F9C] =	sst s1  }
0xa: {  	[smem:$0x3F9D] =	sst s2  }
0xb: {  	[smem:$0x3F9E] =	sst s3  }
0xc: {  	[smem:$0x3F9F] =	sst s4  }
0xd: {  	[smem:$0x3FA0] =	sst s5  }
0xe: {  	[smem:$0x3FA1] =	sst s6  }
0xf: {  	[smem:$0x3FA2] =	sst s7  }
0x10: {  	[smem:$0x3FA3] =	sst s8  }
0x11: {  	[smem:$0x3FA4] =	sst s9;
	s0 =	simm.s32 @!p0 $0x0  }
0x12: {  	s1 =	sld [smem:$0x3F8A];
	s0 =	simm.s32 @p0 $0x1  }
0x13: {  	[smem:$0x3FA5] =	sst s0;
	s0 =	simm.s32 @!p1 $0x0  }
0x14: {  	s2 =	sld [smem:$0x3F89];
	s0 =	simm.s32 @p1 $0x1  }
0x15: {  	[smem:$0x3FA6] =	sst s0;
	s0 =	simm.s32 @!p2 $0x0  }
0x16: {  	s3 =	sld [smem:$0x3FDB];
	s0 =	simm.s32 @p2 $0x1  }
0x17: {  	s4 =	simm.s32 $0x1BF5;
	[smem:$0x3FA8] =	sst s0  }
0x18: {  	s0 =	sld [smem:$0x3F8B];
	_ =	swait.ge [sflag:s4], $0x0  }
0x19: {  	s7 =	sld [smem:$0x3F8C]  }
0x1a: {  	s8 =	sadd.s32 $0xFFFFE003, lr  }
0x1b: {  	s9 =	sadd.s32 $0xFFFFFEF7, lr;
	s5 =	simm.s32 $0xFFFFFFFF;
	p2 =	slt.u32 s8, $0xFFFFF086  }
0x1c: {  	p1 =	slt.u32 s9, $0xF7A;
	s5 =	simm.s32 @!p2 $0x0  }
0x1d: {  	s5 =	simm.s32 @p1 $0x1;
	p0 =	seq.s32 s7, s2  }
0x1e: {  	s7 =	smul.u32 @!p0 $0xF7A, s2;
	p2 =	seq.s32 @!p0 s5, $0x0  }
0x1f: {  	s9 =	smul.u32 $0xF7A, s1;
	s8 =	simm.s32 @!p0 $0x1BF5;
	p2 =	por !p2, p0  }
0x20: {  	[sflag:s8] =	ssyncset.s32 @!p0 $0xFFFFF086;
	s6 =	sadd.s32 @!p0 s3, s7;
	s7 =	simm.s32 @!p0 $0x108  }
0x21: {  	s3 =	sadd.s32 s3, s9;
	s6 =	sadd.s32 @!p0 $0x88, s6;
	s7 =	simm.s32 @p2 $0x1082  }
0x22: {  	[simem:s7], [sflag:s8] =	dma.local @!p0 [hbm:s6], $0xF7A  }
0x23: {  	s9 =	sor.u32 $0xD0000000, s2;
	s6 =	simm.s32 $0x108;
	_ =	swait.ge @!p0 [sflag:s8], $0x0  }
0x24: {  	s3 =	sadd.s32 $0x88, s3;
	s6 =	simm.s32 @!p1 $0x1082;
	[sflag:s4] =	ssyncset.s32 $0xFFFFF086  }
0x25: {  	[simem:s6], [sflag:s4] =	dma.local [hbm:s3], $0xF7A  }
0x26: {  	[smem:$0x3F8C] =	sst s1;
	(tag) =	ssettag s2;
	_ =	strace s9  }
0x27: {  	s1 =	sld [smem:$0x3F9C]  }
0x28: {  	s2 =	sld [smem:$0x3F9D]  }
0x29: {  	s4 =	sld [smem:$0x3F9F]  }
0x2a: {  	p0 =	seq.s32 s5, $0x0;
	s5 =	sld [smem:$0x3FA0]  }
0x2b: {  	s6 =	sld [smem:$0x3FA1]  }
0x2c: {  	s7 =	sld [smem:$0x3FA2]  }
0x2d: {  	s3 =	simm.s32 $0x108;
	s8 =	sld [smem:$0x3FA3]  }
0x2e: {  	s3 =	simm.s32 @!p0 $0x1082;
	s9 =	sld [smem:$0x3FA4]  }
0x2f: {  	lr =	sadd.s32 s0, s3;
	s0 =	sld [smem:$0x3F9B]  }
0x30: {  	s3 =	sld [smem:$0x3F9E]  }
0x31: {  	[smem:$0x3FA7] =	sst s10  }
0x32: {  	s10 =	sld [smem:$0x3FA5];
	_ =	sdelay $0x3  }
0x33: {  	p0 =	seq.s32 s10, $0x1;
	s10 =	sld [smem:$0x3FA7];
	_ =	sdelay $0x3  }
0x34: {  	[smem:$0x3FA7] =	sst s10  }
0x35: {  	s10 =	sld [smem:$0x3FA6];
	_ =	sdelay $0x3  }
0x36: {  	p1 =	seq.s32 s10, $0x1;
	s10 =	sld [smem:$0x3FA7];
	_ =	sdelay $0x3  }
0x37: {  	[smem:$0x3FA7] =	sst s10  }
0x38: {  	s10 =	sld [smem:$0x3FA8]  }
0x39: {  	_ = 	snop;
	(pc) =	sbr.ind lr, $3  }
0x3a: {  	_ = 	snop  }
0x3b: {  	_ = 	snop  }
0x3c: {  	p2 =	seq.s32 s10, $0x1;
	s10 =	sld [smem:$0x3FA7]  }
0x3d: {  	_ =	shalt  }
0x3e: {  	_ =	shalt  }
0x3f: {  	_ =	shalt  }
0x40: {  	_ =	shalt  }
0x41: {  	_ =	shalt  }
0x42: {  	_ =	shalt  }
0x43: {  	_ =	shalt  }
0x44: {  	_ =	shalt  }
0x45: {  	_ =	shalt  }
0x46: {  	_ =	shalt  }
0x47: {  	_ =	shalt  }
0x48: {  	_ =	shalt  }
0x49: {  	_ =	shalt  }
0x4a: {  	_ =	shalt  }
0x4b: {  	_ =	shalt  }
0x4c: {  	_ =	shalt  }
0x4d: {  	_ =	shalt  }
0x4e: {  	_ =	shalt  }
0x4f: {  	_ =	shalt  }
0x50: {  	_ =	shalt  }
0x51: {  	_ =	shalt  }
0x52: {  	_ =	shalt  }
0x53: {  	_ =	shalt  }
0x54: {  	_ =	shalt  }
0x55: {  	_ =	shalt  }
0x56: {  	_ =	shalt  }
0x57: {  	_ =	shalt  }
0x58: {  	_ =	shalt  }
0x59: {  	_ =	shalt  }
0x5a: {  	_ =	shalt  }
0x5b: {  	_ =	shalt  }
0x5c: {  	_ =	shalt  }
0x5d: {  	_ =	shalt  }
0x5e: {  	_ =	shalt  }
0x5f: {  	_ =	shalt  }
0x60: {  	_ =	shalt  }
0x61: {  	_ =	shalt  }
0x62: {  	_ =	shalt  }
0x63: {  	_ =	shalt  }
0x64: {  	_ =	shalt  }
0x65: {  	_ =	shalt  }
0x66: {  	_ =	shalt  }
0x67: {  	_ =	shalt  }
0x68: {  	_ =	shalt  }
0x69: {  	_ =	shalt  }
0x6a: {  	_ =	shalt  }
0x6b: {  	_ =	shalt  }
0x6c: {  	_ =	shalt  }
0x6d: {  	_ =	shalt  }
0x6e: {  	_ =	shalt  }
0x6f: {  	_ =	shalt  }
0x70: {  	_ =	shalt  }
0x71: {  	_ =	shalt  }
0x72: {  	_ =	shalt  }
0x73: {  	_ =	shalt  }
0x74: {  	_ =	shalt  }
0x75: {  	_ =	shalt  }
0x76: {  	_ =	shalt  }
0x77: {  	_ =	shalt  }
0x78: {  	_ =	shalt  }
0x79: {  	_ =	shalt  }
0x7a: {  	_ =	shalt  }
0x7b: {  	_ =	shalt  }
0x7c: {  	_ =	shalt  }
0x7d: {  	_ =	shalt  }
0x7e: {  	_ =	shalt  }
0x7f: {  	_ =	shalt  }
0x80: {  	_ =	shalt  }
0x81: {  	_ =	shalt  }
0x82: {  	_ =	shalt  }
0x83: {  	_ =	shalt  }
0x84: {  	_ =	shalt  }
0x85: {  	_ =	shalt  }
0x86: {  	_ =	shalt  }
0x87: {  	_ =	shalt  }
.Lfunc_end0:
.L_simem_size_0:
called_computation.4_lowered:
.L_overlay_start_0:
0x88: {  	s2 =	sld [smem:$0x3FD9]  }
0x89: {  	s3 =	sld [smem:$0x3FFE];
	_ =	sdelay $0x1  }
0x8a: {  	s1 =	srdreg.scid  }
0x8b: {  	s0 =	sand.u32 $0x1, s1  }
0x8c: {  	s17 =	sshll.u32 s0, $0xA;
	s2 =	sadd.s32 s3, s2  }
0x8d: {  	s2 =	sadd.s32 s2, s17  }
0x8e: {  	[smem:$0x3FB3] =	sst s2  }
0x8f: {  	_ = 	snop  }
0x90: {  	(tm) =	ssettm $0x1  }
0x91: {  	s18 =	sld [smem:$0x3FFB];
	_ =	sdelay $0x3  }
0x92: {  	_ =	strace s18  }
0x93: {  	s2 =	sld [smem:$0x3FFC];
	_ =	sdelay $0x3  }
0x94: {  	_ =	strace s2  }
0x95: {  	s2 =	sld [smem:$0x3FFD];
	_ =	sdelay $0x3  }
0x96: {  	_ =	strace s2  }
0x97: {  	_ =	strace $0x8FFFFFFF  }
0x98: {  	s19 =	sld [smem:$0x3FDB];
	_ =	sdelay $0x1  }
0x99: {  	s20 =	simm.s32 $_scs_section_size  }
0x9a: {  	s4 =	simm.s32 $_size__tile_overlayer_lowered;
	s5 =	simm.s32 $_tile_overlayer_lowered  }
0x9b: {  	s6 =	simm.s32 $0x1BFF;
	s21 =	sshll.u32 s5, $0x1;
	s3 =	sadd.s32 s20, s19  }
0x9c: {  	s22 =	simm.s32 $0x0;
	s4 =	sshll.u32 s4, $0x1;
	s5 =	sadd.s32 s21, s3  }
0x9d: {  	[timem:s22], [sflag:s6] =	dma.local [hbm:s5], s4  }
0x9e: {  	_ =	swait.ge [sflag:s6], s4  }
0x9f: {  	s4 =	ssub.s32 $0x0, s4;
	[sflag:s6] =	ssyncset.done $0x0  }
0xa0: {  	[sflag:s6] =	ssyncadd.s32 s4;
	_ =	sdelay $0x1  }
0xa1: {  	s23 =	simm.s32 $0x1B8B  }
0xa2: {  	_ =	swait.ge [sflag:s23], $0x1  }
0xa3: {  	[sflag:s23] =	ssyncset.done $0x0  }
0xa4: {  	[sflag:s23] =	ssyncadd.s32 $0xFFFFFFFF  }
0xa5: {  	s4 =	sld [smem:$0x0]  }
0xa6: {  	s5 =	sand.u32 $0xFFFFFFFE, s1  }
0xa7: {  	p0 =	sne.s32 s1, s5  }
0xa8: {  	s5 =	sshll.u32 @p0 s5, $0xE  }
0xa9: {  	s5 =	sadd.s32 @p0 $0x11B8D, s5;
	s6 =	sshll.u32 @p0 s4, $0x11  }
0xaa: {  	s5 =	sor.u32 @p0 s6, s5  }
0xab: {  	[sflag:s5] =	ssyncadd.remote.s32 @p0 $0x1;
	_ =	sdelay $0x1  }
0xac: {  	s5 =	simm.s32 @p0 $0x1B8D  }
0xad: {  	_ =	swait.eq @p0 [sflag:s5], $0x1  }
0xae: {  	[sflag:s5] =	ssyncadd.s32 @p0 $0xFFFFFFFF  }
0xaf: {  	s6 =	sshll.u32 @!p0 s1, $0xE  }
0xb0: {  	s6 =	sor.u32 @!p0 $0x4000, s6;
	s5 =	simm.s32 @!p0 $0x1B8D  }
0xb1: {  	s4 =	sshll.u32 @!p0 s4, $0x11;
	s6 =	sadd.s32 @!p0 $0x11B8D, s6;
	_ =	swait.eq @!p0 [sflag:s5], $0x1  }
0xb2: {  	s4 =	sor.u32 @!p0 s4, s6;
	[sflag:s5] =	ssyncadd.s32 @!p0 $0xFFFFFFFF  }
0xb3: {  	s25 =	simm.s32 $0x1B8E;
	s24 =	sld [smem:$0x3FFE];
	[sflag:s4] =	ssyncadd.remote.s32 @!p0 $0x1  }
0xb4: {  	s26 =	simm.s32 $execute0_lowered;
	[smem:$0x3FD2] =	sst s25  }
0xb5: {  	s5 =	sshll.u32 s26, $0x1;
	_ =	strace $0x80000055;
	[dreg:$0x1] =	wrdreg $0xFFFFFFFF  }
0xb6: {  	s28 =	simm.s32 $_size_execute0_lowered;
	s3 =	sadd.s32 s3, s5;
	[dreg:$0x0] =	wrdreg $0x0  }
0xb7: {  	s5 =	sshll.u32 s28, $0x1;
	[dreg:$0x2] =	wrdreg s3  }
0xb8: {  	[dreg:$0x3] =	wrdreg s5  }
0xb9: {  	[dreg:$0x4] =	wrdreg $0xC0  }
0xba: {  	_ =	task [dreg:s22], $0x5FFFF  }
0xbb: {  	[dreg:$0x1] =	wrdreg $0xFFFFFFFF  }
0xbc: {  	[dreg:$0x0] =	wrdreg $0x60  }
0xbd: {  	[dreg:$0x2] =	wrdreg s24  }
0xbe: {  	[dreg:$0x3] =	wrdreg $0x4F100  }
0xbf: {  	[dreg:$0x4] =	wrdreg $0x9  }
0xc0: {  	_ =	task.clear_ibuf [dreg:s22], $0x5FFFF;
	_ =	strace $0x90000055  }
0xc1: {  	s29 =	simm.s32 $0x9;
	_ =	strace $0x80000057  }
0xc2: {  	_ =	swait.ge [sflag:s29], $0x1  }
0xc3: {  	[sflag:s29] =	ssyncadd.s32 $0xFFFFFFFF  }
0xc4: {  	_ =	strace $0x90000057  }
0xc5: {  	_ =	sfence  }
0xc6: {  	s30 =	sld [smem:$0x0];
	_ =	sdelay $0x2  }
0xc7: {  	s31 =	sshll.u32 s1, $0xD;
	s1 =	sshrl.u32 s1, $0x2  }
0xc8: {  	s4 =	sand.u32 $0x4000, s31;
	s1 =	sadd.s32 s1, s30  }
0xc9: {  	s0 =	sor.u32 s4, s0;
	s1 =	sshll.u32 s1, $0x11  }
0xca: {  	s0 =	sor.u32 s1, s0  }
0xcb: {  	s0 =	sadd.s32 $0x8F2B, s0  }
0xcc: {  	[sflag:s0] =	ssyncadd.remote.s32 $0x1  }
0xcd: {  	_ =	sfence.sel $0xFFFF  }
0xce: {  	[dreg:$0x0] =	wrdreg $0xFFFFFFFF;
	(pc) =	sbr.abs _section_cstart, $3  }
0xcf: {  	[dreg:$0x1] =	wrdreg $0xFFFFFFFF  }
0xd0: {  	_ =	task.clear_ibuf [dreg:s22], $0x2FFFF;
	_ =	strace $0x9FFFFFFF  }
0xd1: {  	(tm) =	ssettm $0x7FFFFFFF  }
tec
execute0_lowered:
.L_overlay_start_1:
0x0: {  	(tag) =	ssettag $0x1  }
0x1: {  	s0 =	srdreg.scid;
	s6 =	rddreg [dreg:$0x0]  }
0x2: {  	s14 =	stileid.u32;
	s1 =	rddreg [dreg:$0x1]  }
0x3: {  	s2 =	simm.s32 $0x0;
	s20 =	simm.s32 $0x28;
	s21 =	simm.s32 $0x2  }
0x4: {  	s22 =	simm.s32 $0x1EF0;
	s23 =	simm.s32 $0x1F18;
	s24 =	simm.s32 $0x0  }
0x5: {  	s5 =	sand.u32 $0x1, s0;
	[smem:$0x7FF] =	sst s2;
	s9 =	smul.u32 $0x13800, s14  }
0x6: {  	s11 =	sadd.s32 $0x273400, s6;
	s12 =	sadd.s32 $0x40800, s6;
	s29 =	sshll.u32 s14, $0x6  }
0x7: {  	s17 =	sadd.s32 $0x138000, s1;
	s19 =	smul.u32 $0xFA0, s14;
	p0 =	sne.s32 s14, $0x0  }
0x8: {  	s0 =	sshll.u32 s5, $0x4;
	s8 =	ssub.s32 $0x2, s5;
	s30 =	smul.u32 $0x138800, s5  }
0x9: {  	s18 =	smul.u32 $0xFA00, s5;
	s5 =	sadd.s32 $0xDCE00, s6;
	s3 =	sor.u32 s14, s0  }
0xa: {  	s0 =	rddreg [dreg:$0x2];
	_ =	strace $0x80000056;
	s4 =	smul.u32 $0x4E2, s3  }
0xb: {  	s26 =	sshrl.u32 s9, $0x3;
	s10 =	sshrl.u32 s8, $0x1;
	s28 =	smul.u32 $0xFA00, s3  }
0xc: {  	s15 =	sadd.s32 s9, s1;
	s13 =	ssub.s32 s8, s10;
	s16 =	smul.u32 $0x7D000, s3  }
0xd: {  	s9 =	sadd.s32 s9, s30;
	s10 =	sshrl.u32 s30, $0x3;
	s31 =	sadd.s32 s19, s18  }
0xe: {  	s14 =	sshrl.u32 s15, $0x3;
	s15 =	simm.s32 $0x3;
	s18 =	simm.s32 $0x3B10  }
0xf: {  	s19 =	simm.s32 $0x1;
	s9 =	sshrl.u32 s9, $0x3;
	s10 =	sadd.s32 s12, s10  }
0x10: {  	s7 =	sadd.s32 s4, s6;
	s4 =	sadd.s32 s26, s6;
	s16 =	sshrl.u32 s16, $0x3  }
0x11: {  	s9 =	sadd.s32 s12, s9;
	s10 =	sadd.s32 $0x27000, s10;
	s16 =	sadd.s32 s11, s16  }
0x12: {  	s3 =	sadd.s32 $0xB5E00, s4;
	s8 =	sadd.s32 $0xF780, s16;
	s16 =	sshll.u32 s31, $0x4  }
0x13: {  	s4 =	sor.u32 $0x1C03, s29;
	s6 =	sadd.s32 $0xF800, s7;
	s16 =	sadd.s32 s11, s16  }
0x14: {  	s7 =	sadd.s32 s11, s28;
	s11 =	smax.u32 s13, $0x1;
	s12 =	sadd.s32 $0x500, s16  }
0x15: {  	s13 =	sadd.s32 $0x280, s16;
	s16 =	sshrl.u32 @!p0 s17, $0x3;
	s17 =	simm.s32 $0x2710  }
.LBB2_1:
0x16: {  	[spmem:s14], [sflag:s4] =	dma.local [hbm:s3], $0x2700  }
0x17: {  	_ =	swait.ge [sflag:s15], $0x2700  }
0x18: {  	[sflag:s15] =	ssyncset.done $0x0  }
0x19: {  	s25 =	simm.s32 @!p0 $0x3;
	[sflag:s15] =	ssyncadd.s32 $0xFFFFD900  }
0x1a: {  	[spmem:s16], [sflag:s4] =	dma.local @!p0 [hbm:s5], $0x100  }
0x1b: {  	_ =	swait.ge @!p0 [sflag:s25], $0x100  }
0x1c: {  	[sflag:s25] =	ssyncset.done @!p0 $0x0  }
0x1d: {  	[sflag:s25] =	ssyncadd.s32 @!p0 $0xFFFFFF00  }
0x1e: {  	[tilespmem:s2], [sflag:$0x3] =	stream.linear.gather [hbm4b:s6+s2], $0x2710, $0x38;
	[tilespmem:$0x18790] =	vst v63  }
0x1f: {  	_ =	swait.ge [sflag:s15], $0x2710  }
0x20: {  	[sflag:s15] =	ssyncset.done $0x0  }
0x21: {  	[sflag:s15] =	ssyncadd.s32 $0xFFFFD8F0  }
0x22: {  	[bflag:$0x0] =	sbarrier.arrive $0xFFFF  }
0x23: {  	[tilespmem:s17], [sflag:$0x1] =	stream.linear.gather [hbm4b:s7+s2], $0x1400, $0x38;
	[tilespmem:$0x18790] =	vst v63  }
0x24: {  	s26 =	sadd.s32 $0x0, s13  }
0x25: {  	[tilespmem:s18], [sflag:$0x2] =	stream.linear.gather [hbm4b:s26+s2], $0x1400, $0x38;
	[tilespmem:$0x18790] =	vst v63  }
0x26: {  	_ =	swait.ge [sflag:s19], $0x1400  }
0x27: {  	[sflag:s19] =	ssyncset.done $0x0  }
0x28: {  	s29 =	simm.s32 $0xFA0;
	[sflag:s19] =	ssyncadd.s32 $0xFFFFEC00  }
0x29: {  	[spmem:s1] =	stream.indirect.scatter.add.f32 [tilespmem:s17], [sflag:$0x3], $0x80, s29, s20, $0xb8;
	[tilespmem:$0x18790] =	vst v63  }
0x2a: {  	_ =	swait.ge [sflag:s15], $0x1400  }
0x2b: {  	[sflag:s15] =	ssyncset.done $0x0  }
0x2c: {  	s30 =	sadd.s32 $0x0, s12;
	[sflag:s15] =	ssyncadd.s32 $0xFFFFEC00  }
0x2d: {  	[tilespmem:s17], [sflag:$0x1] =	stream.linear.gather [hbm4b:s30+s2], $0x1400, $0x38;
	[tilespmem:$0x18790] =	vst v63  }
0x2e: {  	_ =	swait.ge [sflag:s21], $0x1400  }
0x2f: {  	[sflag:s21] =	ssyncset.done $0x0  }
0x30: {  	s31 =	simm.s32 $0xFC8;
	[sflag:s21] =	ssyncadd.s32 $0xFFFFEC00  }
0x31: {  	[spmem:s1] =	stream.indirect.scatter.add.f32 [tilespmem:s18], [sflag:$0x3], $0x80, s31, s20, $0xb8;
	[tilespmem:$0x18790] =	vst v63  }
0x32: {  	s28 =	simm.s32 $0xA00;
	_ =	swait.ge [sflag:s15], $0x1400  }
0x33: {  	s25 =	simm.s32 $0x1018;
	s26 =	simm.s32 $0x500;
	[sflag:s15] =	ssyncset.done $0x0  }
.LBB2_2:
0x34: {  	s29 =	sadd.s32 s26, s13  }
0x35: {  	[sflag:s15] =	ssyncadd.s32 $0xFFFFEC00;
	s30 =	smov.u32 s28;
	s31 =	sadd.s32 $0x500, s28  }
0x36: {  	[tilespmem:s18], [sflag:$0x2] =	stream.linear.gather [hbm4b:s29+s2], $0x1400, $0x38;
	[tilespmem:$0x18790] =	vst v63  }
0x37: {  	p1 =	sne.s32 s28, $0xF000;
	_ =	swait.ge [sflag:s19], $0x1400  }
0x38: {  	[sflag:s19] =	ssyncset.done $0x0  }
0x39: {  	s28 =	sadd.s32 $0xFFFFFFD8, s25;
	[sflag:s19] =	ssyncadd.s32 $0xFFFFEC00  }
0x3a: {  	[spmem:s1] =	stream.indirect.scatter.add.f32 [tilespmem:s17], [sflag:$0x3], $0x80, s28, s20, $0xb8;
	[tilespmem:$0x18790] =	vst v63  }
0x3b: {  	_ =	swait.ge [sflag:s15], $0x1400  }
0x3c: {  	[sflag:s15] =	ssyncset.done $0x0  }
0x3d: {  	s28 =	sadd.s32 s26, s12;
	s26 =	smov.u32 s30;
	[sflag:s15] =	ssyncadd.s32 $0xFFFFEC00  }
0x3e: {  	[tilespmem:s17], [sflag:$0x1] =	stream.linear.gather [hbm4b:s28+s2], $0x1400, $0x38;
	[tilespmem:$0x18790] =	vst v63  }
0x3f: {  	_ =	swait.ge [sflag:s21], $0x1400  }
.Ltmp0:
0x40: {  	[sflag:s21] =	ssyncset.done $0x0;
	(pc) =	sbr.rel @p1 .LBB2_2-.Ltmp0, $4  }
0x41: {  	[sflag:s21] =	ssyncadd.s32 $0xFFFFEC00  }
0x42: {  	[spmem:s1] =	stream.indirect.scatter.add.f32 [tilespmem:s18], [sflag:$0x3], $0x80, s25, s20, $0xb8;
	[tilespmem:$0x18790] =	vst v63  }
0x43: {  	_ =	swait.ge [sflag:s15], $0x1400  }
0x44: {  	s28 =	smov.u32 s31;
	s25 =	sadd.s32 $0x50, s25;
	[sflag:s15] =	ssyncset.done $0x0  }
0x45: {  	s28 =	sadd.s32 s26, s13;
	[sflag:s15] =	ssyncadd.s32 $0xFFFFEC00  }
0x46: {  	[tilespmem:s18], [sflag:$0x2] =	stream.linear.gather [hbm4b:s28+s2], $0x1400, $0x38;
	[tilespmem:$0x18790] =	vst v63  }
0x47: {  	_ =	swait.ge [sflag:s19], $0x1400  }
0x48: {  	[sflag:s19] =	ssyncset.done $0x0  }
0x49: {  	s30 =	sadd.s32 $0xFFFFFFD8, s25;
	[sflag:s19] =	ssyncadd.s32 $0xFFFFEC00  }
0x4a: {  	[spmem:s1] =	stream.indirect.scatter.add.f32 [tilespmem:s17], [sflag:$0x3], $0x80, s30, s20, $0xb8;
	[tilespmem:$0x18790] =	vst v63  }
0x4b: {  	_ =	swait.ge [sflag:s15], $0x1400  }
0x4c: {  	[sflag:s15] =	ssyncset.done $0x0  }
0x4d: {  	s31 =	sadd.s32 s26, s12;
	[sflag:s15] =	ssyncadd.s32 $0xFFFFEC00  }
0x4e: {  	[tilespmem:s17], [sflag:$0x1] =	stream.linear.gather [hbm4b:s31+s2], $0x1400, $0x38;
	[tilespmem:$0x18790] =	vst v63  }
0x4f: {  	_ =	swait.ge [sflag:s21], $0x1400  }
0x50: {  	[sflag:s21] =	ssyncset.done $0x0  }
0x51: {  	[sflag:s21] =	ssyncadd.s32 $0xFFFFEC00  }
0x52: {  	[spmem:s1] =	stream.indirect.scatter.add.f32 [tilespmem:s18], [sflag:$0x3], $0x80, s25, s20, $0xb8;
	[tilespmem:$0x18790] =	vst v63  }
0x53: {  	_ =	swait.ge [sflag:s15], $0x1400  }
0x54: {  	[sflag:s15] =	ssyncset.done $0x0  }
0x55: {  	[sflag:s15] =	ssyncadd.s32 $0xFFFFEC00  }
0x56: {  	[tilespmem:s18], [sflag:$0x2] =	stream.linear.gather [hbm4b:s8+s2], $0x1400, $0x38;
	[tilespmem:$0x18790] =	vst v63  }
0x57: {  	_ =	swait.ge [sflag:s19], $0x1400  }
0x58: {  	[sflag:s19] =	ssyncset.done $0x0  }
0x59: {  	[sflag:s19] =	ssyncadd.s32 $0xFFFFEC00  }
0x5a: {  	[spmem:s1] =	stream.indirect.scatter.add.f32 [tilespmem:s17], [sflag:$0x3], $0x80, s22, s20, $0xb8;
	[tilespmem:$0x18790] =	vst v63  }
0x5b: {  	_ =	swait.ge [sflag:s15], $0x1400  }
0x5c: {  	[sflag:s15] =	ssyncset.done $0x0  }
0x5d: {  	[sflag:s15] =	ssyncadd.s32 $0xFFFFEC00  }
0x5e: {  	_ =	swait.ge [sflag:s21], $0x1400  }
0x5f: {  	[sflag:s21] =	ssyncset.done $0x0  }
0x60: {  	[sflag:s21] =	ssyncadd.s32 $0xFFFFEC00  }
0x61: {  	[spmem:s1] =	stream.indirect.scatter.add.f32 [tilespmem:s18], [sflag:$0x3], $0x80, s23, s20, $0xb8;
	[tilespmem:$0x18790] =	vst v63  }
0x62: {  	_ =	swait.ge [sflag:s15], $0x1400  }
0x63: {  	[sflag:s15] =	ssyncset.done $0x0  }
0x64: {  	[sflag:s15] =	ssyncadd.s32 $0xFFFFEC00  }
0x65: {  	[bflag:$0x0] =	sbarrier.arrive $0xFFFF  }
0x66: {  	[hbm:s9], [sflag:s4] =	dma.local [spmem:s14], $0x2700  }
0x67: {  	s24 =	sadd.s32 $0x1, s24;
	_ =	swait.ge [sflag:s15], $0x2700  }
0x68: {  	p1 =	sne.s32 s24, s11;
	[sflag:s15] =	ssyncset.done $0x0  }
.Ltmp1:
0x69: {  	s25 =	simm.s32 @!p0 $0x3;
	[sflag:s15] =	ssyncadd.s32 $0xFFFFD900;
	(pc) =	sbr.rel @p1 .LBB2_1-.Ltmp1, $4  }
0x6a: {  	[hbm:s10], [sflag:s4] =	dma.local @!p0 [spmem:s16], $0x100  }
0x6b: {  	_ =	swait.ge @!p0 [sflag:s25], $0x100  }
0x6c: {  	[sflag:s25] =	ssyncset.done @!p0 $0x0  }
0x6d: {  	[sflag:s25] =	ssyncadd.s32 @!p0 $0xFFFFFF00  }
0x6e: {  	_ =	sfence.sel $0x180000  }
0x6f: {  	[bflag:$0x0] =	sbarrier.arrive $0xFFFF  }
0x70: {  	_ =	strace $0x90000056  }
0x71: {  	s0 =	sadd.s32 @!p0 $0x100000, s0;
	[bflag:$0x2] =	sbarrier.arrive $0xFFFF  }
0x72: {  	[sflag:s0] =	ssyncadd.tile.s32 @!p0 $0x1;
	_ =	shalt  }
.Lfunc_end2:
_tile_overlayer_lowered:
.L_overlay_start_2:
0x73: {  	(tag) =	ssettag $0x2  }
0x74: {  	s0 =	rddreg [dreg:$0x0];
	s2 =	stileid.u32  }
0x75: {  	s1 =	rddreg [dreg:$0x1];
	p0 =	sne.s32 s2, $0x0  }
0x76: {  	s3 =	rddreg [dreg:$0x2];
	[bflag:$0x3] =	sbarrier.arrive $0xFFFF;
	s2 =	simm.s32 @!p0 $0x1C03  }
0x77: {  	[timem:s3], [sflag:s2] =	dma.local @!p0 [hbm:s0], s1  }
0x78: {  	s0 =	simm.s32 @!p0 $0x3  }
0x79: {  	_ =	swait.ge @!p0 [sflag:s0], s1  }
0x7a: {  	s1 =	ssub.s32 @!p0 $0x0, s1;
	[sflag:s0] =	ssyncset.done @!p0 $0x0  }
0x7b: {  	[sflag:s0] =	ssyncadd.s32 @!p0 s1  }
0x7c: {  	[bflag:$0x3] =	sbarrier.arrive $0xFFFF  }
0x7d: {  	_ =	shalt  }

// kernel: kernel.28.cloned.1.call-start
scs
__scs_entry_jumppad:
0x0: {  	(pc) =	sbr.rel $0x88, $3  }
0x1: {  	(tag) =	ssettag $0x0;
	lr =	simm.s32 $0x1  }
0x2: {  	[smem:$0x3F8C] =	sst lr;
	_ =	strace $0xD0000000  }
0x3: {  	_ = 	snop  }
0x4: {  	_ = 	snop  }
0x5: {  	_ = 	snop  }
0x6: {  	_ = 	snop  }
0x7: {  	_ = 	snop  }
__scs_overlays_trampoline_lowered:
0x8: {  	[smem:$0x3F9B] =	sst s0  }
0x9: {  	[smem:$0x3F9C] =	sst s1  }
0xa: {  	[smem:$0x3F9D] =	sst s2  }
0xb: {  	[smem:$0x3F9E] =	sst s3  }
0xc: {  	[smem:$0x3F9F] =	sst s4  }
0xd: {  	[smem:$0x3FA0] =	sst s5  }
0xe: {  	[smem:$0x3FA1] =	sst s6  }
0xf: {  	[smem:$0x3FA2] =	sst s7  }
0x10: {  	[smem:$0x3FA3] =	sst s8  }
0x11: {  	[smem:$0x3FA4] =	sst s9;
	s0 =	simm.s32 @!p0 $0x0  }
0x12: {  	s1 =	sld [smem:$0x3F8A];
	s0 =	simm.s32 @p0 $0x1  }
0x13: {  	[smem:$0x3FA5] =	sst s0;
	s0 =	simm.s32 @!p1 $0x0  }
0x14: {  	s2 =	sld [smem:$0x3F89];
	s0 =	simm.s32 @p1 $0x1  }
0x15: {  	[smem:$0x3FA6] =	sst s0;
	s0 =	simm.s32 @!p2 $0x0  }
0x16: {  	s3 =	sld [smem:$0x3FDB];
	s0 =	simm.s32 @p2 $0x1  }
0x17: {  	s4 =	simm.s32 $0x1BF5;
	[smem:$0x3FA8] =	sst s0  }
0x18: {  	s0 =	sld [smem:$0x3F8B];
	_ =	swait.ge [sflag:s4], $0x0  }
0x19: {  	s7 =	sld [smem:$0x3F8C]  }
0x1a: {  	s8 =	sadd.s32 $0xFFFFE003, lr  }
0x1b: {  	s9 =	sadd.s32 $0xFFFFFEF7, lr;
	s5 =	simm.s32 $0xFFFFFFFF;
	p2 =	slt.u32 s8, $0xFFFFF086  }
0x1c: {  	p1 =	slt.u32 s9, $0xF7A;
	s5 =	simm.s32 @!p2 $0x0  }
0x1d: {  	s5 =	simm.s32 @p1 $0x1;
	p0 =	seq.s32 s7, s2  }
0x1e: {  	s7 =	smul.u32 @!p0 $0xF7A, s2;
	p2 =	seq.s32 @!p0 s5, $0x0  }
0x1f: {  	s9 =	smul.u32 $0xF7A, s1;
	s8 =	simm.s32 @!p0 $0x1BF5;
	p2 =	por !p2, p0  }
0x20: {  	[sflag:s8] =	ssyncset.s32 @!p0 $0xFFFFF086;
	s6 =	sadd.s32 @!p0 s3, s7;
	s7 =	simm.s32 @!p0 $0x108  }
0x21: {  	s3 =	sadd.s32 s3, s9;
	s6 =	sadd.s32 @!p0 $0x88, s6;
	s7 =	simm.s32 @p2 $0x1082  }
0x22: {  	[simem:s7], [sflag:s8] =	dma.local @!p0 [hbm:s6], $0xF7A  }
0x23: {  	s9 =	sor.u32 $0xD0000000, s2;
	s6 =	simm.s32 $0x108;
	_ =	swait.ge @!p0 [sflag:s8], $0x0  }
0x24: {  	s3 =	sadd.s32 $0x88, s3;
	s6 =	simm.s32 @!p1 $0x1082;
	[sflag:s4] =	ssyncset.s32 $0xFFFFF086  }
0x25: {  	[simem:s6], [sflag:s4] =	dma.local [hbm:s3], $0xF7A  }
0x26: {  	[smem:$0x3F8C] =	sst s1;
	(tag) =	ssettag s2;
	_ =	strace s9  }
0x27: {  	s1 =	sld [smem:$0x3F9C]  }
0x28: {  	s2 =	sld [smem:$0x3F9D]  }
0x29: {  	s4 =	sld [smem:$0x3F9F]  }
0x2a: {  	p0 =	seq.s32 s5, $0x0;
	s5 =	sld [smem:$0x3FA0]  }
0x2b: {  	s6 =	sld [smem:$0x3FA1]  }
0x2c: {  	s7 =	sld [smem:$0x3FA2]  }
0x2d: {  	s3 =	simm.s32 $0x108;
	s8 =	sld [smem:$0x3FA3]  }
0x2e: {  	s3 =	simm.s32 @!p0 $0x1082;
	s9 =	sld [smem:$0x3FA4]  }
0x2f: {  	lr =	sadd.s32 s0, s3;
	s0 =	sld [smem:$0x3F9B]  }
0x30: {  	s3 =	sld [smem:$0x3F9E]  }
0x31: {  	[smem:$0x3FA7] =	sst s10  }
0x32: {  	s10 =	sld [smem:$0x3FA5];
	_ =	sdelay $0x3  }
0x33: {  	p0 =	seq.s32 s10, $0x1;
	s10 =	sld [smem:$0x3FA7];
	_ =	sdelay $0x3  }
0x34: {  	[smem:$0x3FA7] =	sst s10  }
0x35: {  	s10 =	sld [smem:$0x3FA6];
	_ =	sdelay $0x3  }
0x36: {  	p1 =	seq.s32 s10, $0x1;
	s10 =	sld [smem:$0x3FA7];
	_ =	sdelay $0x3  }
0x37: {  	[smem:$0x3FA7] =	sst s10  }
0x38: {  	s10 =	sld [smem:$0x3FA8]  }
0x39: {  	_ = 	snop;
	(pc) =	sbr.ind lr, $3  }
0x3a: {  	_ = 	snop  }
0x3b: {  	_ = 	snop  }
0x3c: {  	p2 =	seq.s32 s10, $0x1;
	s10 =	sld [smem:$0x3FA7]  }
0x3d: {  	_ =	shalt  }
0x3e: {  	_ =	shalt  }
0x3f: {  	_ =	shalt  }
0x40: {  	_ =	shalt  }
0x41: {  	_ =	shalt  }
0x42: {  	_ =	shalt  }
0x43: {  	_ =	shalt  }
0x44: {  	_ =	shalt  }
0x45: {  	_ =	shalt  }
0x46: {  	_ =	shalt  }
0x47: {  	_ =	shalt  }
0x48: {  	_ =	shalt  }
0x49: {  	_ =	shalt  }
0x4a: {  	_ =	shalt  }
0x4b: {  	_ =	shalt  }
0x4c: {  	_ =	shalt  }
0x4d: {  	_ =	shalt  }
0x4e: {  	_ =	shalt  }
0x4f: {  	_ =	shalt  }
0x50: {  	_ =	shalt  }
0x51: {  	_ =	shalt  }
0x52: {  	_ =	shalt  }
0x53: {  	_ =	shalt  }
0x54: {  	_ =	shalt  }
0x55: {  	_ =	shalt  }
0x56: {  	_ =	shalt  }
0x57: {  	_ =	shalt  }
0x58: {  	_ =	shalt  }
0x59: {  	_ =	shalt  }
0x5a: {  	_ =	shalt  }
0x5b: {  	_ =	shalt  }
0x5c: {  	_ =	shalt  }
0x5d: {  	_ =	shalt  }
0x5e: {  	_ =	shalt  }
0x5f: {  	_ =	shalt  }
0x60: {  	_ =	shalt  }
0x61: {  	_ =	shalt  }
0x62: {  	_ =	shalt  }
0x63: {  	_ =	shalt  }
0x64: {  	_ =	shalt  }
0x65: {  	_ =	shalt  }
0x66: {  	_ =	shalt  }
0x67: {  	_ =	shalt  }
0x68: {  	_ =	shalt  }
0x69: {  	_ =	shalt  }
0x6a: {  	_ =	shalt  }
0x6b: {  	_ =	shalt  }
0x6c: {  	_ =	shalt  }
0x6d: {  	_ =	shalt  }
0x6e: {  	_ =	shalt  }
0x6f: {  	_ =	shalt  }
0x70: {  	_ =	shalt  }
0x71: {  	_ =	shalt  }
0x72: {  	_ =	shalt  }
0x73: {  	_ =	shalt  }
0x74: {  	_ =	shalt  }
0x75: {  	_ =	shalt  }
0x76: {  	_ =	shalt  }
0x77: {  	_ =	shalt  }
0x78: {  	_ =	shalt  }
0x79: {  	_ =	shalt  }
0x7a: {  	_ =	shalt  }
0x7b: {  	_ =	shalt  }
0x7c: {  	_ =	shalt  }
0x7d: {  	_ =	shalt  }
0x7e: {  	_ =	shalt  }
0x7f: {  	_ =	shalt  }
0x80: {  	_ =	shalt  }
0x81: {  	_ =	shalt  }
0x82: {  	_ =	shalt  }
0x83: {  	_ =	shalt  }
0x84: {  	_ =	shalt  }
0x85: {  	_ =	shalt  }
0x86: {  	_ =	shalt  }
0x87: {  	_ =	shalt  }
.Lfunc_end0:
.L_simem_size_0:
called_computation.5_lowered:
.L_overlay_start_0:
0x88: {  	s2 =	sld [smem:$0x3FD9]  }
0x89: {  	s3 =	sld [smem:$0x3FFE];
	_ =	sdelay $0x1  }
0x8a: {  	s1 =	srdreg.scid  }
0x8b: {  	s0 =	sand.u32 $0x1, s1  }
0x8c: {  	s17 =	sshll.u32 s0, $0xA;
	s2 =	sadd.s32 s3, s2  }
0x8d: {  	s2 =	sadd.s32 s2, s17  }
0x8e: {  	[smem:$0x3FB3] =	sst s2  }
0x8f: {  	_ = 	snop  }
0x90: {  	(tm) =	ssettm $0x1  }
0x91: {  	s18 =	sld [smem:$0x3FFB];
	_ =	sdelay $0x3  }
0x92: {  	_ =	strace s18  }
0x93: {  	s2 =	sld [smem:$0x3FFC];
	_ =	sdelay $0x3  }
0x94: {  	_ =	strace s2  }
0x95: {  	s2 =	sld [smem:$0x3FFD];
	_ =	sdelay $0x3  }
0x96: {  	_ =	strace s2  }
0x97: {  	_ =	strace $0x8FFFFFFF  }
0x98: {  	s19 =	sld [smem:$0x3FDB];
	_ =	sdelay $0x1  }
0x99: {  	s20 =	simm.s32 $_scs_section_size  }
0x9a: {  	s4 =	simm.s32 $_size__tile_overlayer_lowered;
	s5 =	simm.s32 $_tile_overlayer_lowered  }
0x9b: {  	s6 =	simm.s32 $0x1BFF;
	s21 =	sshll.u32 s5, $0x1;
	s3 =	sadd.s32 s20, s19  }
0x9c: {  	s22 =	simm.s32 $0x0;
	s4 =	sshll.u32 s4, $0x1;
	s5 =	sadd.s32 s21, s3  }
0x9d: {  	[timem:s22], [sflag:s6] =	dma.local [hbm:s5], s4  }
0x9e: {  	_ =	swait.ge [sflag:s6], s4  }
0x9f: {  	s4 =	ssub.s32 $0x0, s4;
	[sflag:s6] =	ssyncset.done $0x0  }
0xa0: {  	[sflag:s6] =	ssyncadd.s32 s4;
	_ =	sdelay $0x1  }
0xa1: {  	s23 =	simm.s32 $0x1B8B  }
0xa2: {  	_ =	swait.ge [sflag:s23], $0x1  }
0xa3: {  	[sflag:s23] =	ssyncset.done $0x0  }
0xa4: {  	[sflag:s23] =	ssyncadd.s32 $0xFFFFFFFF  }
0xa5: {  	s4 =	sld [smem:$0x0]  }
0xa6: {  	s5 =	sand.u32 $0xFFFFFFFE, s1  }
0xa7: {  	p0 =	sne.s32 s1, s5  }
0xa8: {  	s5 =	sshll.u32 @p0 s5, $0xE  }
0xa9: {  	s5 =	sadd.s32 @p0 $0x11B8D, s5;
	s6 =	sshll.u32 @p0 s4, $0x11  }
0xaa: {  	s5 =	sor.u32 @p0 s6, s5  }
0xab: {  	[sflag:s5] =	ssyncadd.remote.s32 @p0 $0x1;
	_ =	sdelay $0x1  }
0xac: {  	s5 =	simm.s32 @p0 $0x1B8D  }
0xad: {  	_ =	swait.eq @p0 [sflag:s5], $0x1  }
0xae: {  	[sflag:s5] =	ssyncadd.s32 @p0 $0xFFFFFFFF  }
0xaf: {  	s6 =	sshll.u32 @!p0 s1, $0xE  }
0xb0: {  	s6 =	sor.u32 @!p0 $0x4000, s6;
	s5 =	simm.s32 @!p0 $0x1B8D  }
0xb1: {  	s4 =	sshll.u32 @!p0 s4, $0x11;
	s6 =	sadd.s32 @!p0 $0x11B8D, s6;
	_ =	swait.eq @!p0 [sflag:s5], $0x1  }
0xb2: {  	s4 =	sor.u32 @!p0 s4, s6;
	[sflag:s5] =	ssyncadd.s32 @!p0 $0xFFFFFFFF  }
0xb3: {  	s25 =	simm.s32 $0x1B8E;
	s24 =	sld [smem:$0x3FFE];
	[sflag:s4] =	ssyncadd.remote.s32 @!p0 $0x1  }
0xb4: {  	s26 =	simm.s32 $execute0_lowered;
	[smem:$0x3FD2] =	sst s25  }
0xb5: {  	s5 =	sshll.u32 s26, $0x1;
	_ =	strace $0x80000052;
	[dreg:$0x1] =	wrdreg $0xFFFFFFFF  }
0xb6: {  	s28 =	simm.s32 $_size_execute0_lowered;
	s3 =	sadd.s32 s3, s5;
	[dreg:$0x0] =	wrdreg $0x0  }
0xb7: {  	s5 =	sshll.u32 s28, $0x1;
	[dreg:$0x2] =	wrdreg s3  }
0xb8: {  	[dreg:$0x3] =	wrdreg s5  }
0xb9: {  	[dreg:$0x4] =	wrdreg $0xC0  }
0xba: {  	_ =	task [dreg:s22], $0x5FFFF  }
0xbb: {  	[dreg:$0x1] =	wrdreg $0xFFFFFFFF  }
0xbc: {  	[dreg:$0x0] =	wrdreg $0x60  }
0xbd: {  	[dreg:$0x2] =	wrdreg s24  }
0xbe: {  	[dreg:$0x3] =	wrdreg $0x4F100  }
0xbf: {  	[dreg:$0x4] =	wrdreg $0xB  }
0xc0: {  	_ =	task.clear_ibuf [dreg:s22], $0x5FFFF;
	_ =	strace $0x90000052  }
0xc1: {  	s29 =	simm.s32 $0xB;
	_ =	strace $0x80000054  }
0xc2: {  	_ =	swait.ge [sflag:s29], $0x1  }
0xc3: {  	[sflag:s29] =	ssyncadd.s32 $0xFFFFFFFF  }
0xc4: {  	_ =	strace $0x90000054  }
0xc5: {  	_ =	sfence  }
0xc6: {  	s30 =	sld [smem:$0x0];
	_ =	sdelay $0x2  }
0xc7: {  	s31 =	sshll.u32 s1, $0xD;
	s1 =	sshrl.u32 s1, $0x2  }
0xc8: {  	s4 =	sand.u32 $0x4000, s31;
	s1 =	sadd.s32 s1, s30  }
0xc9: {  	s0 =	sor.u32 s4, s0;
	s1 =	sshll.u32 s1, $0x11  }
0xca: {  	s0 =	sor.u32 s1, s0  }
0xcb: {  	s0 =	sadd.s32 $0x8F2B, s0  }
0xcc: {  	[sflag:s0] =	ssyncadd.remote.s32 $0x1  }
0xcd: {  	_ =	sfence.sel $0xFFFF  }
0xce: {  	[dreg:$0x0] =	wrdreg $0xFFFFFFFF;
	(pc) =	sbr.abs _section_cstart, $3  }
0xcf: {  	[dreg:$0x1] =	wrdreg $0xFFFFFFFF  }
0xd0: {  	_ =	task.clear_ibuf [dreg:s22], $0x2FFFF;
	_ =	strace $0x9FFFFFFF  }
0xd1: {  	(tm) =	ssettm $0x7FFFFFFF  }
tec
execute0_lowered:
.L_overlay_start_1:
0x0: {  	(tag) =	ssettag $0x1  }
0x1: {  	s0 =	srdreg.scid;
	s6 =	rddreg [dreg:$0x0]  }
0x2: {  	s14 =	stileid.u32;
	s1 =	rddreg [dreg:$0x1]  }
0x3: {  	s2 =	simm.s32 $0x0;
	s20 =	simm.s32 $0x28;
	s21 =	simm.s32 $0x2  }
0x4: {  	s22 =	simm.s32 $0x26C0;
	s23 =	simm.s32 $0x26E8;
	s24 =	simm.s32 $0x0  }
0x5: {  	s5 =	sand.u32 $0x1, s0;
	[smem:$0x7FF] =	sst s2;
	s9 =	smul.u32 $0x13800, s14  }
0x6: {  	s11 =	sadd.s32 $0x12B200, s6;
	s12 =	sadd.s32 $0x225200, s6;
	s29 =	sshll.u32 s14, $0x6  }
0x7: {  	s17 =	sadd.s32 $0x138000, s1;
	s19 =	smul.u32 $0x7D0, s14;
	p0 =	sne.s32 s14, $0x0  }
0x8: {  	s0 =	sshll.u32 s5, $0x4;
	s8 =	ssub.s32 $0x2, s5;
	s30 =	smul.u32 $0x138800, s5  }
0x9: {  	s18 =	smul.u32 $0x7D00, s5;
	s5 =	sadd.s32 $0xDCE00, s6;
	s3 =	sor.u32 s14, s0  }
0xa: {  	s0 =	rddreg [dreg:$0x2];
	_ =	strace $0x80000053;
	s4 =	smul.u32 $0x4E2, s3  }
0xb: {  	s26 =	sshrl.u32 s9, $0x3;
	s10 =	sshrl.u32 s8, $0x1;
	s28 =	smul.u32 $0x7D00, s3  }
0xc: {  	s15 =	sadd.s32 s9, s1;
	s13 =	ssub.s32 s8, s10;
	s16 =	smul.u32 $0x3E800, s3  }
0xd: {  	s9 =	sadd.s32 s9, s30;
	s10 =	sshrl.u32 s30, $0x3;
	s31 =	sadd.s32 s19, s18  }
0xe: {  	s14 =	sshrl.u32 s15, $0x3;
	s15 =	simm.s32 $0x3;
	s18 =	simm.s32 $0x3B10  }
0xf: {  	s19 =	simm.s32 $0x1;
	s9 =	sshrl.u32 s9, $0x3;
	s10 =	sadd.s32 s12, s10  }
0x10: {  	s7 =	sadd.s32 s4, s6;
	s4 =	sadd.s32 s26, s6;
	s16 =	sshrl.u32 s16, $0x3  }
0x11: {  	s9 =	sadd.s32 s12, s9;
	s10 =	sadd.s32 $0x27000, s10;
	s16 =	sadd.s32 s11, s16  }
0x12: {  	s3 =	sadd.s32 $0xB5E00, s4;
	s8 =	sadd.s32 $0x7A80, s16;
	s16 =	sshll.u32 s31, $0x4  }
0x13: {  	s4 =	sor.u32 $0x1C03, s29;
	s6 =	sadd.s32 $0xF800, s7;
	s16 =	sadd.s32 s11, s16  }
0x14: {  	s7 =	sadd.s32 s11, s28;
	s11 =	smax.u32 s13, $0x1;
	s12 =	sadd.s32 $0x500, s16  }
0x15: {  	s13 =	sadd.s32 $0x280, s16;
	s16 =	sshrl.u32 @!p0 s17, $0x3;
	s17 =	simm.s32 $0x2710  }
.LBB2_1:
0x16: {  	[spmem:s14], [sflag:s4] =	dma.local [hbm:s3], $0x2700  }
0x17: {  	_ =	swait.ge [sflag:s15], $0x2700  }
0x18: {  	[sflag:s15] =	ssyncset.done $0x0  }
0x19: {  	s25 =	simm.s32 @!p0 $0x3;
	[sflag:s15] =	ssyncadd.s32 $0xFFFFD900  }
0x1a: {  	[spmem:s16], [sflag:s4] =	dma.local @!p0 [hbm:s5], $0x100  }
0x1b: {  	_ =	swait.ge @!p0 [sflag:s25], $0x100  }
0x1c: {  	[sflag:s25] =	ssyncset.done @!p0 $0x0  }
0x1d: {  	[sflag:s25] =	ssyncadd.s32 @!p0 $0xFFFFFF00  }
0x1e: {  	[tilespmem:s2], [sflag:$0x3] =	stream.linear.gather [hbm4b:s6+s2], $0x2710, $0x38;
	[tilespmem:$0x18790] =	vst v63  }
0x1f: {  	_ =	swait.ge [sflag:s15], $0x2710  }
0x20: {  	[sflag:s15] =	ssyncset.done $0x0  }
0x21: {  	[sflag:s15] =	ssyncadd.s32 $0xFFFFD8F0  }
0x22: {  	[bflag:$0x0] =	sbarrier.arrive $0xFFFF  }
0x23: {  	[tilespmem:s17], [sflag:$0x1] =	stream.linear.gather [hbm4b:s7+s2], $0x1400, $0x38;
	[tilespmem:$0x18790] =	vst v63  }
0x24: {  	s26 =	sadd.s32 $0x0, s13  }
0x25: {  	[tilespmem:s18], [sflag:$0x2] =	stream.linear.gather [hbm4b:s26+s2], $0x1400, $0x38;
	[tilespmem:$0x18790] =	vst v63  }
0x26: {  	_ =	swait.ge [sflag:s19], $0x1400  }
0x27: {  	[sflag:s19] =	ssyncset.done $0x0  }
0x28: {  	s29 =	simm.s32 $0x1F40;
	[sflag:s19] =	ssyncadd.s32 $0xFFFFEC00  }
0x29: {  	[spmem:s1] =	stream.indirect.scatter.add.f32 [tilespmem:s17], [sflag:$0x3], $0x80, s29, s20, $0xb8;
	[tilespmem:$0x18790] =	vst v63  }
0x2a: {  	_ =	swait.ge [sflag:s15], $0x1400  }
0x2b: {  	[sflag:s15] =	ssyncset.done $0x0  }
0x2c: {  	s30 =	sadd.s32 $0x0, s12;
	[sflag:s15] =	ssyncadd.s32 $0xFFFFEC00  }
0x2d: {  	[tilespmem:s17], [sflag:$0x1] =	stream.linear.gather [hbm4b:s30+s2], $0x1400, $0x38;
	[tilespmem:$0x18790] =	vst v63  }
0x2e: {  	_ =	swait.ge [sflag:s21], $0x1400  }
0x2f: {  	[sflag:s21] =	ssyncset.done $0x0  }
0x30: {  	s31 =	simm.s32 $0x1F68;
	[sflag:s21] =	ssyncadd.s32 $0xFFFFEC00  }
0x31: {  	[spmem:s1] =	stream.indirect.scatter.add.f32 [tilespmem:s18], [sflag:$0x3], $0x80, s31, s20, $0xb8;
	[tilespmem:$0x18790] =	vst v63  }
0x32: {  	s28 =	simm.s32 $0xA00;
	_ =	swait.ge [sflag:s15], $0x1400  }
0x33: {  	s25 =	simm.s32 $0x1FB8;
	s26 =	simm.s32 $0x500;
	[sflag:s15] =	ssyncset.done $0x0  }
.LBB2_2:
0x34: {  	s29 =	sadd.s32 s26, s13  }
0x35: {  	[sflag:s15] =	ssyncadd.s32 $0xFFFFEC00;
	s30 =	smov.u32 s28;
	s31 =	sadd.s32 $0x500, s28  }
0x36: {  	[tilespmem:s18], [sflag:$0x2] =	stream.linear.gather [hbm4b:s29+s2], $0x1400, $0x38;
	[tilespmem:$0x18790] =	vst v63  }
0x37: {  	p1 =	sne.s32 s28, $0x7300;
	_ =	swait.ge [sflag:s19], $0x1400  }
0x38: {  	[sflag:s19] =	ssyncset.done $0x0  }
0x39: {  	s28 =	sadd.s32 $0xFFFFFFD8, s25;
	[sflag:s19] =	ssyncadd.s32 $0xFFFFEC00  }
0x3a: {  	[spmem:s1] =	stream.indirect.scatter.add.f32 [tilespmem:s17], [sflag:$0x3], $0x80, s28, s20, $0xb8;
	[tilespmem:$0x18790] =	vst v63  }
0x3b: {  	_ =	swait.ge [sflag:s15], $0x1400  }
0x3c: {  	[sflag:s15] =	ssyncset.done $0x0  }
0x3d: {  	s28 =	sadd.s32 s26, s12;
	s26 =	smov.u32 s30;
	[sflag:s15] =	ssyncadd.s32 $0xFFFFEC00  }
0x3e: {  	[tilespmem:s17], [sflag:$0x1] =	stream.linear.gather [hbm4b:s28+s2], $0x1400, $0x38;
	[tilespmem:$0x18790] =	vst v63  }
0x3f: {  	_ =	swait.ge [sflag:s21], $0x1400  }
.Ltmp0:
0x40: {  	[sflag:s21] =	ssyncset.done $0x0;
	(pc) =	sbr.rel @p1 .LBB2_2-.Ltmp0, $4  }
0x41: {  	[sflag:s21] =	ssyncadd.s32 $0xFFFFEC00  }
0x42: {  	[spmem:s1] =	stream.indirect.scatter.add.f32 [tilespmem:s18], [sflag:$0x3], $0x80, s25, s20, $0xb8;
	[tilespmem:$0x18790] =	vst v63  }
0x43: {  	_ =	swait.ge [sflag:s15], $0x1400  }
0x44: {  	s28 =	smov.u32 s31;
	s25 =	sadd.s32 $0x50, s25;
	[sflag:s15] =	ssyncset.done $0x0  }
0x45: {  	s28 =	sadd.s32 s26, s13;
	[sflag:s15] =	ssyncadd.s32 $0xFFFFEC00  }
0x46: {  	[tilespmem:s18], [sflag:$0x2] =	stream.linear.gather [hbm4b:s28+s2], $0x1400, $0x38;
	[tilespmem:$0x18790] =	vst v63  }
0x47: {  	_ =	swait.ge [sflag:s19], $0x1400  }
0x48: {  	[sflag:s19] =	ssyncset.done $0x0  }
0x49: {  	s30 =	sadd.s32 $0xFFFFFFD8, s25;
	[sflag:s19] =	ssyncadd.s32 $0xFFFFEC00  }
0x4a: {  	[spmem:s1] =	stream.indirect.scatter.add.f32 [tilespmem:s17], [sflag:$0x3], $0x80, s30, s20, $0xb8;
	[tilespmem:$0x18790] =	vst v63  }
0x4b: {  	_ =	swait.ge [sflag:s15], $0x1400  }
0x4c: {  	[sflag:s15] =	ssyncset.done $0x0  }
0x4d: {  	s31 =	sadd.s32 s26, s12;
	[sflag:s15] =	ssyncadd.s32 $0xFFFFEC00  }
0x4e: {  	[tilespmem:s17], [sflag:$0x1] =	stream.linear.gather [hbm4b:s31+s2], $0x1400, $0x38;
	[tilespmem:$0x18790] =	vst v63  }
0x4f: {  	_ =	swait.ge [sflag:s21], $0x1400  }
0x50: {  	[sflag:s21] =	ssyncset.done $0x0  }
0x51: {  	[sflag:s21] =	ssyncadd.s32 $0xFFFFEC00  }
0x52: {  	[spmem:s1] =	stream.indirect.scatter.add.f32 [tilespmem:s18], [sflag:$0x3], $0x80, s25, s20, $0xb8;
	[tilespmem:$0x18790] =	vst v63  }
0x53: {  	_ =	swait.ge [sflag:s15], $0x1400  }
0x54: {  	[sflag:s15] =	ssyncset.done $0x0  }
0x55: {  	[sflag:s15] =	ssyncadd.s32 $0xFFFFEC00  }
0x56: {  	[tilespmem:s18], [sflag:$0x2] =	stream.linear.gather [hbm4b:s8+s2], $0x1400, $0x38;
	[tilespmem:$0x18790] =	vst v63  }
0x57: {  	_ =	swait.ge [sflag:s19], $0x1400  }
0x58: {  	[sflag:s19] =	ssyncset.done $0x0  }
0x59: {  	[sflag:s19] =	ssyncadd.s32 $0xFFFFEC00  }
0x5a: {  	[spmem:s1] =	stream.indirect.scatter.add.f32 [tilespmem:s17], [sflag:$0x3], $0x80, s22, s20, $0xb8;
	[tilespmem:$0x18790] =	vst v63  }
0x5b: {  	_ =	swait.ge [sflag:s15], $0x1400  }
0x5c: {  	[sflag:s15] =	ssyncset.done $0x0  }
0x5d: {  	[sflag:s15] =	ssyncadd.s32 $0xFFFFEC00  }
0x5e: {  	_ =	swait.ge [sflag:s21], $0x1400  }
0x5f: {  	[sflag:s21] =	ssyncset.done $0x0  }
0x60: {  	[sflag:s21] =	ssyncadd.s32 $0xFFFFEC00  }
0x61: {  	[spmem:s1] =	stream.indirect.scatter.add.f32 [tilespmem:s18], [sflag:$0x3], $0x80, s23, s20, $0xb8;
	[tilespmem:$0x18790] =	vst v63  }
0x62: {  	_ =	swait.ge [sflag:s15], $0x1400  }
0x63: {  	[sflag:s15] =	ssyncset.done $0x0  }
0x64: {  	[sflag:s15] =	ssyncadd.s32 $0xFFFFEC00  }
0x65: {  	[bflag:$0x0] =	sbarrier.arrive $0xFFFF  }
0x66: {  	[hbm:s9], [sflag:s4] =	dma.local [spmem:s14], $0x2700  }
0x67: {  	s24 =	sadd.s32 $0x1, s24;
	_ =	swait.ge [sflag:s15], $0x2700  }
0x68: {  	p1 =	sne.s32 s24, s11;
	[sflag:s15] =	ssyncset.done $0x0  }
.Ltmp1:
0x69: {  	s25 =	simm.s32 @!p0 $0x3;
	[sflag:s15] =	ssyncadd.s32 $0xFFFFD900;
	(pc) =	sbr.rel @p1 .LBB2_1-.Ltmp1, $4  }
0x6a: {  	[hbm:s10], [sflag:s4] =	dma.local @!p0 [spmem:s16], $0x100  }
0x6b: {  	_ =	swait.ge @!p0 [sflag:s25], $0x100  }
0x6c: {  	[sflag:s25] =	ssyncset.done @!p0 $0x0  }
0x6d: {  	[sflag:s25] =	ssyncadd.s32 @!p0 $0xFFFFFF00  }
0x6e: {  	_ =	sfence.sel $0x180000  }
0x6f: {  	[bflag:$0x0] =	sbarrier.arrive $0xFFFF  }
0x70: {  	_ =	strace $0x90000053  }
0x71: {  	s0 =	sadd.s32 @!p0 $0x100000, s0;
	[bflag:$0x2] =	sbarrier.arrive $0xFFFF  }
0x72: {  	[sflag:s0] =	ssyncadd.tile.s32 @!p0 $0x1;
	_ =	shalt  }
.Lfunc_end2:
_tile_overlayer_lowered:
.L_overlay_start_2:
0x73: {  	(tag) =	ssettag $0x2  }
0x74: {  	s0 =	rddreg [dreg:$0x0];
	s2 =	stileid.u32  }
0x75: {  	s1 =	rddreg [dreg:$0x1];
	p0 =	sne.s32 s2, $0x0  }
0x76: {  	s3 =	rddreg [dreg:$0x2];
	[bflag:$0x3] =	sbarrier.arrive $0xFFFF;
	s2 =	simm.s32 @!p0 $0x1C03  }
0x77: {  	[timem:s3], [sflag:s2] =	dma.local @!p0 [hbm:s0], s1  }
0x78: {  	s0 =	simm.s32 @!p0 $0x3  }
0x79: {  	_ =	swait.ge @!p0 [sflag:s0], s1  }
0x7a: {  	s1 =	ssub.s32 @!p0 $0x0, s1;
	[sflag:s0] =	ssyncset.done @!p0 $0x0  }
0x7b: {  	[sflag:s0] =	ssyncadd.s32 @!p0 s1  }
0x7c: {  	[bflag:$0x3] =	sbarrier.arrive $0xFFFF  }
0x7d: {  	_ =	shalt  }

</sc_bundles>
